<compile_context>
chip_gen: v7x
topology: tpu7x:2x2x1
jax: 0.10.2.dev20260603
libtpu: 0.0.44.dev20260713+nightly
codegen_flags: <defaults>
</compile_context>

<pallas_src>
import functools

import jax
import jax.numpy as jnp
from jax import lax
from jax.experimental import pallas as pl
from jax.experimental.pallas import tpu as pltpu
from jax.experimental.pallas import tpu_sc as plsc

N = 10000
E = 320000
D_IN = 128
HID = 64
NC = 2
NS = 16
NW = NC * NS
EPW = E // NW
C = 125
NCHUNK = EPW // C
NBUF = 8
RPT = 624
RREM = N - NS * RPT

_MESH = plsc.VectorSubcoreMesh(core_axis_name="c", subcore_axis_name="s")


def _sc_degree(dstr, zeros_n):
    @functools.partial(
        pl.kernel,
        out_type=jax.ShapeDtypeStruct((NC, N), jnp.float32),
        mesh=_MESH,
        compiler_params=pltpu.CompilerParams(use_tc_tiling_on_sc=False),
        scratch_types=[
            pltpu.VMEM((NCHUNK, C), jnp.int32),
            pltpu.VMEM((128,), jnp.float32),
            pltpu.VMEM_SHARED((N,), jnp.float32),
        ],
    )
    def k(dstr_hbm, zeros_hbm, out_hbm, didx_all, ones_v, deg_sh):
        c = lax.axis_index("c")
        s = lax.axis_index("s")
        wid = s * NC + c
        @pl.when(s == 0)
        def _():
            pltpu.sync_copy(zeros_hbm, deg_sh)

        pltpu.sync_copy(dstr_hbm.at[wid], didx_all)
        for i in range(8):
            ones_v[pl.ds(i * 16, 16)] = jnp.full((16,), 1.0, jnp.float32)
        plsc.subcore_barrier()

        def body(j, carry):
            pltpu.sync_copy(ones_v.at[pl.ds(0, C)],
                            deg_sh.at[didx_all.at[j]], add=True)
            return carry

        lax.fori_loop(0, NCHUNK, body, 0)
        plsc.subcore_barrier()

        @pl.when(s == 0)
        def _():
            pltpu.sync_copy(deg_sh, out_hbm.at[c])

    return k(dstr, zeros_n)


def _sc_spmm(hs, srcr, dstr):
    @functools.partial(
        pl.kernel,
        out_type=jax.ShapeDtypeStruct((NC, N, HID), jnp.float32),
        mesh=_MESH,
        compiler_params=pltpu.CompilerParams(use_tc_tiling_on_sc=False),
        scratch_types=[
            pltpu.VMEM((NCHUNK, C), jnp.int32),
            pltpu.VMEM((NCHUNK, C), jnp.int32),
        ]
        + [pltpu.VMEM((C, HID), jnp.float32) for _ in range(NBUF)]
        + [pltpu.VMEM_SHARED((N, HID), jnp.float32)]
        + [pltpu.SemaphoreType.DMA for _ in range(NBUF)],
    )
    def k(hs_hbm, srcr_hbm, dstr_hbm, out_hbm,
          sidx_all, didx_all, *rest):
        rows = rest[:NBUF]
        acc_sh = rest[NBUF]
        sems = rest[NBUF + 1:]
        c = lax.axis_index("c")
        s = lax.axis_index("s")
        wid = s * NC + c
        r0 = s * RPT
        pltpu.sync_copy(hs_hbm.at[pl.ds(r0, RPT)], acc_sh.at[pl.ds(r0, RPT)])

        @pl.when(s == 0)
        def _():
            pltpu.sync_copy(hs_hbm.at[pl.ds(NS * RPT, RREM)],
                            acc_sh.at[pl.ds(NS * RPT, RREM)])

        pltpu.sync_copy(srcr_hbm.at[wid], sidx_all)
        pltpu.sync_copy(dstr_hbm.at[wid], didx_all)
        plsc.subcore_barrier()

        for b in range(NBUF):
            pltpu.async_copy(hs_hbm.at[sidx_all.at[b]], rows[b], sems[b])

        def body(g, carry):
            j0 = g * NBUF
            for b in range(NBUF):
                j = j0 + b
                pltpu.make_async_copy(
                    hs_hbm.at[pl.ds(0, C)], rows[b], sems[b]).wait()
                pltpu.sync_copy(rows[b], acc_sh.at[didx_all.at[j]], add=True)
                pltpu.async_copy(
                    hs_hbm.at[sidx_all.at[j + NBUF]], rows[b], sems[b])
            return carry

        lax.fori_loop(0, NCHUNK // NBUF - 1, body, 0)

        jt = NCHUNK - NBUF
        for b in range(NBUF):
            pltpu.make_async_copy(hs_hbm.at[pl.ds(0, C)], rows[b], sems[b]).wait()
            pltpu.sync_copy(rows[b], acc_sh.at[didx_all.at[jt + b]], add=True)

        plsc.subcore_barrier()
        pltpu.sync_copy(acc_sh.at[pl.ds(r0, RPT)], out_hbm.at[c, pl.ds(r0, RPT)])

        @pl.when(s == 0)
        def _():
            pltpu.sync_copy(acc_sh.at[pl.ds(NS * RPT, RREM)],
                            out_hbm.at[c, pl.ds(NS * RPT, RREM)])

    return k(hs, srcr, dstr)


BLK = 1000


def _tc_first(deg_t, x, w1):
    def body(deg_ref, x_ref, w_ref, hs_ref, dinv_ref):
        deg = deg_ref[:, 0:1] + deg_ref[:, 1:2] + 1.0
        dinv = lax.rsqrt(deg)
        hw = jnp.dot(x_ref[...], w_ref[...], preferred_element_type=jnp.float32)
        hs_ref[...] = hw * dinv
        dinv_ref[...] = dinv

    return pl.pallas_call(
        body,
        grid=(N // BLK,),
        in_specs=[
            pl.BlockSpec((BLK, NC), lambda i: (i, 0)),
            pl.BlockSpec((BLK, D_IN), lambda i: (i, 0)),
            pl.BlockSpec((D_IN, HID), lambda i: (0, 0)),
        ],
        out_specs=[
            pl.BlockSpec((BLK, HID), lambda i: (i, 0)),
            pl.BlockSpec((BLK, 1), lambda i: (i, 0)),
        ],
        out_shape=[
            jax.ShapeDtypeStruct((N, HID), jnp.float32),
            jax.ShapeDtypeStruct((N, 1), jnp.float32),
        ],
    )(deg_t, x, w1)


def _tc_mid(acc, hs, dinv, b_row, w_next):
    def body(acc_ref, hs_ref, dinv_ref, b_ref, w_ref, out_ref):
        t = acc_ref[0] + acc_ref[1] - hs_ref[...]
        h = jnp.maximum(t * dinv_ref[...] + b_ref[...], 0.0)
        hw = jnp.dot(h, w_ref[...], preferred_element_type=jnp.float32)
        out_ref[...] = hw * dinv_ref[...]

    return pl.pallas_call(
        body,
        grid=(N // BLK,),
        in_specs=[
            pl.BlockSpec((NC, BLK, HID), lambda i: (0, i, 0)),
            pl.BlockSpec((BLK, HID), lambda i: (i, 0)),
            pl.BlockSpec((BLK, 1), lambda i: (i, 0)),
            pl.BlockSpec((1, HID), lambda i: (0, 0)),
            pl.BlockSpec((HID, HID), lambda i: (0, 0)),
        ],
        out_specs=pl.BlockSpec((BLK, HID), lambda i: (i, 0)),
        out_shape=jax.ShapeDtypeStruct((N, HID), jnp.float32),
    )(acc, hs, dinv, b_row, w_next)


def _tc_last(acc, hs, dinv, b_row, fc_w, fc_b_row):
    def body(acc_ref, hs_ref, dinv_ref, b_ref, fcw_ref, fcb_ref, out_ref):
        t = acc_ref[0] + acc_ref[1] - hs_ref[...]
        h = jnp.maximum(t * dinv_ref[...] + b_ref[...], 0.0)
        out_ref[...] = (
            jnp.dot(h, fcw_ref[...], preferred_element_type=jnp.float32)
            + fcb_ref[...]
        )

    return pl.pallas_call(
        body,
        grid=(N // BLK,),
        in_specs=[
            pl.BlockSpec((NC, BLK, HID), lambda i: (0, i, 0)),
            pl.BlockSpec((BLK, HID), lambda i: (i, 0)),
            pl.BlockSpec((BLK, 1), lambda i: (i, 0)),
            pl.BlockSpec((1, HID), lambda i: (0, 0)),
            pl.BlockSpec((HID, 1), lambda i: (0, 0)),
            pl.BlockSpec((1, 1), lambda i: (0, 0)),
        ],
        out_specs=pl.BlockSpec((BLK, 1), lambda i: (i, 0)),
        out_shape=jax.ShapeDtypeStruct((N, 1), jnp.float32),
    )(acc, hs, dinv, b_row, fc_w, fc_b_row)


def kernel(x, edge_index, W1, b1, W2, b2, W3, b3, fc_w, fc_b):
    srcr = edge_index[0].reshape(NW, NCHUNK, C)
    dstr = edge_index[1].reshape(NW, NCHUNK, C)
    zeros_n = jnp.zeros((N,), jnp.float32)

    deg2 = _sc_degree(dstr, zeros_n)
    deg_t = deg2.T
    hs1, dinv = _tc_first(deg_t, x, W1)

    acc1 = _sc_spmm(hs1, srcr, dstr)
    hs2 = _tc_mid(acc1, hs1, dinv, b1.reshape(1, HID), W2)
    acc2 = _sc_spmm(hs2, srcr, dstr)
    hs3 = _tc_mid(acc2, hs2, dinv, b2.reshape(1, HID), W3)
    acc3 = _sc_spmm(hs3, srcr, dstr)
    return _tc_last(acc3, hs3, dinv, b3.reshape(1, HID),
                    fc_w, fc_b.reshape(1, 1))

# --- scband reference (transcript-rebuilt; emitter-appended) ---
"""Pipeline reference for scband-my-gcn-6940667151017 (READ-ONLY COPY).

The authoritative reference and input builder live on the scoring server;
editing this copy changes nothing except your own understanding.
"""

import jax, jax.numpy as jnp
import numpy as np

N_NODES = 10000
N_EDGES = 320000
D_IN = 128
HID = 64


def setup_inputs(seed: int = 0) -> dict:
    key = jax.random.key(seed)
    ks = jax.random.split(key, 8)
    x = jax.random.normal(ks[0], (N_NODES, D_IN), dtype=jnp.float32)
    edge_index = jax.random.randint(ks[1], (2, N_EDGES), 0, N_NODES, dtype=jnp.int32)

    def lin(k, fin, fout):
        s = 1.0 / np.sqrt(fin)
        return jax.random.uniform(k, (fin, fout), jnp.float32, -s, s)

    W1 = lin(ks[2], D_IN, HID)
    b1 = jnp.zeros((HID,), jnp.float32)
    W2 = lin(ks[3], HID, HID)
    b2 = jnp.zeros((HID,), jnp.float32)
    W3 = lin(ks[4], HID, HID)
    b3 = jnp.zeros((HID,), jnp.float32)
    fc_w = lin(ks[5], HID, 1)
    fc_b = jnp.zeros((1,), jnp.float32)
    return {"x": x, "edge_index": edge_index, "W1": W1, "b1": b1,
            "W2": W2, "b2": b2, "W3": W3, "b3": b3,
            "fc_w": fc_w, "fc_b": fc_b}


def _gcn_conv(h, src, dst, dinv, W, b, n):
    # GCNConv (PyG semantics): x @ W, then D^{-1/2} A_hat D^{-1/2} aggregation + bias.
    hw = h @ W
    norm = (dinv[src] * dinv[dst])[:, None]
    msg = hw[src] * norm
    return jax.ops.segment_sum(msg, dst, num_segments=n) + b


def reference(x, edge_index, W1, b1, W2, b2, W3, b3, fc_w, fc_b):
    n = x.shape[0]
    # add self-loops (A_hat = A + I)
    loop = jnp.arange(n, dtype=edge_index.dtype)
    src = jnp.concatenate([edge_index[0], loop])
    dst = jnp.concatenate([edge_index[1], loop])
    deg = jax.ops.segment_sum(jnp.ones(src.shape[0], jnp.float32), dst, num_segments=n)
    dinv = jnp.where(deg > 0, deg ** -0.5, 0.0)

    h = x
    for (W, b) in ((W1, b1), (W2, b2), (W3, b3)):
        h = _gcn_conv(h, src, dst, dinv, W, b, n)
        h = jax.nn.relu(h)
        # dropout p=0.2 is identity in eval mode
    h = jax.nn.relu(h)
    # dropout identity in eval mode
    return h @ fc_w + fc_b

if __name__ == "__main__":
    import jax
    _d = setup_inputs()
    print(jax.jit(kernel)(*tuple(_d.values())))

</pallas_src>

<mosaic_0001>
#map = affine_map<(d0, d1) -> (0, 0)>
#map1 = affine_map<(d0, d1) -> (0, 0, 0)>
module attributes {stable_mosaic.version = 14 : i64} {
  func.func @k(%arg0: i32, %arg1: i32, %arg2: memref<10000x64xf32, #tpu.memory_space<hbm>>, %arg3: memref<32x80x125xi32, #tpu.memory_space<hbm>>, %arg4: memref<32x80x125xi32, #tpu.memory_space<hbm>>, %arg5: memref<2x10000x64xf32, #tpu.memory_space<hbm>>, %arg6: memref<80x125xi32, #tpu.memory_space<vmem>>, %arg7: memref<80x125xi32, #tpu.memory_space<vmem>>, %arg8: memref<125x64xf32, #tpu.memory_space<vmem>>, %arg9: memref<125x64xf32, #tpu.memory_space<vmem>>, %arg10: memref<125x64xf32, #tpu.memory_space<vmem>>, %arg11: memref<125x64xf32, #tpu.memory_space<vmem>>, %arg12: memref<125x64xf32, #tpu.memory_space<vmem>>, %arg13: memref<125x64xf32, #tpu.memory_space<vmem>>, %arg14: memref<125x64xf32, #tpu.memory_space<vmem>>, %arg15: memref<125x64xf32, #tpu.memory_space<vmem>>, %arg16: memref<10000x64xf32, #tpu.memory_space<vmem_shared>>, %arg17: memref<!tpu.dma_semaphore, #tpu.memory_space<semaphore_mem>>, %arg18: memref<!tpu.dma_semaphore, #tpu.memory_space<semaphore_mem>>, %arg19: memref<!tpu.dma_semaphore, #tpu.memory_space<semaphore_mem>>, %arg20: memref<!tpu.dma_semaphore, #tpu.memory_space<semaphore_mem>>, %arg21: memref<!tpu.dma_semaphore, #tpu.memory_space<semaphore_mem>>, %arg22: memref<!tpu.dma_semaphore, #tpu.memory_space<semaphore_mem>>, %arg23: memref<!tpu.dma_semaphore, #tpu.memory_space<semaphore_mem>>, %arg24: memref<!tpu.dma_semaphore, #tpu.memory_space<semaphore_mem>>) attributes {dimension_semantics = [#tpu.dimension_semantics<core_parallel>, #tpu.dimension_semantics<subcore_parallel>], iteration_bounds = array<i64: 2, 16>, scalar_prefetch = 0 : i64, scratch_operands = 19 : i64, tpu.core_type = #tpu.core_type<sc_vector_subcore>, window_params = [{transform_indices = #map}, {transform_indices = #map1}, {transform_indices = #map1}, {transform_indices = #map1}]} {
    %mul3A = arith.constant 2 : i32
    %mul3A_0 = arith.muli %arg1, %mul3A : i32
    %add3A = arith.addi %mul3A_0, %arg0 : i32
    %mul3A_1 = arith.constant 624 : i32
    %mul3A_2 = arith.muli %arg1, %mul3A_1 : i32
    "tpu.region"() ({
      %run_scoped3A_125 = tpu.sem_alloc : memref<!tpu.dma_semaphore, #tpu.memory_space<semaphore_mem>>
      %dma_start3A_126 = arith.constant 0 : i32
      %dma_start3A_127 = tpu.memref_slice %arg16[%mul3A_2, %dma_start3A_126] : memref<10000x64xf32, #tpu.memory_space<vmem_shared>> -> memref<624x64xf32, #tpu.memory_space<vmem_shared>>
      %dma_start3A_128 = arith.constant 0 : i32
      %dma_start3A_129 = tpu.memref_slice %arg2[%mul3A_2, %dma_start3A_128] : memref<10000x64xf32, #tpu.memory_space<hbm>> -> memref<624x64xf32, #tpu.memory_space<hbm>>
      tpu.enqueue_dma source(%dma_start3A_129 : memref<624x64xf32, #tpu.memory_space<hbm>>) target(%dma_start3A_127 : memref<624x64xf32, #tpu.memory_space<vmem_shared>>) target_semaphore(%run_scoped3A_125 : memref<!tpu.dma_semaphore, #tpu.memory_space<semaphore_mem>>)
      %dma_wait3A_130 = arith.constant 0 : i32
      %dma_wait3A_131 = tpu.memref_slice %arg16[%mul3A_2, %dma_wait3A_130] : memref<10000x64xf32, #tpu.memory_space<vmem_shared>> -> memref<624x64xf32, #tpu.memory_space<vmem_shared>>
      %dma_wait3A_132 = arith.constant 0 : i32
      %dma_wait3A_133 = tpu.memref_slice %arg2[%mul3A_2, %dma_wait3A_132] : memref<10000x64xf32, #tpu.memory_space<hbm>> -> memref<624x64xf32, #tpu.memory_space<hbm>>
      tpu.wait_dma2 semaphore(%run_scoped3A_125 : memref<!tpu.dma_semaphore, #tpu.memory_space<semaphore_mem>>) src(%dma_wait3A_133 : memref<624x64xf32, #tpu.memory_space<hbm>>) dst(%dma_wait3A_131 : memref<624x64xf32, #tpu.memory_space<vmem_shared>>)
      tpu.yield
    }) : () -> ()
    %eq3A = arith.constant 0 : i32
    %eq3A_3 = arith.cmpi eq, %arg1, %eq3A : i32
    %convert_element_type3A = arith.extui %eq3A_3 : i1 to i32
    %cond3A = arith.constant 0 : i32
    %cond3A_4 = arith.cmpi ne, %convert_element_type3A, %cond3A : i32
    scf.if %cond3A_4 {
      "tpu.region"() ({
        %run_scoped3A_125 = tpu.sem_alloc : memref<!tpu.dma_semaphore, #tpu.memory_space<semaphore_mem>>
        %dma_start3A_126 = arith.constant 9984 : i32
        %dma_start3A_127 = arith.constant 0 : i32
        %dma_start3A_128 = tpu.memref_slice %arg16[%dma_start3A_126, %dma_start3A_127] : memref<10000x64xf32, #tpu.memory_space<vmem_shared>> -> memref<16x64xf32, #tpu.memory_space<vmem_shared>>
        %dma_start3A_129 = arith.constant 9984 : i32
        %dma_start3A_130 = arith.constant 0 : i32
        %dma_start3A_131 = tpu.memref_slice %arg2[%dma_start3A_129, %dma_start3A_130] : memref<10000x64xf32, #tpu.memory_space<hbm>> -> memref<16x64xf32, #tpu.memory_space<hbm>>
        tpu.enqueue_dma source(%dma_start3A_131 : memref<16x64xf32, #tpu.memory_space<hbm>>) target(%dma_start3A_128 : memref<16x64xf32, #tpu.memory_space<vmem_shared>>) target_semaphore(%run_scoped3A_125 : memref<!tpu.dma_semaphore, #tpu.memory_space<semaphore_mem>>)
        %dma_wait3A_132 = arith.constant 9984 : i32
        %dma_wait3A_133 = arith.constant 0 : i32
        %dma_wait3A_134 = tpu.memref_slice %arg16[%dma_wait3A_132, %dma_wait3A_133] : memref<10000x64xf32, #tpu.memory_space<vmem_shared>> -> memref<16x64xf32, #tpu.memory_space<vmem_shared>>
        %dma_wait3A_135 = arith.constant 9984 : i32
        %dma_wait3A_136 = arith.constant 0 : i32
        %dma_wait3A_137 = tpu.memref_slice %arg2[%dma_wait3A_135, %dma_wait3A_136] : memref<10000x64xf32, #tpu.memory_space<hbm>> -> memref<16x64xf32, #tpu.memory_space<hbm>>
        tpu.wait_dma2 semaphore(%run_scoped3A_125 : memref<!tpu.dma_semaphore, #tpu.memory_space<semaphore_mem>>) src(%dma_wait3A_137 : memref<16x64xf32, #tpu.memory_space<hbm>>) dst(%dma_wait3A_134 : memref<16x64xf32, #tpu.memory_space<vmem_shared>>)
        tpu.yield
      }) : () -> ()
    } else {
    }
    "tpu.region"() ({
      %run_scoped3A_125 = tpu.sem_alloc : memref<!tpu.dma_semaphore, #tpu.memory_space<semaphore_mem>>
      %dma_start3A_126 = arith.constant 0 : i32
      %dma_start3A_127 = arith.constant 0 : i32
      %dma_start3A_128 = tpu.memref_slice %arg3[%add3A, %dma_start3A_126, %dma_start3A_127] : memref<32x80x125xi32, #tpu.memory_space<hbm>> -> memref<1x80x125xi32, #tpu.memory_space<hbm>>
      %dma_start3A_129 = tpu.memref_squeeze %dma_start3A_128 : memref<1x80x125xi32, #tpu.memory_space<hbm>> -> memref<80x125xi32, #tpu.memory_space<hbm>>
      %dma_start3A_130 = arith.constant 0 : i32
      %dma_start3A_131 = arith.constant 0 : i32
      %dma_start3A_132 = tpu.memref_slice %arg3[%add3A, %dma_start3A_130, %dma_start3A_131] : memref<32x80x125xi32, #tpu.memory_space<hbm>> -> memref<1x80x125xi32, #tpu.memory_space<hbm>>
      %dma_start3A_133 = tpu.memref_squeeze %dma_start3A_132 : memref<1x80x125xi32, #tpu.memory_space<hbm>> -> memref<80x125xi32, #tpu.memory_space<hbm>>
      tpu.enqueue_dma source(%dma_start3A_133 : memref<80x125xi32, #tpu.memory_space<hbm>>) target(%arg6 : memref<80x125xi32, #tpu.memory_space<vmem>>) target_semaphore(%run_scoped3A_125 : memref<!tpu.dma_semaphore, #tpu.memory_space<semaphore_mem>>)
      %dma_wait3A_134 = arith.constant 0 : i32
      %dma_wait3A_135 = arith.constant 0 : i32
      %dma_wait3A_136 = tpu.memref_slice %arg3[%add3A, %dma_wait3A_134, %dma_wait3A_135] : memref<32x80x125xi32, #tpu.memory_space<hbm>> -> memref<1x80x125xi32, #tpu.memory_space<hbm>>
      %dma_wait3A_137 = tpu.memref_squeeze %dma_wait3A_136 : memref<1x80x125xi32, #tpu.memory_space<hbm>> -> memref<80x125xi32, #tpu.memory_space<hbm>>
      %dma_wait3A_138 = arith.constant 0 : i32
      %dma_wait3A_139 = arith.constant 0 : i32
      %dma_wait3A_140 = tpu.memref_slice %arg3[%add3A, %dma_wait3A_138, %dma_wait3A_139] : memref<32x80x125xi32, #tpu.memory_space<hbm>> -> memref<1x80x125xi32, #tpu.memory_space<hbm>>
      %dma_wait3A_141 = tpu.memref_squeeze %dma_wait3A_140 : memref<1x80x125xi32, #tpu.memory_space<hbm>> -> memref<80x125xi32, #tpu.memory_space<hbm>>
      tpu.wait_dma2 semaphore(%run_scoped3A_125 : memref<!tpu.dma_semaphore, #tpu.memory_space<semaphore_mem>>) src(%dma_wait3A_141 : memref<80x125xi32, #tpu.memory_space<hbm>>) dst(%arg6 : memref<80x125xi32, #tpu.memory_space<vmem>>)
      tpu.yield
    }) : () -> ()
    "tpu.region"() ({
      %run_scoped3A_125 = tpu.sem_alloc : memref<!tpu.dma_semaphore, #tpu.memory_space<semaphore_mem>>
      %dma_start3A_126 = arith.constant 0 : i32
      %dma_start3A_127 = arith.constant 0 : i32
      %dma_start3A_128 = tpu.memref_slice %arg4[%add3A, %dma_start3A_126, %dma_start3A_127] : memref<32x80x125xi32, #tpu.memory_space<hbm>> -> memref<1x80x125xi32, #tpu.memory_space<hbm>>
      %dma_start3A_129 = tpu.memref_squeeze %dma_start3A_128 : memref<1x80x125xi32, #tpu.memory_space<hbm>> -> memref<80x125xi32, #tpu.memory_space<hbm>>
      %dma_start3A_130 = arith.constant 0 : i32
      %dma_start3A_131 = arith.constant 0 : i32
      %dma_start3A_132 = tpu.memref_slice %arg4[%add3A, %dma_start3A_130, %dma_start3A_131] : memref<32x80x125xi32, #tpu.memory_space<hbm>> -> memref<1x80x125xi32, #tpu.memory_space<hbm>>
      %dma_start3A_133 = tpu.memref_squeeze %dma_start3A_132 : memref<1x80x125xi32, #tpu.memory_space<hbm>> -> memref<80x125xi32, #tpu.memory_space<hbm>>
      tpu.enqueue_dma source(%dma_start3A_133 : memref<80x125xi32, #tpu.memory_space<hbm>>) target(%arg7 : memref<80x125xi32, #tpu.memory_space<vmem>>) target_semaphore(%run_scoped3A_125 : memref<!tpu.dma_semaphore, #tpu.memory_space<semaphore_mem>>)
      %dma_wait3A_134 = arith.constant 0 : i32
      %dma_wait3A_135 = arith.constant 0 : i32
      %dma_wait3A_136 = tpu.memref_slice %arg4[%add3A, %dma_wait3A_134, %dma_wait3A_135] : memref<32x80x125xi32, #tpu.memory_space<hbm>> -> memref<1x80x125xi32, #tpu.memory_space<hbm>>
      %dma_wait3A_137 = tpu.memref_squeeze %dma_wait3A_136 : memref<1x80x125xi32, #tpu.memory_space<hbm>> -> memref<80x125xi32, #tpu.memory_space<hbm>>
      %dma_wait3A_138 = arith.constant 0 : i32
      %dma_wait3A_139 = arith.constant 0 : i32
      %dma_wait3A_140 = tpu.memref_slice %arg4[%add3A, %dma_wait3A_138, %dma_wait3A_139] : memref<32x80x125xi32, #tpu.memory_space<hbm>> -> memref<1x80x125xi32, #tpu.memory_space<hbm>>
      %dma_wait3A_141 = tpu.memref_squeeze %dma_wait3A_140 : memref<1x80x125xi32, #tpu.memory_space<hbm>> -> memref<80x125xi32, #tpu.memory_space<hbm>>
      tpu.wait_dma2 semaphore(%run_scoped3A_125 : memref<!tpu.dma_semaphore, #tpu.memory_space<semaphore_mem>>) src(%dma_wait3A_141 : memref<80x125xi32, #tpu.memory_space<hbm>>) dst(%arg7 : memref<80x125xi32, #tpu.memory_space<vmem>>)
      tpu.yield
    }) : () -> ()
    %barrier3A = arith.constant 0 : index
    tpu.barrier barrier_id(%barrier3A)
    %dma_start3A = arith.constant 0 : i32
    %dma_start3A_5 = arith.constant 0 : i32
    %dma_start3A_6 = tpu.memref_slice %arg6[%dma_start3A, %dma_start3A_5] : memref<80x125xi32, #tpu.memory_space<vmem>> -> memref<1x125xi32, #tpu.memory_space<vmem>>
    %dma_start3A_7 = tpu.memref_squeeze %dma_start3A_6 : memref<1x125xi32, #tpu.memory_space<vmem>> -> memref<125xi32, #tpu.memory_space<vmem>>
    %dma_start3A_8 = arith.constant 0 : i32
    %dma_start3A_9 = arith.constant 0 : i32
    %dma_start3A_10 = tpu.memref_slice %arg2[%dma_start3A_8, %dma_start3A_9] : memref<10000x64xf32, #tpu.memory_space<hbm>> -> memref<10000x64xf32, #tpu.memory_space<hbm>>
    tpu.enqueue_indirect_dma source(%dma_start3A_10 : memref<10000x64xf32, #tpu.memory_space<hbm>>) target(%arg8 : memref<125x64xf32, #tpu.memory_space<vmem>>) offsets(%dma_start3A_7 : memref<125xi32, #tpu.memory_space<vmem>>) semaphore(%arg17 : memref<!tpu.dma_semaphore, #tpu.memory_space<semaphore_mem>>)
    %dma_start3A_11 = arith.constant 1 : i32
    %dma_start3A_12 = arith.constant 0 : i32
    %dma_start3A_13 = tpu.memref_slice %arg6[%dma_start3A_11, %dma_start3A_12] : memref<80x125xi32, #tpu.memory_space<vmem>> -> memref<1x125xi32, #tpu.memory_space<vmem>>
    %dma_start3A_14 = tpu.memref_squeeze %dma_start3A_13 : memref<1x125xi32, #tpu.memory_space<vmem>> -> memref<125xi32, #tpu.memory_space<vmem>>
    %dma_start3A_15 = arith.constant 0 : i32
    %dma_start3A_16 = arith.constant 0 : i32
    %dma_start3A_17 = tpu.memref_slice %arg2[%dma_start3A_15, %dma_start3A_16] : memref<10000x64xf32, #tpu.memory_space<hbm>> -> memref<10000x64xf32, #tpu.memory_space<hbm>>
    tpu.enqueue_indirect_dma source(%dma_start3A_17 : memref<10000x64xf32, #tpu.memory_space<hbm>>) target(%arg9 : memref<125x64xf32, #tpu.memory_space<vmem>>) offsets(%dma_start3A_14 : memref<125xi32, #tpu.memory_space<vmem>>) semaphore(%arg18 : memref<!tpu.dma_semaphore, #tpu.memory_space<semaphore_mem>>)
    %dma_start3A_18 = arith.constant 2 : i32
    %dma_start3A_19 = arith.constant 0 : i32
    %dma_start3A_20 = tpu.memref_slice %arg6[%dma_start3A_18, %dma_start3A_19] : memref<80x125xi32, #tpu.memory_space<vmem>> -> memref<1x125xi32, #tpu.memory_space<vmem>>
    %dma_start3A_21 = tpu.memref_squeeze %dma_start3A_20 : memref<1x125xi32, #tpu.memory_space<vmem>> -> memref<125xi32, #tpu.memory_space<vmem>>
    %dma_start3A_22 = arith.constant 0 : i32
    %dma_start3A_23 = arith.constant 0 : i32
    %dma_start3A_24 = tpu.memref_slice %arg2[%dma_start3A_22, %dma_start3A_23] : memref<10000x64xf32, #tpu.memory_space<hbm>> -> memref<10000x64xf32, #tpu.memory_space<hbm>>
    tpu.enqueue_indirect_dma source(%dma_start3A_24 : memref<10000x64xf32, #tpu.memory_space<hbm>>) target(%arg10 : memref<125x64xf32, #tpu.memory_space<vmem>>) offsets(%dma_start3A_21 : memref<125xi32, #tpu.memory_space<vmem>>) semaphore(%arg19 : memref<!tpu.dma_semaphore, #tpu.memory_space<semaphore_mem>>)
    %dma_start3A_25 = arith.constant 3 : i32
    %dma_start3A_26 = arith.constant 0 : i32
    %dma_start3A_27 = tpu.memref_slice %arg6[%dma_start3A_25, %dma_start3A_26] : memref<80x125xi32, #tpu.memory_space<vmem>> -> memref<1x125xi32, #tpu.memory_space<vmem>>
    %dma_start3A_28 = tpu.memref_squeeze %dma_start3A_27 : memref<1x125xi32, #tpu.memory_space<vmem>> -> memref<125xi32, #tpu.memory_space<vmem>>
    %dma_start3A_29 = arith.constant 0 : i32
    %dma_start3A_30 = arith.constant 0 : i32
    %dma_start3A_31 = tpu.memref_slice %arg2[%dma_start3A_29, %dma_start3A_30] : memref<10000x64xf32, #tpu.memory_space<hbm>> -> memref<10000x64xf32, #tpu.memory_space<hbm>>
    tpu.enqueue_indirect_dma source(%dma_start3A_31 : memref<10000x64xf32, #tpu.memory_space<hbm>>) target(%arg11 : memref<125x64xf32, #tpu.memory_space<vmem>>) offsets(%dma_start3A_28 : memref<125xi32, #tpu.memory_space<vmem>>) semaphore(%arg20 : memref<!tpu.dma_semaphore, #tpu.memory_space<semaphore_mem>>)
    %dma_start3A_32 = arith.constant 4 : i32
    %dma_start3A_33 = arith.constant 0 : i32
    %dma_start3A_34 = tpu.memref_slice %arg6[%dma_start3A_32, %dma_start3A_33] : memref<80x125xi32, #tpu.memory_space<vmem>> -> memref<1x125xi32, #tpu.memory_space<vmem>>
    %dma_start3A_35 = tpu.memref_squeeze %dma_start3A_34 : memref<1x125xi32, #tpu.memory_space<vmem>> -> memref<125xi32, #tpu.memory_space<vmem>>
    %dma_start3A_36 = arith.constant 0 : i32
    %dma_start3A_37 = arith.constant 0 : i32
    %dma_start3A_38 = tpu.memref_slice %arg2[%dma_start3A_36, %dma_start3A_37] : memref<10000x64xf32, #tpu.memory_space<hbm>> -> memref<10000x64xf32, #tpu.memory_space<hbm>>
    tpu.enqueue_indirect_dma source(%dma_start3A_38 : memref<10000x64xf32, #tpu.memory_space<hbm>>) target(%arg12 : memref<125x64xf32, #tpu.memory_space<vmem>>) offsets(%dma_start3A_35 : memref<125xi32, #tpu.memory_space<vmem>>) semaphore(%arg21 : memref<!tpu.dma_semaphore, #tpu.memory_space<semaphore_mem>>)
    %dma_start3A_39 = arith.constant 5 : i32
    %dma_start3A_40 = arith.constant 0 : i32
    %dma_start3A_41 = tpu.memref_slice %arg6[%dma_start3A_39, %dma_start3A_40] : memref<80x125xi32, #tpu.memory_space<vmem>> -> memref<1x125xi32, #tpu.memory_space<vmem>>
    %dma_start3A_42 = tpu.memref_squeeze %dma_start3A_41 : memref<1x125xi32, #tpu.memory_space<vmem>> -> memref<125xi32, #tpu.memory_space<vmem>>
    %dma_start3A_43 = arith.constant 0 : i32
    %dma_start3A_44 = arith.constant 0 : i32
    %dma_start3A_45 = tpu.memref_slice %arg2[%dma_start3A_43, %dma_start3A_44] : memref<10000x64xf32, #tpu.memory_space<hbm>> -> memref<10000x64xf32, #tpu.memory_space<hbm>>
    tpu.enqueue_indirect_dma source(%dma_start3A_45 : memref<10000x64xf32, #tpu.memory_space<hbm>>) target(%arg13 : memref<125x64xf32, #tpu.memory_space<vmem>>) offsets(%dma_start3A_42 : memref<125xi32, #tpu.memory_space<vmem>>) semaphore(%arg22 : memref<!tpu.dma_semaphore, #tpu.memory_space<semaphore_mem>>)
    %dma_start3A_46 = arith.constant 6 : i32
    %dma_start3A_47 = arith.constant 0 : i32
    %dma_start3A_48 = tpu.memref_slice %arg6[%dma_start3A_46, %dma_start3A_47] : memref<80x125xi32, #tpu.memory_space<vmem>> -> memref<1x125xi32, #tpu.memory_space<vmem>>
    %dma_start3A_49 = tpu.memref_squeeze %dma_start3A_48 : memref<1x125xi32, #tpu.memory_space<vmem>> -> memref<125xi32, #tpu.memory_space<vmem>>
    %dma_start3A_50 = arith.constant 0 : i32
    %dma_start3A_51 = arith.constant 0 : i32
    %dma_start3A_52 = tpu.memref_slice %arg2[%dma_start3A_50, %dma_start3A_51] : memref<10000x64xf32, #tpu.memory_space<hbm>> -> memref<10000x64xf32, #tpu.memory_space<hbm>>
    tpu.enqueue_indirect_dma source(%dma_start3A_52 : memref<10000x64xf32, #tpu.memory_space<hbm>>) target(%arg14 : memref<125x64xf32, #tpu.memory_space<vmem>>) offsets(%dma_start3A_49 : memref<125xi32, #tpu.memory_space<vmem>>) semaphore(%arg23 : memref<!tpu.dma_semaphore, #tpu.memory_space<semaphore_mem>>)
    %dma_start3A_53 = arith.constant 7 : i32
    %dma_start3A_54 = arith.constant 0 : i32
    %dma_start3A_55 = tpu.memref_slice %arg6[%dma_start3A_53, %dma_start3A_54] : memref<80x125xi32, #tpu.memory_space<vmem>> -> memref<1x125xi32, #tpu.memory_space<vmem>>
    %dma_start3A_56 = tpu.memref_squeeze %dma_start3A_55 : memref<1x125xi32, #tpu.memory_space<vmem>> -> memref<125xi32, #tpu.memory_space<vmem>>
    %dma_start3A_57 = arith.constant 0 : i32
    %dma_start3A_58 = arith.constant 0 : i32
    %dma_start3A_59 = tpu.memref_slice %arg2[%dma_start3A_57, %dma_start3A_58] : memref<10000x64xf32, #tpu.memory_space<hbm>> -> memref<10000x64xf32, #tpu.memory_space<hbm>>
    tpu.enqueue_indirect_dma source(%dma_start3A_59 : memref<10000x64xf32, #tpu.memory_space<hbm>>) target(%arg15 : memref<125x64xf32, #tpu.memory_space<vmem>>) offsets(%dma_start3A_56 : memref<125xi32, #tpu.memory_space<vmem>>) semaphore(%arg24 : memref<!tpu.dma_semaphore, #tpu.memory_space<semaphore_mem>>)
    %scan3A = arith.constant 0 : i32
    %scan3A_60 = arith.constant 0 : i32
    %scan3A_61 = arith.constant 9 : i32
    %scan3A_62 = arith.addi %scan3A_60, %scan3A_61 : i32
    %scan3A_63 = arith.constant 1 : i32
    scf.for %scan3A_125 = %scan3A_60 to %scan3A_62 step %scan3A_63  : i32 {
      %mul3A_126 = arith.constant 8 : i32
      %mul3A_127 = arith.muli %scan3A_125, %mul3A_126 : i32
      %add3A_128 = arith.constant 0 : i32
      %add3A_129 = arith.addi %mul3A_127, %add3A_128 : i32
      %dma_wait3A_130 = arith.constant 0 : i32
      %dma_wait3A_131 = arith.constant 0 : i32
      %dma_wait3A_132 = tpu.memref_slice %arg2[%dma_wait3A_130, %dma_wait3A_131] : memref<10000x64xf32, #tpu.memory_space<hbm>> -> memref<125x64xf32, #tpu.memory_space<hbm>>
      %dma_wait3A_133 = arith.constant 0 : i32
      %dma_wait3A_134 = arith.constant 0 : i32
      %dma_wait3A_135 = tpu.memref_slice %arg2[%dma_wait3A_133, %dma_wait3A_134] : memref<10000x64xf32, #tpu.memory_space<hbm>> -> memref<125x64xf32, #tpu.memory_space<hbm>>
      tpu.wait_dma2 semaphore(%arg17 : memref<!tpu.dma_semaphore, #tpu.memory_space<semaphore_mem>>) src(%dma_wait3A_135 : memref<125x64xf32, #tpu.memory_space<hbm>>) dst(%arg8 : memref<125x64xf32, #tpu.memory_space<vmem>>)
      "tpu.region"() ({
        %run_scoped3A_256 = tpu.sem_alloc : memref<!tpu.dma_semaphore, #tpu.memory_space<semaphore_mem>>
        %dma_start3A_257 = arith.constant 0 : i32
        %dma_start3A_258 = tpu.memref_slice %arg7[%add3A_129, %dma_start3A_257] : memref<80x125xi32, #tpu.memory_space<vmem>> -> memref<1x125xi32, #tpu.memory_space<vmem>>
        %dma_start3A_259 = tpu.memref_squeeze %dma_start3A_258 : memref<1x125xi32, #tpu.memory_space<vmem>> -> memref<125xi32, #tpu.memory_space<vmem>>
        %dma_start3A_260 = arith.constant 0 : i32
        %dma_start3A_261 = arith.constant 0 : i32
        %dma_start3A_262 = tpu.memref_slice %arg16[%dma_start3A_260, %dma_start3A_261] : memref<10000x64xf32, #tpu.memory_space<vmem_shared>> -> memref<10000x64xf32, #tpu.memory_space<vmem_shared>>
        tpu.enqueue_indirect_dma source(%arg8 : memref<125x64xf32, #tpu.memory_space<vmem>>) target(%dma_start3A_262 : memref<10000x64xf32, #tpu.memory_space<vmem_shared>>) offsets(%dma_start3A_259 : memref<125xi32, #tpu.memory_space<vmem>>) semaphore(%run_scoped3A_256 : memref<!tpu.dma_semaphore, #tpu.memory_space<semaphore_mem>>) {add = true}
        %dma_wait3A_263 = arith.constant 0 : i32
        %dma_wait3A_264 = tpu.memref_slice %arg7[%add3A_129, %dma_wait3A_263] : memref<80x125xi32, #tpu.memory_space<vmem>> -> memref<1x125xi32, #tpu.memory_space<vmem>>
        %dma_wait3A_265 = tpu.memref_squeeze %dma_wait3A_264 : memref<1x125xi32, #tpu.memory_space<vmem>> -> memref<125xi32, #tpu.memory_space<vmem>>
        %dma_wait3A_266 = arith.constant 0 : i32
        %dma_wait3A_267 = arith.constant 0 : i32
        %dma_wait3A_268 = tpu.memref_slice %arg16[%dma_wait3A_266, %dma_wait3A_267] : memref<10000x64xf32, #tpu.memory_space<vmem_shared>> -> memref<10000x64xf32, #tpu.memory_space<vmem_shared>>
        tpu.wait_indirect_dma semaphore(%run_scoped3A_256 : memref<!tpu.dma_semaphore, #tpu.memory_space<semaphore_mem>>) src(%arg8 : memref<125x64xf32, #tpu.memory_space<vmem>>) dst(%dma_wait3A_268 : memref<10000x64xf32, #tpu.memory_space<vmem_shared>>)
        tpu.yield
      }) : () -> ()
      %add3A_136 = arith.constant 8 : i32
      %add3A_137 = arith.addi %add3A_129, %add3A_136 : i32
      %dma_start3A_138 = arith.constant 0 : i32
      %dma_start3A_139 = tpu.memref_slice %arg6[%add3A_137, %dma_start3A_138] : memref<80x125xi32, #tpu.memory_space<vmem>> -> memref<1x125xi32, #tpu.memory_space<vmem>>
      %dma_start3A_140 = tpu.memref_squeeze %dma_start3A_139 : memref<1x125xi32, #tpu.memory_space<vmem>> -> memref<125xi32, #tpu.memory_space<vmem>>
      %dma_start3A_141 = arith.constant 0 : i32
      %dma_start3A_142 = arith.constant 0 : i32
      %dma_start3A_143 = tpu.memref_slice %arg2[%dma_start3A_141, %dma_start3A_142] : memref<10000x64xf32, #tpu.memory_space<hbm>> -> memref<10000x64xf32, #tpu.memory_space<hbm>>
      tpu.enqueue_indirect_dma source(%dma_start3A_143 : memref<10000x64xf32, #tpu.memory_space<hbm>>) target(%arg8 : memref<125x64xf32, #tpu.memory_space<vmem>>) offsets(%dma_start3A_140 : memref<125xi32, #tpu.memory_space<vmem>>) semaphore(%arg17 : memref<!tpu.dma_semaphore, #tpu.memory_space<semaphore_mem>>)
      %add3A_144 = arith.constant 1 : i32
      %add3A_145 = arith.addi %mul3A_127, %add3A_144 : i32
      %dma_wait3A_146 = arith.constant 0 : i32
      %dma_wait3A_147 = arith.constant 0 : i32
      %dma_wait3A_148 = tpu.memref_slice %arg2[%dma_wait3A_146, %dma_wait3A_147] : memref<10000x64xf32, #tpu.memory_space<hbm>> -> memref<125x64xf32, #tpu.memory_space<hbm>>
      %dma_wait3A_149 = arith.constant 0 : i32
      %dma_wait3A_150 = arith.constant 0 : i32
      %dma_wait3A_151 = tpu.memref_slice %arg2[%dma_wait3A_149, %dma_wait3A_150] : memref<10000x64xf32, #tpu.memory_space<hbm>> -> memref<125x64xf32, #tpu.memory_space<hbm>>
      tpu.wait_dma2 semaphore(%arg18 : memref<!tpu.dma_semaphore, #tpu.memory_space<semaphore_mem>>) src(%dma_wait3A_151 : memref<125x64xf32, #tpu.memory_space<hbm>>) dst(%arg9 : memref<125x64xf32, #tpu.memory_space<vmem>>)
      "tpu.region"() ({
        %run_scoped3A_256 = tpu.sem_alloc : memref<!tpu.dma_semaphore, #tpu.memory_space<semaphore_mem>>
        %dma_start3A_257 = arith.constant 0 : i32
        %dma_start3A_258 = tpu.memref_slice %arg7[%add3A_145, %dma_start3A_257] : memref<80x125xi32, #tpu.memory_space<vmem>> -> memref<1x125xi32, #tpu.memory_space<vmem>>
        %dma_start3A_259 = tpu.memref_squeeze %dma_start3A_258 : memref<1x125xi32, #tpu.memory_space<vmem>> -> memref<125xi32, #tpu.memory_space<vmem>>
        %dma_start3A_260 = arith.constant 0 : i32
        %dma_start3A_261 = arith.constant 0 : i32
        %dma_start3A_262 = tpu.memref_slice %arg16[%dma_start3A_260, %dma_start3A_261] : memref<10000x64xf32, #tpu.memory_space<vmem_shared>> -> memref<10000x64xf32, #tpu.memory_space<vmem_shared>>
        tpu.enqueue_indirect_dma source(%arg9 : memref<125x64xf32, #tpu.memory_space<vmem>>) target(%dma_start3A_262 : memref<10000x64xf32, #tpu.memory_space<vmem_shared>>) offsets(%dma_start3A_259 : memref<125xi32, #tpu.memory_space<vmem>>) semaphore(%run_scoped3A_256 : memref<!tpu.dma_semaphore, #tpu.memory_space<semaphore_mem>>) {add = true}
        %dma_wait3A_263 = arith.constant 0 : i32
        %dma_wait3A_264 = tpu.memref_slice %arg7[%add3A_145, %dma_wait3A_263] : memref<80x125xi32, #tpu.memory_space<vmem>> -> memref<1x125xi32, #tpu.memory_space<vmem>>
        %dma_wait3A_265 = tpu.memref_squeeze %dma_wait3A_264 : memref<1x125xi32, #tpu.memory_space<vmem>> -> memref<125xi32, #tpu.memory_space<vmem>>
        %dma_wait3A_266 = arith.constant 0 : i32
        %dma_wait3A_267 = arith.constant 0 : i32
        %dma_wait3A_268 = tpu.memref_slice %arg16[%dma_wait3A_266, %dma_wait3A_267] : memref<10000x64xf32, #tpu.memory_space<vmem_shared>> -> memref<10000x64xf32, #tpu.memory_space<vmem_shared>>
        tpu.wait_indirect_dma semaphore(%run_scoped3A_256 : memref<!tpu.dma_semaphore, #tpu.memory_space<semaphore_mem>>) src(%arg9 : memref<125x64xf32, #tpu.memory_space<vmem>>) dst(%dma_wait3A_268 : memref<10000x64xf32, #tpu.memory_space<vmem_shared>>)
        tpu.yield
      }) : () -> ()
      %add3A_152 = arith.constant 8 : i32
      %add3A_153 = arith.addi %add3A_145, %add3A_152 : i32
      %dma_start3A_154 = arith.constant 0 : i32
      %dma_start3A_155 = tpu.memref_slice %arg6[%add3A_153, %dma_start3A_154] : memref<80x125xi32, #tpu.memory_space<vmem>> -> memref<1x125xi32, #tpu.memory_space<vmem>>
      %dma_start3A_156 = tpu.memref_squeeze %dma_start3A_155 : memref<1x125xi32, #tpu.memory_space<vmem>> -> memref<125xi32, #tpu.memory_space<vmem>>
      %dma_start3A_157 = arith.constant 0 : i32
      %dma_start3A_158 = arith.constant 0 : i32
      %dma_start3A_159 = tpu.memref_slice %arg2[%dma_start3A_157, %dma_start3A_158] : memref<10000x64xf32, #tpu.memory_space<hbm>> -> memref<10000x64xf32, #tpu.memory_space<hbm>>
      tpu.enqueue_indirect_dma source(%dma_start3A_159 : memref<10000x64xf32, #tpu.memory_space<hbm>>) target(%arg9 : memref<125x64xf32, #tpu.memory_space<vmem>>) offsets(%dma_start3A_156 : memref<125xi32, #tpu.memory_space<vmem>>) semaphore(%arg18 : memref<!tpu.dma_semaphore, #tpu.memory_space<semaphore_mem>>)
      %add3A_160 = arith.constant 2 : i32
      %add3A_161 = arith.addi %mul3A_127, %add3A_160 : i32
      %dma_wait3A_162 = arith.constant 0 : i32
      %dma_wait3A_163 = arith.constant 0 : i32
      %dma_wait3A_164 = tpu.memref_slice %arg2[%dma_wait3A_162, %dma_wait3A_163] : memref<10000x64xf32, #tpu.memory_space<hbm>> -> memref<125x64xf32, #tpu.memory_space<hbm>>
      %dma_wait3A_165 = arith.constant 0 : i32
      %dma_wait3A_166 = arith.constant 0 : i32
      %dma_wait3A_167 = tpu.memref_slice %arg2[%dma_wait3A_165, %dma_wait3A_166] : memref<10000x64xf32, #tpu.memory_space<hbm>> -> memref<125x64xf32, #tpu.memory_space<hbm>>
      tpu.wait_dma2 semaphore(%arg19 : memref<!tpu.dma_semaphore, #tpu.memory_space<semaphore_mem>>) src(%dma_wait3A_167 : memref<125x64xf32, #tpu.memory_space<hbm>>) dst(%arg10 : memref<125x64xf32, #tpu.memory_space<vmem>>)
      "tpu.region"() ({
        %run_scoped3A_256 = tpu.sem_alloc : memref<!tpu.dma_semaphore, #tpu.memory_space<semaphore_mem>>
        %dma_start3A_257 = arith.constant 0 : i32
        %dma_start3A_258 = tpu.memref_slice %arg7[%add3A_161, %dma_start3A_257] : memref<80x125xi32, #tpu.memory_space<vmem>> -> memref<1x125xi32, #tpu.memory_space<vmem>>
        %dma_start3A_259 = tpu.memref_squeeze %dma_start3A_258 : memref<1x125xi32, #tpu.memory_space<vmem>> -> memref<125xi32, #tpu.memory_space<vmem>>
        %dma_start3A_260 = arith.constant 0 : i32
        %dma_start3A_261 = arith.constant 0 : i32
        %dma_start3A_262 = tpu.memref_slice %arg16[%dma_start3A_260, %dma_start3A_261] : memref<10000x64xf32, #tpu.memory_space<vmem_shared>> -> memref<10000x64xf32, #tpu.memory_space<vmem_shared>>
        tpu.enqueue_indirect_dma source(%arg10 : memref<125x64xf32, #tpu.memory_space<vmem>>) target(%dma_start3A_262 : memref<10000x64xf32, #tpu.memory_space<vmem_shared>>) offsets(%dma_start3A_259 : memref<125xi32, #tpu.memory_space<vmem>>) semaphore(%run_scoped3A_256 : memref<!tpu.dma_semaphore, #tpu.memory_space<semaphore_mem>>) {add = true}
        %dma_wait3A_263 = arith.constant 0 : i32
        %dma_wait3A_264 = tpu.memref_slice %arg7[%add3A_161, %dma_wait3A_263] : memref<80x125xi32, #tpu.memory_space<vmem>> -> memref<1x125xi32, #tpu.memory_space<vmem>>
        %dma_wait3A_265 = tpu.memref_squeeze %dma_wait3A_264 : memref<1x125xi32, #tpu.memory_space<vmem>> -> memref<125xi32, #tpu.memory_space<vmem>>
        %dma_wait3A_266 = arith.constant 0 : i32
        %dma_wait3A_267 = arith.constant 0 : i32
        %dma_wait3A_268 = tpu.memref_slice %arg16[%dma_wait3A_266, %dma_wait3A_267] : memref<10000x64xf32, #tpu.memory_space<vmem_shared>> -> memref<10000x64xf32, #tpu.memory_space<vmem_shared>>
        tpu.wait_indirect_dma semaphore(%run_scoped3A_256 : memref<!tpu.dma_semaphore, #tpu.memory_space<semaphore_mem>>) src(%arg10 : memref<125x64xf32, #tpu.memory_space<vmem>>) dst(%dma_wait3A_268 : memref<10000x64xf32, #tpu.memory_space<vmem_shared>>)
        tpu.yield
      }) : () -> ()
      %add3A_168 = arith.constant 8 : i32
      %add3A_169 = arith.addi %add3A_161, %add3A_168 : i32
      %dma_start3A_170 = arith.constant 0 : i32
      %dma_start3A_171 = tpu.memref_slice %arg6[%add3A_169, %dma_start3A_170] : memref<80x125xi32, #tpu.memory_space<vmem>> -> memref<1x125xi32, #tpu.memory_space<vmem>>
      %dma_start3A_172 = tpu.memref_squeeze %dma_start3A_171 : memref<1x125xi32, #tpu.memory_space<vmem>> -> memref<125xi32, #tpu.memory_space<vmem>>
      %dma_start3A_173 = arith.constant 0 : i32
      %dma_start3A_174 = arith.constant 0 : i32
      %dma_start3A_175 = tpu.memref_slice %arg2[%dma_start3A_173, %dma_start3A_174] : memref<10000x64xf32, #tpu.memory_space<hbm>> -> memref<10000x64xf32, #tpu.memory_space<hbm>>
      tpu.enqueue_indirect_dma source(%dma_start3A_175 : memref<10000x64xf32, #tpu.memory_space<hbm>>) target(%arg10 : memref<125x64xf32, #tpu.memory_space<vmem>>) offsets(%dma_start3A_172 : memref<125xi32, #tpu.memory_space<vmem>>) semaphore(%arg19 : memref<!tpu.dma_semaphore, #tpu.memory_space<semaphore_mem>>)
      %add3A_176 = arith.constant 3 : i32
      %add3A_177 = arith.addi %mul3A_127, %add3A_176 : i32
      %dma_wait3A_178 = arith.constant 0 : i32
      %dma_wait3A_179 = arith.constant 0 : i32
      %dma_wait3A_180 = tpu.memref_slice %arg2[%dma_wait3A_178, %dma_wait3A_179] : memref<10000x64xf32, #tpu.memory_space<hbm>> -> memref<125x64xf32, #tpu.memory_space<hbm>>
      %dma_wait3A_181 = arith.constant 0 : i32
      %dma_wait3A_182 = arith.constant 0 : i32
      %dma_wait3A_183 = tpu.memref_slice %arg2[%dma_wait3A_181, %dma_wait3A_182] : memref<10000x64xf32, #tpu.memory_space<hbm>> -> memref<125x64xf32, #tpu.memory_space<hbm>>
      tpu.wait_dma2 semaphore(%arg20 : memref<!tpu.dma_semaphore, #tpu.memory_space<semaphore_mem>>) src(%dma_wait3A_183 : memref<125x64xf32, #tpu.memory_space<hbm>>) dst(%arg11 : memref<125x64xf32, #tpu.memory_space<vmem>>)
      "tpu.region"() ({
        %run_scoped3A_256 = tpu.sem_alloc : memref<!tpu.dma_semaphore, #tpu.memory_space<semaphore_mem>>
        %dma_start3A_257 = arith.constant 0 : i32
        %dma_start3A_258 = tpu.memref_slice %arg7[%add3A_177, %dma_start3A_257] : memref<80x125xi32, #tpu.memory_space<vmem>> -> memref<1x125xi32, #tpu.memory_space<vmem>>
        %dma_start3A_259 = tpu.memref_squeeze %dma_start3A_258 : memref<1x125xi32, #tpu.memory_space<vmem>> -> memref<125xi32, #tpu.memory_space<vmem>>
        %dma_start3A_260 = arith.constant 0 : i32
        %dma_start3A_261 = arith.constant 0 : i32
        %dma_start3A_262 = tpu.memref_slice %arg16[%dma_start3A_260, %dma_start3A_261] : memref<10000x64xf32, #tpu.memory_space<vmem_shared>> -> memref<10000x64xf32, #tpu.memory_space<vmem_shared>>
        tpu.enqueue_indirect_dma source(%arg11 : memref<125x64xf32, #tpu.memory_space<vmem>>) target(%dma_start3A_262 : memref<10000x64xf32, #tpu.memory_space<vmem_shared>>) offsets(%dma_start3A_259 : memref<125xi32, #tpu.memory_space<vmem>>) semaphore(%run_scoped3A_256 : memref<!tpu.dma_semaphore, #tpu.memory_space<semaphore_mem>>) {add = true}
        %dma_wait3A_263 = arith.constant 0 : i32
        %dma_wait3A_264 = tpu.memref_slice %arg7[%add3A_177, %dma_wait3A_263] : memref<80x125xi32, #tpu.memory_space<vmem>> -> memref<1x125xi32, #tpu.memory_space<vmem>>
        %dma_wait3A_265 = tpu.memref_squeeze %dma_wait3A_264 : memref<1x125xi32, #tpu.memory_space<vmem>> -> memref<125xi32, #tpu.memory_space<vmem>>
        %dma_wait3A_266 = arith.constant 0 : i32
        %dma_wait3A_267 = arith.constant 0 : i32
        %dma_wait3A_268 = tpu.memref_slice %arg16[%dma_wait3A_266, %dma_wait3A_267] : memref<10000x64xf32, #tpu.memory_space<vmem_shared>> -> memref<10000x64xf32, #tpu.memory_space<vmem_shared>>
        tpu.wait_indirect_dma semaphore(%run_scoped3A_256 : memref<!tpu.dma_semaphore, #tpu.memory_space<semaphore_mem>>) src(%arg11 : memref<125x64xf32, #tpu.memory_space<vmem>>) dst(%dma_wait3A_268 : memref<10000x64xf32, #tpu.memory_space<vmem_shared>>)
        tpu.yield
      }) : () -> ()
      %add3A_184 = arith.constant 8 : i32
      %add3A_185 = arith.addi %add3A_177, %add3A_184 : i32
      %dma_start3A_186 = arith.constant 0 : i32
      %dma_start3A_187 = tpu.memref_slice %arg6[%add3A_185, %dma_start3A_186] : memref<80x125xi32, #tpu.memory_space<vmem>> -> memref<1x125xi32, #tpu.memory_space<vmem>>
      %dma_start3A_188 = tpu.memref_squeeze %dma_start3A_187 : memref<1x125xi32, #tpu.memory_space<vmem>> -> memref<125xi32, #tpu.memory_space<vmem>>
      %dma_start3A_189 = arith.constant 0 : i32
      %dma_start3A_190 = arith.constant 0 : i32
      %dma_start3A_191 = tpu.memref_slice %arg2[%dma_start3A_189, %dma_start3A_190] : memref<10000x64xf32, #tpu.memory_space<hbm>> -> memref<10000x64xf32, #tpu.memory_space<hbm>>
      tpu.enqueue_indirect_dma source(%dma_start3A_191 : memref<10000x64xf32, #tpu.memory_space<hbm>>) target(%arg11 : memref<125x64xf32, #tpu.memory_space<vmem>>) offsets(%dma_start3A_188 : memref<125xi32, #tpu.memory_space<vmem>>) semaphore(%arg20 : memref<!tpu.dma_semaphore, #tpu.memory_space<semaphore_mem>>)
      %add3A_192 = arith.constant 4 : i32
      %add3A_193 = arith.addi %mul3A_127, %add3A_192 : i32
      %dma_wait3A_194 = arith.constant 0 : i32
      %dma_wait3A_195 = arith.constant 0 : i32
      %dma_wait3A_196 = tpu.memref_slice %arg2[%dma_wait3A_194, %dma_wait3A_195] : memref<10000x64xf32, #tpu.memory_space<hbm>> -> memref<125x64xf32, #tpu.memory_space<hbm>>
      %dma_wait3A_197 = arith.constant 0 : i32
      %dma_wait3A_198 = arith.constant 0 : i32
      %dma_wait3A_199 = tpu.memref_slice %arg2[%dma_wait3A_197, %dma_wait3A_198] : memref<10000x64xf32, #tpu.memory_space<hbm>> -> memref<125x64xf32, #tpu.memory_space<hbm>>
      tpu.wait_dma2 semaphore(%arg21 : memref<!tpu.dma_semaphore, #tpu.memory_space<semaphore_mem>>) src(%dma_wait3A_199 : memref<125x64xf32, #tpu.memory_space<hbm>>) dst(%arg12 : memref<125x64xf32, #tpu.memory_space<vmem>>)
      "tpu.region"() ({
        %run_scoped3A_256 = tpu.sem_alloc : memref<!tpu.dma_semaphore, #tpu.memory_space<semaphore_mem>>
        %dma_start3A_257 = arith.constant 0 : i32
        %dma_start3A_258 = tpu.memref_slice %arg7[%add3A_193, %dma_start3A_257] : memref<80x125xi32, #tpu.memory_space<vmem>> -> memref<1x125xi32, #tpu.memory_space<vmem>>
        %dma_start3A_259 = tpu.memref_squeeze %dma_start3A_258 : memref<1x125xi32, #tpu.memory_space<vmem>> -> memref<125xi32, #tpu.memory_space<vmem>>
        %dma_start3A_260 = arith.constant 0 : i32
        %dma_start3A_261 = arith.constant 0 : i32
        %dma_start3A_262 = tpu.memref_slice %arg16[%dma_start3A_260, %dma_start3A_261] : memref<10000x64xf32, #tpu.memory_space<vmem_shared>> -> memref<10000x64xf32, #tpu.memory_space<vmem_shared>>
        tpu.enqueue_indirect_dma source(%arg12 : memref<125x64xf32, #tpu.memory_space<vmem>>) target(%dma_start3A_262 : memref<10000x64xf32, #tpu.memory_space<vmem_shared>>) offsets(%dma_start3A_259 : memref<125xi32, #tpu.memory_space<vmem>>) semaphore(%run_scoped3A_256 : memref<!tpu.dma_semaphore, #tpu.memory_space<semaphore_mem>>) {add = true}
        %dma_wait3A_263 = arith.constant 0 : i32
        %dma_wait3A_264 = tpu.memref_slice %arg7[%add3A_193, %dma_wait3A_263] : memref<80x125xi32, #tpu.memory_space<vmem>> -> memref<1x125xi32, #tpu.memory_space<vmem>>
        %dma_wait3A_265 = tpu.memref_squeeze %dma_wait3A_264 : memref<1x125xi32, #tpu.memory_space<vmem>> -> memref<125xi32, #tpu.memory_space<vmem>>
        %dma_wait3A_266 = arith.constant 0 : i32
        %dma_wait3A_267 = arith.constant 0 : i32
        %dma_wait3A_268 = tpu.memref_slice %arg16[%dma_wait3A_266, %dma_wait3A_267] : memref<10000x64xf32, #tpu.memory_space<vmem_shared>> -> memref<10000x64xf32, #tpu.memory_space<vmem_shared>>
        tpu.wait_indirect_dma semaphore(%run_scoped3A_256 : memref<!tpu.dma_semaphore, #tpu.memory_space<semaphore_mem>>) src(%arg12 : memref<125x64xf32, #tpu.memory_space<vmem>>) dst(%dma_wait3A_268 : memref<10000x64xf32, #tpu.memory_space<vmem_shared>>)
        tpu.yield
      }) : () -> ()
      %add3A_200 = arith.constant 8 : i32
      %add3A_201 = arith.addi %add3A_193, %add3A_200 : i32
      %dma_start3A_202 = arith.constant 0 : i32
      %dma_start3A_203 = tpu.memref_slice %arg6[%add3A_201, %dma_start3A_202] : memref<80x125xi32, #tpu.memory_space<vmem>> -> memref<1x125xi32, #tpu.memory_space<vmem>>
      %dma_start3A_204 = tpu.memref_squeeze %dma_start3A_203 : memref<1x125xi32, #tpu.memory_space<vmem>> -> memref<125xi32, #tpu.memory_space<vmem>>
      %dma_start3A_205 = arith.constant 0 : i32
      %dma_start3A_206 = arith.constant 0 : i32
      %dma_start3A_207 = tpu.memref_slice %arg2[%dma_start3A_205, %dma_start3A_206] : memref<10000x64xf32, #tpu.memory_space<hbm>> -> memref<10000x64xf32, #tpu.memory_space<hbm>>
      tpu.enqueue_indirect_dma source(%dma_start3A_207 : memref<10000x64xf32, #tpu.memory_space<hbm>>) target(%arg12 : memref<125x64xf32, #tpu.memory_space<vmem>>) offsets(%dma_start3A_204 : memref<125xi32, #tpu.memory_space<vmem>>) semaphore(%arg21 : memref<!tpu.dma_semaphore, #tpu.memory_space<semaphore_mem>>)
      %add3A_208 = arith.constant 5 : i32
      %add3A_209 = arith.addi %mul3A_127, %add3A_208 : i32
      %dma_wait3A_210 = arith.constant 0 : i32
      %dma_wait3A_211 = arith.constant 0 : i32
      %dma_wait3A_212 = tpu.memref_slice %arg2[%dma_wait3A_210, %dma_wait3A_211] : memref<10000x64xf32, #tpu.memory_space<hbm>> -> memref<125x64xf32, #tpu.memory_space<hbm>>
      %dma_wait3A_213 = arith.constant 0 : i32
      %dma_wait3A_214 = arith.constant 0 : i32
      %dma_wait3A_215 = tpu.memref_slice %arg2[%dma_wait3A_213, %dma_wait3A_214] : memref<10000x64xf32, #tpu.memory_space<hbm>> -> memref<125x64xf32, #tpu.memory_space<hbm>>
      tpu.wait_dma2 semaphore(%arg22 : memref<!tpu.dma_semaphore, #tpu.memory_space<semaphore_mem>>) src(%dma_wait3A_215 : memref<125x64xf32, #tpu.memory_space<hbm>>) dst(%arg13 : memref<125x64xf32, #tpu.memory_space<vmem>>)
      "tpu.region"() ({
        %run_scoped3A_256 = tpu.sem_alloc : memref<!tpu.dma_semaphore, #tpu.memory_space<semaphore_mem>>
        %dma_start3A_257 = arith.constant 0 : i32
        %dma_start3A_258 = tpu.memref_slice %arg7[%add3A_209, %dma_start3A_257] : memref<80x125xi32, #tpu.memory_space<vmem>> -> memref<1x125xi32, #tpu.memory_space<vmem>>
        %dma_start3A_259 = tpu.memref_squeeze %dma_start3A_258 : memref<1x125xi32, #tpu.memory_space<vmem>> -> memref<125xi32, #tpu.memory_space<vmem>>
        %dma_start3A_260 = arith.constant 0 : i32
        %dma_start3A_261 = arith.constant 0 : i32
        %dma_start3A_262 = tpu.memref_slice %arg16[%dma_start3A_260, %dma_start3A_261] : memref<10000x64xf32, #tpu.memory_space<vmem_shared>> -> memref<10000x64xf32, #tpu.memory_space<vmem_shared>>
        tpu.enqueue_indirect_dma source(%arg13 : memref<125x64xf32, #tpu.memory_space<vmem>>) target(%dma_start3A_262 : memref<10000x64xf32, #tpu.memory_space<vmem_shared>>) offsets(%dma_start3A_259 : memref<125xi32, #tpu.memory_space<vmem>>) semaphore(%run_scoped3A_256 : memref<!tpu.dma_semaphore, #tpu.memory_space<semaphore_mem>>) {add = true}
        %dma_wait3A_263 = arith.constant 0 : i32
        %dma_wait3A_264 = tpu.memref_slice %arg7[%add3A_209, %dma_wait3A_263] : memref<80x125xi32, #tpu.memory_space<vmem>> -> memref<1x125xi32, #tpu.memory_space<vmem>>
        %dma_wait3A_265 = tpu.memref_squeeze %dma_wait3A_264 : memref<1x125xi32, #tpu.memory_space<vmem>> -> memref<125xi32, #tpu.memory_space<vmem>>
        %dma_wait3A_266 = arith.constant 0 : i32
        %dma_wait3A_267 = arith.constant 0 : i32
        %dma_wait3A_268 = tpu.memref_slice %arg16[%dma_wait3A_266, %dma_wait3A_267] : memref<10000x64xf32, #tpu.memory_space<vmem_shared>> -> memref<10000x64xf32, #tpu.memory_space<vmem_shared>>
        tpu.wait_indirect_dma semaphore(%run_scoped3A_256 : memref<!tpu.dma_semaphore, #tpu.memory_space<semaphore_mem>>) src(%arg13 : memref<125x64xf32, #tpu.memory_space<vmem>>) dst(%dma_wait3A_268 : memref<10000x64xf32, #tpu.memory_space<vmem_shared>>)
        tpu.yield
      }) : () -> ()
      %add3A_216 = arith.constant 8 : i32
      %add3A_217 = arith.addi %add3A_209, %add3A_216 : i32
      %dma_start3A_218 = arith.constant 0 : i32
      %dma_start3A_219 = tpu.memref_slice %arg6[%add3A_217, %dma_start3A_218] : memref<80x125xi32, #tpu.memory_space<vmem>> -> memref<1x125xi32, #tpu.memory_space<vmem>>
      %dma_start3A_220 = tpu.memref_squeeze %dma_start3A_219 : memref<1x125xi32, #tpu.memory_space<vmem>> -> memref<125xi32, #tpu.memory_space<vmem>>
      %dma_start3A_221 = arith.constant 0 : i32
      %dma_start3A_222 = arith.constant 0 : i32
      %dma_start3A_223 = tpu.memref_slice %arg2[%dma_start3A_221, %dma_start3A_222] : memref<10000x64xf32, #tpu.memory_space<hbm>> -> memref<10000x64xf32, #tpu.memory_space<hbm>>
      tpu.enqueue_indirect_dma source(%dma_start3A_223 : memref<10000x64xf32, #tpu.memory_space<hbm>>) target(%arg13 : memref<125x64xf32, #tpu.memory_space<vmem>>) offsets(%dma_start3A_220 : memref<125xi32, #tpu.memory_space<vmem>>) semaphore(%arg22 : memref<!tpu.dma_semaphore, #tpu.memory_space<semaphore_mem>>)
      %add3A_224 = arith.constant 6 : i32
      %add3A_225 = arith.addi %mul3A_127, %add3A_224 : i32
      %dma_wait3A_226 = arith.constant 0 : i32
      %dma_wait3A_227 = arith.constant 0 : i32
      %dma_wait3A_228 = tpu.memref_slice %arg2[%dma_wait3A_226, %dma_wait3A_227] : memref<10000x64xf32, #tpu.memory_space<hbm>> -> memref<125x64xf32, #tpu.memory_space<hbm>>
      %dma_wait3A_229 = arith.constant 0 : i32
      %dma_wait3A_230 = arith.constant 0 : i32
      %dma_wait3A_231 = tpu.memref_slice %arg2[%dma_wait3A_229, %dma_wait3A_230] : memref<10000x64xf32, #tpu.memory_space<hbm>> -> memref<125x64xf32, #tpu.memory_space<hbm>>
      tpu.wait_dma2 semaphore(%arg23 : memref<!tpu.dma_semaphore, #tpu.memory_space<semaphore_mem>>) src(%dma_wait3A_231 : memref<125x64xf32, #tpu.memory_space<hbm>>) dst(%arg14 : memref<125x64xf32, #tpu.memory_space<vmem>>)
      "tpu.region"() ({
        %run_scoped3A_256 = tpu.sem_alloc : memref<!tpu.dma_semaphore, #tpu.memory_space<semaphore_mem>>
        %dma_start3A_257 = arith.constant 0 : i32
        %dma_start3A_258 = tpu.memref_slice %arg7[%add3A_225, %dma_start3A_257] : memref<80x125xi32, #tpu.memory_space<vmem>> -> memref<1x125xi32, #tpu.memory_space<vmem>>
        %dma_start3A_259 = tpu.memref_squeeze %dma_start3A_258 : memref<1x125xi32, #tpu.memory_space<vmem>> -> memref<125xi32, #tpu.memory_space<vmem>>
        %dma_start3A_260 = arith.constant 0 : i32
        %dma_start3A_261 = arith.constant 0 : i32
        %dma_start3A_262 = tpu.memref_slice %arg16[%dma_start3A_260, %dma_start3A_261] : memref<10000x64xf32, #tpu.memory_space<vmem_shared>> -> memref<10000x64xf32, #tpu.memory_space<vmem_shared>>
        tpu.enqueue_indirect_dma source(%arg14 : memref<125x64xf32, #tpu.memory_space<vmem>>) target(%dma_start3A_262 : memref<10000x64xf32, #tpu.memory_space<vmem_shared>>) offsets(%dma_start3A_259 : memref<125xi32, #tpu.memory_space<vmem>>) semaphore(%run_scoped3A_256 : memref<!tpu.dma_semaphore, #tpu.memory_space<semaphore_mem>>) {add = true}
        %dma_wait3A_263 = arith.constant 0 : i32
        %dma_wait3A_264 = tpu.memref_slice %arg7[%add3A_225, %dma_wait3A_263] : memref<80x125xi32, #tpu.memory_space<vmem>> -> memref<1x125xi32, #tpu.memory_space<vmem>>
        %dma_wait3A_265 = tpu.memref_squeeze %dma_wait3A_264 : memref<1x125xi32, #tpu.memory_space<vmem>> -> memref<125xi32, #tpu.memory_space<vmem>>
        %dma_wait3A_266 = arith.constant 0 : i32
        %dma_wait3A_267 = arith.constant 0 : i32
        %dma_wait3A_268 = tpu.memref_slice %arg16[%dma_wait3A_266, %dma_wait3A_267] : memref<10000x64xf32, #tpu.memory_space<vmem_shared>> -> memref<10000x64xf32, #tpu.memory_space<vmem_shared>>
        tpu.wait_indirect_dma semaphore(%run_scoped3A_256 : memref<!tpu.dma_semaphore, #tpu.memory_space<semaphore_mem>>) src(%arg14 : memref<125x64xf32, #tpu.memory_space<vmem>>) dst(%dma_wait3A_268 : memref<10000x64xf32, #tpu.memory_space<vmem_shared>>)
        tpu.yield
      }) : () -> ()
      %add3A_232 = arith.constant 8 : i32
      %add3A_233 = arith.addi %add3A_225, %add3A_232 : i32
      %dma_start3A_234 = arith.constant 0 : i32
      %dma_start3A_235 = tpu.memref_slice %arg6[%add3A_233, %dma_start3A_234] : memref<80x125xi32, #tpu.memory_space<vmem>> -> memref<1x125xi32, #tpu.memory_space<vmem>>
      %dma_start3A_236 = tpu.memref_squeeze %dma_start3A_235 : memref<1x125xi32, #tpu.memory_space<vmem>> -> memref<125xi32, #tpu.memory_space<vmem>>
      %dma_start3A_237 = arith.constant 0 : i32
      %dma_start3A_238 = arith.constant 0 : i32
      %dma_start3A_239 = tpu.memref_slice %arg2[%dma_start3A_237, %dma_start3A_238] : memref<10000x64xf32, #tpu.memory_space<hbm>> -> memref<10000x64xf32, #tpu.memory_space<hbm>>
      tpu.enqueue_indirect_dma source(%dma_start3A_239 : memref<10000x64xf32, #tpu.memory_space<hbm>>) target(%arg14 : memref<125x64xf32, #tpu.memory_space<vmem>>) offsets(%dma_start3A_236 : memref<125xi32, #tpu.memory_space<vmem>>) semaphore(%arg23 : memref<!tpu.dma_semaphore, #tpu.memory_space<semaphore_mem>>)
      %add3A_240 = arith.constant 7 : i32
      %add3A_241 = arith.addi %mul3A_127, %add3A_240 : i32
      %dma_wait3A_242 = arith.constant 0 : i32
      %dma_wait3A_243 = arith.constant 0 : i32
      %dma_wait3A_244 = tpu.memref_slice %arg2[%dma_wait3A_242, %dma_wait3A_243] : memref<10000x64xf32, #tpu.memory_space<hbm>> -> memref<125x64xf32, #tpu.memory_space<hbm>>
      %dma_wait3A_245 = arith.constant 0 : i32
      %dma_wait3A_246 = arith.constant 0 : i32
      %dma_wait3A_247 = tpu.memref_slice %arg2[%dma_wait3A_245, %dma_wait3A_246] : memref<10000x64xf32, #tpu.memory_space<hbm>> -> memref<125x64xf32, #tpu.memory_space<hbm>>
      tpu.wait_dma2 semaphore(%arg24 : memref<!tpu.dma_semaphore, #tpu.memory_space<semaphore_mem>>) src(%dma_wait3A_247 : memref<125x64xf32, #tpu.memory_space<hbm>>) dst(%arg15 : memref<125x64xf32, #tpu.memory_space<vmem>>)
      "tpu.region"() ({
        %run_scoped3A_256 = tpu.sem_alloc : memref<!tpu.dma_semaphore, #tpu.memory_space<semaphore_mem>>
        %dma_start3A_257 = arith.constant 0 : i32
        %dma_start3A_258 = tpu.memref_slice %arg7[%add3A_241, %dma_start3A_257] : memref<80x125xi32, #tpu.memory_space<vmem>> -> memref<1x125xi32, #tpu.memory_space<vmem>>
        %dma_start3A_259 = tpu.memref_squeeze %dma_start3A_258 : memref<1x125xi32, #tpu.memory_space<vmem>> -> memref<125xi32, #tpu.memory_space<vmem>>
        %dma_start3A_260 = arith.constant 0 : i32
        %dma_start3A_261 = arith.constant 0 : i32
        %dma_start3A_262 = tpu.memref_slice %arg16[%dma_start3A_260, %dma_start3A_261] : memref<10000x64xf32, #tpu.memory_space<vmem_shared>> -> memref<10000x64xf32, #tpu.memory_space<vmem_shared>>
        tpu.enqueue_indirect_dma source(%arg15 : memref<125x64xf32, #tpu.memory_space<vmem>>) target(%dma_start3A_262 : memref<10000x64xf32, #tpu.memory_space<vmem_shared>>) offsets(%dma_start3A_259 : memref<125xi32, #tpu.memory_space<vmem>>) semaphore(%run_scoped3A_256 : memref<!tpu.dma_semaphore, #tpu.memory_space<semaphore_mem>>) {add = true}
        %dma_wait3A_263 = arith.constant 0 : i32
        %dma_wait3A_264 = tpu.memref_slice %arg7[%add3A_241, %dma_wait3A_263] : memref<80x125xi32, #tpu.memory_space<vmem>> -> memref<1x125xi32, #tpu.memory_space<vmem>>
        %dma_wait3A_265 = tpu.memref_squeeze %dma_wait3A_264 : memref<1x125xi32, #tpu.memory_space<vmem>> -> memref<125xi32, #tpu.memory_space<vmem>>
        %dma_wait3A_266 = arith.constant 0 : i32
        %dma_wait3A_267 = arith.constant 0 : i32
        %dma_wait3A_268 = tpu.memref_slice %arg16[%dma_wait3A_266, %dma_wait3A_267] : memref<10000x64xf32, #tpu.memory_space<vmem_shared>> -> memref<10000x64xf32, #tpu.memory_space<vmem_shared>>
        tpu.wait_indirect_dma semaphore(%run_scoped3A_256 : memref<!tpu.dma_semaphore, #tpu.memory_space<semaphore_mem>>) src(%arg15 : memref<125x64xf32, #tpu.memory_space<vmem>>) dst(%dma_wait3A_268 : memref<10000x64xf32, #tpu.memory_space<vmem_shared>>)
        tpu.yield
      }) : () -> ()
      %add3A_248 = arith.constant 8 : i32
      %add3A_249 = arith.addi %add3A_241, %add3A_248 : i32
      %dma_start3A_250 = arith.constant 0 : i32
      %dma_start3A_251 = tpu.memref_slice %arg6[%add3A_249, %dma_start3A_250] : memref<80x125xi32, #tpu.memory_space<vmem>> -> memref<1x125xi32, #tpu.memory_space<vmem>>
      %dma_start3A_252 = tpu.memref_squeeze %dma_start3A_251 : memref<1x125xi32, #tpu.memory_space<vmem>> -> memref<125xi32, #tpu.memory_space<vmem>>
      %dma_start3A_253 = arith.constant 0 : i32
      %dma_start3A_254 = arith.constant 0 : i32
      %dma_start3A_255 = tpu.memref_slice %arg2[%dma_start3A_253, %dma_start3A_254] : memref<10000x64xf32, #tpu.memory_space<hbm>> -> memref<10000x64xf32, #tpu.memory_space<hbm>>
      tpu.enqueue_indirect_dma source(%dma_start3A_255 : memref<10000x64xf32, #tpu.memory_space<hbm>>) target(%arg15 : memref<125x64xf32, #tpu.memory_space<vmem>>) offsets(%dma_start3A_252 : memref<125xi32, #tpu.memory_space<vmem>>) semaphore(%arg24 : memref<!tpu.dma_semaphore, #tpu.memory_space<semaphore_mem>>)
    }
    %scan3A_64 = arith.constant 9 : i32
    %dma_wait3A = arith.constant 0 : i32
    %dma_wait3A_65 = arith.constant 0 : i32
    %dma_wait3A_66 = tpu.memref_slice %arg2[%dma_wait3A, %dma_wait3A_65] : memref<10000x64xf32, #tpu.memory_space<hbm>> -> memref<125x64xf32, #tpu.memory_space<hbm>>
    %dma_wait3A_67 = arith.constant 0 : i32
    %dma_wait3A_68 = arith.constant 0 : i32
    %dma_wait3A_69 = tpu.memref_slice %arg2[%dma_wait3A_67, %dma_wait3A_68] : memref<10000x64xf32, #tpu.memory_space<hbm>> -> memref<125x64xf32, #tpu.memory_space<hbm>>
    tpu.wait_dma2 semaphore(%arg17 : memref<!tpu.dma_semaphore, #tpu.memory_space<semaphore_mem>>) src(%dma_wait3A_69 : memref<125x64xf32, #tpu.memory_space<hbm>>) dst(%arg8 : memref<125x64xf32, #tpu.memory_space<vmem>>)
    %run_scoped3A = arith.constant 72 : i32
    "tpu.region"() ({
      %run_scoped3A_125 = tpu.sem_alloc : memref<!tpu.dma_semaphore, #tpu.memory_space<semaphore_mem>>
      %dma_start3A_126 = arith.constant 0 : i32
      %dma_start3A_127 = tpu.memref_slice %arg7[%run_scoped3A, %dma_start3A_126] : memref<80x125xi32, #tpu.memory_space<vmem>> -> memref<1x125xi32, #tpu.memory_space<vmem>>
      %dma_start3A_128 = tpu.memref_squeeze %dma_start3A_127 : memref<1x125xi32, #tpu.memory_space<vmem>> -> memref<125xi32, #tpu.memory_space<vmem>>
      %dma_start3A_129 = arith.constant 0 : i32
      %dma_start3A_130 = arith.constant 0 : i32
      %dma_start3A_131 = tpu.memref_slice %arg16[%dma_start3A_129, %dma_start3A_130] : memref<10000x64xf32, #tpu.memory_space<vmem_shared>> -> memref<10000x64xf32, #tpu.memory_space<vmem_shared>>
      tpu.enqueue_indirect_dma source(%arg8 : memref<125x64xf32, #tpu.memory_space<vmem>>) target(%dma_start3A_131 : memref<10000x64xf32, #tpu.memory_space<vmem_shared>>) offsets(%dma_start3A_128 : memref<125xi32, #tpu.memory_space<vmem>>) semaphore(%run_scoped3A_125 : memref<!tpu.dma_semaphore, #tpu.memory_space<semaphore_mem>>) {add = true}
      %dma_wait3A_132 = arith.constant 0 : i32
      %dma_wait3A_133 = tpu.memref_slice %arg7[%run_scoped3A, %dma_wait3A_132] : memref<80x125xi32, #tpu.memory_space<vmem>> -> memref<1x125xi32, #tpu.memory_space<vmem>>
      %dma_wait3A_134 = tpu.memref_squeeze %dma_wait3A_133 : memref<1x125xi32, #tpu.memory_space<vmem>> -> memref<125xi32, #tpu.memory_space<vmem>>
      %dma_wait3A_135 = arith.constant 0 : i32
      %dma_wait3A_136 = arith.constant 0 : i32
      %dma_wait3A_137 = tpu.memref_slice %arg16[%dma_wait3A_135, %dma_wait3A_136] : memref<10000x64xf32, #tpu.memory_space<vmem_shared>> -> memref<10000x64xf32, #tpu.memory_space<vmem_shared>>
      tpu.wait_indirect_dma semaphore(%run_scoped3A_125 : memref<!tpu.dma_semaphore, #tpu.memory_space<semaphore_mem>>) src(%arg8 : memref<125x64xf32, #tpu.memory_space<vmem>>) dst(%dma_wait3A_137 : memref<10000x64xf32, #tpu.memory_space<vmem_shared>>)
      tpu.yield
    }) : () -> ()
    %dma_wait3A_70 = arith.constant 0 : i32
    %dma_wait3A_71 = arith.constant 0 : i32
    %dma_wait3A_72 = tpu.memref_slice %arg2[%dma_wait3A_70, %dma_wait3A_71] : memref<10000x64xf32, #tpu.memory_space<hbm>> -> memref<125x64xf32, #tpu.memory_space<hbm>>
    %dma_wait3A_73 = arith.constant 0 : i32
    %dma_wait3A_74 = arith.constant 0 : i32
    %dma_wait3A_75 = tpu.memref_slice %arg2[%dma_wait3A_73, %dma_wait3A_74] : memref<10000x64xf32, #tpu.memory_space<hbm>> -> memref<125x64xf32, #tpu.memory_space<hbm>>
    tpu.wait_dma2 semaphore(%arg18 : memref<!tpu.dma_semaphore, #tpu.memory_space<semaphore_mem>>) src(%dma_wait3A_75 : memref<125x64xf32, #tpu.memory_space<hbm>>) dst(%arg9 : memref<125x64xf32, #tpu.memory_space<vmem>>)
    %run_scoped3A_76 = arith.constant 73 : i32
    "tpu.region"() ({
      %run_scoped3A_125 = tpu.sem_alloc : memref<!tpu.dma_semaphore, #tpu.memory_space<semaphore_mem>>
      %dma_start3A_126 = arith.constant 0 : i32
      %dma_start3A_127 = tpu.memref_slice %arg7[%run_scoped3A_76, %dma_start3A_126] : memref<80x125xi32, #tpu.memory_space<vmem>> -> memref<1x125xi32, #tpu.memory_space<vmem>>
      %dma_start3A_128 = tpu.memref_squeeze %dma_start3A_127 : memref<1x125xi32, #tpu.memory_space<vmem>> -> memref<125xi32, #tpu.memory_space<vmem>>
      %dma_start3A_129 = arith.constant 0 : i32
      %dma_start3A_130 = arith.constant 0 : i32
      %dma_start3A_131 = tpu.memref_slice %arg16[%dma_start3A_129, %dma_start3A_130] : memref<10000x64xf32, #tpu.memory_space<vmem_shared>> -> memref<10000x64xf32, #tpu.memory_space<vmem_shared>>
      tpu.enqueue_indirect_dma source(%arg9 : memref<125x64xf32, #tpu.memory_space<vmem>>) target(%dma_start3A_131 : memref<10000x64xf32, #tpu.memory_space<vmem_shared>>) offsets(%dma_start3A_128 : memref<125xi32, #tpu.memory_space<vmem>>) semaphore(%run_scoped3A_125 : memref<!tpu.dma_semaphore, #tpu.memory_space<semaphore_mem>>) {add = true}
      %dma_wait3A_132 = arith.constant 0 : i32
      %dma_wait3A_133 = tpu.memref_slice %arg7[%run_scoped3A_76, %dma_wait3A_132] : memref<80x125xi32, #tpu.memory_space<vmem>> -> memref<1x125xi32, #tpu.memory_space<vmem>>
      %dma_wait3A_134 = tpu.memref_squeeze %dma_wait3A_133 : memref<1x125xi32, #tpu.memory_space<vmem>> -> memref<125xi32, #tpu.memory_space<vmem>>
      %dma_wait3A_135 = arith.constant 0 : i32
      %dma_wait3A_136 = arith.constant 0 : i32
      %dma_wait3A_137 = tpu.memref_slice %arg16[%dma_wait3A_135, %dma_wait3A_136] : memref<10000x64xf32, #tpu.memory_space<vmem_shared>> -> memref<10000x64xf32, #tpu.memory_space<vmem_shared>>
      tpu.wait_indirect_dma semaphore(%run_scoped3A_125 : memref<!tpu.dma_semaphore, #tpu.memory_space<semaphore_mem>>) src(%arg9 : memref<125x64xf32, #tpu.memory_space<vmem>>) dst(%dma_wait3A_137 : memref<10000x64xf32, #tpu.memory_space<vmem_shared>>)
      tpu.yield
    }) : () -> ()
    %dma_wait3A_77 = arith.constant 0 : i32
    %dma_wait3A_78 = arith.constant 0 : i32
    %dma_wait3A_79 = tpu.memref_slice %arg2[%dma_wait3A_77, %dma_wait3A_78] : memref<10000x64xf32, #tpu.memory_space<hbm>> -> memref<125x64xf32, #tpu.memory_space<hbm>>
    %dma_wait3A_80 = arith.constant 0 : i32
    %dma_wait3A_81 = arith.constant 0 : i32
    %dma_wait3A_82 = tpu.memref_slice %arg2[%dma_wait3A_80, %dma_wait3A_81] : memref<10000x64xf32, #tpu.memory_space<hbm>> -> memref<125x64xf32, #tpu.memory_space<hbm>>
    tpu.wait_dma2 semaphore(%arg19 : memref<!tpu.dma_semaphore, #tpu.memory_space<semaphore_mem>>) src(%dma_wait3A_82 : memref<125x64xf32, #tpu.memory_space<hbm>>) dst(%arg10 : memref<125x64xf32, #tpu.memory_space<vmem>>)
    %run_scoped3A_83 = arith.constant 74 : i32
    "tpu.region"() ({
      %run_scoped3A_125 = tpu.sem_alloc : memref<!tpu.dma_semaphore, #tpu.memory_space<semaphore_mem>>
      %dma_start3A_126 = arith.constant 0 : i32
      %dma_start3A_127 = tpu.memref_slice %arg7[%run_scoped3A_83, %dma_start3A_126] : memref<80x125xi32, #tpu.memory_space<vmem>> -> memref<1x125xi32, #tpu.memory_space<vmem>>
      %dma_start3A_128 = tpu.memref_squeeze %dma_start3A_127 : memref<1x125xi32, #tpu.memory_space<vmem>> -> memref<125xi32, #tpu.memory_space<vmem>>
      %dma_start3A_129 = arith.constant 0 : i32
      %dma_start3A_130 = arith.constant 0 : i32
      %dma_start3A_131 = tpu.memref_slice %arg16[%dma_start3A_129, %dma_start3A_130] : memref<10000x64xf32, #tpu.memory_space<vmem_shared>> -> memref<10000x64xf32, #tpu.memory_space<vmem_shared>>
      tpu.enqueue_indirect_dma source(%arg10 : memref<125x64xf32, #tpu.memory_space<vmem>>) target(%dma_start3A_131 : memref<10000x64xf32, #tpu.memory_space<vmem_shared>>) offsets(%dma_start3A_128 : memref<125xi32, #tpu.memory_space<vmem>>) semaphore(%run_scoped3A_125 : memref<!tpu.dma_semaphore, #tpu.memory_space<semaphore_mem>>) {add = true}
      %dma_wait3A_132 = arith.constant 0 : i32
      %dma_wait3A_133 = tpu.memref_slice %arg7[%run_scoped3A_83, %dma_wait3A_132] : memref<80x125xi32, #tpu.memory_space<vmem>> -> memref<1x125xi32, #tpu.memory_space<vmem>>
      %dma_wait3A_134 = tpu.memref_squeeze %dma_wait3A_133 : memref<1x125xi32, #tpu.memory_space<vmem>> -> memref<125xi32, #tpu.memory_space<vmem>>
      %dma_wait3A_135 = arith.constant 0 : i32
      %dma_wait3A_136 = arith.constant 0 : i32
      %dma_wait3A_137 = tpu.memref_slice %arg16[%dma_wait3A_135, %dma_wait3A_136] : memref<10000x64xf32, #tpu.memory_space<vmem_shared>> -> memref<10000x64xf32, #tpu.memory_space<vmem_shared>>
      tpu.wait_indirect_dma semaphore(%run_scoped3A_125 : memref<!tpu.dma_semaphore, #tpu.memory_space<semaphore_mem>>) src(%arg10 : memref<125x64xf32, #tpu.memory_space<vmem>>) dst(%dma_wait3A_137 : memref<10000x64xf32, #tpu.memory_space<vmem_shared>>)
      tpu.yield
    }) : () -> ()
    %dma_wait3A_84 = arith.constant 0 : i32
    %dma_wait3A_85 = arith.constant 0 : i32
    %dma_wait3A_86 = tpu.memref_slice %arg2[%dma_wait3A_84, %dma_wait3A_85] : memref<10000x64xf32, #tpu.memory_space<hbm>> -> memref<125x64xf32, #tpu.memory_space<hbm>>
    %dma_wait3A_87 = arith.constant 0 : i32
    %dma_wait3A_88 = arith.constant 0 : i32
    %dma_wait3A_89 = tpu.memref_slice %arg2[%dma_wait3A_87, %dma_wait3A_88] : memref<10000x64xf32, #tpu.memory_space<hbm>> -> memref<125x64xf32, #tpu.memory_space<hbm>>
    tpu.wait_dma2 semaphore(%arg20 : memref<!tpu.dma_semaphore, #tpu.memory_space<semaphore_mem>>) src(%dma_wait3A_89 : memref<125x64xf32, #tpu.memory_space<hbm>>) dst(%arg11 : memref<125x64xf32, #tpu.memory_space<vmem>>)
    %run_scoped3A_90 = arith.constant 75 : i32
    "tpu.region"() ({
      %run_scoped3A_125 = tpu.sem_alloc : memref<!tpu.dma_semaphore, #tpu.memory_space<semaphore_mem>>
      %dma_start3A_126 = arith.constant 0 : i32
      %dma_start3A_127 = tpu.memref_slice %arg7[%run_scoped3A_90, %dma_start3A_126] : memref<80x125xi32, #tpu.memory_space<vmem>> -> memref<1x125xi32, #tpu.memory_space<vmem>>
      %dma_start3A_128 = tpu.memref_squeeze %dma_start3A_127 : memref<1x125xi32, #tpu.memory_space<vmem>> -> memref<125xi32, #tpu.memory_space<vmem>>
      %dma_start3A_129 = arith.constant 0 : i32
      %dma_start3A_130 = arith.constant 0 : i32
      %dma_start3A_131 = tpu.memref_slice %arg16[%dma_start3A_129, %dma_start3A_130] : memref<10000x64xf32, #tpu.memory_space<vmem_shared>> -> memref<10000x64xf32, #tpu.memory_space<vmem_shared>>
      tpu.enqueue_indirect_dma source(%arg11 : memref<125x64xf32, #tpu.memory_space<vmem>>) target(%dma_start3A_131 : memref<10000x64xf32, #tpu.memory_space<vmem_shared>>) offsets(%dma_start3A_128 : memref<125xi32, #tpu.memory_space<vmem>>) semaphore(%run_scoped3A_125 : memref<!tpu.dma_semaphore, #tpu.memory_space<semaphore_mem>>) {add = true}
      %dma_wait3A_132 = arith.constant 0 : i32
      %dma_wait3A_133 = tpu.memref_slice %arg7[%run_scoped3A_90, %dma_wait3A_132] : memref<80x125xi32, #tpu.memory_space<vmem>> -> memref<1x125xi32, #tpu.memory_space<vmem>>
      %dma_wait3A_134 = tpu.memref_squeeze %dma_wait3A_133 : memref<1x125xi32, #tpu.memory_space<vmem>> -> memref<125xi32, #tpu.memory_space<vmem>>
      %dma_wait3A_135 = arith.constant 0 : i32
      %dma_wait3A_136 = arith.constant 0 : i32
      %dma_wait3A_137 = tpu.memref_slice %arg16[%dma_wait3A_135, %dma_wait3A_136] : memref<10000x64xf32, #tpu.memory_space<vmem_shared>> -> memref<10000x64xf32, #tpu.memory_space<vmem_shared>>
      tpu.wait_indirect_dma semaphore(%run_scoped3A_125 : memref<!tpu.dma_semaphore, #tpu.memory_space<semaphore_mem>>) src(%arg11 : memref<125x64xf32, #tpu.memory_space<vmem>>) dst(%dma_wait3A_137 : memref<10000x64xf32, #tpu.memory_space<vmem_shared>>)
      tpu.yield
    }) : () -> ()
    %dma_wait3A_91 = arith.constant 0 : i32
    %dma_wait3A_92 = arith.constant 0 : i32
    %dma_wait3A_93 = tpu.memref_slice %arg2[%dma_wait3A_91, %dma_wait3A_92] : memref<10000x64xf32, #tpu.memory_space<hbm>> -> memref<125x64xf32, #tpu.memory_space<hbm>>
    %dma_wait3A_94 = arith.constant 0 : i32
    %dma_wait3A_95 = arith.constant 0 : i32
    %dma_wait3A_96 = tpu.memref_slice %arg2[%dma_wait3A_94, %dma_wait3A_95] : memref<10000x64xf32, #tpu.memory_space<hbm>> -> memref<125x64xf32, #tpu.memory_space<hbm>>
    tpu.wait_dma2 semaphore(%arg21 : memref<!tpu.dma_semaphore, #tpu.memory_space<semaphore_mem>>) src(%dma_wait3A_96 : memref<125x64xf32, #tpu.memory_space<hbm>>) dst(%arg12 : memref<125x64xf32, #tpu.memory_space<vmem>>)
    %run_scoped3A_97 = arith.constant 76 : i32
    "tpu.region"() ({
      %run_scoped3A_125 = tpu.sem_alloc : memref<!tpu.dma_semaphore, #tpu.memory_space<semaphore_mem>>
      %dma_start3A_126 = arith.constant 0 : i32
      %dma_start3A_127 = tpu.memref_slice %arg7[%run_scoped3A_97, %dma_start3A_126] : memref<80x125xi32, #tpu.memory_space<vmem>> -> memref<1x125xi32, #tpu.memory_space<vmem>>
      %dma_start3A_128 = tpu.memref_squeeze %dma_start3A_127 : memref<1x125xi32, #tpu.memory_space<vmem>> -> memref<125xi32, #tpu.memory_space<vmem>>
      %dma_start3A_129 = arith.constant 0 : i32
      %dma_start3A_130 = arith.constant 0 : i32
      %dma_start3A_131 = tpu.memref_slice %arg16[%dma_start3A_129, %dma_start3A_130] : memref<10000x64xf32, #tpu.memory_space<vmem_shared>> -> memref<10000x64xf32, #tpu.memory_space<vmem_shared>>
      tpu.enqueue_indirect_dma source(%arg12 : memref<125x64xf32, #tpu.memory_space<vmem>>) target(%dma_start3A_131 : memref<10000x64xf32, #tpu.memory_space<vmem_shared>>) offsets(%dma_start3A_128 : memref<125xi32, #tpu.memory_space<vmem>>) semaphore(%run_scoped3A_125 : memref<!tpu.dma_semaphore, #tpu.memory_space<semaphore_mem>>) {add = true}
      %dma_wait3A_132 = arith.constant 0 : i32
      %dma_wait3A_133 = tpu.memref_slice %arg7[%run_scoped3A_97, %dma_wait3A_132] : memref<80x125xi32, #tpu.memory_space<vmem>> -> memref<1x125xi32, #tpu.memory_space<vmem>>
      %dma_wait3A_134 = tpu.memref_squeeze %dma_wait3A_133 : memref<1x125xi32, #tpu.memory_space<vmem>> -> memref<125xi32, #tpu.memory_space<vmem>>
      %dma_wait3A_135 = arith.constant 0 : i32
      %dma_wait3A_136 = arith.constant 0 : i32
      %dma_wait3A_137 = tpu.memref_slice %arg16[%dma_wait3A_135, %dma_wait3A_136] : memref<10000x64xf32, #tpu.memory_space<vmem_shared>> -> memref<10000x64xf32, #tpu.memory_space<vmem_shared>>
      tpu.wait_indirect_dma semaphore(%run_scoped3A_125 : memref<!tpu.dma_semaphore, #tpu.memory_space<semaphore_mem>>) src(%arg12 : memref<125x64xf32, #tpu.memory_space<vmem>>) dst(%dma_wait3A_137 : memref<10000x64xf32, #tpu.memory_space<vmem_shared>>)
      tpu.yield
    }) : () -> ()
    %dma_wait3A_98 = arith.constant 0 : i32
    %dma_wait3A_99 = arith.constant 0 : i32
    %dma_wait3A_100 = tpu.memref_slice %arg2[%dma_wait3A_98, %dma_wait3A_99] : memref<10000x64xf32, #tpu.memory_space<hbm>> -> memref<125x64xf32, #tpu.memory_space<hbm>>
    %dma_wait3A_101 = arith.constant 0 : i32
    %dma_wait3A_102 = arith.constant 0 : i32
    %dma_wait3A_103 = tpu.memref_slice %arg2[%dma_wait3A_101, %dma_wait3A_102] : memref<10000x64xf32, #tpu.memory_space<hbm>> -> memref<125x64xf32, #tpu.memory_space<hbm>>
    tpu.wait_dma2 semaphore(%arg22 : memref<!tpu.dma_semaphore, #tpu.memory_space<semaphore_mem>>) src(%dma_wait3A_103 : memref<125x64xf32, #tpu.memory_space<hbm>>) dst(%arg13 : memref<125x64xf32, #tpu.memory_space<vmem>>)
    %run_scoped3A_104 = arith.constant 77 : i32
    "tpu.region"() ({
      %run_scoped3A_125 = tpu.sem_alloc : memref<!tpu.dma_semaphore, #tpu.memory_space<semaphore_mem>>
      %dma_start3A_126 = arith.constant 0 : i32
      %dma_start3A_127 = tpu.memref_slice %arg7[%run_scoped3A_104, %dma_start3A_126] : memref<80x125xi32, #tpu.memory_space<vmem>> -> memref<1x125xi32, #tpu.memory_space<vmem>>
      %dma_start3A_128 = tpu.memref_squeeze %dma_start3A_127 : memref<1x125xi32, #tpu.memory_space<vmem>> -> memref<125xi32, #tpu.memory_space<vmem>>
      %dma_start3A_129 = arith.constant 0 : i32
      %dma_start3A_130 = arith.constant 0 : i32
      %dma_start3A_131 = tpu.memref_slice %arg16[%dma_start3A_129, %dma_start3A_130] : memref<10000x64xf32, #tpu.memory_space<vmem_shared>> -> memref<10000x64xf32, #tpu.memory_space<vmem_shared>>
      tpu.enqueue_indirect_dma source(%arg13 : memref<125x64xf32, #tpu.memory_space<vmem>>) target(%dma_start3A_131 : memref<10000x64xf32, #tpu.memory_space<vmem_shared>>) offsets(%dma_start3A_128 : memref<125xi32, #tpu.memory_space<vmem>>) semaphore(%run_scoped3A_125 : memref<!tpu.dma_semaphore, #tpu.memory_space<semaphore_mem>>) {add = true}
      %dma_wait3A_132 = arith.constant 0 : i32
      %dma_wait3A_133 = tpu.memref_slice %arg7[%run_scoped3A_104, %dma_wait3A_132] : memref<80x125xi32, #tpu.memory_space<vmem>> -> memref<1x125xi32, #tpu.memory_space<vmem>>
      %dma_wait3A_134 = tpu.memref_squeeze %dma_wait3A_133 : memref<1x125xi32, #tpu.memory_space<vmem>> -> memref<125xi32, #tpu.memory_space<vmem>>
      %dma_wait3A_135 = arith.constant 0 : i32
      %dma_wait3A_136 = arith.constant 0 : i32
      %dma_wait3A_137 = tpu.memref_slice %arg16[%dma_wait3A_135, %dma_wait3A_136] : memref<10000x64xf32, #tpu.memory_space<vmem_shared>> -> memref<10000x64xf32, #tpu.memory_space<vmem_shared>>
      tpu.wait_indirect_dma semaphore(%run_scoped3A_125 : memref<!tpu.dma_semaphore, #tpu.memory_space<semaphore_mem>>) src(%arg13 : memref<125x64xf32, #tpu.memory_space<vmem>>) dst(%dma_wait3A_137 : memref<10000x64xf32, #tpu.memory_space<vmem_shared>>)
      tpu.yield
    }) : () -> ()
    %dma_wait3A_105 = arith.constant 0 : i32
    %dma_wait3A_106 = arith.constant 0 : i32
    %dma_wait3A_107 = tpu.memref_slice %arg2[%dma_wait3A_105, %dma_wait3A_106] : memref<10000x64xf32, #tpu.memory_space<hbm>> -> memref<125x64xf32, #tpu.memory_space<hbm>>
    %dma_wait3A_108 = arith.constant 0 : i32
    %dma_wait3A_109 = arith.constant 0 : i32
    %dma_wait3A_110 = tpu.memref_slice %arg2[%dma_wait3A_108, %dma_wait3A_109] : memref<10000x64xf32, #tpu.memory_space<hbm>> -> memref<125x64xf32, #tpu.memory_space<hbm>>
    tpu.wait_dma2 semaphore(%arg23 : memref<!tpu.dma_semaphore, #tpu.memory_space<semaphore_mem>>) src(%dma_wait3A_110 : memref<125x64xf32, #tpu.memory_space<hbm>>) dst(%arg14 : memref<125x64xf32, #tpu.memory_space<vmem>>)
    %run_scoped3A_111 = arith.constant 78 : i32
    "tpu.region"() ({
      %run_scoped3A_125 = tpu.sem_alloc : memref<!tpu.dma_semaphore, #tpu.memory_space<semaphore_mem>>
      %dma_start3A_126 = arith.constant 0 : i32
      %dma_start3A_127 = tpu.memref_slice %arg7[%run_scoped3A_111, %dma_start3A_126] : memref<80x125xi32, #tpu.memory_space<vmem>> -> memref<1x125xi32, #tpu.memory_space<vmem>>
      %dma_start3A_128 = tpu.memref_squeeze %dma_start3A_127 : memref<1x125xi32, #tpu.memory_space<vmem>> -> memref<125xi32, #tpu.memory_space<vmem>>
      %dma_start3A_129 = arith.constant 0 : i32
      %dma_start3A_130 = arith.constant 0 : i32
      %dma_start3A_131 = tpu.memref_slice %arg16[%dma_start3A_129, %dma_start3A_130] : memref<10000x64xf32, #tpu.memory_space<vmem_shared>> -> memref<10000x64xf32, #tpu.memory_space<vmem_shared>>
      tpu.enqueue_indirect_dma source(%arg14 : memref<125x64xf32, #tpu.memory_space<vmem>>) target(%dma_start3A_131 : memref<10000x64xf32, #tpu.memory_space<vmem_shared>>) offsets(%dma_start3A_128 : memref<125xi32, #tpu.memory_space<vmem>>) semaphore(%run_scoped3A_125 : memref<!tpu.dma_semaphore, #tpu.memory_space<semaphore_mem>>) {add = true}
      %dma_wait3A_132 = arith.constant 0 : i32
      %dma_wait3A_133 = tpu.memref_slice %arg7[%run_scoped3A_111, %dma_wait3A_132] : memref<80x125xi32, #tpu.memory_space<vmem>> -> memref<1x125xi32, #tpu.memory_space<vmem>>
      %dma_wait3A_134 = tpu.memref_squeeze %dma_wait3A_133 : memref<1x125xi32, #tpu.memory_space<vmem>> -> memref<125xi32, #tpu.memory_space<vmem>>
      %dma_wait3A_135 = arith.constant 0 : i32
      %dma_wait3A_136 = arith.constant 0 : i32
      %dma_wait3A_137 = tpu.memref_slice %arg16[%dma_wait3A_135, %dma_wait3A_136] : memref<10000x64xf32, #tpu.memory_space<vmem_shared>> -> memref<10000x64xf32, #tpu.memory_space<vmem_shared>>
      tpu.wait_indirect_dma semaphore(%run_scoped3A_125 : memref<!tpu.dma_semaphore, #tpu.memory_space<semaphore_mem>>) src(%arg14 : memref<125x64xf32, #tpu.memory_space<vmem>>) dst(%dma_wait3A_137 : memref<10000x64xf32, #tpu.memory_space<vmem_shared>>)
      tpu.yield
    }) : () -> ()
    %dma_wait3A_112 = arith.constant 0 : i32
    %dma_wait3A_113 = arith.constant 0 : i32
    %dma_wait3A_114 = tpu.memref_slice %arg2[%dma_wait3A_112, %dma_wait3A_113] : memref<10000x64xf32, #tpu.memory_space<hbm>> -> memref<125x64xf32, #tpu.memory_space<hbm>>
    %dma_wait3A_115 = arith.constant 0 : i32
    %dma_wait3A_116 = arith.constant 0 : i32
    %dma_wait3A_117 = tpu.memref_slice %arg2[%dma_wait3A_115, %dma_wait3A_116] : memref<10000x64xf32, #tpu.memory_space<hbm>> -> memref<125x64xf32, #tpu.memory_space<hbm>>
    tpu.wait_dma2 semaphore(%arg24 : memref<!tpu.dma_semaphore, #tpu.memory_space<semaphore_mem>>) src(%dma_wait3A_117 : memref<125x64xf32, #tpu.memory_space<hbm>>) dst(%arg15 : memref<125x64xf32, #tpu.memory_space<vmem>>)
    %run_scoped3A_118 = arith.constant 79 : i32
    "tpu.region"() ({
      %run_scoped3A_125 = tpu.sem_alloc : memref<!tpu.dma_semaphore, #tpu.memory_space<semaphore_mem>>
      %dma_start3A_126 = arith.constant 0 : i32
      %dma_start3A_127 = tpu.memref_slice %arg7[%run_scoped3A_118, %dma_start3A_126] : memref<80x125xi32, #tpu.memory_space<vmem>> -> memref<1x125xi32, #tpu.memory_space<vmem>>
      %dma_start3A_128 = tpu.memref_squeeze %dma_start3A_127 : memref<1x125xi32, #tpu.memory_space<vmem>> -> memref<125xi32, #tpu.memory_space<vmem>>
      %dma_start3A_129 = arith.constant 0 : i32
      %dma_start3A_130 = arith.constant 0 : i32
      %dma_start3A_131 = tpu.memref_slice %arg16[%dma_start3A_129, %dma_start3A_130] : memref<10000x64xf32, #tpu.memory_space<vmem_shared>> -> memref<10000x64xf32, #tpu.memory_space<vmem_shared>>
      tpu.enqueue_indirect_dma source(%arg15 : memref<125x64xf32, #tpu.memory_space<vmem>>) target(%dma_start3A_131 : memref<10000x64xf32, #tpu.memory_space<vmem_shared>>) offsets(%dma_start3A_128 : memref<125xi32, #tpu.memory_space<vmem>>) semaphore(%run_scoped3A_125 : memref<!tpu.dma_semaphore, #tpu.memory_space<semaphore_mem>>) {add = true}
      %dma_wait3A_132 = arith.constant 0 : i32
      %dma_wait3A_133 = tpu.memref_slice %arg7[%run_scoped3A_118, %dma_wait3A_132] : memref<80x125xi32, #tpu.memory_space<vmem>> -> memref<1x125xi32, #tpu.memory_space<vmem>>
      %dma_wait3A_134 = tpu.memref_squeeze %dma_wait3A_133 : memref<1x125xi32, #tpu.memory_space<vmem>> -> memref<125xi32, #tpu.memory_space<vmem>>
      %dma_wait3A_135 = arith.constant 0 : i32
      %dma_wait3A_136 = arith.constant 0 : i32
      %dma_wait3A_137 = tpu.memref_slice %arg16[%dma_wait3A_135, %dma_wait3A_136] : memref<10000x64xf32, #tpu.memory_space<vmem_shared>> -> memref<10000x64xf32, #tpu.memory_space<vmem_shared>>
      tpu.wait_indirect_dma semaphore(%run_scoped3A_125 : memref<!tpu.dma_semaphore, #tpu.memory_space<semaphore_mem>>) src(%arg15 : memref<125x64xf32, #tpu.memory_space<vmem>>) dst(%dma_wait3A_137 : memref<10000x64xf32, #tpu.memory_space<vmem_shared>>)
      tpu.yield
    }) : () -> ()
    %barrier3A_119 = arith.constant 0 : index
    tpu.barrier barrier_id(%barrier3A_119)
    "tpu.region"() ({
      %run_scoped3A_125 = tpu.sem_alloc : memref<!tpu.dma_semaphore, #tpu.memory_space<semaphore_mem>>
      %dma_start3A_126 = arith.constant 0 : i32
      %dma_start3A_127 = tpu.memref_slice %arg5[%arg0, %mul3A_2, %dma_start3A_126] : memref<2x10000x64xf32, #tpu.memory_space<hbm>> -> memref<1x624x64xf32, #tpu.memory_space<hbm>>
      %dma_start3A_128 = tpu.memref_squeeze %dma_start3A_127 : memref<1x624x64xf32, #tpu.memory_space<hbm>> -> memref<624x64xf32, #tpu.memory_space<hbm>>
      %dma_start3A_129 = arith.constant 0 : i32
      %dma_start3A_130 = tpu.memref_slice %arg16[%mul3A_2, %dma_start3A_129] : memref<10000x64xf32, #tpu.memory_space<vmem_shared>> -> memref<624x64xf32, #tpu.memory_space<vmem_shared>>
      tpu.enqueue_dma source(%dma_start3A_130 : memref<624x64xf32, #tpu.memory_space<vmem_shared>>) target(%dma_start3A_128 : memref<624x64xf32, #tpu.memory_space<hbm>>) target_semaphore(%run_scoped3A_125 : memref<!tpu.dma_semaphore, #tpu.memory_space<semaphore_mem>>)
      %dma_wait3A_131 = arith.constant 0 : i32
      %dma_wait3A_132 = tpu.memref_slice %arg5[%arg0, %mul3A_2, %dma_wait3A_131] : memref<2x10000x64xf32, #tpu.memory_space<hbm>> -> memref<1x624x64xf32, #tpu.memory_space<hbm>>
      %dma_wait3A_133 = tpu.memref_squeeze %dma_wait3A_132 : memref<1x624x64xf32, #tpu.memory_space<hbm>> -> memref<624x64xf32, #tpu.memory_space<hbm>>
      %dma_wait3A_134 = arith.constant 0 : i32
      %dma_wait3A_135 = tpu.memref_slice %arg16[%mul3A_2, %dma_wait3A_134] : memref<10000x64xf32, #tpu.memory_space<vmem_shared>> -> memref<624x64xf32, #tpu.memory_space<vmem_shared>>
      tpu.wait_dma2 semaphore(%run_scoped3A_125 : memref<!tpu.dma_semaphore, #tpu.memory_space<semaphore_mem>>) src(%dma_wait3A_135 : memref<624x64xf32, #tpu.memory_space<vmem_shared>>) dst(%dma_wait3A_133 : memref<624x64xf32, #tpu.memory_space<hbm>>)
      tpu.yield
    }) : () -> ()
    %eq3A_120 = arith.constant 0 : i32
    %eq3A_121 = arith.cmpi eq, %arg1, %eq3A_120 : i32
    %convert_element_type3A_122 = arith.extui %eq3A_121 : i1 to i32
    %cond3A_123 = arith.constant 0 : i32
    %cond3A_124 = arith.cmpi ne, %convert_element_type3A_122, %cond3A_123 : i32
    scf.if %cond3A_124 {
      "tpu.region"() ({
        %run_scoped3A_125 = tpu.sem_alloc : memref<!tpu.dma_semaphore, #tpu.memory_space<semaphore_mem>>
        %dma_start3A_126 = arith.constant 9984 : i32
        %dma_start3A_127 = arith.constant 0 : i32
        %dma_start3A_128 = tpu.memref_slice %arg5[%arg0, %dma_start3A_126, %dma_start3A_127] : memref<2x10000x64xf32, #tpu.memory_space<hbm>> -> memref<1x16x64xf32, #tpu.memory_space<hbm>>
        %dma_start3A_129 = tpu.memref_squeeze %dma_start3A_128 : memref<1x16x64xf32, #tpu.memory_space<hbm>> -> memref<16x64xf32, #tpu.memory_space<hbm>>
        %dma_start3A_130 = arith.constant 9984 : i32
        %dma_start3A_131 = arith.constant 0 : i32
        %dma_start3A_132 = tpu.memref_slice %arg16[%dma_start3A_130, %dma_start3A_131] : memref<10000x64xf32, #tpu.memory_space<vmem_shared>> -> memref<16x64xf32, #tpu.memory_space<vmem_shared>>
        tpu.enqueue_dma source(%dma_start3A_132 : memref<16x64xf32, #tpu.memory_space<vmem_shared>>) target(%dma_start3A_129 : memref<16x64xf32, #tpu.memory_space<hbm>>) target_semaphore(%run_scoped3A_125 : memref<!tpu.dma_semaphore, #tpu.memory_space<semaphore_mem>>)
        %dma_wait3A_133 = arith.constant 9984 : i32
        %dma_wait3A_134 = arith.constant 0 : i32
        %dma_wait3A_135 = tpu.memref_slice %arg5[%arg0, %dma_wait3A_133, %dma_wait3A_134] : memref<2x10000x64xf32, #tpu.memory_space<hbm>> -> memref<1x16x64xf32, #tpu.memory_space<hbm>>
        %dma_wait3A_136 = tpu.memref_squeeze %dma_wait3A_135 : memref<1x16x64xf32, #tpu.memory_space<hbm>> -> memref<16x64xf32, #tpu.memory_space<hbm>>
        %dma_wait3A_137 = arith.constant 9984 : i32
        %dma_wait3A_138 = arith.constant 0 : i32
        %dma_wait3A_139 = tpu.memref_slice %arg16[%dma_wait3A_137, %dma_wait3A_138] : memref<10000x64xf32, #tpu.memory_space<vmem_shared>> -> memref<16x64xf32, #tpu.memory_space<vmem_shared>>
        tpu.wait_dma2 semaphore(%run_scoped3A_125 : memref<!tpu.dma_semaphore, #tpu.memory_space<semaphore_mem>>) src(%dma_wait3A_139 : memref<16x64xf32, #tpu.memory_space<vmem_shared>>) dst(%dma_wait3A_136 : memref<16x64xf32, #tpu.memory_space<hbm>>)
        tpu.yield
      }) : () -> ()
    } else {
    }
    return
  }
}

#map = affine_map<(d0, d1) -> (0, 0)>
#map1 = affine_map<(d0, d1) -> (0, 0, 0)>
module attributes {stable_mosaic.version = 14 : i64} {
  func.func @k(%arg0: i32, %arg1: i32, %arg2: memref<10000x64xf32, #tpu.memory_space<hbm>>, %arg3: memref<32x80x125xi32, #tpu.memory_space<hbm>>, %arg4: memref<32x80x125xi32, #tpu.memory_space<hbm>>, %arg5: memref<2x10000x64xf32, #tpu.memory_space<hbm>>, %arg6: memref<80x125xi32, #tpu.memory_space<vmem>>, %arg7: memref<80x125xi32, #tpu.memory_space<vmem>>, %arg8: memref<125x64xf32, #tpu.memory_space<vmem>>, %arg9: memref<125x64xf32, #tpu.memory_space<vmem>>, %arg10: memref<125x64xf32, #tpu.memory_space<vmem>>, %arg11: memref<125x64xf32, #tpu.memory_space<vmem>>, %arg12: memref<125x64xf32, #tpu.memory_space<vmem>>, %arg13: memref<125x64xf32, #tpu.memory_space<vmem>>, %arg14: memref<125x64xf32, #tpu.memory_space<vmem>>, %arg15: memref<125x64xf32, #tpu.memory_space<vmem>>, %arg16: memref<10000x64xf32, #tpu.memory_space<vmem_shared>>, %arg17: memref<!tpu.dma_semaphore, #tpu.memory_space<semaphore_mem>>, %arg18: memref<!tpu.dma_semaphore, #tpu.memory_space<semaphore_mem>>, %arg19: memref<!tpu.dma_semaphore, #tpu.memory_space<semaphore_mem>>, %arg20: memref<!tpu.dma_semaphore, #tpu.memory_space<semaphore_mem>>, %arg21: memref<!tpu.dma_semaphore, #tpu.memory_space<semaphore_mem>>, %arg22: memref<!tpu.dma_semaphore, #tpu.memory_space<semaphore_mem>>, %arg23: memref<!tpu.dma_semaphore, #tpu.memory_space<semaphore_mem>>, %arg24: memref<!tpu.dma_semaphore, #tpu.memory_space<semaphore_mem>>) attributes {dimension_semantics = [#tpu.dimension_semantics<core_parallel>, #tpu.dimension_semantics<subcore_parallel>], iteration_bounds = array<i64: 2, 16>, scalar_prefetch = 0 : i64, scratch_operands = 19 : i64, tpu.core_type = #tpu.core_type<sc_vector_subcore>, window_params = [{transform_indices = #map}, {transform_indices = #map1}, {transform_indices = #map1}, {transform_indices = #map1}]} {
    %mul3A = arith.constant 2 : i32
    %mul3A_0 = arith.muli %arg1, %mul3A : i32
    %add3A = arith.addi %mul3A_0, %arg0 : i32
    %mul3A_1 = arith.constant 624 : i32
    %mul3A_2 = arith.muli %arg1, %mul3A_1 : i32
    "tpu.region"() ({
      %run_scoped3A_125 = tpu.sem_alloc : memref<!tpu.dma_semaphore, #tpu.memory_space<semaphore_mem>>
      %dma_start3A_126 = arith.constant 0 : i32
      %dma_start3A_127 = tpu.memref_slice %arg16[%mul3A_2, %dma_start3A_126] : memref<10000x64xf32, #tpu.memory_space<vmem_shared>> -> memref<624x64xf32, #tpu.memory_space<vmem_shared>>
      %dma_start3A_128 = arith.constant 0 : i32
      %dma_start3A_129 = tpu.memref_slice %arg2[%mul3A_2, %dma_start3A_128] : memref<10000x64xf32, #tpu.memory_space<hbm>> -> memref<624x64xf32, #tpu.memory_space<hbm>>
      tpu.enqueue_dma source(%dma_start3A_129 : memref<624x64xf32, #tpu.memory_space<hbm>>) target(%dma_start3A_127 : memref<624x64xf32, #tpu.memory_space<vmem_shared>>) target_semaphore(%run_scoped3A_125 : memref<!tpu.dma_semaphore, #tpu.memory_space<semaphore_mem>>)
      %dma_wait3A_130 = arith.constant 0 : i32
      %dma_wait3A_131 = tpu.memref_slice %arg16[%mul3A_2, %dma_wait3A_130] : memref<10000x64xf32, #tpu.memory_space<vmem_shared>> -> memref<624x64xf32, #tpu.memory_space<vmem_shared>>
      %dma_wait3A_132 = arith.constant 0 : i32
      %dma_wait3A_133 = tpu.memref_slice %arg2[%mul3A_2, %dma_wait3A_132] : memref<10000x64xf32, #tpu.memory_space<hbm>> -> memref<624x64xf32, #tpu.memory_space<hbm>>
      tpu.wait_dma2 semaphore(%run_scoped3A_125 : memref<!tpu.dma_semaphore, #tpu.memory_space<semaphore_mem>>) src(%dma_wait3A_133 : memref<624x64xf32, #tpu.memory_space<hbm>>) dst(%dma_wait3A_131 : memref<624x64xf32, #tpu.memory_space<vmem_shared>>)
      tpu.yield
    }) : () -> ()
    %eq3A = arith.constant 0 : i32
    %eq3A_3 = arith.cmpi eq, %arg1, %eq3A : i32
    %convert_element_type3A = arith.extui %eq3A_3 : i1 to i32
    %cond3A = arith.constant 0 : i32
    %cond3A_4 = arith.cmpi ne, %convert_element_type3A, %cond3A : i32
    scf.if %cond3A_4 {
      "tpu.region"() ({
        %run_scoped3A_125 = tpu.sem_alloc : memref<!tpu.dma_semaphore, #tpu.memory_space<semaphore_mem>>
        %dma_start3A_126 = arith.constant 9984 : i32
        %dma_start3A_127 = arith.constant 0 : i32
        %dma_start3A_128 = tpu.memref_slice %arg16[%dma_start3A_126, %dma_start3A_127] : memref<10000x64xf32, #tpu.memory_space<vmem_shared>> -> memref<16x64xf32, #tpu.memory_space<vmem_shared>>
        %dma_start3A_129 = arith.constant 9984 : i32
        %dma_start3A_130 = arith.constant 0 : i32
        %dma_start3A_131 = tpu.memref_slice %arg2[%dma_start3A_129, %dma_start3A_130] : memref<10000x64xf32, #tpu.memory_space<hbm>> -> memref<16x64xf32, #tpu.memory_space<hbm>>
        tpu.enqueue_dma source(%dma_start3A_131 : memref<16x64xf32, #tpu.memory_space<hbm>>) target(%dma_start3A_128 : memref<16x64xf32, #tpu.memory_space<vmem_shared>>) target_semaphore(%run_scoped3A_125 : memref<!tpu.dma_semaphore, #tpu.memory_space<semaphore_mem>>)
        %dma_wait3A_132 = arith.constant 9984 : i32
        %dma_wait3A_133 = arith.constant 0 : i32
        %dma_wait3A_134 = tpu.memref_slice %arg16[%dma_wait3A_132, %dma_wait3A_133] : memref<10000x64xf32, #tpu.memory_space<vmem_shared>> -> memref<16x64xf32, #tpu.memory_space<vmem_shared>>
        %dma_wait3A_135 = arith.constant 9984 : i32
        %dma_wait3A_136 = arith.constant 0 : i32
        %dma_wait3A_137 = tpu.memref_slice %arg2[%dma_wait3A_135, %dma_wait3A_136] : memref<10000x64xf32, #tpu.memory_space<hbm>> -> memref<16x64xf32, #tpu.memory_space<hbm>>
        tpu.wait_dma2 semaphore(%run_scoped3A_125 : memref<!tpu.dma_semaphore, #tpu.memory_space<semaphore_mem>>) src(%dma_wait3A_137 : memref<16x64xf32, #tpu.memory_space<hbm>>) dst(%dma_wait3A_134 : memref<16x64xf32, #tpu.memory_space<vmem_shared>>)
        tpu.yield
      }) : () -> ()
    } else {
    }
    "tpu.region"() ({
      %run_scoped3A_125 = tpu.sem_alloc : memref<!tpu.dma_semaphore, #tpu.memory_space<semaphore_mem>>
      %dma_start3A_126 = arith.constant 0 : i32
      %dma_start3A_127 = arith.constant 0 : i32
      %dma_start3A_128 = tpu.memref_slice %arg3[%add3A, %dma_start3A_126, %dma_start3A_127] : memref<32x80x125xi32, #tpu.memory_space<hbm>> -> memref<1x80x125xi32, #tpu.memory_space<hbm>>
      %dma_start3A_129 = tpu.memref_squeeze %dma_start3A_128 : memref<1x80x125xi32, #tpu.memory_space<hbm>> -> memref<80x125xi32, #tpu.memory_space<hbm>>
      %dma_start3A_130 = arith.constant 0 : i32
      %dma_start3A_131 = arith.constant 0 : i32
      %dma_start3A_132 = tpu.memref_slice %arg3[%add3A, %dma_start3A_130, %dma_start3A_131] : memref<32x80x125xi32, #tpu.memory_space<hbm>> -> memref<1x80x125xi32, #tpu.memory_space<hbm>>
      %dma_start3A_133 = tpu.memref_squeeze %dma_start3A_132 : memref<1x80x125xi32, #tpu.memory_space<hbm>> -> memref<80x125xi32, #tpu.memory_space<hbm>>
      tpu.enqueue_dma source(%dma_start3A_133 : memref<80x125xi32, #tpu.memory_space<hbm>>) target(%arg6 : memref<80x125xi32, #tpu.memory_space<vmem>>) target_semaphore(%run_scoped3A_125 : memref<!tpu.dma_semaphore, #tpu.memory_space<semaphore_mem>>)
      %dma_wait3A_134 = arith.constant 0 : i32
      %dma_wait3A_135 = arith.constant 0 : i32
      %dma_wait3A_136 = tpu.memref_slice %arg3[%add3A, %dma_wait3A_134, %dma_wait3A_135] : memref<32x80x125xi32, #tpu.memory_space<hbm>> -> memref<1x80x125xi32, #tpu.memory_space<hbm>>
      %dma_wait3A_137 = tpu.memref_squeeze %dma_wait3A_136 : memref<1x80x125xi32, #tpu.memory_space<hbm>> -> memref<80x125xi32, #tpu.memory_space<hbm>>
      %dma_wait3A_138 = arith.constant 0 : i32
      %dma_wait3A_139 = arith.constant 0 : i32
      %dma_wait3A_140 = tpu.memref_slice %arg3[%add3A, %dma_wait3A_138, %dma_wait3A_139] : memref<32x80x125xi32, #tpu.memory_space<hbm>> -> memref<1x80x125xi32, #tpu.memory_space<hbm>>
      %dma_wait3A_141 = tpu.memref_squeeze %dma_wait3A_140 : memref<1x80x125xi32, #tpu.memory_space<hbm>> -> memref<80x125xi32, #tpu.memory_space<hbm>>
      tpu.wait_dma2 semaphore(%run_scoped3A_125 : memref<!tpu.dma_semaphore, #tpu.memory_space<semaphore_mem>>) src(%dma_wait3A_141 : memref<80x125xi32, #tpu.memory_space<hbm>>) dst(%arg6 : memref<80x125xi32, #tpu.memory_space<vmem>>)
      tpu.yield
    }) : () -> ()
    "tpu.region"() ({
      %run_scoped3A_125 = tpu.sem_alloc : memref<!tpu.dma_semaphore, #tpu.memory_space<semaphore_mem>>
      %dma_start3A_126 = arith.constant 0 : i32
      %dma_start3A_127 = arith.constant 0 : i32
      %dma_start3A_128 = tpu.memref_slice %arg4[%add3A, %dma_start3A_126, %dma_start3A_127] : memref<32x80x125xi32, #tpu.memory_space<hbm>> -> memref<1x80x125xi32, #tpu.memory_space<hbm>>
      %dma_start3A_129 = tpu.memref_squeeze %dma_start3A_128 : memref<1x80x125xi32, #tpu.memory_space<hbm>> -> memref<80x125xi32, #tpu.memory_space<hbm>>
      %dma_start3A_130 = arith.constant 0 : i32
      %dma_start3A_131 = arith.constant 0 : i32
      %dma_start3A_132 = tpu.memref_slice %arg4[%add3A, %dma_start3A_130, %dma_start3A_131] : memref<32x80x125xi32, #tpu.memory_space<hbm>> -> memref<1x80x125xi32, #tpu.memory_space<hbm>>
      %dma_start3A_133 = tpu.memref_squeeze %dma_start3A_132 : memref<1x80x125xi32, #tpu.memory_space<hbm>> -> memref<80x125xi32, #tpu.memory_space<hbm>>
      tpu.enqueue_dma source(%dma_start3A_133 : memref<80x125xi32, #tpu.memory_space<hbm>>) target(%arg7 : memref<80x125xi32, #tpu.memory_space<vmem>>) target_semaphore(%run_scoped3A_125 : memref<!tpu.dma_semaphore, #tpu.memory_space<semaphore_mem>>)
      %dma_wait3A_134 = arith.constant 0 : i32
      %dma_wait3A_135 = arith.constant 0 : i32
      %dma_wait3A_136 = tpu.memref_slice %arg4[%add3A, %dma_wait3A_134, %dma_wait3A_135] : memref<32x80x125xi32, #tpu.memory_space<hbm>> -> memref<1x80x125xi32, #tpu.memory_space<hbm>>
      %dma_wait3A_137 = tpu.memref_squeeze %dma_wait3A_136 : memref<1x80x125xi32, #tpu.memory_space<hbm>> -> memref<80x125xi32, #tpu.memory_space<hbm>>
      %dma_wait3A_138 = arith.constant 0 : i32
      %dma_wait3A_139 = arith.constant 0 : i32
      %dma_wait3A_140 = tpu.memref_slice %arg4[%add3A, %dma_wait3A_138, %dma_wait3A_139] : memref<32x80x125xi32, #tpu.memory_space<hbm>> -> memref<1x80x125xi32, #tpu.memory_space<hbm>>
      %dma_wait3A_141 = tpu.memref_squeeze %dma_wait3A_140 : memref<1x80x125xi32, #tpu.memory_space<hbm>> -> memref<80x125xi32, #tpu.memory_space<hbm>>
      tpu.wait_dma2 semaphore(%run_scoped3A_125 : memref<!tpu.dma_semaphore, #tpu.memory_space<semaphore_mem>>) src(%dma_wait3A_141 : memref<80x125xi32, #tpu.memory_space<hbm>>) dst(%arg7 : memref<80x125xi32, #tpu.memory_space<vmem>>)
      tpu.yield
    }) : () -> ()
    %barrier3A = arith.constant 0 : index
    tpu.barrier barrier_id(%barrier3A)
    %dma_start3A = arith.constant 0 : i32
    %dma_start3A_5 = arith.constant 0 : i32
    %dma_start3A_6 = tpu.memref_slice %arg6[%dma_start3A, %dma_start3A_5] : memref<80x125xi32, #tpu.memory_space<vmem>> -> memref<1x125xi32, #tpu.memory_space<vmem>>
    %dma_start3A_7 = tpu.memref_squeeze %dma_start3A_6 : memref<1x125xi32, #tpu.memory_space<vmem>> -> memref<125xi32, #tpu.memory_space<vmem>>
    %dma_start3A_8 = arith.constant 0 : i32
    %dma_start3A_9 = arith.constant 0 : i32
    %dma_start3A_10 = tpu.memref_slice %arg2[%dma_start3A_8, %dma_start3A_9] : memref<10000x64xf32, #tpu.memory_space<hbm>> -> memref<10000x64xf32, #tpu.memory_space<hbm>>
    tpu.enqueue_indirect_dma source(%dma_start3A_10 : memref<10000x64xf32, #tpu.memory_space<hbm>>) target(%arg8 : memref<125x64xf32, #tpu.memory_space<vmem>>) offsets(%dma_start3A_7 : memref<125xi32, #tpu.memory_space<vmem>>) semaphore(%arg17 : memref<!tpu.dma_semaphore, #tpu.memory_space<semaphore_mem>>)
    %dma_start3A_11 = arith.constant 1 : i32
    %dma_start3A_12 = arith.constant 0 : i32
    %dma_start3A_13 = tpu.memref_slice %arg6[%dma_start3A_11, %dma_start3A_12] : memref<80x125xi32, #tpu.memory_space<vmem>> -> memref<1x125xi32, #tpu.memory_space<vmem>>
    %dma_start3A_14 = tpu.memref_squeeze %dma_start3A_13 : memref<1x125xi32, #tpu.memory_space<vmem>> -> memref<125xi32, #tpu.memory_space<vmem>>
    %dma_start3A_15 = arith.constant 0 : i32
    %dma_start3A_16 = arith.constant 0 : i32
    %dma_start3A_17 = tpu.memref_slice %arg2[%dma_start3A_15, %dma_start3A_16] : memref<10000x64xf32, #tpu.memory_space<hbm>> -> memref<10000x64xf32, #tpu.memory_space<hbm>>
    tpu.enqueue_indirect_dma source(%dma_start3A_17 : memref<10000x64xf32, #tpu.memory_space<hbm>>) target(%arg9 : memref<125x64xf32, #tpu.memory_space<vmem>>) offsets(%dma_start3A_14 : memref<125xi32, #tpu.memory_space<vmem>>) semaphore(%arg18 : memref<!tpu.dma_semaphore, #tpu.memory_space<semaphore_mem>>)
    %dma_start3A_18 = arith.constant 2 : i32
    %dma_start3A_19 = arith.constant 0 : i32
    %dma_start3A_20 = tpu.memref_slice %arg6[%dma_start3A_18, %dma_start3A_19] : memref<80x125xi32, #tpu.memory_space<vmem>> -> memref<1x125xi32, #tpu.memory_space<vmem>>
    %dma_start3A_21 = tpu.memref_squeeze %dma_start3A_20 : memref<1x125xi32, #tpu.memory_space<vmem>> -> memref<125xi32, #tpu.memory_space<vmem>>
    %dma_start3A_22 = arith.constant 0 : i32
    %dma_start3A_23 = arith.constant 0 : i32
    %dma_start3A_24 = tpu.memref_slice %arg2[%dma_start3A_22, %dma_start3A_23] : memref<10000x64xf32, #tpu.memory_space<hbm>> -> memref<10000x64xf32, #tpu.memory_space<hbm>>
    tpu.enqueue_indirect_dma source(%dma_start3A_24 : memref<10000x64xf32, #tpu.memory_space<hbm>>) target(%arg10 : memref<125x64xf32, #tpu.memory_space<vmem>>) offsets(%dma_start3A_21 : memref<125xi32, #tpu.memory_space<vmem>>) semaphore(%arg19 : memref<!tpu.dma_semaphore, #tpu.memory_space<semaphore_mem>>)
    %dma_start3A_25 = arith.constant 3 : i32
    %dma_start3A_26 = arith.constant 0 : i32
    %dma_start3A_27 = tpu.memref_slice %arg6[%dma_start3A_25, %dma_start3A_26] : memref<80x125xi32, #tpu.memory_space<vmem>> -> memref<1x125xi32, #tpu.memory_space<vmem>>
    %dma_start3A_28 = tpu.memref_squeeze %dma_start3A_27 : memref<1x125xi32, #tpu.memory_space<vmem>> -> memref<125xi32, #tpu.memory_space<vmem>>
    %dma_start3A_29 = arith.constant 0 : i32
    %dma_start3A_30 = arith.constant 0 : i32
    %dma_start3A_31 = tpu.memref_slice %arg2[%dma_start3A_29, %dma_start3A_30] : memref<10000x64xf32, #tpu.memory_space<hbm>> -> memref<10000x64xf32, #tpu.memory_space<hbm>>
    tpu.enqueue_indirect_dma source(%dma_start3A_31 : memref<10000x64xf32, #tpu.memory_space<hbm>>) target(%arg11 : memref<125x64xf32, #tpu.memory_space<vmem>>) offsets(%dma_start3A_28 : memref<125xi32, #tpu.memory_space<vmem>>) semaphore(%arg20 : memref<!tpu.dma_semaphore, #tpu.memory_space<semaphore_mem>>)
    %dma_start3A_32 = arith.constant 4 : i32
    %dma_start3A_33 = arith.constant 0 : i32
    %dma_start3A_34 = tpu.memref_slice %arg6[%dma_start3A_32, %dma_start3A_33] : memref<80x125xi32, #tpu.memory_space<vmem>> -> memref<1x125xi32, #tpu.memory_space<vmem>>
    %dma_start3A_35 = tpu.memref_squeeze %dma_start3A_34 : memref<1x125xi32, #tpu.memory_space<vmem>> -> memref<125xi32, #tpu.memory_space<vmem>>
    %dma_start3A_36 = arith.constant 0 : i32
    %dma_start3A_37 = arith.constant 0 : i32
    %dma_start3A_38 = tpu.memref_slice %arg2[%dma_start3A_36, %dma_start3A_37] : memref<10000x64xf32, #tpu.memory_space<hbm>> -> memref<10000x64xf32, #tpu.memory_space<hbm>>
    tpu.enqueue_indirect_dma source(%dma_start3A_38 : memref<10000x64xf32, #tpu.memory_space<hbm>>) target(%arg12 : memref<125x64xf32, #tpu.memory_space<vmem>>) offsets(%dma_start3A_35 : memref<125xi32, #tpu.memory_space<vmem>>) semaphore(%arg21 : memref<!tpu.dma_semaphore, #tpu.memory_space<semaphore_mem>>)
    %dma_start3A_39 = arith.constant 5 : i32
    %dma_start3A_40 = arith.constant 0 : i32
    %dma_start3A_41 = tpu.memref_slice %arg6[%dma_start3A_39, %dma_start3A_40] : memref<80x125xi32, #tpu.memory_space<vmem>> -> memref<1x125xi32, #tpu.memory_space<vmem>>
    %dma_start3A_42 = tpu.memref_squeeze %dma_start3A_41 : memref<1x125xi32, #tpu.memory_space<vmem>> -> memref<125xi32, #tpu.memory_space<vmem>>
    %dma_start3A_43 = arith.constant 0 : i32
    %dma_start3A_44 = arith.constant 0 : i32
    %dma_start3A_45 = tpu.memref_slice %arg2[%dma_start3A_43, %dma_start3A_44] : memref<10000x64xf32, #tpu.memory_space<hbm>> -> memref<10000x64xf32, #tpu.memory_space<hbm>>
    tpu.enqueue_indirect_dma source(%dma_start3A_45 : memref<10000x64xf32, #tpu.memory_space<hbm>>) target(%arg13 : memref<125x64xf32, #tpu.memory_space<vmem>>) offsets(%dma_start3A_42 : memref<125xi32, #tpu.memory_space<vmem>>) semaphore(%arg22 : memref<!tpu.dma_semaphore, #tpu.memory_space<semaphore_mem>>)
    %dma_start3A_46 = arith.constant 6 : i32
    %dma_start3A_47 = arith.constant 0 : i32
    %dma_start3A_48 = tpu.memref_slice %arg6[%dma_start3A_46, %dma_start3A_47] : memref<80x125xi32, #tpu.memory_space<vmem>> -> memref<1x125xi32, #tpu.memory_space<vmem>>
    %dma_start3A_49 = tpu.memref_squeeze %dma_start3A_48 : memref<1x125xi32, #tpu.memory_space<vmem>> -> memref<125xi32, #tpu.memory_space<vmem>>
    %dma_start3A_50 = arith.constant 0 : i32
    %dma_start3A_51 = arith.constant 0 : i32
    %dma_start3A_52 = tpu.memref_slice %arg2[%dma_start3A_50, %dma_start3A_51] : memref<10000x64xf32, #tpu.memory_space<hbm>> -> memref<10000x64xf32, #tpu.memory_space<hbm>>
    tpu.enqueue_indirect_dma source(%dma_start3A_52 : memref<10000x64xf32, #tpu.memory_space<hbm>>) target(%arg14 : memref<125x64xf32, #tpu.memory_space<vmem>>) offsets(%dma_start3A_49 : memref<125xi32, #tpu.memory_space<vmem>>) semaphore(%arg23 : memref<!tpu.dma_semaphore, #tpu.memory_space<semaphore_mem>>)
    %dma_start3A_53 = arith.constant 7 : i32
    %dma_start3A_54 = arith.constant 0 : i32
    %dma_start3A_55 = tpu.memref_slice %arg6[%dma_start3A_53, %dma_start3A_54] : memref<80x125xi32, #tpu.memory_space<vmem>> -> memref<1x125xi32, #tpu.memory_space<vmem>>
    %dma_start3A_56 = tpu.memref_squeeze %dma_start3A_55 : memref<1x125xi32, #tpu.memory_space<vmem>> -> memref<125xi32, #tpu.memory_space<vmem>>
    %dma_start3A_57 = arith.constant 0 : i32
    %dma_start3A_58 = arith.constant 0 : i32
    %dma_start3A_59 = tpu.memref_slice %arg2[%dma_start3A_57, %dma_start3A_58] : memref<10000x64xf32, #tpu.memory_space<hbm>> -> memref<10000x64xf32, #tpu.memory_space<hbm>>
    tpu.enqueue_indirect_dma source(%dma_start3A_59 : memref<10000x64xf32, #tpu.memory_space<hbm>>) target(%arg15 : memref<125x64xf32, #tpu.memory_space<vmem>>) offsets(%dma_start3A_56 : memref<125xi32, #tpu.memory_space<vmem>>) semaphore(%arg24 : memref<!tpu.dma_semaphore, #tpu.memory_space<semaphore_mem>>)
    %scan3A = arith.constant 0 : i32
    %scan3A_60 = arith.constant 0 : i32
    %scan3A_61 = arith.constant 9 : i32
    %scan3A_62 = arith.addi %scan3A_60, %scan3A_61 : i32
    %scan3A_63 = arith.constant 1 : i32
    scf.for %scan3A_125 = %scan3A_60 to %scan3A_62 step %scan3A_63  : i32 {
      %mul3A_126 = arith.constant 8 : i32
      %mul3A_127 = arith.muli %scan3A_125, %mul3A_126 : i32
      %add3A_128 = arith.constant 0 : i32
      %add3A_129 = arith.addi %mul3A_127, %add3A_128 : i32
      %dma_wait3A_130 = arith.constant 0 : i32
      %dma_wait3A_131 = arith.constant 0 : i32
      %dma_wait3A_132 = tpu.memref_slice %arg2[%dma_wait3A_130, %dma_wait3A_131] : memref<10000x64xf32, #tpu.memory_space<hbm>> -> memref<125x64xf32, #tpu.memory_space<hbm>>
      %dma_wait3A_133 = arith.constant 0 : i32
      %dma_wait3A_134 = arith.constant 0 : i32
      %dma_wait3A_135 = tpu.memref_slice %arg2[%dma_wait3A_133, %dma_wait3A_134] : memref<10000x64xf32, #tpu.memory_space<hbm>> -> memref<125x64xf32, #tpu.memory_space<hbm>>
      tpu.wait_dma2 semaphore(%arg17 : memref<!tpu.dma_semaphore, #tpu.memory_space<semaphore_mem>>) src(%dma_wait3A_135 : memref<125x64xf32, #tpu.memory_space<hbm>>) dst(%arg8 : memref<125x64xf32, #tpu.memory_space<vmem>>)
      "tpu.region"() ({
        %run_scoped3A_256 = tpu.sem_alloc : memref<!tpu.dma_semaphore, #tpu.memory_space<semaphore_mem>>
        %dma_start3A_257 = arith.constant 0 : i32
        %dma_start3A_258 = tpu.memref_slice %arg7[%add3A_129, %dma_start3A_257] : memref<80x125xi32, #tpu.memory_space<vmem>> -> memref<1x125xi32, #tpu.memory_space<vmem>>
        %dma_start3A_259 = tpu.memref_squeeze %dma_start3A_258 : memref<1x125xi32, #tpu.memory_space<vmem>> -> memref<125xi32, #tpu.memory_space<vmem>>
        %dma_start3A_260 = arith.constant 0 : i32
        %dma_start3A_261 = arith.constant 0 : i32
        %dma_start3A_262 = tpu.memref_slice %arg16[%dma_start3A_260, %dma_start3A_261] : memref<10000x64xf32, #tpu.memory_space<vmem_shared>> -> memref<10000x64xf32, #tpu.memory_space<vmem_shared>>
        tpu.enqueue_indirect_dma source(%arg8 : memref<125x64xf32, #tpu.memory_space<vmem>>) target(%dma_start3A_262 : memref<10000x64xf32, #tpu.memory_space<vmem_shared>>) offsets(%dma_start3A_259 : memref<125xi32, #tpu.memory_space<vmem>>) semaphore(%run_scoped3A_256 : memref<!tpu.dma_semaphore, #tpu.memory_space<semaphore_mem>>) {add = true}
        %dma_wait3A_263 = arith.constant 0 : i32
        %dma_wait3A_264 = tpu.memref_slice %arg7[%add3A_129, %dma_wait3A_263] : memref<80x125xi32, #tpu.memory_space<vmem>> -> memref<1x125xi32, #tpu.memory_space<vmem>>
        %dma_wait3A_265 = tpu.memref_squeeze %dma_wait3A_264 : memref<1x125xi32, #tpu.memory_space<vmem>> -> memref<125xi32, #tpu.memory_space<vmem>>
        %dma_wait3A_266 = arith.constant 0 : i32
        %dma_wait3A_267 = arith.constant 0 : i32
        %dma_wait3A_268 = tpu.memref_slice %arg16[%dma_wait3A_266, %dma_wait3A_267] : memref<10000x64xf32, #tpu.memory_space<vmem_shared>> -> memref<10000x64xf32, #tpu.memory_space<vmem_shared>>
        tpu.wait_indirect_dma semaphore(%run_scoped3A_256 : memref<!tpu.dma_semaphore, #tpu.memory_space<semaphore_mem>>) src(%arg8 : memref<125x64xf32, #tpu.memory_space<vmem>>) dst(%dma_wait3A_268 : memref<10000x64xf32, #tpu.memory_space<vmem_shared>>)
        tpu.yield
      }) : () -> ()
      %add3A_136 = arith.constant 8 : i32
      %add3A_137 = arith.addi %add3A_129, %add3A_136 : i32
      %dma_start3A_138 = arith.constant 0 : i32
      %dma_start3A_139 = tpu.memref_slice %arg6[%add3A_137, %dma_start3A_138] : memref<80x125xi32, #tpu.memory_space<vmem>> -> memref<1x125xi32, #tpu.memory_space<vmem>>
      %dma_start3A_140 = tpu.memref_squeeze %dma_start3A_139 : memref<1x125xi32, #tpu.memory_space<vmem>> -> memref<125xi32, #tpu.memory_space<vmem>>
      %dma_start3A_141 = arith.constant 0 : i32
      %dma_start3A_142 = arith.constant 0 : i32
      %dma_start3A_143 = tpu.memref_slice %arg2[%dma_start3A_141, %dma_start3A_142] : memref<10000x64xf32, #tpu.memory_space<hbm>> -> memref<10000x64xf32, #tpu.memory_space<hbm>>
      tpu.enqueue_indirect_dma source(%dma_start3A_143 : memref<10000x64xf32, #tpu.memory_space<hbm>>) target(%arg8 : memref<125x64xf32, #tpu.memory_space<vmem>>) offsets(%dma_start3A_140 : memref<125xi32, #tpu.memory_space<vmem>>) semaphore(%arg17 : memref<!tpu.dma_semaphore, #tpu.memory_space<semaphore_mem>>)
      %add3A_144 = arith.constant 1 : i32
      %add3A_145 = arith.addi %mul3A_127, %add3A_144 : i32
      %dma_wait3A_146 = arith.constant 0 : i32
      %dma_wait3A_147 = arith.constant 0 : i32
      %dma_wait3A_148 = tpu.memref_slice %arg2[%dma_wait3A_146, %dma_wait3A_147] : memref<10000x64xf32, #tpu.memory_space<hbm>> -> memref<125x64xf32, #tpu.memory_space<hbm>>
      %dma_wait3A_149 = arith.constant 0 : i32
      %dma_wait3A_150 = arith.constant 0 : i32
      %dma_wait3A_151 = tpu.memref_slice %arg2[%dma_wait3A_149, %dma_wait3A_150] : memref<10000x64xf32, #tpu.memory_space<hbm>> -> memref<125x64xf32, #tpu.memory_space<hbm>>
      tpu.wait_dma2 semaphore(%arg18 : memref<!tpu.dma_semaphore, #tpu.memory_space<semaphore_mem>>) src(%dma_wait3A_151 : memref<125x64xf32, #tpu.memory_space<hbm>>) dst(%arg9 : memref<125x64xf32, #tpu.memory_space<vmem>>)
      "tpu.region"() ({
        %run_scoped3A_256 = tpu.sem_alloc : memref<!tpu.dma_semaphore, #tpu.memory_space<semaphore_mem>>
        %dma_start3A_257 = arith.constant 0 : i32
        %dma_start3A_258 = tpu.memref_slice %arg7[%add3A_145, %dma_start3A_257] : memref<80x125xi32, #tpu.memory_space<vmem>> -> memref<1x125xi32, #tpu.memory_space<vmem>>
        %dma_start3A_259 = tpu.memref_squeeze %dma_start3A_258 : memref<1x125xi32, #tpu.memory_space<vmem>> -> memref<125xi32, #tpu.memory_space<vmem>>
        %dma_start3A_260 = arith.constant 0 : i32
        %dma_start3A_261 = arith.constant 0 : i32
        %dma_start3A_262 = tpu.memref_slice %arg16[%dma_start3A_260, %dma_start3A_261] : memref<10000x64xf32, #tpu.memory_space<vmem_shared>> -> memref<10000x64xf32, #tpu.memory_space<vmem_shared>>
        tpu.enqueue_indirect_dma source(%arg9 : memref<125x64xf32, #tpu.memory_space<vmem>>) target(%dma_start3A_262 : memref<10000x64xf32, #tpu.memory_space<vmem_shared>>) offsets(%dma_start3A_259 : memref<125xi32, #tpu.memory_space<vmem>>) semaphore(%run_scoped3A_256 : memref<!tpu.dma_semaphore, #tpu.memory_space<semaphore_mem>>) {add = true}
        %dma_wait3A_263 = arith.constant 0 : i32
        %dma_wait3A_264 = tpu.memref_slice %arg7[%add3A_145, %dma_wait3A_263] : memref<80x125xi32, #tpu.memory_space<vmem>> -> memref<1x125xi32, #tpu.memory_space<vmem>>
        %dma_wait3A_265 = tpu.memref_squeeze %dma_wait3A_264 : memref<1x125xi32, #tpu.memory_space<vmem>> -> memref<125xi32, #tpu.memory_space<vmem>>
        %dma_wait3A_266 = arith.constant 0 : i32
        %dma_wait3A_267 = arith.constant 0 : i32
        %dma_wait3A_268 = tpu.memref_slice %arg16[%dma_wait3A_266, %dma_wait3A_267] : memref<10000x64xf32, #tpu.memory_space<vmem_shared>> -> memref<10000x64xf32, #tpu.memory_space<vmem_shared>>
        tpu.wait_indirect_dma semaphore(%run_scoped3A_256 : memref<!tpu.dma_semaphore, #tpu.memory_space<semaphore_mem>>) src(%arg9 : memref<125x64xf32, #tpu.memory_space<vmem>>) dst(%dma_wait3A_268 : memref<10000x64xf32, #tpu.memory_space<vmem_shared>>)
        tpu.yield
      }) : () -> ()
      %add3A_152 = arith.constant 8 : i32
      %add3A_153 = arith.addi %add3A_145, %add3A_152 : i32
      %dma_start3A_154 = arith.constant 0 : i32
      %dma_start3A_155 = tpu.memref_slice %arg6[%add3A_153, %dma_start3A_154] : memref<80x125xi32, #tpu.memory_space<vmem>> -> memref<1x125xi32, #tpu.memory_space<vmem>>
      %dma_start3A_156 = tpu.memref_squeeze %dma_start3A_155 : memref<1x125xi32, #tpu.memory_space<vmem>> -> memref<125xi32, #tpu.memory_space<vmem>>
      %dma_start3A_157 = arith.constant 0 : i32
      %dma_start3A_158 = arith.constant 0 : i32
      %dma_start3A_159 = tpu.memref_slice %arg2[%dma_start3A_157, %dma_start3A_158] : memref<10000x64xf32, #tpu.memory_space<hbm>> -> memref<10000x64xf32, #tpu.memory_space<hbm>>
      tpu.enqueue_indirect_dma source(%dma_start3A_159 : memref<10000x64xf32, #tpu.memory_space<hbm>>) target(%arg9 : memref<125x64xf32, #tpu.memory_space<vmem>>) offsets(%dma_start3A_156 : memref<125xi32, #tpu.memory_space<vmem>>) semaphore(%arg18 : memref<!tpu.dma_semaphore, #tpu.memory_space<semaphore_mem>>)
      %add3A_160 = arith.constant 2 : i32
      %add3A_161 = arith.addi %mul3A_127, %add3A_160 : i32
      %dma_wait3A_162 = arith.constant 0 : i32
      %dma_wait3A_163 = arith.constant 0 : i32
      %dma_wait3A_164 = tpu.memref_slice %arg2[%dma_wait3A_162, %dma_wait3A_163] : memref<10000x64xf32, #tpu.memory_space<hbm>> -> memref<125x64xf32, #tpu.memory_space<hbm>>
      %dma_wait3A_165 = arith.constant 0 : i32
      %dma_wait3A_166 = arith.constant 0 : i32
      %dma_wait3A_167 = tpu.memref_slice %arg2[%dma_wait3A_165, %dma_wait3A_166] : memref<10000x64xf32, #tpu.memory_space<hbm>> -> memref<125x64xf32, #tpu.memory_space<hbm>>
      tpu.wait_dma2 semaphore(%arg19 : memref<!tpu.dma_semaphore, #tpu.memory_space<semaphore_mem>>) src(%dma_wait3A_167 : memref<125x64xf32, #tpu.memory_space<hbm>>) dst(%arg10 : memref<125x64xf32, #tpu.memory_space<vmem>>)
      "tpu.region"() ({
        %run_scoped3A_256 = tpu.sem_alloc : memref<!tpu.dma_semaphore, #tpu.memory_space<semaphore_mem>>
        %dma_start3A_257 = arith.constant 0 : i32
        %dma_start3A_258 = tpu.memref_slice %arg7[%add3A_161, %dma_start3A_257] : memref<80x125xi32, #tpu.memory_space<vmem>> -> memref<1x125xi32, #tpu.memory_space<vmem>>
        %dma_start3A_259 = tpu.memref_squeeze %dma_start3A_258 : memref<1x125xi32, #tpu.memory_space<vmem>> -> memref<125xi32, #tpu.memory_space<vmem>>
        %dma_start3A_260 = arith.constant 0 : i32
        %dma_start3A_261 = arith.constant 0 : i32
        %dma_start3A_262 = tpu.memref_slice %arg16[%dma_start3A_260, %dma_start3A_261] : memref<10000x64xf32, #tpu.memory_space<vmem_shared>> -> memref<10000x64xf32, #tpu.memory_space<vmem_shared>>
        tpu.enqueue_indirect_dma source(%arg10 : memref<125x64xf32, #tpu.memory_space<vmem>>) target(%dma_start3A_262 : memref<10000x64xf32, #tpu.memory_space<vmem_shared>>) offsets(%dma_start3A_259 : memref<125xi32, #tpu.memory_space<vmem>>) semaphore(%run_scoped3A_256 : memref<!tpu.dma_semaphore, #tpu.memory_space<semaphore_mem>>) {add = true}
        %dma_wait3A_263 = arith.constant 0 : i32
        %dma_wait3A_264 = tpu.memref_slice %arg7[%add3A_161, %dma_wait3A_263] : memref<80x125xi32, #tpu.memory_space<vmem>> -> memref<1x125xi32, #tpu.memory_space<vmem>>
        %dma_wait3A_265 = tpu.memref_squeeze %dma_wait3A_264 : memref<1x125xi32, #tpu.memory_space<vmem>> -> memref<125xi32, #tpu.memory_space<vmem>>
        %dma_wait3A_266 = arith.constant 0 : i32
        %dma_wait3A_267 = arith.constant 0 : i32
        %dma_wait3A_268 = tpu.memref_slice %arg16[%dma_wait3A_266, %dma_wait3A_267] : memref<10000x64xf32, #tpu.memory_space<vmem_shared>> -> memref<10000x64xf32, #tpu.memory_space<vmem_shared>>
        tpu.wait_indirect_dma semaphore(%run_scoped3A_256 : memref<!tpu.dma_semaphore, #tpu.memory_space<semaphore_mem>>) src(%arg10 : memref<125x64xf32, #tpu.memory_space<vmem>>) dst(%dma_wait3A_268 : memref<10000x64xf32, #tpu.memory_space<vmem_shared>>)
        tpu.yield
      }) : () -> ()
      %add3A_168 = arith.constant 8 : i32
      %add3A_169 = arith.addi %add3A_161, %add3A_168 : i32
      %dma_start3A_170 = arith.constant 0 : i32
      %dma_start3A_171 = tpu.memref_slice %arg6[%add3A_169, %dma_start3A_170] : memref<80x125xi32, #tpu.memory_space<vmem>> -> memref<1x125xi32, #tpu.memory_space<vmem>>
      %dma_start3A_172 = tpu.memref_squeeze %dma_start3A_171 : memref<1x125xi32, #tpu.memory_space<vmem>> -> memref<125xi32, #tpu.memory_space<vmem>>
      %dma_start3A_173 = arith.constant 0 : i32
      %dma_start3A_174 = arith.constant 0 : i32
      %dma_start3A_175 = tpu.memref_slice %arg2[%dma_start3A_173, %dma_start3A_174] : memref<10000x64xf32, #tpu.memory_space<hbm>> -> memref<10000x64xf32, #tpu.memory_space<hbm>>
      tpu.enqueue_indirect_dma source(%dma_start3A_175 : memref<10000x64xf32, #tpu.memory_space<hbm>>) target(%arg10 : memref<125x64xf32, #tpu.memory_space<vmem>>) offsets(%dma_start3A_172 : memref<125xi32, #tpu.memory_space<vmem>>) semaphore(%arg19 : memref<!tpu.dma_semaphore, #tpu.memory_space<semaphore_mem>>)
      %add3A_176 = arith.constant 3 : i32
      %add3A_177 = arith.addi %mul3A_127, %add3A_176 : i32
      %dma_wait3A_178 = arith.constant 0 : i32
      %dma_wait3A_179 = arith.constant 0 : i32
      %dma_wait3A_180 = tpu.memref_slice %arg2[%dma_wait3A_178, %dma_wait3A_179] : memref<10000x64xf32, #tpu.memory_space<hbm>> -> memref<125x64xf32, #tpu.memory_space<hbm>>
      %dma_wait3A_181 = arith.constant 0 : i32
      %dma_wait3A_182 = arith.constant 0 : i32
      %dma_wait3A_183 = tpu.memref_slice %arg2[%dma_wait3A_181, %dma_wait3A_182] : memref<10000x64xf32, #tpu.memory_space<hbm>> -> memref<125x64xf32, #tpu.memory_space<hbm>>
      tpu.wait_dma2 semaphore(%arg20 : memref<!tpu.dma_semaphore, #tpu.memory_space<semaphore_mem>>) src(%dma_wait3A_183 : memref<125x64xf32, #tpu.memory_space<hbm>>) dst(%arg11 : memref<125x64xf32, #tpu.memory_space<vmem>>)
      "tpu.region"() ({
        %run_scoped3A_256 = tpu.sem_alloc : memref<!tpu.dma_semaphore, #tpu.memory_space<semaphore_mem>>
        %dma_start3A_257 = arith.constant 0 : i32
        %dma_start3A_258 = tpu.memref_slice %arg7[%add3A_177, %dma_start3A_257] : memref<80x125xi32, #tpu.memory_space<vmem>> -> memref<1x125xi32, #tpu.memory_space<vmem>>
        %dma_start3A_259 = tpu.memref_squeeze %dma_start3A_258 : memref<1x125xi32, #tpu.memory_space<vmem>> -> memref<125xi32, #tpu.memory_space<vmem>>
        %dma_start3A_260 = arith.constant 0 : i32
        %dma_start3A_261 = arith.constant 0 : i32
        %dma_start3A_262 = tpu.memref_slice %arg16[%dma_start3A_260, %dma_start3A_261] : memref<10000x64xf32, #tpu.memory_space<vmem_shared>> -> memref<10000x64xf32, #tpu.memory_space<vmem_shared>>
        tpu.enqueue_indirect_dma source(%arg11 : memref<125x64xf32, #tpu.memory_space<vmem>>) target(%dma_start3A_262 : memref<10000x64xf32, #tpu.memory_space<vmem_shared>>) offsets(%dma_start3A_259 : memref<125xi32, #tpu.memory_space<vmem>>) semaphore(%run_scoped3A_256 : memref<!tpu.dma_semaphore, #tpu.memory_space<semaphore_mem>>) {add = true}
        %dma_wait3A_263 = arith.constant 0 : i32
        %dma_wait3A_264 = tpu.memref_slice %arg7[%add3A_177, %dma_wait3A_263] : memref<80x125xi32, #tpu.memory_space<vmem>> -> memref<1x125xi32, #tpu.memory_space<vmem>>
        %dma_wait3A_265 = tpu.memref_squeeze %dma_wait3A_264 : memref<1x125xi32, #tpu.memory_space<vmem>> -> memref<125xi32, #tpu.memory_space<vmem>>
        %dma_wait3A_266 = arith.constant 0 : i32
        %dma_wait3A_267 = arith.constant 0 : i32
        %dma_wait3A_268 = tpu.memref_slice %arg16[%dma_wait3A_266, %dma_wait3A_267] : memref<10000x64xf32, #tpu.memory_space<vmem_shared>> -> memref<10000x64xf32, #tpu.memory_space<vmem_shared>>
        tpu.wait_indirect_dma semaphore(%run_scoped3A_256 : memref<!tpu.dma_semaphore, #tpu.memory_space<semaphore_mem>>) src(%arg11 : memref<125x64xf32, #tpu.memory_space<vmem>>) dst(%dma_wait3A_268 : memref<10000x64xf32, #tpu.memory_space<vmem_shared>>)
        tpu.yield
      }) : () -> ()
      %add3A_184 = arith.constant 8 : i32
      %add3A_185 = arith.addi %add3A_177, %add3A_184 : i32
      %dma_start3A_186 = arith.constant 0 : i32
      %dma_start3A_187 = tpu.memref_slice %arg6[%add3A_185, %dma_start3A_186] : memref<80x125xi32, #tpu.memory_space<vmem>> -> memref<1x125xi32, #tpu.memory_space<vmem>>
      %dma_start3A_188 = tpu.memref_squeeze %dma_start3A_187 : memref<1x125xi32, #tpu.memory_space<vmem>> -> memref<125xi32, #tpu.memory_space<vmem>>
      %dma_start3A_189 = arith.constant 0 : i32
      %dma_start3A_190 = arith.constant 0 : i32
      %dma_start3A_191 = tpu.memref_slice %arg2[%dma_start3A_189, %dma_start3A_190] : memref<10000x64xf32, #tpu.memory_space<hbm>> -> memref<10000x64xf32, #tpu.memory_space<hbm>>
      tpu.enqueue_indirect_dma source(%dma_start3A_191 : memref<10000x64xf32, #tpu.memory_space<hbm>>) target(%arg11 : memref<125x64xf32, #tpu.memory_space<vmem>>) offsets(%dma_start3A_188 : memref<125xi32, #tpu.memory_space<vmem>>) semaphore(%arg20 : memref<!tpu.dma_semaphore, #tpu.memory_space<semaphore_mem>>)
      %add3A_192 = arith.constant 4 : i32
      %add3A_193 = arith.addi %mul3A_127, %add3A_192 : i32
      %dma_wait3A_194 = arith.constant 0 : i32
      %dma_wait3A_195 = arith.constant 0 : i32
      %dma_wait3A_196 = tpu.memref_slice %arg2[%dma_wait3A_194, %dma_wait3A_195] : memref<10000x64xf32, #tpu.memory_space<hbm>> -> memref<125x64xf32, #tpu.memory_space<hbm>>
      %dma_wait3A_197 = arith.constant 0 : i32
      %dma_wait3A_198 = arith.constant 0 : i32
      %dma_wait3A_199 = tpu.memref_slice %arg2[%dma_wait3A_197, %dma_wait3A_198] : memref<10000x64xf32, #tpu.memory_space<hbm>> -> memref<125x64xf32, #tpu.memory_space<hbm>>
      tpu.wait_dma2 semaphore(%arg21 : memref<!tpu.dma_semaphore, #tpu.memory_space<semaphore_mem>>) src(%dma_wait3A_199 : memref<125x64xf32, #tpu.memory_space<hbm>>) dst(%arg12 : memref<125x64xf32, #tpu.memory_space<vmem>>)
      "tpu.region"() ({
        %run_scoped3A_256 = tpu.sem_alloc : memref<!tpu.dma_semaphore, #tpu.memory_space<semaphore_mem>>
        %dma_start3A_257 = arith.constant 0 : i32
        %dma_start3A_258 = tpu.memref_slice %arg7[%add3A_193, %dma_start3A_257] : memref<80x125xi32, #tpu.memory_space<vmem>> -> memref<1x125xi32, #tpu.memory_space<vmem>>
        %dma_start3A_259 = tpu.memref_squeeze %dma_start3A_258 : memref<1x125xi32, #tpu.memory_space<vmem>> -> memref<125xi32, #tpu.memory_space<vmem>>
        %dma_start3A_260 = arith.constant 0 : i32
        %dma_start3A_261 = arith.constant 0 : i32
        %dma_start3A_262 = tpu.memref_slice %arg16[%dma_start3A_260, %dma_start3A_261] : memref<10000x64xf32, #tpu.memory_space<vmem_shared>> -> memref<10000x64xf32, #tpu.memory_space<vmem_shared>>
        tpu.enqueue_indirect_dma source(%arg12 : memref<125x64xf32, #tpu.memory_space<vmem>>) target(%dma_start3A_262 : memref<10000x64xf32, #tpu.memory_space<vmem_shared>>) offsets(%dma_start3A_259 : memref<125xi32, #tpu.memory_space<vmem>>) semaphore(%run_scoped3A_256 : memref<!tpu.dma_semaphore, #tpu.memory_space<semaphore_mem>>) {add = true}
        %dma_wait3A_263 = arith.constant 0 : i32
        %dma_wait3A_264 = tpu.memref_slice %arg7[%add3A_193, %dma_wait3A_263] : memref<80x125xi32, #tpu.memory_space<vmem>> -> memref<1x125xi32, #tpu.memory_space<vmem>>
        %dma_wait3A_265 = tpu.memref_squeeze %dma_wait3A_264 : memref<1x125xi32, #tpu.memory_space<vmem>> -> memref<125xi32, #tpu.memory_space<vmem>>
        %dma_wait3A_266 = arith.constant 0 : i32
        %dma_wait3A_267 = arith.constant 0 : i32
        %dma_wait3A_268 = tpu.memref_slice %arg16[%dma_wait3A_266, %dma_wait3A_267] : memref<10000x64xf32, #tpu.memory_space<vmem_shared>> -> memref<10000x64xf32, #tpu.memory_space<vmem_shared>>
        tpu.wait_indirect_dma semaphore(%run_scoped3A_256 : memref<!tpu.dma_semaphore, #tpu.memory_space<semaphore_mem>>) src(%arg12 : memref<125x64xf32, #tpu.memory_space<vmem>>) dst(%dma_wait3A_268 : memref<10000x64xf32, #tpu.memory_space<vmem_shared>>)
        tpu.yield
      }) : () -> ()
      %add3A_200 = arith.constant 8 : i32
      %add3A_201 = arith.addi %add3A_193, %add3A_200 : i32
      %dma_start3A_202 = arith.constant 0 : i32
      %dma_start3A_203 = tpu.memref_slice %arg6[%add3A_201, %dma_start3A_202] : memref<80x125xi32, #tpu.memory_space<vmem>> -> memref<1x125xi32, #tpu.memory_space<vmem>>
      %dma_start3A_204 = tpu.memref_squeeze %dma_start3A_203 : memref<1x125xi32, #tpu.memory_space<vmem>> -> memref<125xi32, #tpu.memory_space<vmem>>
      %dma_start3A_205 = arith.constant 0 : i32
      %dma_start3A_206 = arith.constant 0 : i32
      %dma_start3A_207 = tpu.memref_slice %arg2[%dma_start3A_205, %dma_start3A_206] : memref<10000x64xf32, #tpu.memory_space<hbm>> -> memref<10000x64xf32, #tpu.memory_space<hbm>>
      tpu.enqueue_indirect_dma source(%dma_start3A_207 : memref<10000x64xf32, #tpu.memory_space<hbm>>) target(%arg12 : memref<125x64xf32, #tpu.memory_space<vmem>>) offsets(%dma_start3A_204 : memref<125xi32, #tpu.memory_space<vmem>>) semaphore(%arg21 : memref<!tpu.dma_semaphore, #tpu.memory_space<semaphore_mem>>)
      %add3A_208 = arith.constant 5 : i32
      %add3A_209 = arith.addi %mul3A_127, %add3A_208 : i32
      %dma_wait3A_210 = arith.constant 0 : i32
      %dma_wait3A_211 = arith.constant 0 : i32
      %dma_wait3A_212 = tpu.memref_slice %arg2[%dma_wait3A_210, %dma_wait3A_211] : memref<10000x64xf32, #tpu.memory_space<hbm>> -> memref<125x64xf32, #tpu.memory_space<hbm>>
      %dma_wait3A_213 = arith.constant 0 : i32
      %dma_wait3A_214 = arith.constant 0 : i32
      %dma_wait3A_215 = tpu.memref_slice %arg2[%dma_wait3A_213, %dma_wait3A_214] : memref<10000x64xf32, #tpu.memory_space<hbm>> -> memref<125x64xf32, #tpu.memory_space<hbm>>
      tpu.wait_dma2 semaphore(%arg22 : memref<!tpu.dma_semaphore, #tpu.memory_space<semaphore_mem>>) src(%dma_wait3A_215 : memref<125x64xf32, #tpu.memory_space<hbm>>) dst(%arg13 : memref<125x64xf32, #tpu.memory_space<vmem>>)
      "tpu.region"() ({
        %run_scoped3A_256 = tpu.sem_alloc : memref<!tpu.dma_semaphore, #tpu.memory_space<semaphore_mem>>
        %dma_start3A_257 = arith.constant 0 : i32
        %dma_start3A_258 = tpu.memref_slice %arg7[%add3A_209, %dma_start3A_257] : memref<80x125xi32, #tpu.memory_space<vmem>> -> memref<1x125xi32, #tpu.memory_space<vmem>>
        %dma_start3A_259 = tpu.memref_squeeze %dma_start3A_258 : memref<1x125xi32, #tpu.memory_space<vmem>> -> memref<125xi32, #tpu.memory_space<vmem>>
        %dma_start3A_260 = arith.constant 0 : i32
        %dma_start3A_261 = arith.constant 0 : i32
        %dma_start3A_262 = tpu.memref_slice %arg16[%dma_start3A_260, %dma_start3A_261] : memref<10000x64xf32, #tpu.memory_space<vmem_shared>> -> memref<10000x64xf32, #tpu.memory_space<vmem_shared>>
        tpu.enqueue_indirect_dma source(%arg13 : memref<125x64xf32, #tpu.memory_space<vmem>>) target(%dma_start3A_262 : memref<10000x64xf32, #tpu.memory_space<vmem_shared>>) offsets(%dma_start3A_259 : memref<125xi32, #tpu.memory_space<vmem>>) semaphore(%run_scoped3A_256 : memref<!tpu.dma_semaphore, #tpu.memory_space<semaphore_mem>>) {add = true}
        %dma_wait3A_263 = arith.constant 0 : i32
        %dma_wait3A_264 = tpu.memref_slice %arg7[%add3A_209, %dma_wait3A_263] : memref<80x125xi32, #tpu.memory_space<vmem>> -> memref<1x125xi32, #tpu.memory_space<vmem>>
        %dma_wait3A_265 = tpu.memref_squeeze %dma_wait3A_264 : memref<1x125xi32, #tpu.memory_space<vmem>> -> memref<125xi32, #tpu.memory_space<vmem>>
        %dma_wait3A_266 = arith.constant 0 : i32
        %dma_wait3A_267 = arith.constant 0 : i32
        %dma_wait3A_268 = tpu.memref_slice %arg16[%dma_wait3A_266, %dma_wait3A_267] : memref<10000x64xf32, #tpu.memory_space<vmem_shared>> -> memref<10000x64xf32, #tpu.memory_space<vmem_shared>>
        tpu.wait_indirect_dma semaphore(%run_scoped3A_256 : memref<!tpu.dma_semaphore, #tpu.memory_space<semaphore_mem>>) src(%arg13 : memref<125x64xf32, #tpu.memory_space<vmem>>) dst(%dma_wait3A_268 : memref<10000x64xf32, #tpu.memory_space<vmem_shared>>)
        tpu.yield
      }) : () -> ()
      %add3A_216 = arith.constant 8 : i32
      %add3A_217 = arith.addi %add3A_209, %add3A_216 : i32
      %dma_start3A_218 = arith.constant 0 : i32
      %dma_start3A_219 = tpu.memref_slice %arg6[%add3A_217, %dma_start3A_218] : memref<80x125xi32, #tpu.memory_space<vmem>> -> memref<1x125xi32, #tpu.memory_space<vmem>>
      %dma_start3A_220 = tpu.memref_squeeze %dma_start3A_219 : memref<1x125xi32, #tpu.memory_space<vmem>> -> memref<125xi32, #tpu.memory_space<vmem>>
      %dma_start3A_221 = arith.constant 0 : i32
      %dma_start3A_222 = arith.constant 0 : i32
      %dma_start3A_223 = tpu.memref_slice %arg2[%dma_start3A_221, %dma_start3A_222] : memref<10000x64xf32, #tpu.memory_space<hbm>> -> memref<10000x64xf32, #tpu.memory_space<hbm>>
      tpu.enqueue_indirect_dma source(%dma_start3A_223 : memref<10000x64xf32, #tpu.memory_space<hbm>>) target(%arg13 : memref<125x64xf32, #tpu.memory_space<vmem>>) offsets(%dma_start3A_220 : memref<125xi32, #tpu.memory_space<vmem>>) semaphore(%arg22 : memref<!tpu.dma_semaphore, #tpu.memory_space<semaphore_mem>>)
      %add3A_224 = arith.constant 6 : i32
      %add3A_225 = arith.addi %mul3A_127, %add3A_224 : i32
      %dma_wait3A_226 = arith.constant 0 : i32
      %dma_wait3A_227 = arith.constant 0 : i32
      %dma_wait3A_228 = tpu.memref_slice %arg2[%dma_wait3A_226, %dma_wait3A_227] : memref<10000x64xf32, #tpu.memory_space<hbm>> -> memref<125x64xf32, #tpu.memory_space<hbm>>
      %dma_wait3A_229 = arith.constant 0 : i32
      %dma_wait3A_230 = arith.constant 0 : i32
      %dma_wait3A_231 = tpu.memref_slice %arg2[%dma_wait3A_229, %dma_wait3A_230] : memref<10000x64xf32, #tpu.memory_space<hbm>> -> memref<125x64xf32, #tpu.memory_space<hbm>>
      tpu.wait_dma2 semaphore(%arg23 : memref<!tpu.dma_semaphore, #tpu.memory_space<semaphore_mem>>) src(%dma_wait3A_231 : memref<125x64xf32, #tpu.memory_space<hbm>>) dst(%arg14 : memref<125x64xf32, #tpu.memory_space<vmem>>)
      "tpu.region"() ({
        %run_scoped3A_256 = tpu.sem_alloc : memref<!tpu.dma_semaphore, #tpu.memory_space<semaphore_mem>>
        %dma_start3A_257 = arith.constant 0 : i32
        %dma_start3A_258 = tpu.memref_slice %arg7[%add3A_225, %dma_start3A_257] : memref<80x125xi32, #tpu.memory_space<vmem>> -> memref<1x125xi32, #tpu.memory_space<vmem>>
        %dma_start3A_259 = tpu.memref_squeeze %dma_start3A_258 : memref<1x125xi32, #tpu.memory_space<vmem>> -> memref<125xi32, #tpu.memory_space<vmem>>
        %dma_start3A_260 = arith.constant 0 : i32
        %dma_start3A_261 = arith.constant 0 : i32
        %dma_start3A_262 = tpu.memref_slice %arg16[%dma_start3A_260, %dma_start3A_261] : memref<10000x64xf32, #tpu.memory_space<vmem_shared>> -> memref<10000x64xf32, #tpu.memory_space<vmem_shared>>
        tpu.enqueue_indirect_dma source(%arg14 : memref<125x64xf32, #tpu.memory_space<vmem>>) target(%dma_start3A_262 : memref<10000x64xf32, #tpu.memory_space<vmem_shared>>) offsets(%dma_start3A_259 : memref<125xi32, #tpu.memory_space<vmem>>) semaphore(%run_scoped3A_256 : memref<!tpu.dma_semaphore, #tpu.memory_space<semaphore_mem>>) {add = true}
        %dma_wait3A_263 = arith.constant 0 : i32
        %dma_wait3A_264 = tpu.memref_slice %arg7[%add3A_225, %dma_wait3A_263] : memref<80x125xi32, #tpu.memory_space<vmem>> -> memref<1x125xi32, #tpu.memory_space<vmem>>
        %dma_wait3A_265 = tpu.memref_squeeze %dma_wait3A_264 : memref<1x125xi32, #tpu.memory_space<vmem>> -> memref<125xi32, #tpu.memory_space<vmem>>
        %dma_wait3A_266 = arith.constant 0 : i32
        %dma_wait3A_267 = arith.constant 0 : i32
        %dma_wait3A_268 = tpu.memref_slice %arg16[%dma_wait3A_266, %dma_wait3A_267] : memref<10000x64xf32, #tpu.memory_space<vmem_shared>> -> memref<10000x64xf32, #tpu.memory_space<vmem_shared>>
        tpu.wait_indirect_dma semaphore(%run_scoped3A_256 : memref<!tpu.dma_semaphore, #tpu.memory_space<semaphore_mem>>) src(%arg14 : memref<125x64xf32, #tpu.memory_space<vmem>>) dst(%dma_wait3A_268 : memref<10000x64xf32, #tpu.memory_space<vmem_shared>>)
        tpu.yield
      }) : () -> ()
      %add3A_232 = arith.constant 8 : i32
      %add3A_233 = arith.addi %add3A_225, %add3A_232 : i32
      %dma_start3A_234 = arith.constant 0 : i32
      %dma_start3A_235 = tpu.memref_slice %arg6[%add3A_233, %dma_start3A_234] : memref<80x125xi32, #tpu.memory_space<vmem>> -> memref<1x125xi32, #tpu.memory_space<vmem>>
      %dma_start3A_236 = tpu.memref_squeeze %dma_start3A_235 : memref<1x125xi32, #tpu.memory_space<vmem>> -> memref<125xi32, #tpu.memory_space<vmem>>
      %dma_start3A_237 = arith.constant 0 : i32
      %dma_start3A_238 = arith.constant 0 : i32
      %dma_start3A_239 = tpu.memref_slice %arg2[%dma_start3A_237, %dma_start3A_238] : memref<10000x64xf32, #tpu.memory_space<hbm>> -> memref<10000x64xf32, #tpu.memory_space<hbm>>
      tpu.enqueue_indirect_dma source(%dma_start3A_239 : memref<10000x64xf32, #tpu.memory_space<hbm>>) target(%arg14 : memref<125x64xf32, #tpu.memory_space<vmem>>) offsets(%dma_start3A_236 : memref<125xi32, #tpu.memory_space<vmem>>) semaphore(%arg23 : memref<!tpu.dma_semaphore, #tpu.memory_space<semaphore_mem>>)
      %add3A_240 = arith.constant 7 : i32
      %add3A_241 = arith.addi %mul3A_127, %add3A_240 : i32
      %dma_wait3A_242 = arith.constant 0 : i32
      %dma_wait3A_243 = arith.constant 0 : i32
      %dma_wait3A_244 = tpu.memref_slice %arg2[%dma_wait3A_242, %dma_wait3A_243] : memref<10000x64xf32, #tpu.memory_space<hbm>> -> memref<125x64xf32, #tpu.memory_space<hbm>>
      %dma_wait3A_245 = arith.constant 0 : i32
      %dma_wait3A_246 = arith.constant 0 : i32
      %dma_wait3A_247 = tpu.memref_slice %arg2[%dma_wait3A_245, %dma_wait3A_246] : memref<10000x64xf32, #tpu.memory_space<hbm>> -> memref<125x64xf32, #tpu.memory_space<hbm>>
      tpu.wait_dma2 semaphore(%arg24 : memref<!tpu.dma_semaphore, #tpu.memory_space<semaphore_mem>>) src(%dma_wait3A_247 : memref<125x64xf32, #tpu.memory_space<hbm>>) dst(%arg15 : memref<125x64xf32, #tpu.memory_space<vmem>>)
      "tpu.region"() ({
        %run_scoped3A_256 = tpu.sem_alloc : memref<!tpu.dma_semaphore, #tpu.memory_space<semaphore_mem>>
        %dma_start3A_257 = arith.constant 0 : i32
        %dma_start3A_258 = tpu.memref_slice %arg7[%add3A_241, %dma_start3A_257] : memref<80x125xi32, #tpu.memory_space<vmem>> -> memref<1x125xi32, #tpu.memory_space<vmem>>
        %dma_start3A_259 = tpu.memref_squeeze %dma_start3A_258 : memref<1x125xi32, #tpu.memory_space<vmem>> -> memref<125xi32, #tpu.memory_space<vmem>>
        %dma_start3A_260 = arith.constant 0 : i32
        %dma_start3A_261 = arith.constant 0 : i32
        %dma_start3A_262 = tpu.memref_slice %arg16[%dma_start3A_260, %dma_start3A_261] : memref<10000x64xf32, #tpu.memory_space<vmem_shared>> -> memref<10000x64xf32, #tpu.memory_space<vmem_shared>>
        tpu.enqueue_indirect_dma source(%arg15 : memref<125x64xf32, #tpu.memory_space<vmem>>) target(%dma_start3A_262 : memref<10000x64xf32, #tpu.memory_space<vmem_shared>>) offsets(%dma_start3A_259 : memref<125xi32, #tpu.memory_space<vmem>>) semaphore(%run_scoped3A_256 : memref<!tpu.dma_semaphore, #tpu.memory_space<semaphore_mem>>) {add = true}
        %dma_wait3A_263 = arith.constant 0 : i32
        %dma_wait3A_264 = tpu.memref_slice %arg7[%add3A_241, %dma_wait3A_263] : memref<80x125xi32, #tpu.memory_space<vmem>> -> memref<1x125xi32, #tpu.memory_space<vmem>>
        %dma_wait3A_265 = tpu.memref_squeeze %dma_wait3A_264 : memref<1x125xi32, #tpu.memory_space<vmem>> -> memref<125xi32, #tpu.memory_space<vmem>>
        %dma_wait3A_266 = arith.constant 0 : i32
        %dma_wait3A_267 = arith.constant 0 : i32
        %dma_wait3A_268 = tpu.memref_slice %arg16[%dma_wait3A_266, %dma_wait3A_267] : memref<10000x64xf32, #tpu.memory_space<vmem_shared>> -> memref<10000x64xf32, #tpu.memory_space<vmem_shared>>
        tpu.wait_indirect_dma semaphore(%run_scoped3A_256 : memref<!tpu.dma_semaphore, #tpu.memory_space<semaphore_mem>>) src(%arg15 : memref<125x64xf32, #tpu.memory_space<vmem>>) dst(%dma_wait3A_268 : memref<10000x64xf32, #tpu.memory_space<vmem_shared>>)
        tpu.yield
      }) : () -> ()
      %add3A_248 = arith.constant 8 : i32
      %add3A_249 = arith.addi %add3A_241, %add3A_248 : i32
      %dma_start3A_250 = arith.constant 0 : i32
      %dma_start3A_251 = tpu.memref_slice %arg6[%add3A_249, %dma_start3A_250] : memref<80x125xi32, #tpu.memory_space<vmem>> -> memref<1x125xi32, #tpu.memory_space<vmem>>
      %dma_start3A_252 = tpu.memref_squeeze %dma_start3A_251 : memref<1x125xi32, #tpu.memory_space<vmem>> -> memref<125xi32, #tpu.memory_space<vmem>>
      %dma_start3A_253 = arith.constant 0 : i32
      %dma_start3A_254 = arith.constant 0 : i32
      %dma_start3A_255 = tpu.memref_slice %arg2[%dma_start3A_253, %dma_start3A_254] : memref<10000x64xf32, #tpu.memory_space<hbm>> -> memref<10000x64xf32, #tpu.memory_space<hbm>>
      tpu.enqueue_indirect_dma source(%dma_start3A_255 : memref<10000x64xf32, #tpu.memory_space<hbm>>) target(%arg15 : memref<125x64xf32, #tpu.memory_space<vmem>>) offsets(%dma_start3A_252 : memref<125xi32, #tpu.memory_space<vmem>>) semaphore(%arg24 : memref<!tpu.dma_semaphore, #tpu.memory_space<semaphore_mem>>)
    }
    %scan3A_64 = arith.constant 9 : i32
    %dma_wait3A = arith.constant 0 : i32
    %dma_wait3A_65 = arith.constant 0 : i32
    %dma_wait3A_66 = tpu.memref_slice %arg2[%dma_wait3A, %dma_wait3A_65] : memref<10000x64xf32, #tpu.memory_space<hbm>> -> memref<125x64xf32, #tpu.memory_space<hbm>>
    %dma_wait3A_67 = arith.constant 0 : i32
    %dma_wait3A_68 = arith.constant 0 : i32
    %dma_wait3A_69 = tpu.memref_slice %arg2[%dma_wait3A_67, %dma_wait3A_68] : memref<10000x64xf32, #tpu.memory_space<hbm>> -> memref<125x64xf32, #tpu.memory_space<hbm>>
    tpu.wait_dma2 semaphore(%arg17 : memref<!tpu.dma_semaphore, #tpu.memory_space<semaphore_mem>>) src(%dma_wait3A_69 : memref<125x64xf32, #tpu.memory_space<hbm>>) dst(%arg8 : memref<125x64xf32, #tpu.memory_space<vmem>>)
    %run_scoped3A = arith.constant 72 : i32
    "tpu.region"() ({
      %run_scoped3A_125 = tpu.sem_alloc : memref<!tpu.dma_semaphore, #tpu.memory_space<semaphore_mem>>
      %dma_start3A_126 = arith.constant 0 : i32
      %dma_start3A_127 = tpu.memref_slice %arg7[%run_scoped3A, %dma_start3A_126] : memref<80x125xi32, #tpu.memory_space<vmem>> -> memref<1x125xi32, #tpu.memory_space<vmem>>
      %dma_start3A_128 = tpu.memref_squeeze %dma_start3A_127 : memref<1x125xi32, #tpu.memory_space<vmem>> -> memref<125xi32, #tpu.memory_space<vmem>>
      %dma_start3A_129 = arith.constant 0 : i32
      %dma_start3A_130 = arith.constant 0 : i32
      %dma_start3A_131 = tpu.memref_slice %arg16[%dma_start3A_129, %dma_start3A_130] : memref<10000x64xf32, #tpu.memory_space<vmem_shared>> -> memref<10000x64xf32, #tpu.memory_space<vmem_shared>>
      tpu.enqueue_indirect_dma source(%arg8 : memref<125x64xf32, #tpu.memory_space<vmem>>) target(%dma_start3A_131 : memref<10000x64xf32, #tpu.memory_space<vmem_shared>>) offsets(%dma_start3A_128 : memref<125xi32, #tpu.memory_space<vmem>>) semaphore(%run_scoped3A_125 : memref<!tpu.dma_semaphore, #tpu.memory_space<semaphore_mem>>) {add = true}
      %dma_wait3A_132 = arith.constant 0 : i32
      %dma_wait3A_133 = tpu.memref_slice %arg7[%run_scoped3A, %dma_wait3A_132] : memref<80x125xi32, #tpu.memory_space<vmem>> -> memref<1x125xi32, #tpu.memory_space<vmem>>
      %dma_wait3A_134 = tpu.memref_squeeze %dma_wait3A_133 : memref<1x125xi32, #tpu.memory_space<vmem>> -> memref<125xi32, #tpu.memory_space<vmem>>
      %dma_wait3A_135 = arith.constant 0 : i32
      %dma_wait3A_136 = arith.constant 0 : i32
      %dma_wait3A_137 = tpu.memref_slice %arg16[%dma_wait3A_135, %dma_wait3A_136] : memref<10000x64xf32, #tpu.memory_space<vmem_shared>> -> memref<10000x64xf32, #tpu.memory_space<vmem_shared>>
      tpu.wait_indirect_dma semaphore(%run_scoped3A_125 : memref<!tpu.dma_semaphore, #tpu.memory_space<semaphore_mem>>) src(%arg8 : memref<125x64xf32, #tpu.memory_space<vmem>>) dst(%dma_wait3A_137 : memref<10000x64xf32, #tpu.memory_space<vmem_shared>>)
      tpu.yield
    }) : () -> ()
    %dma_wait3A_70 = arith.constant 0 : i32
    %dma_wait3A_71 = arith.constant 0 : i32
    %dma_wait3A_72 = tpu.memref_slice %arg2[%dma_wait3A_70, %dma_wait3A_71] : memref<10000x64xf32, #tpu.memory_space<hbm>> -> memref<125x64xf32, #tpu.memory_space<hbm>>
    %dma_wait3A_73 = arith.constant 0 : i32
    %dma_wait3A_74 = arith.constant 0 : i32
    %dma_wait3A_75 = tpu.memref_slice %arg2[%dma_wait3A_73, %dma_wait3A_74] : memref<10000x64xf32, #tpu.memory_space<hbm>> -> memref<125x64xf32, #tpu.memory_space<hbm>>
    tpu.wait_dma2 semaphore(%arg18 : memref<!tpu.dma_semaphore, #tpu.memory_space<semaphore_mem>>) src(%dma_wait3A_75 : memref<125x64xf32, #tpu.memory_space<hbm>>) dst(%arg9 : memref<125x64xf32, #tpu.memory_space<vmem>>)
    %run_scoped3A_76 = arith.constant 73 : i32
    "tpu.region"() ({
      %run_scoped3A_125 = tpu.sem_alloc : memref<!tpu.dma_semaphore, #tpu.memory_space<semaphore_mem>>
      %dma_start3A_126 = arith.constant 0 : i32
      %dma_start3A_127 = tpu.memref_slice %arg7[%run_scoped3A_76, %dma_start3A_126] : memref<80x125xi32, #tpu.memory_space<vmem>> -> memref<1x125xi32, #tpu.memory_space<vmem>>
      %dma_start3A_128 = tpu.memref_squeeze %dma_start3A_127 : memref<1x125xi32, #tpu.memory_space<vmem>> -> memref<125xi32, #tpu.memory_space<vmem>>
      %dma_start3A_129 = arith.constant 0 : i32
      %dma_start3A_130 = arith.constant 0 : i32
      %dma_start3A_131 = tpu.memref_slice %arg16[%dma_start3A_129, %dma_start3A_130] : memref<10000x64xf32, #tpu.memory_space<vmem_shared>> -> memref<10000x64xf32, #tpu.memory_space<vmem_shared>>
      tpu.enqueue_indirect_dma source(%arg9 : memref<125x64xf32, #tpu.memory_space<vmem>>) target(%dma_start3A_131 : memref<10000x64xf32, #tpu.memory_space<vmem_shared>>) offsets(%dma_start3A_128 : memref<125xi32, #tpu.memory_space<vmem>>) semaphore(%run_scoped3A_125 : memref<!tpu.dma_semaphore, #tpu.memory_space<semaphore_mem>>) {add = true}
      %dma_wait3A_132 = arith.constant 0 : i32
      %dma_wait3A_133 = tpu.memref_slice %arg7[%run_scoped3A_76, %dma_wait3A_132] : memref<80x125xi32, #tpu.memory_space<vmem>> -> memref<1x125xi32, #tpu.memory_space<vmem>>
      %dma_wait3A_134 = tpu.memref_squeeze %dma_wait3A_133 : memref<1x125xi32, #tpu.memory_space<vmem>> -> memref<125xi32, #tpu.memory_space<vmem>>
      %dma_wait3A_135 = arith.constant 0 : i32
      %dma_wait3A_136 = arith.constant 0 : i32
      %dma_wait3A_137 = tpu.memref_slice %arg16[%dma_wait3A_135, %dma_wait3A_136] : memref<10000x64xf32, #tpu.memory_space<vmem_shared>> -> memref<10000x64xf32, #tpu.memory_space<vmem_shared>>
      tpu.wait_indirect_dma semaphore(%run_scoped3A_125 : memref<!tpu.dma_semaphore, #tpu.memory_space<semaphore_mem>>) src(%arg9 : memref<125x64xf32, #tpu.memory_space<vmem>>) dst(%dma_wait3A_137 : memref<10000x64xf32, #tpu.memory_space<vmem_shared>>)
      tpu.yield
    }) : () -> ()
    %dma_wait3A_77 = arith.constant 0 : i32
    %dma_wait3A_78 = arith.constant 0 : i32
    %dma_wait3A_79 = tpu.memref_slice %arg2[%dma_wait3A_77, %dma_wait3A_78] : memref<10000x64xf32, #tpu.memory_space<hbm>> -> memref<125x64xf32, #tpu.memory_space<hbm>>
    %dma_wait3A_80 = arith.constant 0 : i32
    %dma_wait3A_81 = arith.constant 0 : i32
    %dma_wait3A_82 = tpu.memref_slice %arg2[%dma_wait3A_80, %dma_wait3A_81] : memref<10000x64xf32, #tpu.memory_space<hbm>> -> memref<125x64xf32, #tpu.memory_space<hbm>>
    tpu.wait_dma2 semaphore(%arg19 : memref<!tpu.dma_semaphore, #tpu.memory_space<semaphore_mem>>) src(%dma_wait3A_82 : memref<125x64xf32, #tpu.memory_space<hbm>>) dst(%arg10 : memref<125x64xf32, #tpu.memory_space<vmem>>)
    %run_scoped3A_83 = arith.constant 74 : i32
    "tpu.region"() ({
      %run_scoped3A_125 = tpu.sem_alloc : memref<!tpu.dma_semaphore, #tpu.memory_space<semaphore_mem>>
      %dma_start3A_126 = arith.constant 0 : i32
      %dma_start3A_127 = tpu.memref_slice %arg7[%run_scoped3A_83, %dma_start3A_126] : memref<80x125xi32, #tpu.memory_space<vmem>> -> memref<1x125xi32, #tpu.memory_space<vmem>>
      %dma_start3A_128 = tpu.memref_squeeze %dma_start3A_127 : memref<1x125xi32, #tpu.memory_space<vmem>> -> memref<125xi32, #tpu.memory_space<vmem>>
      %dma_start3A_129 = arith.constant 0 : i32
      %dma_start3A_130 = arith.constant 0 : i32
      %dma_start3A_131 = tpu.memref_slice %arg16[%dma_start3A_129, %dma_start3A_130] : memref<10000x64xf32, #tpu.memory_space<vmem_shared>> -> memref<10000x64xf32, #tpu.memory_space<vmem_shared>>
      tpu.enqueue_indirect_dma source(%arg10 : memref<125x64xf32, #tpu.memory_space<vmem>>) target(%dma_start3A_131 : memref<10000x64xf32, #tpu.memory_space<vmem_shared>>) offsets(%dma_start3A_128 : memref<125xi32, #tpu.memory_space<vmem>>) semaphore(%run_scoped3A_125 : memref<!tpu.dma_semaphore, #tpu.memory_space<semaphore_mem>>) {add = true}
      %dma_wait3A_132 = arith.constant 0 : i32
      %dma_wait3A_133 = tpu.memref_slice %arg7[%run_scoped3A_83, %dma_wait3A_132] : memref<80x125xi32, #tpu.memory_space<vmem>> -> memref<1x125xi32, #tpu.memory_space<vmem>>
      %dma_wait3A_134 = tpu.memref_squeeze %dma_wait3A_133 : memref<1x125xi32, #tpu.memory_space<vmem>> -> memref<125xi32, #tpu.memory_space<vmem>>
      %dma_wait3A_135 = arith.constant 0 : i32
      %dma_wait3A_136 = arith.constant 0 : i32
      %dma_wait3A_137 = tpu.memref_slice %arg16[%dma_wait3A_135, %dma_wait3A_136] : memref<10000x64xf32, #tpu.memory_space<vmem_shared>> -> memref<10000x64xf32, #tpu.memory_space<vmem_shared>>
      tpu.wait_indirect_dma semaphore(%run_scoped3A_125 : memref<!tpu.dma_semaphore, #tpu.memory_space<semaphore_mem>>) src(%arg10 : memref<125x64xf32, #tpu.memory_space<vmem>>) dst(%dma_wait3A_137 : memref<10000x64xf32, #tpu.memory_space<vmem_shared>>)
      tpu.yield
    }) : () -> ()
    %dma_wait3A_84 = arith.constant 0 : i32
    %dma_wait3A_85 = arith.constant 0 : i32
    %dma_wait3A_86 = tpu.memref_slice %arg2[%dma_wait3A_84, %dma_wait3A_85] : memref<10000x64xf32, #tpu.memory_space<hbm>> -> memref<125x64xf32, #tpu.memory_space<hbm>>
    %dma_wait3A_87 = arith.constant 0 : i32
    %dma_wait3A_88 = arith.constant 0 : i32
    %dma_wait3A_89 = tpu.memref_slice %arg2[%dma_wait3A_87, %dma_wait3A_88] : memref<10000x64xf32, #tpu.memory_space<hbm>> -> memref<125x64xf32, #tpu.memory_space<hbm>>
    tpu.wait_dma2 semaphore(%arg20 : memref<!tpu.dma_semaphore, #tpu.memory_space<semaphore_mem>>) src(%dma_wait3A_89 : memref<125x64xf32, #tpu.memory_space<hbm>>) dst(%arg11 : memref<125x64xf32, #tpu.memory_space<vmem>>)
    %run_scoped3A_90 = arith.constant 75 : i32
    "tpu.region"() ({
      %run_scoped3A_125 = tpu.sem_alloc : memref<!tpu.dma_semaphore, #tpu.memory_space<semaphore_mem>>
      %dma_start3A_126 = arith.constant 0 : i32
      %dma_start3A_127 = tpu.memref_slice %arg7[%run_scoped3A_90, %dma_start3A_126] : memref<80x125xi32, #tpu.memory_space<vmem>> -> memref<1x125xi32, #tpu.memory_space<vmem>>
      %dma_start3A_128 = tpu.memref_squeeze %dma_start3A_127 : memref<1x125xi32, #tpu.memory_space<vmem>> -> memref<125xi32, #tpu.memory_space<vmem>>
      %dma_start3A_129 = arith.constant 0 : i32
      %dma_start3A_130 = arith.constant 0 : i32
      %dma_start3A_131 = tpu.memref_slice %arg16[%dma_start3A_129, %dma_start3A_130] : memref<10000x64xf32, #tpu.memory_space<vmem_shared>> -> memref<10000x64xf32, #tpu.memory_space<vmem_shared>>
      tpu.enqueue_indirect_dma source(%arg11 : memref<125x64xf32, #tpu.memory_space<vmem>>) target(%dma_start3A_131 : memref<10000x64xf32, #tpu.memory_space<vmem_shared>>) offsets(%dma_start3A_128 : memref<125xi32, #tpu.memory_space<vmem>>) semaphore(%run_scoped3A_125 : memref<!tpu.dma_semaphore, #tpu.memory_space<semaphore_mem>>) {add = true}
      %dma_wait3A_132 = arith.constant 0 : i32
      %dma_wait3A_133 = tpu.memref_slice %arg7[%run_scoped3A_90, %dma_wait3A_132] : memref<80x125xi32, #tpu.memory_space<vmem>> -> memref<1x125xi32, #tpu.memory_space<vmem>>
      %dma_wait3A_134 = tpu.memref_squeeze %dma_wait3A_133 : memref<1x125xi32, #tpu.memory_space<vmem>> -> memref<125xi32, #tpu.memory_space<vmem>>
      %dma_wait3A_135 = arith.constant 0 : i32
      %dma_wait3A_136 = arith.constant 0 : i32
      %dma_wait3A_137 = tpu.memref_slice %arg16[%dma_wait3A_135, %dma_wait3A_136] : memref<10000x64xf32, #tpu.memory_space<vmem_shared>> -> memref<10000x64xf32, #tpu.memory_space<vmem_shared>>
      tpu.wait_indirect_dma semaphore(%run_scoped3A_125 : memref<!tpu.dma_semaphore, #tpu.memory_space<semaphore_mem>>) src(%arg11 : memref<125x64xf32, #tpu.memory_space<vmem>>) dst(%dma_wait3A_137 : memref<10000x64xf32, #tpu.memory_space<vmem_shared>>)
      tpu.yield
    }) : () -> ()
    %dma_wait3A_91 = arith.constant 0 : i32
    %dma_wait3A_92 = arith.constant 0 : i32
    %dma_wait3A_93 = tpu.memref_slice %arg2[%dma_wait3A_91, %dma_wait3A_92] : memref<10000x64xf32, #tpu.memory_space<hbm>> -> memref<125x64xf32, #tpu.memory_space<hbm>>
    %dma_wait3A_94 = arith.constant 0 : i32
    %dma_wait3A_95 = arith.constant 0 : i32
    %dma_wait3A_96 = tpu.memref_slice %arg2[%dma_wait3A_94, %dma_wait3A_95] : memref<10000x64xf32, #tpu.memory_space<hbm>> -> memref<125x64xf32, #tpu.memory_space<hbm>>
    tpu.wait_dma2 semaphore(%arg21 : memref<!tpu.dma_semaphore, #tpu.memory_space<semaphore_mem>>) src(%dma_wait3A_96 : memref<125x64xf32, #tpu.memory_space<hbm>>) dst(%arg12 : memref<125x64xf32, #tpu.memory_space<vmem>>)
    %run_scoped3A_97 = arith.constant 76 : i32
    "tpu.region"() ({
      %run_scoped3A_125 = tpu.sem_alloc : memref<!tpu.dma_semaphore, #tpu.memory_space<semaphore_mem>>
      %dma_start3A_126 = arith.constant 0 : i32
      %dma_start3A_127 = tpu.memref_slice %arg7[%run_scoped3A_97, %dma_start3A_126] : memref<80x125xi32, #tpu.memory_space<vmem>> -> memref<1x125xi32, #tpu.memory_space<vmem>>
      %dma_start3A_128 = tpu.memref_squeeze %dma_start3A_127 : memref<1x125xi32, #tpu.memory_space<vmem>> -> memref<125xi32, #tpu.memory_space<vmem>>
      %dma_start3A_129 = arith.constant 0 : i32
      %dma_start3A_130 = arith.constant 0 : i32
      %dma_start3A_131 = tpu.memref_slice %arg16[%dma_start3A_129, %dma_start3A_130] : memref<10000x64xf32, #tpu.memory_space<vmem_shared>> -> memref<10000x64xf32, #tpu.memory_space<vmem_shared>>
      tpu.enqueue_indirect_dma source(%arg12 : memref<125x64xf32, #tpu.memory_space<vmem>>) target(%dma_start3A_131 : memref<10000x64xf32, #tpu.memory_space<vmem_shared>>) offsets(%dma_start3A_128 : memref<125xi32, #tpu.memory_space<vmem>>) semaphore(%run_scoped3A_125 : memref<!tpu.dma_semaphore, #tpu.memory_space<semaphore_mem>>) {add = true}
      %dma_wait3A_132 = arith.constant 0 : i32
      %dma_wait3A_133 = tpu.memref_slice %arg7[%run_scoped3A_97, %dma_wait3A_132] : memref<80x125xi32, #tpu.memory_space<vmem>> -> memref<1x125xi32, #tpu.memory_space<vmem>>
      %dma_wait3A_134 = tpu.memref_squeeze %dma_wait3A_133 : memref<1x125xi32, #tpu.memory_space<vmem>> -> memref<125xi32, #tpu.memory_space<vmem>>
      %dma_wait3A_135 = arith.constant 0 : i32
      %dma_wait3A_136 = arith.constant 0 : i32
      %dma_wait3A_137 = tpu.memref_slice %arg16[%dma_wait3A_135, %dma_wait3A_136] : memref<10000x64xf32, #tpu.memory_space<vmem_shared>> -> memref<10000x64xf32, #tpu.memory_space<vmem_shared>>
      tpu.wait_indirect_dma semaphore(%run_scoped3A_125 : memref<!tpu.dma_semaphore, #tpu.memory_space<semaphore_mem>>) src(%arg12 : memref<125x64xf32, #tpu.memory_space<vmem>>) dst(%dma_wait3A_137 : memref<10000x64xf32, #tpu.memory_space<vmem_shared>>)
      tpu.yield
    }) : () -> ()
    %dma_wait3A_98 = arith.constant 0 : i32
    %dma_wait3A_99 = arith.constant 0 : i32
    %dma_wait3A_100 = tpu.memref_slice %arg2[%dma_wait3A_98, %dma_wait3A_99] : memref<10000x64xf32, #tpu.memory_space<hbm>> -> memref<125x64xf32, #tpu.memory_space<hbm>>
    %dma_wait3A_101 = arith.constant 0 : i32
    %dma_wait3A_102 = arith.constant 0 : i32
    %dma_wait3A_103 = tpu.memref_slice %arg2[%dma_wait3A_101, %dma_wait3A_102] : memref<10000x64xf32, #tpu.memory_space<hbm>> -> memref<125x64xf32, #tpu.memory_space<hbm>>
    tpu.wait_dma2 semaphore(%arg22 : memref<!tpu.dma_semaphore, #tpu.memory_space<semaphore_mem>>) src(%dma_wait3A_103 : memref<125x64xf32, #tpu.memory_space<hbm>>) dst(%arg13 : memref<125x64xf32, #tpu.memory_space<vmem>>)
    %run_scoped3A_104 = arith.constant 77 : i32
    "tpu.region"() ({
      %run_scoped3A_125 = tpu.sem_alloc : memref<!tpu.dma_semaphore, #tpu.memory_space<semaphore_mem>>
      %dma_start3A_126 = arith.constant 0 : i32
      %dma_start3A_127 = tpu.memref_slice %arg7[%run_scoped3A_104, %dma_start3A_126] : memref<80x125xi32, #tpu.memory_space<vmem>> -> memref<1x125xi32, #tpu.memory_space<vmem>>
      %dma_start3A_128 = tpu.memref_squeeze %dma_start3A_127 : memref<1x125xi32, #tpu.memory_space<vmem>> -> memref<125xi32, #tpu.memory_space<vmem>>
      %dma_start3A_129 = arith.constant 0 : i32
      %dma_start3A_130 = arith.constant 0 : i32
      %dma_start3A_131 = tpu.memref_slice %arg16[%dma_start3A_129, %dma_start3A_130] : memref<10000x64xf32, #tpu.memory_space<vmem_shared>> -> memref<10000x64xf32, #tpu.memory_space<vmem_shared>>
      tpu.enqueue_indirect_dma source(%arg13 : memref<125x64xf32, #tpu.memory_space<vmem>>) target(%dma_start3A_131 : memref<10000x64xf32, #tpu.memory_space<vmem_shared>>) offsets(%dma_start3A_128 : memref<125xi32, #tpu.memory_space<vmem>>) semaphore(%run_scoped3A_125 : memref<!tpu.dma_semaphore, #tpu.memory_space<semaphore_mem>>) {add = true}
      %dma_wait3A_132 = arith.constant 0 : i32
      %dma_wait3A_133 = tpu.memref_slice %arg7[%run_scoped3A_104, %dma_wait3A_132] : memref<80x125xi32, #tpu.memory_space<vmem>> -> memref<1x125xi32, #tpu.memory_space<vmem>>
      %dma_wait3A_134 = tpu.memref_squeeze %dma_wait3A_133 : memref<1x125xi32, #tpu.memory_space<vmem>> -> memref<125xi32, #tpu.memory_space<vmem>>
      %dma_wait3A_135 = arith.constant 0 : i32
      %dma_wait3A_136 = arith.constant 0 : i32
      %dma_wait3A_137 = tpu.memref_slice %arg16[%dma_wait3A_135, %dma_wait3A_136] : memref<10000x64xf32, #tpu.memory_space<vmem_shared>> -> memref<10000x64xf32, #tpu.memory_space<vmem_shared>>
      tpu.wait_indirect_dma semaphore(%run_scoped3A_125 : memref<!tpu.dma_semaphore, #tpu.memory_space<semaphore_mem>>) src(%arg13 : memref<125x64xf32, #tpu.memory_space<vmem>>) dst(%dma_wait3A_137 : memref<10000x64xf32, #tpu.memory_space<vmem_shared>>)
      tpu.yield
    }) : () -> ()
    %dma_wait3A_105 = arith.constant 0 : i32
    %dma_wait3A_106 = arith.constant 0 : i32
    %dma_wait3A_107 = tpu.memref_slice %arg2[%dma_wait3A_105, %dma_wait3A_106] : memref<10000x64xf32, #tpu.memory_space<hbm>> -> memref<125x64xf32, #tpu.memory_space<hbm>>
    %dma_wait3A_108 = arith.constant 0 : i32
    %dma_wait3A_109 = arith.constant 0 : i32
    %dma_wait3A_110 = tpu.memref_slice %arg2[%dma_wait3A_108, %dma_wait3A_109] : memref<10000x64xf32, #tpu.memory_space<hbm>> -> memref<125x64xf32, #tpu.memory_space<hbm>>
    tpu.wait_dma2 semaphore(%arg23 : memref<!tpu.dma_semaphore, #tpu.memory_space<semaphore_mem>>) src(%dma_wait3A_110 : memref<125x64xf32, #tpu.memory_space<hbm>>) dst(%arg14 : memref<125x64xf32, #tpu.memory_space<vmem>>)
    %run_scoped3A_111 = arith.constant 78 : i32
    "tpu.region"() ({
      %run_scoped3A_125 = tpu.sem_alloc : memref<!tpu.dma_semaphore, #tpu.memory_space<semaphore_mem>>
      %dma_start3A_126 = arith.constant 0 : i32
      %dma_start3A_127 = tpu.memref_slice %arg7[%run_scoped3A_111, %dma_start3A_126] : memref<80x125xi32, #tpu.memory_space<vmem>> -> memref<1x125xi32, #tpu.memory_space<vmem>>
      %dma_start3A_128 = tpu.memref_squeeze %dma_start3A_127 : memref<1x125xi32, #tpu.memory_space<vmem>> -> memref<125xi32, #tpu.memory_space<vmem>>
      %dma_start3A_129 = arith.constant 0 : i32
      %dma_start3A_130 = arith.constant 0 : i32
      %dma_start3A_131 = tpu.memref_slice %arg16[%dma_start3A_129, %dma_start3A_130] : memref<10000x64xf32, #tpu.memory_space<vmem_shared>> -> memref<10000x64xf32, #tpu.memory_space<vmem_shared>>
      tpu.enqueue_indirect_dma source(%arg14 : memref<125x64xf32, #tpu.memory_space<vmem>>) target(%dma_start3A_131 : memref<10000x64xf32, #tpu.memory_space<vmem_shared>>) offsets(%dma_start3A_128 : memref<125xi32, #tpu.memory_space<vmem>>) semaphore(%run_scoped3A_125 : memref<!tpu.dma_semaphore, #tpu.memory_space<semaphore_mem>>) {add = true}
      %dma_wait3A_132 = arith.constant 0 : i32
      %dma_wait3A_133 = tpu.memref_slice %arg7[%run_scoped3A_111, %dma_wait3A_132] : memref<80x125xi32, #tpu.memory_space<vmem>> -> memref<1x125xi32, #tpu.memory_space<vmem>>
      %dma_wait3A_134 = tpu.memref_squeeze %dma_wait3A_133 : memref<1x125xi32, #tpu.memory_space<vmem>> -> memref<125xi32, #tpu.memory_space<vmem>>
      %dma_wait3A_135 = arith.constant 0 : i32
      %dma_wait3A_136 = arith.constant 0 : i32
      %dma_wait3A_137 = tpu.memref_slice %arg16[%dma_wait3A_135, %dma_wait3A_136] : memref<10000x64xf32, #tpu.memory_space<vmem_shared>> -> memref<10000x64xf32, #tpu.memory_space<vmem_shared>>
      tpu.wait_indirect_dma semaphore(%run_scoped3A_125 : memref<!tpu.dma_semaphore, #tpu.memory_space<semaphore_mem>>) src(%arg14 : memref<125x64xf32, #tpu.memory_space<vmem>>) dst(%dma_wait3A_137 : memref<10000x64xf32, #tpu.memory_space<vmem_shared>>)
      tpu.yield
    }) : () -> ()
    %dma_wait3A_112 = arith.constant 0 : i32
    %dma_wait3A_113 = arith.constant 0 : i32
    %dma_wait3A_114 = tpu.memref_slice %arg2[%dma_wait3A_112, %dma_wait3A_113] : memref<10000x64xf32, #tpu.memory_space<hbm>> -> memref<125x64xf32, #tpu.memory_space<hbm>>
    %dma_wait3A_115 = arith.constant 0 : i32
    %dma_wait3A_116 = arith.constant 0 : i32
    %dma_wait3A_117 = tpu.memref_slice %arg2[%dma_wait3A_115, %dma_wait3A_116] : memref<10000x64xf32, #tpu.memory_space<hbm>> -> memref<125x64xf32, #tpu.memory_space<hbm>>
    tpu.wait_dma2 semaphore(%arg24 : memref<!tpu.dma_semaphore, #tpu.memory_space<semaphore_mem>>) src(%dma_wait3A_117 : memref<125x64xf32, #tpu.memory_space<hbm>>) dst(%arg15 : memref<125x64xf32, #tpu.memory_space<vmem>>)
    %run_scoped3A_118 = arith.constant 79 : i32
    "tpu.region"() ({
      %run_scoped3A_125 = tpu.sem_alloc : memref<!tpu.dma_semaphore, #tpu.memory_space<semaphore_mem>>
      %dma_start3A_126 = arith.constant 0 : i32
      %dma_start3A_127 = tpu.memref_slice %arg7[%run_scoped3A_118, %dma_start3A_126] : memref<80x125xi32, #tpu.memory_space<vmem>> -> memref<1x125xi32, #tpu.memory_space<vmem>>
      %dma_start3A_128 = tpu.memref_squeeze %dma_start3A_127 : memref<1x125xi32, #tpu.memory_space<vmem>> -> memref<125xi32, #tpu.memory_space<vmem>>
      %dma_start3A_129 = arith.constant 0 : i32
      %dma_start3A_130 = arith.constant 0 : i32
      %dma_start3A_131 = tpu.memref_slice %arg16[%dma_start3A_129, %dma_start3A_130] : memref<10000x64xf32, #tpu.memory_space<vmem_shared>> -> memref<10000x64xf32, #tpu.memory_space<vmem_shared>>
      tpu.enqueue_indirect_dma source(%arg15 : memref<125x64xf32, #tpu.memory_space<vmem>>) target(%dma_start3A_131 : memref<10000x64xf32, #tpu.memory_space<vmem_shared>>) offsets(%dma_start3A_128 : memref<125xi32, #tpu.memory_space<vmem>>) semaphore(%run_scoped3A_125 : memref<!tpu.dma_semaphore, #tpu.memory_space<semaphore_mem>>) {add = true}
      %dma_wait3A_132 = arith.constant 0 : i32
      %dma_wait3A_133 = tpu.memref_slice %arg7[%run_scoped3A_118, %dma_wait3A_132] : memref<80x125xi32, #tpu.memory_space<vmem>> -> memref<1x125xi32, #tpu.memory_space<vmem>>
      %dma_wait3A_134 = tpu.memref_squeeze %dma_wait3A_133 : memref<1x125xi32, #tpu.memory_space<vmem>> -> memref<125xi32, #tpu.memory_space<vmem>>
      %dma_wait3A_135 = arith.constant 0 : i32
      %dma_wait3A_136 = arith.constant 0 : i32
      %dma_wait3A_137 = tpu.memref_slice %arg16[%dma_wait3A_135, %dma_wait3A_136] : memref<10000x64xf32, #tpu.memory_space<vmem_shared>> -> memref<10000x64xf32, #tpu.memory_space<vmem_shared>>
      tpu.wait_indirect_dma semaphore(%run_scoped3A_125 : memref<!tpu.dma_semaphore, #tpu.memory_space<semaphore_mem>>) src(%arg15 : memref<125x64xf32, #tpu.memory_space<vmem>>) dst(%dma_wait3A_137 : memref<10000x64xf32, #tpu.memory_space<vmem_shared>>)
      tpu.yield
    }) : () -> ()
    %barrier3A_119 = arith.constant 0 : index
    tpu.barrier barrier_id(%barrier3A_119)
    "tpu.region"() ({
      %run_scoped3A_125 = tpu.sem_alloc : memref<!tpu.dma_semaphore, #tpu.memory_space<semaphore_mem>>
      %dma_start3A_126 = arith.constant 0 : i32
      %dma_start3A_127 = tpu.memref_slice %arg5[%arg0, %mul3A_2, %dma_start3A_126] : memref<2x10000x64xf32, #tpu.memory_space<hbm>> -> memref<1x624x64xf32, #tpu.memory_space<hbm>>
      %dma_start3A_128 = tpu.memref_squeeze %dma_start3A_127 : memref<1x624x64xf32, #tpu.memory_space<hbm>> -> memref<624x64xf32, #tpu.memory_space<hbm>>
      %dma_start3A_129 = arith.constant 0 : i32
      %dma_start3A_130 = tpu.memref_slice %arg16[%mul3A_2, %dma_start3A_129] : memref<10000x64xf32, #tpu.memory_space<vmem_shared>> -> memref<624x64xf32, #tpu.memory_space<vmem_shared>>
      tpu.enqueue_dma source(%dma_start3A_130 : memref<624x64xf32, #tpu.memory_space<vmem_shared>>) target(%dma_start3A_128 : memref<624x64xf32, #tpu.memory_space<hbm>>) target_semaphore(%run_scoped3A_125 : memref<!tpu.dma_semaphore, #tpu.memory_space<semaphore_mem>>)
      %dma_wait3A_131 = arith.constant 0 : i32
      %dma_wait3A_132 = tpu.memref_slice %arg5[%arg0, %mul3A_2, %dma_wait3A_131] : memref<2x10000x64xf32, #tpu.memory_space<hbm>> -> memref<1x624x64xf32, #tpu.memory_space<hbm>>
      %dma_wait3A_133 = tpu.memref_squeeze %dma_wait3A_132 : memref<1x624x64xf32, #tpu.memory_space<hbm>> -> memref<624x64xf32, #tpu.memory_space<hbm>>
      %dma_wait3A_134 = arith.constant 0 : i32
      %dma_wait3A_135 = tpu.memref_slice %arg16[%mul3A_2, %dma_wait3A_134] : memref<10000x64xf32, #tpu.memory_space<vmem_shared>> -> memref<624x64xf32, #tpu.memory_space<vmem_shared>>
      tpu.wait_dma2 semaphore(%run_scoped3A_125 : memref<!tpu.dma_semaphore, #tpu.memory_space<semaphore_mem>>) src(%dma_wait3A_135 : memref<624x64xf32, #tpu.memory_space<vmem_shared>>) dst(%dma_wait3A_133 : memref<624x64xf32, #tpu.memory_space<hbm>>)
      tpu.yield
    }) : () -> ()
    %eq3A_120 = arith.constant 0 : i32
    %eq3A_121 = arith.cmpi eq, %arg1, %eq3A_120 : i32
    %convert_element_type3A_122 = arith.extui %eq3A_121 : i1 to i32
    %cond3A_123 = arith.constant 0 : i32
    %cond3A_124 = arith.cmpi ne, %convert_element_type3A_122, %cond3A_123 : i32
    scf.if %cond3A_124 {
      "tpu.region"() ({
        %run_scoped3A_125 = tpu.sem_alloc : memref<!tpu.dma_semaphore, #tpu.memory_space<semaphore_mem>>
        %dma_start3A_126 = arith.constant 9984 : i32
        %dma_start3A_127 = arith.constant 0 : i32
        %dma_start3A_128 = tpu.memref_slice %arg5[%arg0, %dma_start3A_126, %dma_start3A_127] : memref<2x10000x64xf32, #tpu.memory_space<hbm>> -> memref<1x16x64xf32, #tpu.memory_space<hbm>>
        %dma_start3A_129 = tpu.memref_squeeze %dma_start3A_128 : memref<1x16x64xf32, #tpu.memory_space<hbm>> -> memref<16x64xf32, #tpu.memory_space<hbm>>
        %dma_start3A_130 = arith.constant 9984 : i32
        %dma_start3A_131 = arith.constant 0 : i32
        %dma_start3A_132 = tpu.memref_slice %arg16[%dma_start3A_130, %dma_start3A_131] : memref<10000x64xf32, #tpu.memory_space<vmem_shared>> -> memref<16x64xf32, #tpu.memory_space<vmem_shared>>
        tpu.enqueue_dma source(%dma_start3A_132 : memref<16x64xf32, #tpu.memory_space<vmem_shared>>) target(%dma_start3A_129 : memref<16x64xf32, #tpu.memory_space<hbm>>) target_semaphore(%run_scoped3A_125 : memref<!tpu.dma_semaphore, #tpu.memory_space<semaphore_mem>>)
        %dma_wait3A_133 = arith.constant 9984 : i32
        %dma_wait3A_134 = arith.constant 0 : i32
        %dma_wait3A_135 = tpu.memref_slice %arg5[%arg0, %dma_wait3A_133, %dma_wait3A_134] : memref<2x10000x64xf32, #tpu.memory_space<hbm>> -> memref<1x16x64xf32, #tpu.memory_space<hbm>>
        %dma_wait3A_136 = tpu.memref_squeeze %dma_wait3A_135 : memref<1x16x64xf32, #tpu.memory_space<hbm>> -> memref<16x64xf32, #tpu.memory_space<hbm>>
        %dma_wait3A_137 = arith.constant 9984 : i32
        %dma_wait3A_138 = arith.constant 0 : i32
        %dma_wait3A_139 = tpu.memref_slice %arg16[%dma_wait3A_137, %dma_wait3A_138] : memref<10000x64xf32, #tpu.memory_space<vmem_shared>> -> memref<16x64xf32, #tpu.memory_space<vmem_shared>>
        tpu.wait_dma2 semaphore(%run_scoped3A_125 : memref<!tpu.dma_semaphore, #tpu.memory_space<semaphore_mem>>) src(%dma_wait3A_139 : memref<16x64xf32, #tpu.memory_space<vmem_shared>>) dst(%dma_wait3A_136 : memref<16x64xf32, #tpu.memory_space<hbm>>)
        tpu.yield
      }) : () -> ()
    } else {
    }
    return
  }
}

#map = affine_map<(d0, d1) -> (0, 0)>
#map1 = affine_map<(d0, d1) -> (0, 0, 0)>
module attributes {stable_mosaic.version = 14 : i64} {
  func.func @k(%arg0: i32, %arg1: i32, %arg2: memref<10000x64xf32, #tpu.memory_space<hbm>>, %arg3: memref<32x80x125xi32, #tpu.memory_space<hbm>>, %arg4: memref<32x80x125xi32, #tpu.memory_space<hbm>>, %arg5: memref<2x10000x64xf32, #tpu.memory_space<hbm>>, %arg6: memref<80x125xi32, #tpu.memory_space<vmem>>, %arg7: memref<80x125xi32, #tpu.memory_space<vmem>>, %arg8: memref<125x64xf32, #tpu.memory_space<vmem>>, %arg9: memref<125x64xf32, #tpu.memory_space<vmem>>, %arg10: memref<125x64xf32, #tpu.memory_space<vmem>>, %arg11: memref<125x64xf32, #tpu.memory_space<vmem>>, %arg12: memref<125x64xf32, #tpu.memory_space<vmem>>, %arg13: memref<125x64xf32, #tpu.memory_space<vmem>>, %arg14: memref<125x64xf32, #tpu.memory_space<vmem>>, %arg15: memref<125x64xf32, #tpu.memory_space<vmem>>, %arg16: memref<10000x64xf32, #tpu.memory_space<vmem_shared>>, %arg17: memref<!tpu.dma_semaphore, #tpu.memory_space<semaphore_mem>>, %arg18: memref<!tpu.dma_semaphore, #tpu.memory_space<semaphore_mem>>, %arg19: memref<!tpu.dma_semaphore, #tpu.memory_space<semaphore_mem>>, %arg20: memref<!tpu.dma_semaphore, #tpu.memory_space<semaphore_mem>>, %arg21: memref<!tpu.dma_semaphore, #tpu.memory_space<semaphore_mem>>, %arg22: memref<!tpu.dma_semaphore, #tpu.memory_space<semaphore_mem>>, %arg23: memref<!tpu.dma_semaphore, #tpu.memory_space<semaphore_mem>>, %arg24: memref<!tpu.dma_semaphore, #tpu.memory_space<semaphore_mem>>) attributes {dimension_semantics = [#tpu.dimension_semantics<core_parallel>, #tpu.dimension_semantics<subcore_parallel>], iteration_bounds = array<i64: 2, 16>, scalar_prefetch = 0 : i64, scratch_operands = 19 : i64, tpu.core_type = #tpu.core_type<sc_vector_subcore>, window_params = [{transform_indices = #map}, {transform_indices = #map1}, {transform_indices = #map1}, {transform_indices = #map1}]} {
    %mul3A = arith.constant 2 : i32
    %mul3A_0 = arith.muli %arg1, %mul3A : i32
    %add3A = arith.addi %mul3A_0, %arg0 : i32
    %mul3A_1 = arith.constant 624 : i32
    %mul3A_2 = arith.muli %arg1, %mul3A_1 : i32
    "tpu.region"() ({
      %run_scoped3A_125 = tpu.sem_alloc : memref<!tpu.dma_semaphore, #tpu.memory_space<semaphore_mem>>
      %dma_start3A_126 = arith.constant 0 : i32
      %dma_start3A_127 = tpu.memref_slice %arg16[%mul3A_2, %dma_start3A_126] : memref<10000x64xf32, #tpu.memory_space<vmem_shared>> -> memref<624x64xf32, #tpu.memory_space<vmem_shared>>
      %dma_start3A_128 = arith.constant 0 : i32
      %dma_start3A_129 = tpu.memref_slice %arg2[%mul3A_2, %dma_start3A_128] : memref<10000x64xf32, #tpu.memory_space<hbm>> -> memref<624x64xf32, #tpu.memory_space<hbm>>
      tpu.enqueue_dma source(%dma_start3A_129 : memref<624x64xf32, #tpu.memory_space<hbm>>) target(%dma_start3A_127 : memref<624x64xf32, #tpu.memory_space<vmem_shared>>) target_semaphore(%run_scoped3A_125 : memref<!tpu.dma_semaphore, #tpu.memory_space<semaphore_mem>>)
      %dma_wait3A_130 = arith.constant 0 : i32
      %dma_wait3A_131 = tpu.memref_slice %arg16[%mul3A_2, %dma_wait3A_130] : memref<10000x64xf32, #tpu.memory_space<vmem_shared>> -> memref<624x64xf32, #tpu.memory_space<vmem_shared>>
      %dma_wait3A_132 = arith.constant 0 : i32
      %dma_wait3A_133 = tpu.memref_slice %arg2[%mul3A_2, %dma_wait3A_132] : memref<10000x64xf32, #tpu.memory_space<hbm>> -> memref<624x64xf32, #tpu.memory_space<hbm>>
      tpu.wait_dma2 semaphore(%run_scoped3A_125 : memref<!tpu.dma_semaphore, #tpu.memory_space<semaphore_mem>>) src(%dma_wait3A_133 : memref<624x64xf32, #tpu.memory_space<hbm>>) dst(%dma_wait3A_131 : memref<624x64xf32, #tpu.memory_space<vmem_shared>>)
      tpu.yield
    }) : () -> ()
    %eq3A = arith.constant 0 : i32
    %eq3A_3 = arith.cmpi eq, %arg1, %eq3A : i32
    %convert_element_type3A = arith.extui %eq3A_3 : i1 to i32
    %cond3A = arith.constant 0 : i32
    %cond3A_4 = arith.cmpi ne, %convert_element_type3A, %cond3A : i32
    scf.if %cond3A_4 {
      "tpu.region"() ({
        %run_scoped3A_125 = tpu.sem_alloc : memref<!tpu.dma_semaphore, #tpu.memory_space<semaphore_mem>>
        %dma_start3A_126 = arith.constant 9984 : i32
        %dma_start3A_127 = arith.constant 0 : i32
        %dma_start3A_128 = tpu.memref_slice %arg16[%dma_start3A_126, %dma_start3A_127] : memref<10000x64xf32, #tpu.memory_space<vmem_shared>> -> memref<16x64xf32, #tpu.memory_space<vmem_shared>>
        %dma_start3A_129 = arith.constant 9984 : i32
        %dma_start3A_130 = arith.constant 0 : i32
        %dma_start3A_131 = tpu.memref_slice %arg2[%dma_start3A_129, %dma_start3A_130] : memref<10000x64xf32, #tpu.memory_space<hbm>> -> memref<16x64xf32, #tpu.memory_space<hbm>>
        tpu.enqueue_dma source(%dma_start3A_131 : memref<16x64xf32, #tpu.memory_space<hbm>>) target(%dma_start3A_128 : memref<16x64xf32, #tpu.memory_space<vmem_shared>>) target_semaphore(%run_scoped3A_125 : memref<!tpu.dma_semaphore, #tpu.memory_space<semaphore_mem>>)
        %dma_wait3A_132 = arith.constant 9984 : i32
        %dma_wait3A_133 = arith.constant 0 : i32
        %dma_wait3A_134 = tpu.memref_slice %arg16[%dma_wait3A_132, %dma_wait3A_133] : memref<10000x64xf32, #tpu.memory_space<vmem_shared>> -> memref<16x64xf32, #tpu.memory_space<vmem_shared>>
        %dma_wait3A_135 = arith.constant 9984 : i32
        %dma_wait3A_136 = arith.constant 0 : i32
        %dma_wait3A_137 = tpu.memref_slice %arg2[%dma_wait3A_135, %dma_wait3A_136] : memref<10000x64xf32, #tpu.memory_space<hbm>> -> memref<16x64xf32, #tpu.memory_space<hbm>>
        tpu.wait_dma2 semaphore(%run_scoped3A_125 : memref<!tpu.dma_semaphore, #tpu.memory_space<semaphore_mem>>) src(%dma_wait3A_137 : memref<16x64xf32, #tpu.memory_space<hbm>>) dst(%dma_wait3A_134 : memref<16x64xf32, #tpu.memory_space<vmem_shared>>)
        tpu.yield
      }) : () -> ()
    } else {
    }
    "tpu.region"() ({
      %run_scoped3A_125 = tpu.sem_alloc : memref<!tpu.dma_semaphore, #tpu.memory_space<semaphore_mem>>
      %dma_start3A_126 = arith.constant 0 : i32
      %dma_start3A_127 = arith.constant 0 : i32
      %dma_start3A_128 = tpu.memref_slice %arg3[%add3A, %dma_start3A_126, %dma_start3A_127] : memref<32x80x125xi32, #tpu.memory_space<hbm>> -> memref<1x80x125xi32, #tpu.memory_space<hbm>>
      %dma_start3A_129 = tpu.memref_squeeze %dma_start3A_128 : memref<1x80x125xi32, #tpu.memory_space<hbm>> -> memref<80x125xi32, #tpu.memory_space<hbm>>
      %dma_start3A_130 = arith.constant 0 : i32
      %dma_start3A_131 = arith.constant 0 : i32
      %dma_start3A_132 = tpu.memref_slice %arg3[%add3A, %dma_start3A_130, %dma_start3A_131] : memref<32x80x125xi32, #tpu.memory_space<hbm>> -> memref<1x80x125xi32, #tpu.memory_space<hbm>>
      %dma_start3A_133 = tpu.memref_squeeze %dma_start3A_132 : memref<1x80x125xi32, #tpu.memory_space<hbm>> -> memref<80x125xi32, #tpu.memory_space<hbm>>
      tpu.enqueue_dma source(%dma_start3A_133 : memref<80x125xi32, #tpu.memory_space<hbm>>) target(%arg6 : memref<80x125xi32, #tpu.memory_space<vmem>>) target_semaphore(%run_scoped3A_125 : memref<!tpu.dma_semaphore, #tpu.memory_space<semaphore_mem>>)
      %dma_wait3A_134 = arith.constant 0 : i32
      %dma_wait3A_135 = arith.constant 0 : i32
      %dma_wait3A_136 = tpu.memref_slice %arg3[%add3A, %dma_wait3A_134, %dma_wait3A_135] : memref<32x80x125xi32, #tpu.memory_space<hbm>> -> memref<1x80x125xi32, #tpu.memory_space<hbm>>
      %dma_wait3A_137 = tpu.memref_squeeze %dma_wait3A_136 : memref<1x80x125xi32, #tpu.memory_space<hbm>> -> memref<80x125xi32, #tpu.memory_space<hbm>>
      %dma_wait3A_138 = arith.constant 0 : i32
      %dma_wait3A_139 = arith.constant 0 : i32
      %dma_wait3A_140 = tpu.memref_slice %arg3[%add3A, %dma_wait3A_138, %dma_wait3A_139] : memref<32x80x125xi32, #tpu.memory_space<hbm>> -> memref<1x80x125xi32, #tpu.memory_space<hbm>>
      %dma_wait3A_141 = tpu.memref_squeeze %dma_wait3A_140 : memref<1x80x125xi32, #tpu.memory_space<hbm>> -> memref<80x125xi32, #tpu.memory_space<hbm>>
      tpu.wait_dma2 semaphore(%run_scoped3A_125 : memref<!tpu.dma_semaphore, #tpu.memory_space<semaphore_mem>>) src(%dma_wait3A_141 : memref<80x125xi32, #tpu.memory_space<hbm>>) dst(%arg6 : memref<80x125xi32, #tpu.memory_space<vmem>>)
      tpu.yield
    }) : () -> ()
    "tpu.region"() ({
      %run_scoped3A_125 = tpu.sem_alloc : memref<!tpu.dma_semaphore, #tpu.memory_space<semaphore_mem>>
      %dma_start3A_126 = arith.constant 0 : i32
      %dma_start3A_127 = arith.constant 0 : i32
      %dma_start3A_128 = tpu.memref_slice %arg4[%add3A, %dma_start3A_126, %dma_start3A_127] : memref<32x80x125xi32, #tpu.memory_space<hbm>> -> memref<1x80x125xi32, #tpu.memory_space<hbm>>
      %dma_start3A_129 = tpu.memref_squeeze %dma_start3A_128 : memref<1x80x125xi32, #tpu.memory_space<hbm>> -> memref<80x125xi32, #tpu.memory_space<hbm>>
      %dma_start3A_130 = arith.constant 0 : i32
      %dma_start3A_131 = arith.constant 0 : i32
      %dma_start3A_132 = tpu.memref_slice %arg4[%add3A, %dma_start3A_130, %dma_start3A_131] : memref<32x80x125xi32, #tpu.memory_space<hbm>> -> memref<1x80x125xi32, #tpu.memory_space<hbm>>
      %dma_start3A_133 = tpu.memref_squeeze %dma_start3A_132 : memref<1x80x125xi32, #tpu.memory_space<hbm>> -> memref<80x125xi32, #tpu.memory_space<hbm>>
      tpu.enqueue_dma source(%dma_start3A_133 : memref<80x125xi32, #tpu.memory_space<hbm>>) target(%arg7 : memref<80x125xi32, #tpu.memory_space<vmem>>) target_semaphore(%run_scoped3A_125 : memref<!tpu.dma_semaphore, #tpu.memory_space<semaphore_mem>>)
      %dma_wait3A_134 = arith.constant 0 : i32
      %dma_wait3A_135 = arith.constant 0 : i32
      %dma_wait3A_136 = tpu.memref_slice %arg4[%add3A, %dma_wait3A_134, %dma_wait3A_135] : memref<32x80x125xi32, #tpu.memory_space<hbm>> -> memref<1x80x125xi32, #tpu.memory_space<hbm>>
      %dma_wait3A_137 = tpu.memref_squeeze %dma_wait3A_136 : memref<1x80x125xi32, #tpu.memory_space<hbm>> -> memref<80x125xi32, #tpu.memory_space<hbm>>
      %dma_wait3A_138 = arith.constant 0 : i32
      %dma_wait3A_139 = arith.constant 0 : i32
      %dma_wait3A_140 = tpu.memref_slice %arg4[%add3A, %dma_wait3A_138, %dma_wait3A_139] : memref<32x80x125xi32, #tpu.memory_space<hbm>> -> memref<1x80x125xi32, #tpu.memory_space<hbm>>
      %dma_wait3A_141 = tpu.memref_squeeze %dma_wait3A_140 : memref<1x80x125xi32, #tpu.memory_space<hbm>> -> memref<80x125xi32, #tpu.memory_space<hbm>>
      tpu.wait_dma2 semaphore(%run_scoped3A_125 : memref<!tpu.dma_semaphore, #tpu.memory_space<semaphore_mem>>) src(%dma_wait3A_141 : memref<80x125xi32, #tpu.memory_space<hbm>>) dst(%arg7 : memref<80x125xi32, #tpu.memory_space<vmem>>)
      tpu.yield
    }) : () -> ()
    %barrier3A = arith.constant 0 : index
    tpu.barrier barrier_id(%barrier3A)
    %dma_start3A = arith.constant 0 : i32
    %dma_start3A_5 = arith.constant 0 : i32
    %dma_start3A_6 = tpu.memref_slice %arg6[%dma_start3A, %dma_start3A_5] : memref<80x125xi32, #tpu.memory_space<vmem>> -> memref<1x125xi32, #tpu.memory_space<vmem>>
    %dma_start3A_7 = tpu.memref_squeeze %dma_start3A_6 : memref<1x125xi32, #tpu.memory_space<vmem>> -> memref<125xi32, #tpu.memory_space<vmem>>
    %dma_start3A_8 = arith.constant 0 : i32
    %dma_start3A_9 = arith.constant 0 : i32
    %dma_start3A_10 = tpu.memref_slice %arg2[%dma_start3A_8, %dma_start3A_9] : memref<10000x64xf32, #tpu.memory_space<hbm>> -> memref<10000x64xf32, #tpu.memory_space<hbm>>
    tpu.enqueue_indirect_dma source(%dma_start3A_10 : memref<10000x64xf32, #tpu.memory_space<hbm>>) target(%arg8 : memref<125x64xf32, #tpu.memory_space<vmem>>) offsets(%dma_start3A_7 : memref<125xi32, #tpu.memory_space<vmem>>) semaphore(%arg17 : memref<!tpu.dma_semaphore, #tpu.memory_space<semaphore_mem>>)
    %dma_start3A_11 = arith.constant 1 : i32
    %dma_start3A_12 = arith.constant 0 : i32
    %dma_start3A_13 = tpu.memref_slice %arg6[%dma_start3A_11, %dma_start3A_12] : memref<80x125xi32, #tpu.memory_space<vmem>> -> memref<1x125xi32, #tpu.memory_space<vmem>>
    %dma_start3A_14 = tpu.memref_squeeze %dma_start3A_13 : memref<1x125xi32, #tpu.memory_space<vmem>> -> memref<125xi32, #tpu.memory_space<vmem>>
    %dma_start3A_15 = arith.constant 0 : i32
    %dma_start3A_16 = arith.constant 0 : i32
    %dma_start3A_17 = tpu.memref_slice %arg2[%dma_start3A_15, %dma_start3A_16] : memref<10000x64xf32, #tpu.memory_space<hbm>> -> memref<10000x64xf32, #tpu.memory_space<hbm>>
    tpu.enqueue_indirect_dma source(%dma_start3A_17 : memref<10000x64xf32, #tpu.memory_space<hbm>>) target(%arg9 : memref<125x64xf32, #tpu.memory_space<vmem>>) offsets(%dma_start3A_14 : memref<125xi32, #tpu.memory_space<vmem>>) semaphore(%arg18 : memref<!tpu.dma_semaphore, #tpu.memory_space<semaphore_mem>>)
    %dma_start3A_18 = arith.constant 2 : i32
    %dma_start3A_19 = arith.constant 0 : i32
    %dma_start3A_20 = tpu.memref_slice %arg6[%dma_start3A_18, %dma_start3A_19] : memref<80x125xi32, #tpu.memory_space<vmem>> -> memref<1x125xi32, #tpu.memory_space<vmem>>
    %dma_start3A_21 = tpu.memref_squeeze %dma_start3A_20 : memref<1x125xi32, #tpu.memory_space<vmem>> -> memref<125xi32, #tpu.memory_space<vmem>>
    %dma_start3A_22 = arith.constant 0 : i32
    %dma_start3A_23 = arith.constant 0 : i32
    %dma_start3A_24 = tpu.memref_slice %arg2[%dma_start3A_22, %dma_start3A_23] : memref<10000x64xf32, #tpu.memory_space<hbm>> -> memref<10000x64xf32, #tpu.memory_space<hbm>>
    tpu.enqueue_indirect_dma source(%dma_start3A_24 : memref<10000x64xf32, #tpu.memory_space<hbm>>) target(%arg10 : memref<125x64xf32, #tpu.memory_space<vmem>>) offsets(%dma_start3A_21 : memref<125xi32, #tpu.memory_space<vmem>>) semaphore(%arg19 : memref<!tpu.dma_semaphore, #tpu.memory_space<semaphore_mem>>)
    %dma_start3A_25 = arith.constant 3 : i32
    %dma_start3A_26 = arith.constant 0 : i32
    %dma_start3A_27 = tpu.memref_slice %arg6[%dma_start3A_25, %dma_start3A_26] : memref<80x125xi32, #tpu.memory_space<vmem>> -> memref<1x125xi32, #tpu.memory_space<vmem>>
    %dma_start3A_28 = tpu.memref_squeeze %dma_start3A_27 : memref<1x125xi32, #tpu.memory_space<vmem>> -> memref<125xi32, #tpu.memory_space<vmem>>
    %dma_start3A_29 = arith.constant 0 : i32
    %dma_start3A_30 = arith.constant 0 : i32
    %dma_start3A_31 = tpu.memref_slice %arg2[%dma_start3A_29, %dma_start3A_30] : memref<10000x64xf32, #tpu.memory_space<hbm>> -> memref<10000x64xf32, #tpu.memory_space<hbm>>
    tpu.enqueue_indirect_dma source(%dma_start3A_31 : memref<10000x64xf32, #tpu.memory_space<hbm>>) target(%arg11 : memref<125x64xf32, #tpu.memory_space<vmem>>) offsets(%dma_start3A_28 : memref<125xi32, #tpu.memory_space<vmem>>) semaphore(%arg20 : memref<!tpu.dma_semaphore, #tpu.memory_space<semaphore_mem>>)
    %dma_start3A_32 = arith.constant 4 : i32
    %dma_start3A_33 = arith.constant 0 : i32
    %dma_start3A_34 = tpu.memref_slice %arg6[%dma_start3A_32, %dma_start3A_33] : memref<80x125xi32, #tpu.memory_space<vmem>> -> memref<1x125xi32, #tpu.memory_space<vmem>>
    %dma_start3A_35 = tpu.memref_squeeze %dma_start3A_34 : memref<1x125xi32, #tpu.memory_space<vmem>> -> memref<125xi32, #tpu.memory_space<vmem>>
    %dma_start3A_36 = arith.constant 0 : i32
    %dma_start3A_37 = arith.constant 0 : i32
    %dma_start3A_38 = tpu.memref_slice %arg2[%dma_start3A_36, %dma_start3A_37] : memref<10000x64xf32, #tpu.memory_space<hbm>> -> memref<10000x64xf32, #tpu.memory_space<hbm>>
    tpu.enqueue_indirect_dma source(%dma_start3A_38 : memref<10000x64xf32, #tpu.memory_space<hbm>>) target(%arg12 : memref<125x64xf32, #tpu.memory_space<vmem>>) offsets(%dma_start3A_35 : memref<125xi32, #tpu.memory_space<vmem>>) semaphore(%arg21 : memref<!tpu.dma_semaphore, #tpu.memory_space<semaphore_mem>>)
    %dma_start3A_39 = arith.constant 5 : i32
    %dma_start3A_40 = arith.constant 0 : i32
    %dma_start3A_41 = tpu.memref_slice %arg6[%dma_start3A_39, %dma_start3A_40] : memref<80x125xi32, #tpu.memory_space<vmem>> -> memref<1x125xi32, #tpu.memory_space<vmem>>
    %dma_start3A_42 = tpu.memref_squeeze %dma_start3A_41 : memref<1x125xi32, #tpu.memory_space<vmem>> -> memref<125xi32, #tpu.memory_space<vmem>>
    %dma_start3A_43 = arith.constant 0 : i32
    %dma_start3A_44 = arith.constant 0 : i32
    %dma_start3A_45 = tpu.memref_slice %arg2[%dma_start3A_43, %dma_start3A_44] : memref<10000x64xf32, #tpu.memory_space<hbm>> -> memref<10000x64xf32, #tpu.memory_space<hbm>>
    tpu.enqueue_indirect_dma source(%dma_start3A_45 : memref<10000x64xf32, #tpu.memory_space<hbm>>) target(%arg13 : memref<125x64xf32, #tpu.memory_space<vmem>>) offsets(%dma_start3A_42 : memref<125xi32, #tpu.memory_space<vmem>>) semaphore(%arg22 : memref<!tpu.dma_semaphore, #tpu.memory_space<semaphore_mem>>)
    %dma_start3A_46 = arith.constant 6 : i32
    %dma_start3A_47 = arith.constant 0 : i32
    %dma_start3A_48 = tpu.memref_slice %arg6[%dma_start3A_46, %dma_start3A_47] : memref<80x125xi32, #tpu.memory_space<vmem>> -> memref<1x125xi32, #tpu.memory_space<vmem>>
    %dma_start3A_49 = tpu.memref_squeeze %dma_start3A_48 : memref<1x125xi32, #tpu.memory_space<vmem>> -> memref<125xi32, #tpu.memory_space<vmem>>
    %dma_start3A_50 = arith.constant 0 : i32
    %dma_start3A_51 = arith.constant 0 : i32
    %dma_start3A_52 = tpu.memref_slice %arg2[%dma_start3A_50, %dma_start3A_51] : memref<10000x64xf32, #tpu.memory_space<hbm>> -> memref<10000x64xf32, #tpu.memory_space<hbm>>
    tpu.enqueue_indirect_dma source(%dma_start3A_52 : memref<10000x64xf32, #tpu.memory_space<hbm>>) target(%arg14 : memref<125x64xf32, #tpu.memory_space<vmem>>) offsets(%dma_start3A_49 : memref<125xi32, #tpu.memory_space<vmem>>) semaphore(%arg23 : memref<!tpu.dma_semaphore, #tpu.memory_space<semaphore_mem>>)
    %dma_start3A_53 = arith.constant 7 : i32
    %dma_start3A_54 = arith.constant 0 : i32
    %dma_start3A_55 = tpu.memref_slice %arg6[%dma_start3A_53, %dma_start3A_54] : memref<80x125xi32, #tpu.memory_space<vmem>> -> memref<1x125xi32, #tpu.memory_space<vmem>>
    %dma_start3A_56 = tpu.memref_squeeze %dma_start3A_55 : memref<1x125xi32, #tpu.memory_space<vmem>> -> memref<125xi32, #tpu.memory_space<vmem>>
    %dma_start3A_57 = arith.constant 0 : i32
    %dma_start3A_58 = arith.constant 0 : i32
    %dma_start3A_59 = tpu.memref_slice %arg2[%dma_start3A_57, %dma_start3A_58] : memref<10000x64xf32, #tpu.memory_space<hbm>> -> memref<10000x64xf32, #tpu.memory_space<hbm>>
    tpu.enqueue_indirect_dma source(%dma_start3A_59 : memref<10000x64xf32, #tpu.memory_space<hbm>>) target(%arg15 : memref<125x64xf32, #tpu.memory_space<vmem>>) offsets(%dma_start3A_56 : memref<125xi32, #tpu.memory_space<vmem>>) semaphore(%arg24 : memref<!tpu.dma_semaphore, #tpu.memory_space<semaphore_mem>>)
    %scan3A = arith.constant 0 : i32
    %scan3A_60 = arith.constant 0 : i32
    %scan3A_61 = arith.constant 9 : i32
    %scan3A_62 = arith.addi %scan3A_60, %scan3A_61 : i32
    %scan3A_63 = arith.constant 1 : i32
    scf.for %scan3A_125 = %scan3A_60 to %scan3A_62 step %scan3A_63  : i32 {
      %mul3A_126 = arith.constant 8 : i32
      %mul3A_127 = arith.muli %scan3A_125, %mul3A_126 : i32
      %add3A_128 = arith.constant 0 : i32
      %add3A_129 = arith.addi %mul3A_127, %add3A_128 : i32
      %dma_wait3A_130 = arith.constant 0 : i32
      %dma_wait3A_131 = arith.constant 0 : i32
      %dma_wait3A_132 = tpu.memref_slice %arg2[%dma_wait3A_130, %dma_wait3A_131] : memref<10000x64xf32, #tpu.memory_space<hbm>> -> memref<125x64xf32, #tpu.memory_space<hbm>>
      %dma_wait3A_133 = arith.constant 0 : i32
      %dma_wait3A_134 = arith.constant 0 : i32
      %dma_wait3A_135 = tpu.memref_slice %arg2[%dma_wait3A_133, %dma_wait3A_134] : memref<10000x64xf32, #tpu.memory_space<hbm>> -> memref<125x64xf32, #tpu.memory_space<hbm>>
      tpu.wait_dma2 semaphore(%arg17 : memref<!tpu.dma_semaphore, #tpu.memory_space<semaphore_mem>>) src(%dma_wait3A_135 : memref<125x64xf32, #tpu.memory_space<hbm>>) dst(%arg8 : memref<125x64xf32, #tpu.memory_space<vmem>>)
      "tpu.region"() ({
        %run_scoped3A_256 = tpu.sem_alloc : memref<!tpu.dma_semaphore, #tpu.memory_space<semaphore_mem>>
        %dma_start3A_257 = arith.constant 0 : i32
        %dma_start3A_258 = tpu.memref_slice %arg7[%add3A_129, %dma_start3A_257] : memref<80x125xi32, #tpu.memory_space<vmem>> -> memref<1x125xi32, #tpu.memory_space<vmem>>
        %dma_start3A_259 = tpu.memref_squeeze %dma_start3A_258 : memref<1x125xi32, #tpu.memory_space<vmem>> -> memref<125xi32, #tpu.memory_space<vmem>>
        %dma_start3A_260 = arith.constant 0 : i32
        %dma_start3A_261 = arith.constant 0 : i32
        %dma_start3A_262 = tpu.memref_slice %arg16[%dma_start3A_260, %dma_start3A_261] : memref<10000x64xf32, #tpu.memory_space<vmem_shared>> -> memref<10000x64xf32, #tpu.memory_space<vmem_shared>>
        tpu.enqueue_indirect_dma source(%arg8 : memref<125x64xf32, #tpu.memory_space<vmem>>) target(%dma_start3A_262 : memref<10000x64xf32, #tpu.memory_space<vmem_shared>>) offsets(%dma_start3A_259 : memref<125xi32, #tpu.memory_space<vmem>>) semaphore(%run_scoped3A_256 : memref<!tpu.dma_semaphore, #tpu.memory_space<semaphore_mem>>) {add = true}
        %dma_wait3A_263 = arith.constant 0 : i32
        %dma_wait3A_264 = tpu.memref_slice %arg7[%add3A_129, %dma_wait3A_263] : memref<80x125xi32, #tpu.memory_space<vmem>> -> memref<1x125xi32, #tpu.memory_space<vmem>>
        %dma_wait3A_265 = tpu.memref_squeeze %dma_wait3A_264 : memref<1x125xi32, #tpu.memory_space<vmem>> -> memref<125xi32, #tpu.memory_space<vmem>>
        %dma_wait3A_266 = arith.constant 0 : i32
        %dma_wait3A_267 = arith.constant 0 : i32
        %dma_wait3A_268 = tpu.memref_slice %arg16[%dma_wait3A_266, %dma_wait3A_267] : memref<10000x64xf32, #tpu.memory_space<vmem_shared>> -> memref<10000x64xf32, #tpu.memory_space<vmem_shared>>
        tpu.wait_indirect_dma semaphore(%run_scoped3A_256 : memref<!tpu.dma_semaphore, #tpu.memory_space<semaphore_mem>>) src(%arg8 : memref<125x64xf32, #tpu.memory_space<vmem>>) dst(%dma_wait3A_268 : memref<10000x64xf32, #tpu.memory_space<vmem_shared>>)
        tpu.yield
      }) : () -> ()
      %add3A_136 = arith.constant 8 : i32
      %add3A_137 = arith.addi %add3A_129, %add3A_136 : i32
      %dma_start3A_138 = arith.constant 0 : i32
      %dma_start3A_139 = tpu.memref_slice %arg6[%add3A_137, %dma_start3A_138] : memref<80x125xi32, #tpu.memory_space<vmem>> -> memref<1x125xi32, #tpu.memory_space<vmem>>
      %dma_start3A_140 = tpu.memref_squeeze %dma_start3A_139 : memref<1x125xi32, #tpu.memory_space<vmem>> -> memref<125xi32, #tpu.memory_space<vmem>>
      %dma_start3A_141 = arith.constant 0 : i32
      %dma_start3A_142 = arith.constant 0 : i32
      %dma_start3A_143 = tpu.memref_slice %arg2[%dma_start3A_141, %dma_start3A_142] : memref<10000x64xf32, #tpu.memory_space<hbm>> -> memref<10000x64xf32, #tpu.memory_space<hbm>>
      tpu.enqueue_indirect_dma source(%dma_start3A_143 : memref<10000x64xf32, #tpu.memory_space<hbm>>) target(%arg8 : memref<125x64xf32, #tpu.memory_space<vmem>>) offsets(%dma_start3A_140 : memref<125xi32, #tpu.memory_space<vmem>>) semaphore(%arg17 : memref<!tpu.dma_semaphore, #tpu.memory_space<semaphore_mem>>)
      %add3A_144 = arith.constant 1 : i32
      %add3A_145 = arith.addi %mul3A_127, %add3A_144 : i32
      %dma_wait3A_146 = arith.constant 0 : i32
      %dma_wait3A_147 = arith.constant 0 : i32
      %dma_wait3A_148 = tpu.memref_slice %arg2[%dma_wait3A_146, %dma_wait3A_147] : memref<10000x64xf32, #tpu.memory_space<hbm>> -> memref<125x64xf32, #tpu.memory_space<hbm>>
      %dma_wait3A_149 = arith.constant 0 : i32
      %dma_wait3A_150 = arith.constant 0 : i32
      %dma_wait3A_151 = tpu.memref_slice %arg2[%dma_wait3A_149, %dma_wait3A_150] : memref<10000x64xf32, #tpu.memory_space<hbm>> -> memref<125x64xf32, #tpu.memory_space<hbm>>
      tpu.wait_dma2 semaphore(%arg18 : memref<!tpu.dma_semaphore, #tpu.memory_space<semaphore_mem>>) src(%dma_wait3A_151 : memref<125x64xf32, #tpu.memory_space<hbm>>) dst(%arg9 : memref<125x64xf32, #tpu.memory_space<vmem>>)
      "tpu.region"() ({
        %run_scoped3A_256 = tpu.sem_alloc : memref<!tpu.dma_semaphore, #tpu.memory_space<semaphore_mem>>
        %dma_start3A_257 = arith.constant 0 : i32
        %dma_start3A_258 = tpu.memref_slice %arg7[%add3A_145, %dma_start3A_257] : memref<80x125xi32, #tpu.memory_space<vmem>> -> memref<1x125xi32, #tpu.memory_space<vmem>>
        %dma_start3A_259 = tpu.memref_squeeze %dma_start3A_258 : memref<1x125xi32, #tpu.memory_space<vmem>> -> memref<125xi32, #tpu.memory_space<vmem>>
        %dma_start3A_260 = arith.constant 0 : i32
        %dma_start3A_261 = arith.constant 0 : i32
        %dma_start3A_262 = tpu.memref_slice %arg16[%dma_start3A_260, %dma_start3A_261] : memref<10000x64xf32, #tpu.memory_space<vmem_shared>> -> memref<10000x64xf32, #tpu.memory_space<vmem_shared>>
        tpu.enqueue_indirect_dma source(%arg9 : memref<125x64xf32, #tpu.memory_space<vmem>>) target(%dma_start3A_262 : memref<10000x64xf32, #tpu.memory_space<vmem_shared>>) offsets(%dma_start3A_259 : memref<125xi32, #tpu.memory_space<vmem>>) semaphore(%run_scoped3A_256 : memref<!tpu.dma_semaphore, #tpu.memory_space<semaphore_mem>>) {add = true}
        %dma_wait3A_263 = arith.constant 0 : i32
        %dma_wait3A_264 = tpu.memref_slice %arg7[%add3A_145, %dma_wait3A_263] : memref<80x125xi32, #tpu.memory_space<vmem>> -> memref<1x125xi32, #tpu.memory_space<vmem>>
        %dma_wait3A_265 = tpu.memref_squeeze %dma_wait3A_264 : memref<1x125xi32, #tpu.memory_space<vmem>> -> memref<125xi32, #tpu.memory_space<vmem>>
        %dma_wait3A_266 = arith.constant 0 : i32
        %dma_wait3A_267 = arith.constant 0 : i32
        %dma_wait3A_268 = tpu.memref_slice %arg16[%dma_wait3A_266, %dma_wait3A_267] : memref<10000x64xf32, #tpu.memory_space<vmem_shared>> -> memref<10000x64xf32, #tpu.memory_space<vmem_shared>>
        tpu.wait_indirect_dma semaphore(%run_scoped3A_256 : memref<!tpu.dma_semaphore, #tpu.memory_space<semaphore_mem>>) src(%arg9 : memref<125x64xf32, #tpu.memory_space<vmem>>) dst(%dma_wait3A_268 : memref<10000x64xf32, #tpu.memory_space<vmem_shared>>)
        tpu.yield
      }) : () -> ()
      %add3A_152 = arith.constant 8 : i32
      %add3A_153 = arith.addi %add3A_145, %add3A_152 : i32
      %dma_start3A_154 = arith.constant 0 : i32
      %dma_start3A_155 = tpu.memref_slice %arg6[%add3A_153, %dma_start3A_154] : memref<80x125xi32, #tpu.memory_space<vmem>> -> memref<1x125xi32, #tpu.memory_space<vmem>>
      %dma_start3A_156 = tpu.memref_squeeze %dma_start3A_155 : memref<1x125xi32, #tpu.memory_space<vmem>> -> memref<125xi32, #tpu.memory_space<vmem>>
      %dma_start3A_157 = arith.constant 0 : i32
      %dma_start3A_158 = arith.constant 0 : i32
      %dma_start3A_159 = tpu.memref_slice %arg2[%dma_start3A_157, %dma_start3A_158] : memref<10000x64xf32, #tpu.memory_space<hbm>> -> memref<10000x64xf32, #tpu.memory_space<hbm>>
      tpu.enqueue_indirect_dma source(%dma_start3A_159 : memref<10000x64xf32, #tpu.memory_space<hbm>>) target(%arg9 : memref<125x64xf32, #tpu.memory_space<vmem>>) offsets(%dma_start3A_156 : memref<125xi32, #tpu.memory_space<vmem>>) semaphore(%arg18 : memref<!tpu.dma_semaphore, #tpu.memory_space<semaphore_mem>>)
      %add3A_160 = arith.constant 2 : i32
      %add3A_161 = arith.addi %mul3A_127, %add3A_160 : i32
      %dma_wait3A_162 = arith.constant 0 : i32
      %dma_wait3A_163 = arith.constant 0 : i32
      %dma_wait3A_164 = tpu.memref_slice %arg2[%dma_wait3A_162, %dma_wait3A_163] : memref<10000x64xf32, #tpu.memory_space<hbm>> -> memref<125x64xf32, #tpu.memory_space<hbm>>
      %dma_wait3A_165 = arith.constant 0 : i32
      %dma_wait3A_166 = arith.constant 0 : i32
      %dma_wait3A_167 = tpu.memref_slice %arg2[%dma_wait3A_165, %dma_wait3A_166] : memref<10000x64xf32, #tpu.memory_space<hbm>> -> memref<125x64xf32, #tpu.memory_space<hbm>>
      tpu.wait_dma2 semaphore(%arg19 : memref<!tpu.dma_semaphore, #tpu.memory_space<semaphore_mem>>) src(%dma_wait3A_167 : memref<125x64xf32, #tpu.memory_space<hbm>>) dst(%arg10 : memref<125x64xf32, #tpu.memory_space<vmem>>)
      "tpu.region"() ({
        %run_scoped3A_256 = tpu.sem_alloc : memref<!tpu.dma_semaphore, #tpu.memory_space<semaphore_mem>>
        %dma_start3A_257 = arith.constant 0 : i32
        %dma_start3A_258 = tpu.memref_slice %arg7[%add3A_161, %dma_start3A_257] : memref<80x125xi32, #tpu.memory_space<vmem>> -> memref<1x125xi32, #tpu.memory_space<vmem>>
        %dma_start3A_259 = tpu.memref_squeeze %dma_start3A_258 : memref<1x125xi32, #tpu.memory_space<vmem>> -> memref<125xi32, #tpu.memory_space<vmem>>
        %dma_start3A_260 = arith.constant 0 : i32
        %dma_start3A_261 = arith.constant 0 : i32
        %dma_start3A_262 = tpu.memref_slice %arg16[%dma_start3A_260, %dma_start3A_261] : memref<10000x64xf32, #tpu.memory_space<vmem_shared>> -> memref<10000x64xf32, #tpu.memory_space<vmem_shared>>
        tpu.enqueue_indirect_dma source(%arg10 : memref<125x64xf32, #tpu.memory_space<vmem>>) target(%dma_start3A_262 : memref<10000x64xf32, #tpu.memory_space<vmem_shared>>) offsets(%dma_start3A_259 : memref<125xi32, #tpu.memory_space<vmem>>) semaphore(%run_scoped3A_256 : memref<!tpu.dma_semaphore, #tpu.memory_space<semaphore_mem>>) {add = true}
        %dma_wait3A_263 = arith.constant 0 : i32
        %dma_wait3A_264 = tpu.memref_slice %arg7[%add3A_161, %dma_wait3A_263] : memref<80x125xi32, #tpu.memory_space<vmem>> -> memref<1x125xi32, #tpu.memory_space<vmem>>
        %dma_wait3A_265 = tpu.memref_squeeze %dma_wait3A_264 : memref<1x125xi32, #tpu.memory_space<vmem>> -> memref<125xi32, #tpu.memory_space<vmem>>
        %dma_wait3A_266 = arith.constant 0 : i32
        %dma_wait3A_267 = arith.constant 0 : i32
        %dma_wait3A_268 = tpu.memref_slice %arg16[%dma_wait3A_266, %dma_wait3A_267] : memref<10000x64xf32, #tpu.memory_space<vmem_shared>> -> memref<10000x64xf32, #tpu.memory_space<vmem_shared>>
        tpu.wait_indirect_dma semaphore(%run_scoped3A_256 : memref<!tpu.dma_semaphore, #tpu.memory_space<semaphore_mem>>) src(%arg10 : memref<125x64xf32, #tpu.memory_space<vmem>>) dst(%dma_wait3A_268 : memref<10000x64xf32, #tpu.memory_space<vmem_shared>>)
        tpu.yield
      }) : () -> ()
      %add3A_168 = arith.constant 8 : i32
      %add3A_169 = arith.addi %add3A_161, %add3A_168 : i32
      %dma_start3A_170 = arith.constant 0 : i32
      %dma_start3A_171 = tpu.memref_slice %arg6[%add3A_169, %dma_start3A_170] : memref<80x125xi32, #tpu.memory_space<vmem>> -> memref<1x125xi32, #tpu.memory_space<vmem>>
      %dma_start3A_172 = tpu.memref_squeeze %dma_start3A_171 : memref<1x125xi32, #tpu.memory_space<vmem>> -> memref<125xi32, #tpu.memory_space<vmem>>
      %dma_start3A_173 = arith.constant 0 : i32
      %dma_start3A_174 = arith.constant 0 : i32
      %dma_start3A_175 = tpu.memref_slice %arg2[%dma_start3A_173, %dma_start3A_174] : memref<10000x64xf32, #tpu.memory_space<hbm>> -> memref<10000x64xf32, #tpu.memory_space<hbm>>
      tpu.enqueue_indirect_dma source(%dma_start3A_175 : memref<10000x64xf32, #tpu.memory_space<hbm>>) target(%arg10 : memref<125x64xf32, #tpu.memory_space<vmem>>) offsets(%dma_start3A_172 : memref<125xi32, #tpu.memory_space<vmem>>) semaphore(%arg19 : memref<!tpu.dma_semaphore, #tpu.memory_space<semaphore_mem>>)
      %add3A_176 = arith.constant 3 : i32
      %add3A_177 = arith.addi %mul3A_127, %add3A_176 : i32
      %dma_wait3A_178 = arith.constant 0 : i32
      %dma_wait3A_179 = arith.constant 0 : i32
      %dma_wait3A_180 = tpu.memref_slice %arg2[%dma_wait3A_178, %dma_wait3A_179] : memref<10000x64xf32, #tpu.memory_space<hbm>> -> memref<125x64xf32, #tpu.memory_space<hbm>>
      %dma_wait3A_181 = arith.constant 0 : i32
      %dma_wait3A_182 = arith.constant 0 : i32
      %dma_wait3A_183 = tpu.memref_slice %arg2[%dma_wait3A_181, %dma_wait3A_182] : memref<10000x64xf32, #tpu.memory_space<hbm>> -> memref<125x64xf32, #tpu.memory_space<hbm>>
      tpu.wait_dma2 semaphore(%arg20 : memref<!tpu.dma_semaphore, #tpu.memory_space<semaphore_mem>>) src(%dma_wait3A_183 : memref<125x64xf32, #tpu.memory_space<hbm>>) dst(%arg11 : memref<125x64xf32, #tpu.memory_space<vmem>>)
      "tpu.region"() ({
        %run_scoped3A_256 = tpu.sem_alloc : memref<!tpu.dma_semaphore, #tpu.memory_space<semaphore_mem>>
        %dma_start3A_257 = arith.constant 0 : i32
        %dma_start3A_258 = tpu.memref_slice %arg7[%add3A_177, %dma_start3A_257] : memref<80x125xi32, #tpu.memory_space<vmem>> -> memref<1x125xi32, #tpu.memory_space<vmem>>
        %dma_start3A_259 = tpu.memref_squeeze %dma_start3A_258 : memref<1x125xi32, #tpu.memory_space<vmem>> -> memref<125xi32, #tpu.memory_space<vmem>>
        %dma_start3A_260 = arith.constant 0 : i32
        %dma_start3A_261 = arith.constant 0 : i32
        %dma_start3A_262 = tpu.memref_slice %arg16[%dma_start3A_260, %dma_start3A_261] : memref<10000x64xf32, #tpu.memory_space<vmem_shared>> -> memref<10000x64xf32, #tpu.memory_space<vmem_shared>>
        tpu.enqueue_indirect_dma source(%arg11 : memref<125x64xf32, #tpu.memory_space<vmem>>) target(%dma_start3A_262 : memref<10000x64xf32, #tpu.memory_space<vmem_shared>>) offsets(%dma_start3A_259 : memref<125xi32, #tpu.memory_space<vmem>>) semaphore(%run_scoped3A_256 : memref<!tpu.dma_semaphore, #tpu.memory_space<semaphore_mem>>) {add = true}
        %dma_wait3A_263 = arith.constant 0 : i32
        %dma_wait3A_264 = tpu.memref_slice %arg7[%add3A_177, %dma_wait3A_263] : memref<80x125xi32, #tpu.memory_space<vmem>> -> memref<1x125xi32, #tpu.memory_space<vmem>>
        %dma_wait3A_265 = tpu.memref_squeeze %dma_wait3A_264 : memref<1x125xi32, #tpu.memory_space<vmem>> -> memref<125xi32, #tpu.memory_space<vmem>>
        %dma_wait3A_266 = arith.constant 0 : i32
        %dma_wait3A_267 = arith.constant 0 : i32
        %dma_wait3A_268 = tpu.memref_slice %arg16[%dma_wait3A_266, %dma_wait3A_267] : memref<10000x64xf32, #tpu.memory_space<vmem_shared>> -> memref<10000x64xf32, #tpu.memory_space<vmem_shared>>
        tpu.wait_indirect_dma semaphore(%run_scoped3A_256 : memref<!tpu.dma_semaphore, #tpu.memory_space<semaphore_mem>>) src(%arg11 : memref<125x64xf32, #tpu.memory_space<vmem>>) dst(%dma_wait3A_268 : memref<10000x64xf32, #tpu.memory_space<vmem_shared>>)
        tpu.yield
      }) : () -> ()
      %add3A_184 = arith.constant 8 : i32
      %add3A_185 = arith.addi %add3A_177, %add3A_184 : i32
      %dma_start3A_186 = arith.constant 0 : i32
      %dma_start3A_187 = tpu.memref_slice %arg6[%add3A_185, %dma_start3A_186] : memref<80x125xi32, #tpu.memory_space<vmem>> -> memref<1x125xi32, #tpu.memory_space<vmem>>
      %dma_start3A_188 = tpu.memref_squeeze %dma_start3A_187 : memref<1x125xi32, #tpu.memory_space<vmem>> -> memref<125xi32, #tpu.memory_space<vmem>>
      %dma_start3A_189 = arith.constant 0 : i32
      %dma_start3A_190 = arith.constant 0 : i32
      %dma_start3A_191 = tpu.memref_slice %arg2[%dma_start3A_189, %dma_start3A_190] : memref<10000x64xf32, #tpu.memory_space<hbm>> -> memref<10000x64xf32, #tpu.memory_space<hbm>>
      tpu.enqueue_indirect_dma source(%dma_start3A_191 : memref<10000x64xf32, #tpu.memory_space<hbm>>) target(%arg11 : memref<125x64xf32, #tpu.memory_space<vmem>>) offsets(%dma_start3A_188 : memref<125xi32, #tpu.memory_space<vmem>>) semaphore(%arg20 : memref<!tpu.dma_semaphore, #tpu.memory_space<semaphore_mem>>)
      %add3A_192 = arith.constant 4 : i32
      %add3A_193 = arith.addi %mul3A_127, %add3A_192 : i32
      %dma_wait3A_194 = arith.constant 0 : i32
      %dma_wait3A_195 = arith.constant 0 : i32
      %dma_wait3A_196 = tpu.memref_slice %arg2[%dma_wait3A_194, %dma_wait3A_195] : memref<10000x64xf32, #tpu.memory_space<hbm>> -> memref<125x64xf32, #tpu.memory_space<hbm>>
      %dma_wait3A_197 = arith.constant 0 : i32
      %dma_wait3A_198 = arith.constant 0 : i32
      %dma_wait3A_199 = tpu.memref_slice %arg2[%dma_wait3A_197, %dma_wait3A_198] : memref<10000x64xf32, #tpu.memory_space<hbm>> -> memref<125x64xf32, #tpu.memory_space<hbm>>
      tpu.wait_dma2 semaphore(%arg21 : memref<!tpu.dma_semaphore, #tpu.memory_space<semaphore_mem>>) src(%dma_wait3A_199 : memref<125x64xf32, #tpu.memory_space<hbm>>) dst(%arg12 : memref<125x64xf32, #tpu.memory_space<vmem>>)
      "tpu.region"() ({
        %run_scoped3A_256 = tpu.sem_alloc : memref<!tpu.dma_semaphore, #tpu.memory_space<semaphore_mem>>
        %dma_start3A_257 = arith.constant 0 : i32
        %dma_start3A_258 = tpu.memref_slice %arg7[%add3A_193, %dma_start3A_257] : memref<80x125xi32, #tpu.memory_space<vmem>> -> memref<1x125xi32, #tpu.memory_space<vmem>>
        %dma_start3A_259 = tpu.memref_squeeze %dma_start3A_258 : memref<1x125xi32, #tpu.memory_space<vmem>> -> memref<125xi32, #tpu.memory_space<vmem>>
        %dma_start3A_260 = arith.constant 0 : i32
        %dma_start3A_261 = arith.constant 0 : i32
        %dma_start3A_262 = tpu.memref_slice %arg16[%dma_start3A_260, %dma_start3A_261] : memref<10000x64xf32, #tpu.memory_space<vmem_shared>> -> memref<10000x64xf32, #tpu.memory_space<vmem_shared>>
        tpu.enqueue_indirect_dma source(%arg12 : memref<125x64xf32, #tpu.memory_space<vmem>>) target(%dma_start3A_262 : memref<10000x64xf32, #tpu.memory_space<vmem_shared>>) offsets(%dma_start3A_259 : memref<125xi32, #tpu.memory_space<vmem>>) semaphore(%run_scoped3A_256 : memref<!tpu.dma_semaphore, #tpu.memory_space<semaphore_mem>>) {add = true}
        %dma_wait3A_263 = arith.constant 0 : i32
        %dma_wait3A_264 = tpu.memref_slice %arg7[%add3A_193, %dma_wait3A_263] : memref<80x125xi32, #tpu.memory_space<vmem>> -> memref<1x125xi32, #tpu.memory_space<vmem>>
        %dma_wait3A_265 = tpu.memref_squeeze %dma_wait3A_264 : memref<1x125xi32, #tpu.memory_space<vmem>> -> memref<125xi32, #tpu.memory_space<vmem>>
        %dma_wait3A_266 = arith.constant 0 : i32
        %dma_wait3A_267 = arith.constant 0 : i32
        %dma_wait3A_268 = tpu.memref_slice %arg16[%dma_wait3A_266, %dma_wait3A_267] : memref<10000x64xf32, #tpu.memory_space<vmem_shared>> -> memref<10000x64xf32, #tpu.memory_space<vmem_shared>>
        tpu.wait_indirect_dma semaphore(%run_scoped3A_256 : memref<!tpu.dma_semaphore, #tpu.memory_space<semaphore_mem>>) src(%arg12 : memref<125x64xf32, #tpu.memory_space<vmem>>) dst(%dma_wait3A_268 : memref<10000x64xf32, #tpu.memory_space<vmem_shared>>)
        tpu.yield
      }) : () -> ()
      %add3A_200 = arith.constant 8 : i32
      %add3A_201 = arith.addi %add3A_193, %add3A_200 : i32
      %dma_start3A_202 = arith.constant 0 : i32
      %dma_start3A_203 = tpu.memref_slice %arg6[%add3A_201, %dma_start3A_202] : memref<80x125xi32, #tpu.memory_space<vmem>> -> memref<1x125xi32, #tpu.memory_space<vmem>>
      %dma_start3A_204 = tpu.memref_squeeze %dma_start3A_203 : memref<1x125xi32, #tpu.memory_space<vmem>> -> memref<125xi32, #tpu.memory_space<vmem>>
      %dma_start3A_205 = arith.constant 0 : i32
      %dma_start3A_206 = arith.constant 0 : i32
      %dma_start3A_207 = tpu.memref_slice %arg2[%dma_start3A_205, %dma_start3A_206] : memref<10000x64xf32, #tpu.memory_space<hbm>> -> memref<10000x64xf32, #tpu.memory_space<hbm>>
      tpu.enqueue_indirect_dma source(%dma_start3A_207 : memref<10000x64xf32, #tpu.memory_space<hbm>>) target(%arg12 : memref<125x64xf32, #tpu.memory_space<vmem>>) offsets(%dma_start3A_204 : memref<125xi32, #tpu.memory_space<vmem>>) semaphore(%arg21 : memref<!tpu.dma_semaphore, #tpu.memory_space<semaphore_mem>>)
      %add3A_208 = arith.constant 5 : i32
      %add3A_209 = arith.addi %mul3A_127, %add3A_208 : i32
      %dma_wait3A_210 = arith.constant 0 : i32
      %dma_wait3A_211 = arith.constant 0 : i32
      %dma_wait3A_212 = tpu.memref_slice %arg2[%dma_wait3A_210, %dma_wait3A_211] : memref<10000x64xf32, #tpu.memory_space<hbm>> -> memref<125x64xf32, #tpu.memory_space<hbm>>
      %dma_wait3A_213 = arith.constant 0 : i32
      %dma_wait3A_214 = arith.constant 0 : i32
      %dma_wait3A_215 = tpu.memref_slice %arg2[%dma_wait3A_213, %dma_wait3A_214] : memref<10000x64xf32, #tpu.memory_space<hbm>> -> memref<125x64xf32, #tpu.memory_space<hbm>>
      tpu.wait_dma2 semaphore(%arg22 : memref<!tpu.dma_semaphore, #tpu.memory_space<semaphore_mem>>) src(%dma_wait3A_215 : memref<125x64xf32, #tpu.memory_space<hbm>>) dst(%arg13 : memref<125x64xf32, #tpu.memory_space<vmem>>)
      "tpu.region"() ({
        %run_scoped3A_256 = tpu.sem_alloc : memref<!tpu.dma_semaphore, #tpu.memory_space<semaphore_mem>>
        %dma_start3A_257 = arith.constant 0 : i32
        %dma_start3A_258 = tpu.memref_slice %arg7[%add3A_209, %dma_start3A_257] : memref<80x125xi32, #tpu.memory_space<vmem>> -> memref<1x125xi32, #tpu.memory_space<vmem>>
        %dma_start3A_259 = tpu.memref_squeeze %dma_start3A_258 : memref<1x125xi32, #tpu.memory_space<vmem>> -> memref<125xi32, #tpu.memory_space<vmem>>
        %dma_start3A_260 = arith.constant 0 : i32
        %dma_start3A_261 = arith.constant 0 : i32
        %dma_start3A_262 = tpu.memref_slice %arg16[%dma_start3A_260, %dma_start3A_261] : memref<10000x64xf32, #tpu.memory_space<vmem_shared>> -> memref<10000x64xf32, #tpu.memory_space<vmem_shared>>
        tpu.enqueue_indirect_dma source(%arg13 : memref<125x64xf32, #tpu.memory_space<vmem>>) target(%dma_start3A_262 : memref<10000x64xf32, #tpu.memory_space<vmem_shared>>) offsets(%dma_start3A_259 : memref<125xi32, #tpu.memory_space<vmem>>) semaphore(%run_scoped3A_256 : memref<!tpu.dma_semaphore, #tpu.memory_space<semaphore_mem>>) {add = true}
        %dma_wait3A_263 = arith.constant 0 : i32
        %dma_wait3A_264 = tpu.memref_slice %arg7[%add3A_209, %dma_wait3A_263] : memref<80x125xi32, #tpu.memory_space<vmem>> -> memref<1x125xi32, #tpu.memory_space<vmem>>
        %dma_wait3A_265 = tpu.memref_squeeze %dma_wait3A_264 : memref<1x125xi32, #tpu.memory_space<vmem>> -> memref<125xi32, #tpu.memory_space<vmem>>
        %dma_wait3A_266 = arith.constant 0 : i32
        %dma_wait3A_267 = arith.constant 0 : i32
        %dma_wait3A_268 = tpu.memref_slice %arg16[%dma_wait3A_266, %dma_wait3A_267] : memref<10000x64xf32, #tpu.memory_space<vmem_shared>> -> memref<10000x64xf32, #tpu.memory_space<vmem_shared>>
        tpu.wait_indirect_dma semaphore(%run_scoped3A_256 : memref<!tpu.dma_semaphore, #tpu.memory_space<semaphore_mem>>) src(%arg13 : memref<125x64xf32, #tpu.memory_space<vmem>>) dst(%dma_wait3A_268 : memref<10000x64xf32, #tpu.memory_space<vmem_shared>>)
        tpu.yield
      }) : () -> ()
      %add3A_216 = arith.constant 8 : i32
      %add3A_217 = arith.addi %add3A_209, %add3A_216 : i32
      %dma_start3A_218 = arith.constant 0 : i32
      %dma_start3A_219 = tpu.memref_slice %arg6[%add3A_217, %dma_start3A_218] : memref<80x125xi32, #tpu.memory_space<vmem>> -> memref<1x125xi32, #tpu.memory_space<vmem>>
      %dma_start3A_220 = tpu.memref_squeeze %dma_start3A_219 : memref<1x125xi32, #tpu.memory_space<vmem>> -> memref<125xi32, #tpu.memory_space<vmem>>
      %dma_start3A_221 = arith.constant 0 : i32
      %dma_start3A_222 = arith.constant 0 : i32
      %dma_start3A_223 = tpu.memref_slice %arg2[%dma_start3A_221, %dma_start3A_222] : memref<10000x64xf32, #tpu.memory_space<hbm>> -> memref<10000x64xf32, #tpu.memory_space<hbm>>
      tpu.enqueue_indirect_dma source(%dma_start3A_223 : memref<10000x64xf32, #tpu.memory_space<hbm>>) target(%arg13 : memref<125x64xf32, #tpu.memory_space<vmem>>) offsets(%dma_start3A_220 : memref<125xi32, #tpu.memory_space<vmem>>) semaphore(%arg22 : memref<!tpu.dma_semaphore, #tpu.memory_space<semaphore_mem>>)
      %add3A_224 = arith.constant 6 : i32
      %add3A_225 = arith.addi %mul3A_127, %add3A_224 : i32
      %dma_wait3A_226 = arith.constant 0 : i32
      %dma_wait3A_227 = arith.constant 0 : i32
      %dma_wait3A_228 = tpu.memref_slice %arg2[%dma_wait3A_226, %dma_wait3A_227] : memref<10000x64xf32, #tpu.memory_space<hbm>> -> memref<125x64xf32, #tpu.memory_space<hbm>>
      %dma_wait3A_229 = arith.constant 0 : i32
      %dma_wait3A_230 = arith.constant 0 : i32
      %dma_wait3A_231 = tpu.memref_slice %arg2[%dma_wait3A_229, %dma_wait3A_230] : memref<10000x64xf32, #tpu.memory_space<hbm>> -> memref<125x64xf32, #tpu.memory_space<hbm>>
      tpu.wait_dma2 semaphore(%arg23 : memref<!tpu.dma_semaphore, #tpu.memory_space<semaphore_mem>>) src(%dma_wait3A_231 : memref<125x64xf32, #tpu.memory_space<hbm>>) dst(%arg14 : memref<125x64xf32, #tpu.memory_space<vmem>>)
      "tpu.region"() ({
        %run_scoped3A_256 = tpu.sem_alloc : memref<!tpu.dma_semaphore, #tpu.memory_space<semaphore_mem>>
        %dma_start3A_257 = arith.constant 0 : i32
        %dma_start3A_258 = tpu.memref_slice %arg7[%add3A_225, %dma_start3A_257] : memref<80x125xi32, #tpu.memory_space<vmem>> -> memref<1x125xi32, #tpu.memory_space<vmem>>
        %dma_start3A_259 = tpu.memref_squeeze %dma_start3A_258 : memref<1x125xi32, #tpu.memory_space<vmem>> -> memref<125xi32, #tpu.memory_space<vmem>>
        %dma_start3A_260 = arith.constant 0 : i32
        %dma_start3A_261 = arith.constant 0 : i32
        %dma_start3A_262 = tpu.memref_slice %arg16[%dma_start3A_260, %dma_start3A_261] : memref<10000x64xf32, #tpu.memory_space<vmem_shared>> -> memref<10000x64xf32, #tpu.memory_space<vmem_shared>>
        tpu.enqueue_indirect_dma source(%arg14 : memref<125x64xf32, #tpu.memory_space<vmem>>) target(%dma_start3A_262 : memref<10000x64xf32, #tpu.memory_space<vmem_shared>>) offsets(%dma_start3A_259 : memref<125xi32, #tpu.memory_space<vmem>>) semaphore(%run_scoped3A_256 : memref<!tpu.dma_semaphore, #tpu.memory_space<semaphore_mem>>) {add = true}
        %dma_wait3A_263 = arith.constant 0 : i32
        %dma_wait3A_264 = tpu.memref_slice %arg7[%add3A_225, %dma_wait3A_263] : memref<80x125xi32, #tpu.memory_space<vmem>> -> memref<1x125xi32, #tpu.memory_space<vmem>>
        %dma_wait3A_265 = tpu.memref_squeeze %dma_wait3A_264 : memref<1x125xi32, #tpu.memory_space<vmem>> -> memref<125xi32, #tpu.memory_space<vmem>>
        %dma_wait3A_266 = arith.constant 0 : i32
        %dma_wait3A_267 = arith.constant 0 : i32
        %dma_wait3A_268 = tpu.memref_slice %arg16[%dma_wait3A_266, %dma_wait3A_267] : memref<10000x64xf32, #tpu.memory_space<vmem_shared>> -> memref<10000x64xf32, #tpu.memory_space<vmem_shared>>
        tpu.wait_indirect_dma semaphore(%run_scoped3A_256 : memref<!tpu.dma_semaphore, #tpu.memory_space<semaphore_mem>>) src(%arg14 : memref<125x64xf32, #tpu.memory_space<vmem>>) dst(%dma_wait3A_268 : memref<10000x64xf32, #tpu.memory_space<vmem_shared>>)
        tpu.yield
      }) : () -> ()
      %add3A_232 = arith.constant 8 : i32
      %add3A_233 = arith.addi %add3A_225, %add3A_232 : i32
      %dma_start3A_234 = arith.constant 0 : i32
      %dma_start3A_235 = tpu.memref_slice %arg6[%add3A_233, %dma_start3A_234] : memref<80x125xi32, #tpu.memory_space<vmem>> -> memref<1x125xi32, #tpu.memory_space<vmem>>
      %dma_start3A_236 = tpu.memref_squeeze %dma_start3A_235 : memref<1x125xi32, #tpu.memory_space<vmem>> -> memref<125xi32, #tpu.memory_space<vmem>>
      %dma_start3A_237 = arith.constant 0 : i32
      %dma_start3A_238 = arith.constant 0 : i32
      %dma_start3A_239 = tpu.memref_slice %arg2[%dma_start3A_237, %dma_start3A_238] : memref<10000x64xf32, #tpu.memory_space<hbm>> -> memref<10000x64xf32, #tpu.memory_space<hbm>>
      tpu.enqueue_indirect_dma source(%dma_start3A_239 : memref<10000x64xf32, #tpu.memory_space<hbm>>) target(%arg14 : memref<125x64xf32, #tpu.memory_space<vmem>>) offsets(%dma_start3A_236 : memref<125xi32, #tpu.memory_space<vmem>>) semaphore(%arg23 : memref<!tpu.dma_semaphore, #tpu.memory_space<semaphore_mem>>)
      %add3A_240 = arith.constant 7 : i32
      %add3A_241 = arith.addi %mul3A_127, %add3A_240 : i32
      %dma_wait3A_242 = arith.constant 0 : i32
      %dma_wait3A_243 = arith.constant 0 : i32
      %dma_wait3A_244 = tpu.memref_slice %arg2[%dma_wait3A_242, %dma_wait3A_243] : memref<10000x64xf32, #tpu.memory_space<hbm>> -> memref<125x64xf32, #tpu.memory_space<hbm>>
      %dma_wait3A_245 = arith.constant 0 : i32
      %dma_wait3A_246 = arith.constant 0 : i32
      %dma_wait3A_247 = tpu.memref_slice %arg2[%dma_wait3A_245, %dma_wait3A_246] : memref<10000x64xf32, #tpu.memory_space<hbm>> -> memref<125x64xf32, #tpu.memory_space<hbm>>
      tpu.wait_dma2 semaphore(%arg24 : memref<!tpu.dma_semaphore, #tpu.memory_space<semaphore_mem>>) src(%dma_wait3A_247 : memref<125x64xf32, #tpu.memory_space<hbm>>) dst(%arg15 : memref<125x64xf32, #tpu.memory_space<vmem>>)
      "tpu.region"() ({
        %run_scoped3A_256 = tpu.sem_alloc : memref<!tpu.dma_semaphore, #tpu.memory_space<semaphore_mem>>
        %dma_start3A_257 = arith.constant 0 : i32
        %dma_start3A_258 = tpu.memref_slice %arg7[%add3A_241, %dma_start3A_257] : memref<80x125xi32, #tpu.memory_space<vmem>> -> memref<1x125xi32, #tpu.memory_space<vmem>>
        %dma_start3A_259 = tpu.memref_squeeze %dma_start3A_258 : memref<1x125xi32, #tpu.memory_space<vmem>> -> memref<125xi32, #tpu.memory_space<vmem>>
        %dma_start3A_260 = arith.constant 0 : i32
        %dma_start3A_261 = arith.constant 0 : i32
        %dma_start3A_262 = tpu.memref_slice %arg16[%dma_start3A_260, %dma_start3A_261] : memref<10000x64xf32, #tpu.memory_space<vmem_shared>> -> memref<10000x64xf32, #tpu.memory_space<vmem_shared>>
        tpu.enqueue_indirect_dma source(%arg15 : memref<125x64xf32, #tpu.memory_space<vmem>>) target(%dma_start3A_262 : memref<10000x64xf32, #tpu.memory_space<vmem_shared>>) offsets(%dma_start3A_259 : memref<125xi32, #tpu.memory_space<vmem>>) semaphore(%run_scoped3A_256 : memref<!tpu.dma_semaphore, #tpu.memory_space<semaphore_mem>>) {add = true}
        %dma_wait3A_263 = arith.constant 0 : i32
        %dma_wait3A_264 = tpu.memref_slice %arg7[%add3A_241, %dma_wait3A_263] : memref<80x125xi32, #tpu.memory_space<vmem>> -> memref<1x125xi32, #tpu.memory_space<vmem>>
        %dma_wait3A_265 = tpu.memref_squeeze %dma_wait3A_264 : memref<1x125xi32, #tpu.memory_space<vmem>> -> memref<125xi32, #tpu.memory_space<vmem>>
        %dma_wait3A_266 = arith.constant 0 : i32
        %dma_wait3A_267 = arith.constant 0 : i32
        %dma_wait3A_268 = tpu.memref_slice %arg16[%dma_wait3A_266, %dma_wait3A_267] : memref<10000x64xf32, #tpu.memory_space<vmem_shared>> -> memref<10000x64xf32, #tpu.memory_space<vmem_shared>>
        tpu.wait_indirect_dma semaphore(%run_scoped3A_256 : memref<!tpu.dma_semaphore, #tpu.memory_space<semaphore_mem>>) src(%arg15 : memref<125x64xf32, #tpu.memory_space<vmem>>) dst(%dma_wait3A_268 : memref<10000x64xf32, #tpu.memory_space<vmem_shared>>)
        tpu.yield
      }) : () -> ()
      %add3A_248 = arith.constant 8 : i32
      %add3A_249 = arith.addi %add3A_241, %add3A_248 : i32
      %dma_start3A_250 = arith.constant 0 : i32
      %dma_start3A_251 = tpu.memref_slice %arg6[%add3A_249, %dma_start3A_250] : memref<80x125xi32, #tpu.memory_space<vmem>> -> memref<1x125xi32, #tpu.memory_space<vmem>>
      %dma_start3A_252 = tpu.memref_squeeze %dma_start3A_251 : memref<1x125xi32, #tpu.memory_space<vmem>> -> memref<125xi32, #tpu.memory_space<vmem>>
      %dma_start3A_253 = arith.constant 0 : i32
      %dma_start3A_254 = arith.constant 0 : i32
      %dma_start3A_255 = tpu.memref_slice %arg2[%dma_start3A_253, %dma_start3A_254] : memref<10000x64xf32, #tpu.memory_space<hbm>> -> memref<10000x64xf32, #tpu.memory_space<hbm>>
      tpu.enqueue_indirect_dma source(%dma_start3A_255 : memref<10000x64xf32, #tpu.memory_space<hbm>>) target(%arg15 : memref<125x64xf32, #tpu.memory_space<vmem>>) offsets(%dma_start3A_252 : memref<125xi32, #tpu.memory_space<vmem>>) semaphore(%arg24 : memref<!tpu.dma_semaphore, #tpu.memory_space<semaphore_mem>>)
    }
    %scan3A_64 = arith.constant 9 : i32
    %dma_wait3A = arith.constant 0 : i32
    %dma_wait3A_65 = arith.constant 0 : i32
    %dma_wait3A_66 = tpu.memref_slice %arg2[%dma_wait3A, %dma_wait3A_65] : memref<10000x64xf32, #tpu.memory_space<hbm>> -> memref<125x64xf32, #tpu.memory_space<hbm>>
    %dma_wait3A_67 = arith.constant 0 : i32
    %dma_wait3A_68 = arith.constant 0 : i32
    %dma_wait3A_69 = tpu.memref_slice %arg2[%dma_wait3A_67, %dma_wait3A_68] : memref<10000x64xf32, #tpu.memory_space<hbm>> -> memref<125x64xf32, #tpu.memory_space<hbm>>
    tpu.wait_dma2 semaphore(%arg17 : memref<!tpu.dma_semaphore, #tpu.memory_space<semaphore_mem>>) src(%dma_wait3A_69 : memref<125x64xf32, #tpu.memory_space<hbm>>) dst(%arg8 : memref<125x64xf32, #tpu.memory_space<vmem>>)
    %run_scoped3A = arith.constant 72 : i32
    "tpu.region"() ({
      %run_scoped3A_125 = tpu.sem_alloc : memref<!tpu.dma_semaphore, #tpu.memory_space<semaphore_mem>>
      %dma_start3A_126 = arith.constant 0 : i32
      %dma_start3A_127 = tpu.memref_slice %arg7[%run_scoped3A, %dma_start3A_126] : memref<80x125xi32, #tpu.memory_space<vmem>> -> memref<1x125xi32, #tpu.memory_space<vmem>>
      %dma_start3A_128 = tpu.memref_squeeze %dma_start3A_127 : memref<1x125xi32, #tpu.memory_space<vmem>> -> memref<125xi32, #tpu.memory_space<vmem>>
      %dma_start3A_129 = arith.constant 0 : i32
      %dma_start3A_130 = arith.constant 0 : i32
      %dma_start3A_131 = tpu.memref_slice %arg16[%dma_start3A_129, %dma_start3A_130] : memref<10000x64xf32, #tpu.memory_space<vmem_shared>> -> memref<10000x64xf32, #tpu.memory_space<vmem_shared>>
      tpu.enqueue_indirect_dma source(%arg8 : memref<125x64xf32, #tpu.memory_space<vmem>>) target(%dma_start3A_131 : memref<10000x64xf32, #tpu.memory_space<vmem_shared>>) offsets(%dma_start3A_128 : memref<125xi32, #tpu.memory_space<vmem>>) semaphore(%run_scoped3A_125 : memref<!tpu.dma_semaphore, #tpu.memory_space<semaphore_mem>>) {add = true}
      %dma_wait3A_132 = arith.constant 0 : i32
      %dma_wait3A_133 = tpu.memref_slice %arg7[%run_scoped3A, %dma_wait3A_132] : memref<80x125xi32, #tpu.memory_space<vmem>> -> memref<1x125xi32, #tpu.memory_space<vmem>>
      %dma_wait3A_134 = tpu.memref_squeeze %dma_wait3A_133 : memref<1x125xi32, #tpu.memory_space<vmem>> -> memref<125xi32, #tpu.memory_space<vmem>>
      %dma_wait3A_135 = arith.constant 0 : i32
      %dma_wait3A_136 = arith.constant 0 : i32
      %dma_wait3A_137 = tpu.memref_slice %arg16[%dma_wait3A_135, %dma_wait3A_136] : memref<10000x64xf32, #tpu.memory_space<vmem_shared>> -> memref<10000x64xf32, #tpu.memory_space<vmem_shared>>
      tpu.wait_indirect_dma semaphore(%run_scoped3A_125 : memref<!tpu.dma_semaphore, #tpu.memory_space<semaphore_mem>>) src(%arg8 : memref<125x64xf32, #tpu.memory_space<vmem>>) dst(%dma_wait3A_137 : memref<10000x64xf32, #tpu.memory_space<vmem_shared>>)
      tpu.yield
    }) : () -> ()
    %dma_wait3A_70 = arith.constant 0 : i32
    %dma_wait3A_71 = arith.constant 0 : i32
    %dma_wait3A_72 = tpu.memref_slice %arg2[%dma_wait3A_70, %dma_wait3A_71] : memref<10000x64xf32, #tpu.memory_space<hbm>> -> memref<125x64xf32, #tpu.memory_space<hbm>>
    %dma_wait3A_73 = arith.constant 0 : i32
    %dma_wait3A_74 = arith.constant 0 : i32
    %dma_wait3A_75 = tpu.memref_slice %arg2[%dma_wait3A_73, %dma_wait3A_74] : memref<10000x64xf32, #tpu.memory_space<hbm>> -> memref<125x64xf32, #tpu.memory_space<hbm>>
    tpu.wait_dma2 semaphore(%arg18 : memref<!tpu.dma_semaphore, #tpu.memory_space<semaphore_mem>>) src(%dma_wait3A_75 : memref<125x64xf32, #tpu.memory_space<hbm>>) dst(%arg9 : memref<125x64xf32, #tpu.memory_space<vmem>>)
    %run_scoped3A_76 = arith.constant 73 : i32
    "tpu.region"() ({
      %run_scoped3A_125 = tpu.sem_alloc : memref<!tpu.dma_semaphore, #tpu.memory_space<semaphore_mem>>
      %dma_start3A_126 = arith.constant 0 : i32
      %dma_start3A_127 = tpu.memref_slice %arg7[%run_scoped3A_76, %dma_start3A_126] : memref<80x125xi32, #tpu.memory_space<vmem>> -> memref<1x125xi32, #tpu.memory_space<vmem>>
      %dma_start3A_128 = tpu.memref_squeeze %dma_start3A_127 : memref<1x125xi32, #tpu.memory_space<vmem>> -> memref<125xi32, #tpu.memory_space<vmem>>
      %dma_start3A_129 = arith.constant 0 : i32
      %dma_start3A_130 = arith.constant 0 : i32
      %dma_start3A_131 = tpu.memref_slice %arg16[%dma_start3A_129, %dma_start3A_130] : memref<10000x64xf32, #tpu.memory_space<vmem_shared>> -> memref<10000x64xf32, #tpu.memory_space<vmem_shared>>
      tpu.enqueue_indirect_dma source(%arg9 : memref<125x64xf32, #tpu.memory_space<vmem>>) target(%dma_start3A_131 : memref<10000x64xf32, #tpu.memory_space<vmem_shared>>) offsets(%dma_start3A_128 : memref<125xi32, #tpu.memory_space<vmem>>) semaphore(%run_scoped3A_125 : memref<!tpu.dma_semaphore, #tpu.memory_space<semaphore_mem>>) {add = true}
      %dma_wait3A_132 = arith.constant 0 : i32
      %dma_wait3A_133 = tpu.memref_slice %arg7[%run_scoped3A_76, %dma_wait3A_132] : memref<80x125xi32, #tpu.memory_space<vmem>> -> memref<1x125xi32, #tpu.memory_space<vmem>>
      %dma_wait3A_134 = tpu.memref_squeeze %dma_wait3A_133 : memref<1x125xi32, #tpu.memory_space<vmem>> -> memref<125xi32, #tpu.memory_space<vmem>>
      %dma_wait3A_135 = arith.constant 0 : i32
      %dma_wait3A_136 = arith.constant 0 : i32
      %dma_wait3A_137 = tpu.memref_slice %arg16[%dma_wait3A_135, %dma_wait3A_136] : memref<10000x64xf32, #tpu.memory_space<vmem_shared>> -> memref<10000x64xf32, #tpu.memory_space<vmem_shared>>
      tpu.wait_indirect_dma semaphore(%run_scoped3A_125 : memref<!tpu.dma_semaphore, #tpu.memory_space<semaphore_mem>>) src(%arg9 : memref<125x64xf32, #tpu.memory_space<vmem>>) dst(%dma_wait3A_137 : memref<10000x64xf32, #tpu.memory_space<vmem_shared>>)
      tpu.yield
    }) : () -> ()
    %dma_wait3A_77 = arith.constant 0 : i32
    %dma_wait3A_78 = arith.constant 0 : i32
    %dma_wait3A_79 = tpu.memref_slice %arg2[%dma_wait3A_77, %dma_wait3A_78] : memref<10000x64xf32, #tpu.memory_space<hbm>> -> memref<125x64xf32, #tpu.memory_space<hbm>>
    %dma_wait3A_80 = arith.constant 0 : i32
    %dma_wait3A_81 = arith.constant 0 : i32
    %dma_wait3A_82 = tpu.memref_slice %arg2[%dma_wait3A_80, %dma_wait3A_81] : memref<10000x64xf32, #tpu.memory_space<hbm>> -> memref<125x64xf32, #tpu.memory_space<hbm>>
    tpu.wait_dma2 semaphore(%arg19 : memref<!tpu.dma_semaphore, #tpu.memory_space<semaphore_mem>>) src(%dma_wait3A_82 : memref<125x64xf32, #tpu.memory_space<hbm>>) dst(%arg10 : memref<125x64xf32, #tpu.memory_space<vmem>>)
    %run_scoped3A_83 = arith.constant 74 : i32
    "tpu.region"() ({
      %run_scoped3A_125 = tpu.sem_alloc : memref<!tpu.dma_semaphore, #tpu.memory_space<semaphore_mem>>
      %dma_start3A_126 = arith.constant 0 : i32
      %dma_start3A_127 = tpu.memref_slice %arg7[%run_scoped3A_83, %dma_start3A_126] : memref<80x125xi32, #tpu.memory_space<vmem>> -> memref<1x125xi32, #tpu.memory_space<vmem>>
      %dma_start3A_128 = tpu.memref_squeeze %dma_start3A_127 : memref<1x125xi32, #tpu.memory_space<vmem>> -> memref<125xi32, #tpu.memory_space<vmem>>
      %dma_start3A_129 = arith.constant 0 : i32
      %dma_start3A_130 = arith.constant 0 : i32
      %dma_start3A_131 = tpu.memref_slice %arg16[%dma_start3A_129, %dma_start3A_130] : memref<10000x64xf32, #tpu.memory_space<vmem_shared>> -> memref<10000x64xf32, #tpu.memory_space<vmem_shared>>
      tpu.enqueue_indirect_dma source(%arg10 : memref<125x64xf32, #tpu.memory_space<vmem>>) target(%dma_start3A_131 : memref<10000x64xf32, #tpu.memory_space<vmem_shared>>) offsets(%dma_start3A_128 : memref<125xi32, #tpu.memory_space<vmem>>) semaphore(%run_scoped3A_125 : memref<!tpu.dma_semaphore, #tpu.memory_space<semaphore_mem>>) {add = true}
      %dma_wait3A_132 = arith.constant 0 : i32
      %dma_wait3A_133 = tpu.memref_slice %arg7[%run_scoped3A_83, %dma_wait3A_132] : memref<80x125xi32, #tpu.memory_space<vmem>> -> memref<1x125xi32, #tpu.memory_space<vmem>>
      %dma_wait3A_134 = tpu.memref_squeeze %dma_wait3A_133 : memref<1x125xi32, #tpu.memory_space<vmem>> -> memref<125xi32, #tpu.memory_space<vmem>>
      %dma_wait3A_135 = arith.constant 0 : i32
      %dma_wait3A_136 = arith.constant 0 : i32
      %dma_wait3A_137 = tpu.memref_slice %arg16[%dma_wait3A_135, %dma_wait3A_136] : memref<10000x64xf32, #tpu.memory_space<vmem_shared>> -> memref<10000x64xf32, #tpu.memory_space<vmem_shared>>
      tpu.wait_indirect_dma semaphore(%run_scoped3A_125 : memref<!tpu.dma_semaphore, #tpu.memory_space<semaphore_mem>>) src(%arg10 : memref<125x64xf32, #tpu.memory_space<vmem>>) dst(%dma_wait3A_137 : memref<10000x64xf32, #tpu.memory_space<vmem_shared>>)
      tpu.yield
    }) : () -> ()
    %dma_wait3A_84 = arith.constant 0 : i32
    %dma_wait3A_85 = arith.constant 0 : i32
    %dma_wait3A_86 = tpu.memref_slice %arg2[%dma_wait3A_84, %dma_wait3A_85] : memref<10000x64xf32, #tpu.memory_space<hbm>> -> memref<125x64xf32, #tpu.memory_space<hbm>>
    %dma_wait3A_87 = arith.constant 0 : i32
    %dma_wait3A_88 = arith.constant 0 : i32
    %dma_wait3A_89 = tpu.memref_slice %arg2[%dma_wait3A_87, %dma_wait3A_88] : memref<10000x64xf32, #tpu.memory_space<hbm>> -> memref<125x64xf32, #tpu.memory_space<hbm>>
    tpu.wait_dma2 semaphore(%arg20 : memref<!tpu.dma_semaphore, #tpu.memory_space<semaphore_mem>>) src(%dma_wait3A_89 : memref<125x64xf32, #tpu.memory_space<hbm>>) dst(%arg11 : memref<125x64xf32, #tpu.memory_space<vmem>>)
    %run_scoped3A_90 = arith.constant 75 : i32
    "tpu.region"() ({
      %run_scoped3A_125 = tpu.sem_alloc : memref<!tpu.dma_semaphore, #tpu.memory_space<semaphore_mem>>
      %dma_start3A_126 = arith.constant 0 : i32
      %dma_start3A_127 = tpu.memref_slice %arg7[%run_scoped3A_90, %dma_start3A_126] : memref<80x125xi32, #tpu.memory_space<vmem>> -> memref<1x125xi32, #tpu.memory_space<vmem>>
      %dma_start3A_128 = tpu.memref_squeeze %dma_start3A_127 : memref<1x125xi32, #tpu.memory_space<vmem>> -> memref<125xi32, #tpu.memory_space<vmem>>
      %dma_start3A_129 = arith.constant 0 : i32
      %dma_start3A_130 = arith.constant 0 : i32
      %dma_start3A_131 = tpu.memref_slice %arg16[%dma_start3A_129, %dma_start3A_130] : memref<10000x64xf32, #tpu.memory_space<vmem_shared>> -> memref<10000x64xf32, #tpu.memory_space<vmem_shared>>
      tpu.enqueue_indirect_dma source(%arg11 : memref<125x64xf32, #tpu.memory_space<vmem>>) target(%dma_start3A_131 : memref<10000x64xf32, #tpu.memory_space<vmem_shared>>) offsets(%dma_start3A_128 : memref<125xi32, #tpu.memory_space<vmem>>) semaphore(%run_scoped3A_125 : memref<!tpu.dma_semaphore, #tpu.memory_space<semaphore_mem>>) {add = true}
      %dma_wait3A_132 = arith.constant 0 : i32
      %dma_wait3A_133 = tpu.memref_slice %arg7[%run_scoped3A_90, %dma_wait3A_132] : memref<80x125xi32, #tpu.memory_space<vmem>> -> memref<1x125xi32, #tpu.memory_space<vmem>>
      %dma_wait3A_134 = tpu.memref_squeeze %dma_wait3A_133 : memref<1x125xi32, #tpu.memory_space<vmem>> -> memref<125xi32, #tpu.memory_space<vmem>>
      %dma_wait3A_135 = arith.constant 0 : i32
      %dma_wait3A_136 = arith.constant 0 : i32
      %dma_wait3A_137 = tpu.memref_slice %arg16[%dma_wait3A_135, %dma_wait3A_136] : memref<10000x64xf32, #tpu.memory_space<vmem_shared>> -> memref<10000x64xf32, #tpu.memory_space<vmem_shared>>
      tpu.wait_indirect_dma semaphore(%run_scoped3A_125 : memref<!tpu.dma_semaphore, #tpu.memory_space<semaphore_mem>>) src(%arg11 : memref<125x64xf32, #tpu.memory_space<vmem>>) dst(%dma_wait3A_137 : memref<10000x64xf32, #tpu.memory_space<vmem_shared>>)
      tpu.yield
    }) : () -> ()
    %dma_wait3A_91 = arith.constant 0 : i32
    %dma_wait3A_92 = arith.constant 0 : i32
    %dma_wait3A_93 = tpu.memref_slice %arg2[%dma_wait3A_91, %dma_wait3A_92] : memref<10000x64xf32, #tpu.memory_space<hbm>> -> memref<125x64xf32, #tpu.memory_space<hbm>>
    %dma_wait3A_94 = arith.constant 0 : i32
    %dma_wait3A_95 = arith.constant 0 : i32
    %dma_wait3A_96 = tpu.memref_slice %arg2[%dma_wait3A_94, %dma_wait3A_95] : memref<10000x64xf32, #tpu.memory_space<hbm>> -> memref<125x64xf32, #tpu.memory_space<hbm>>
    tpu.wait_dma2 semaphore(%arg21 : memref<!tpu.dma_semaphore, #tpu.memory_space<semaphore_mem>>) src(%dma_wait3A_96 : memref<125x64xf32, #tpu.memory_space<hbm>>) dst(%arg12 : memref<125x64xf32, #tpu.memory_space<vmem>>)
    %run_scoped3A_97 = arith.constant 76 : i32
    "tpu.region"() ({
      %run_scoped3A_125 = tpu.sem_alloc : memref<!tpu.dma_semaphore, #tpu.memory_space<semaphore_mem>>
      %dma_start3A_126 = arith.constant 0 : i32
      %dma_start3A_127 = tpu.memref_slice %arg7[%run_scoped3A_97, %dma_start3A_126] : memref<80x125xi32, #tpu.memory_space<vmem>> -> memref<1x125xi32, #tpu.memory_space<vmem>>
      %dma_start3A_128 = tpu.memref_squeeze %dma_start3A_127 : memref<1x125xi32, #tpu.memory_space<vmem>> -> memref<125xi32, #tpu.memory_space<vmem>>
      %dma_start3A_129 = arith.constant 0 : i32
      %dma_start3A_130 = arith.constant 0 : i32
      %dma_start3A_131 = tpu.memref_slice %arg16[%dma_start3A_129, %dma_start3A_130] : memref<10000x64xf32, #tpu.memory_space<vmem_shared>> -> memref<10000x64xf32, #tpu.memory_space<vmem_shared>>
      tpu.enqueue_indirect_dma source(%arg12 : memref<125x64xf32, #tpu.memory_space<vmem>>) target(%dma_start3A_131 : memref<10000x64xf32, #tpu.memory_space<vmem_shared>>) offsets(%dma_start3A_128 : memref<125xi32, #tpu.memory_space<vmem>>) semaphore(%run_scoped3A_125 : memref<!tpu.dma_semaphore, #tpu.memory_space<semaphore_mem>>) {add = true}
      %dma_wait3A_132 = arith.constant 0 : i32
      %dma_wait3A_133 = tpu.memref_slice %arg7[%run_scoped3A_97, %dma_wait3A_132] : memref<80x125xi32, #tpu.memory_space<vmem>> -> memref<1x125xi32, #tpu.memory_space<vmem>>
      %dma_wait3A_134 = tpu.memref_squeeze %dma_wait3A_133 : memref<1x125xi32, #tpu.memory_space<vmem>> -> memref<125xi32, #tpu.memory_space<vmem>>
      %dma_wait3A_135 = arith.constant 0 : i32
      %dma_wait3A_136 = arith.constant 0 : i32
      %dma_wait3A_137 = tpu.memref_slice %arg16[%dma_wait3A_135, %dma_wait3A_136] : memref<10000x64xf32, #tpu.memory_space<vmem_shared>> -> memref<10000x64xf32, #tpu.memory_space<vmem_shared>>
      tpu.wait_indirect_dma semaphore(%run_scoped3A_125 : memref<!tpu.dma_semaphore, #tpu.memory_space<semaphore_mem>>) src(%arg12 : memref<125x64xf32, #tpu.memory_space<vmem>>) dst(%dma_wait3A_137 : memref<10000x64xf32, #tpu.memory_space<vmem_shared>>)
      tpu.yield
    }) : () -> ()
    %dma_wait3A_98 = arith.constant 0 : i32
    %dma_wait3A_99 = arith.constant 0 : i32
    %dma_wait3A_100 = tpu.memref_slice %arg2[%dma_wait3A_98, %dma_wait3A_99] : memref<10000x64xf32, #tpu.memory_space<hbm>> -> memref<125x64xf32, #tpu.memory_space<hbm>>
    %dma_wait3A_101 = arith.constant 0 : i32
    %dma_wait3A_102 = arith.constant 0 : i32
    %dma_wait3A_103 = tpu.memref_slice %arg2[%dma_wait3A_101, %dma_wait3A_102] : memref<10000x64xf32, #tpu.memory_space<hbm>> -> memref<125x64xf32, #tpu.memory_space<hbm>>
    tpu.wait_dma2 semaphore(%arg22 : memref<!tpu.dma_semaphore, #tpu.memory_space<semaphore_mem>>) src(%dma_wait3A_103 : memref<125x64xf32, #tpu.memory_space<hbm>>) dst(%arg13 : memref<125x64xf32, #tpu.memory_space<vmem>>)
    %run_scoped3A_104 = arith.constant 77 : i32
    "tpu.region"() ({
      %run_scoped3A_125 = tpu.sem_alloc : memref<!tpu.dma_semaphore, #tpu.memory_space<semaphore_mem>>
      %dma_start3A_126 = arith.constant 0 : i32
      %dma_start3A_127 = tpu.memref_slice %arg7[%run_scoped3A_104, %dma_start3A_126] : memref<80x125xi32, #tpu.memory_space<vmem>> -> memref<1x125xi32, #tpu.memory_space<vmem>>
      %dma_start3A_128 = tpu.memref_squeeze %dma_start3A_127 : memref<1x125xi32, #tpu.memory_space<vmem>> -> memref<125xi32, #tpu.memory_space<vmem>>
      %dma_start3A_129 = arith.constant 0 : i32
      %dma_start3A_130 = arith.constant 0 : i32
      %dma_start3A_131 = tpu.memref_slice %arg16[%dma_start3A_129, %dma_start3A_130] : memref<10000x64xf32, #tpu.memory_space<vmem_shared>> -> memref<10000x64xf32, #tpu.memory_space<vmem_shared>>
      tpu.enqueue_indirect_dma source(%arg13 : memref<125x64xf32, #tpu.memory_space<vmem>>) target(%dma_start3A_131 : memref<10000x64xf32, #tpu.memory_space<vmem_shared>>) offsets(%dma_start3A_128 : memref<125xi32, #tpu.memory_space<vmem>>) semaphore(%run_scoped3A_125 : memref<!tpu.dma_semaphore, #tpu.memory_space<semaphore_mem>>) {add = true}
      %dma_wait3A_132 = arith.constant 0 : i32
      %dma_wait3A_133 = tpu.memref_slice %arg7[%run_scoped3A_104, %dma_wait3A_132] : memref<80x125xi32, #tpu.memory_space<vmem>> -> memref<1x125xi32, #tpu.memory_space<vmem>>
      %dma_wait3A_134 = tpu.memref_squeeze %dma_wait3A_133 : memref<1x125xi32, #tpu.memory_space<vmem>> -> memref<125xi32, #tpu.memory_space<vmem>>
      %dma_wait3A_135 = arith.constant 0 : i32
      %dma_wait3A_136 = arith.constant 0 : i32
      %dma_wait3A_137 = tpu.memref_slice %arg16[%dma_wait3A_135, %dma_wait3A_136] : memref<10000x64xf32, #tpu.memory_space<vmem_shared>> -> memref<10000x64xf32, #tpu.memory_space<vmem_shared>>
      tpu.wait_indirect_dma semaphore(%run_scoped3A_125 : memref<!tpu.dma_semaphore, #tpu.memory_space<semaphore_mem>>) src(%arg13 : memref<125x64xf32, #tpu.memory_space<vmem>>) dst(%dma_wait3A_137 : memref<10000x64xf32, #tpu.memory_space<vmem_shared>>)
      tpu.yield
    }) : () -> ()
    %dma_wait3A_105 = arith.constant 0 : i32
    %dma_wait3A_106 = arith.constant 0 : i32
    %dma_wait3A_107 = tpu.memref_slice %arg2[%dma_wait3A_105, %dma_wait3A_106] : memref<10000x64xf32, #tpu.memory_space<hbm>> -> memref<125x64xf32, #tpu.memory_space<hbm>>
    %dma_wait3A_108 = arith.constant 0 : i32
    %dma_wait3A_109 = arith.constant 0 : i32
    %dma_wait3A_110 = tpu.memref_slice %arg2[%dma_wait3A_108, %dma_wait3A_109] : memref<10000x64xf32, #tpu.memory_space<hbm>> -> memref<125x64xf32, #tpu.memory_space<hbm>>
    tpu.wait_dma2 semaphore(%arg23 : memref<!tpu.dma_semaphore, #tpu.memory_space<semaphore_mem>>) src(%dma_wait3A_110 : memref<125x64xf32, #tpu.memory_space<hbm>>) dst(%arg14 : memref<125x64xf32, #tpu.memory_space<vmem>>)
    %run_scoped3A_111 = arith.constant 78 : i32
    "tpu.region"() ({
      %run_scoped3A_125 = tpu.sem_alloc : memref<!tpu.dma_semaphore, #tpu.memory_space<semaphore_mem>>
      %dma_start3A_126 = arith.constant 0 : i32
      %dma_start3A_127 = tpu.memref_slice %arg7[%run_scoped3A_111, %dma_start3A_126] : memref<80x125xi32, #tpu.memory_space<vmem>> -> memref<1x125xi32, #tpu.memory_space<vmem>>
      %dma_start3A_128 = tpu.memref_squeeze %dma_start3A_127 : memref<1x125xi32, #tpu.memory_space<vmem>> -> memref<125xi32, #tpu.memory_space<vmem>>
      %dma_start3A_129 = arith.constant 0 : i32
      %dma_start3A_130 = arith.constant 0 : i32
      %dma_start3A_131 = tpu.memref_slice %arg16[%dma_start3A_129, %dma_start3A_130] : memref<10000x64xf32, #tpu.memory_space<vmem_shared>> -> memref<10000x64xf32, #tpu.memory_space<vmem_shared>>
      tpu.enqueue_indirect_dma source(%arg14 : memref<125x64xf32, #tpu.memory_space<vmem>>) target(%dma_start3A_131 : memref<10000x64xf32, #tpu.memory_space<vmem_shared>>) offsets(%dma_start3A_128 : memref<125xi32, #tpu.memory_space<vmem>>) semaphore(%run_scoped3A_125 : memref<!tpu.dma_semaphore, #tpu.memory_space<semaphore_mem>>) {add = true}
      %dma_wait3A_132 = arith.constant 0 : i32
      %dma_wait3A_133 = tpu.memref_slice %arg7[%run_scoped3A_111, %dma_wait3A_132] : memref<80x125xi32, #tpu.memory_space<vmem>> -> memref<1x125xi32, #tpu.memory_space<vmem>>
      %dma_wait3A_134 = tpu.memref_squeeze %dma_wait3A_133 : memref<1x125xi32, #tpu.memory_space<vmem>> -> memref<125xi32, #tpu.memory_space<vmem>>
      %dma_wait3A_135 = arith.constant 0 : i32
      %dma_wait3A_136 = arith.constant 0 : i32
      %dma_wait3A_137 = tpu.memref_slice %arg16[%dma_wait3A_135, %dma_wait3A_136] : memref<10000x64xf32, #tpu.memory_space<vmem_shared>> -> memref<10000x64xf32, #tpu.memory_space<vmem_shared>>
      tpu.wait_indirect_dma semaphore(%run_scoped3A_125 : memref<!tpu.dma_semaphore, #tpu.memory_space<semaphore_mem>>) src(%arg14 : memref<125x64xf32, #tpu.memory_space<vmem>>) dst(%dma_wait3A_137 : memref<10000x64xf32, #tpu.memory_space<vmem_shared>>)
      tpu.yield
    }) : () -> ()
    %dma_wait3A_112 = arith.constant 0 : i32
    %dma_wait3A_113 = arith.constant 0 : i32
    %dma_wait3A_114 = tpu.memref_slice %arg2[%dma_wait3A_112, %dma_wait3A_113] : memref<10000x64xf32, #tpu.memory_space<hbm>> -> memref<125x64xf32, #tpu.memory_space<hbm>>
    %dma_wait3A_115 = arith.constant 0 : i32
    %dma_wait3A_116 = arith.constant 0 : i32
    %dma_wait3A_117 = tpu.memref_slice %arg2[%dma_wait3A_115, %dma_wait3A_116] : memref<10000x64xf32, #tpu.memory_space<hbm>> -> memref<125x64xf32, #tpu.memory_space<hbm>>
    tpu.wait_dma2 semaphore(%arg24 : memref<!tpu.dma_semaphore, #tpu.memory_space<semaphore_mem>>) src(%dma_wait3A_117 : memref<125x64xf32, #tpu.memory_space<hbm>>) dst(%arg15 : memref<125x64xf32, #tpu.memory_space<vmem>>)
    %run_scoped3A_118 = arith.constant 79 : i32
    "tpu.region"() ({
      %run_scoped3A_125 = tpu.sem_alloc : memref<!tpu.dma_semaphore, #tpu.memory_space<semaphore_mem>>
      %dma_start3A_126 = arith.constant 0 : i32
      %dma_start3A_127 = tpu.memref_slice %arg7[%run_scoped3A_118, %dma_start3A_126] : memref<80x125xi32, #tpu.memory_space<vmem>> -> memref<1x125xi32, #tpu.memory_space<vmem>>
      %dma_start3A_128 = tpu.memref_squeeze %dma_start3A_127 : memref<1x125xi32, #tpu.memory_space<vmem>> -> memref<125xi32, #tpu.memory_space<vmem>>
      %dma_start3A_129 = arith.constant 0 : i32
      %dma_start3A_130 = arith.constant 0 : i32
      %dma_start3A_131 = tpu.memref_slice %arg16[%dma_start3A_129, %dma_start3A_130] : memref<10000x64xf32, #tpu.memory_space<vmem_shared>> -> memref<10000x64xf32, #tpu.memory_space<vmem_shared>>
      tpu.enqueue_indirect_dma source(%arg15 : memref<125x64xf32, #tpu.memory_space<vmem>>) target(%dma_start3A_131 : memref<10000x64xf32, #tpu.memory_space<vmem_shared>>) offsets(%dma_start3A_128 : memref<125xi32, #tpu.memory_space<vmem>>) semaphore(%run_scoped3A_125 : memref<!tpu.dma_semaphore, #tpu.memory_space<semaphore_mem>>) {add = true}
      %dma_wait3A_132 = arith.constant 0 : i32
      %dma_wait3A_133 = tpu.memref_slice %arg7[%run_scoped3A_118, %dma_wait3A_132] : memref<80x125xi32, #tpu.memory_space<vmem>> -> memref<1x125xi32, #tpu.memory_space<vmem>>
      %dma_wait3A_134 = tpu.memref_squeeze %dma_wait3A_133 : memref<1x125xi32, #tpu.memory_space<vmem>> -> memref<125xi32, #tpu.memory_space<vmem>>
      %dma_wait3A_135 = arith.constant 0 : i32
      %dma_wait3A_136 = arith.constant 0 : i32
      %dma_wait3A_137 = tpu.memref_slice %arg16[%dma_wait3A_135, %dma_wait3A_136] : memref<10000x64xf32, #tpu.memory_space<vmem_shared>> -> memref<10000x64xf32, #tpu.memory_space<vmem_shared>>
      tpu.wait_indirect_dma semaphore(%run_scoped3A_125 : memref<!tpu.dma_semaphore, #tpu.memory_space<semaphore_mem>>) src(%arg15 : memref<125x64xf32, #tpu.memory_space<vmem>>) dst(%dma_wait3A_137 : memref<10000x64xf32, #tpu.memory_space<vmem_shared>>)
      tpu.yield
    }) : () -> ()
    %barrier3A_119 = arith.constant 0 : index
    tpu.barrier barrier_id(%barrier3A_119)
    "tpu.region"() ({
      %run_scoped3A_125 = tpu.sem_alloc : memref<!tpu.dma_semaphore, #tpu.memory_space<semaphore_mem>>
      %dma_start3A_126 = arith.constant 0 : i32
      %dma_start3A_127 = tpu.memref_slice %arg5[%arg0, %mul3A_2, %dma_start3A_126] : memref<2x10000x64xf32, #tpu.memory_space<hbm>> -> memref<1x624x64xf32, #tpu.memory_space<hbm>>
      %dma_start3A_128 = tpu.memref_squeeze %dma_start3A_127 : memref<1x624x64xf32, #tpu.memory_space<hbm>> -> memref<624x64xf32, #tpu.memory_space<hbm>>
      %dma_start3A_129 = arith.constant 0 : i32
      %dma_start3A_130 = tpu.memref_slice %arg16[%mul3A_2, %dma_start3A_129] : memref<10000x64xf32, #tpu.memory_space<vmem_shared>> -> memref<624x64xf32, #tpu.memory_space<vmem_shared>>
      tpu.enqueue_dma source(%dma_start3A_130 : memref<624x64xf32, #tpu.memory_space<vmem_shared>>) target(%dma_start3A_128 : memref<624x64xf32, #tpu.memory_space<hbm>>) target_semaphore(%run_scoped3A_125 : memref<!tpu.dma_semaphore, #tpu.memory_space<semaphore_mem>>)
      %dma_wait3A_131 = arith.constant 0 : i32
      %dma_wait3A_132 = tpu.memref_slice %arg5[%arg0, %mul3A_2, %dma_wait3A_131] : memref<2x10000x64xf32, #tpu.memory_space<hbm>> -> memref<1x624x64xf32, #tpu.memory_space<hbm>>
      %dma_wait3A_133 = tpu.memref_squeeze %dma_wait3A_132 : memref<1x624x64xf32, #tpu.memory_space<hbm>> -> memref<624x64xf32, #tpu.memory_space<hbm>>
      %dma_wait3A_134 = arith.constant 0 : i32
      %dma_wait3A_135 = tpu.memref_slice %arg16[%mul3A_2, %dma_wait3A_134] : memref<10000x64xf32, #tpu.memory_space<vmem_shared>> -> memref<624x64xf32, #tpu.memory_space<vmem_shared>>
      tpu.wait_dma2 semaphore(%run_scoped3A_125 : memref<!tpu.dma_semaphore, #tpu.memory_space<semaphore_mem>>) src(%dma_wait3A_135 : memref<624x64xf32, #tpu.memory_space<vmem_shared>>) dst(%dma_wait3A_133 : memref<624x64xf32, #tpu.memory_space<hbm>>)
      tpu.yield
    }) : () -> ()
    %eq3A_120 = arith.constant 0 : i32
    %eq3A_121 = arith.cmpi eq, %arg1, %eq3A_120 : i32
    %convert_element_type3A_122 = arith.extui %eq3A_121 : i1 to i32
    %cond3A_123 = arith.constant 0 : i32
    %cond3A_124 = arith.cmpi ne, %convert_element_type3A_122, %cond3A_123 : i32
    scf.if %cond3A_124 {
      "tpu.region"() ({
        %run_scoped3A_125 = tpu.sem_alloc : memref<!tpu.dma_semaphore, #tpu.memory_space<semaphore_mem>>
        %dma_start3A_126 = arith.constant 9984 : i32
        %dma_start3A_127 = arith.constant 0 : i32
        %dma_start3A_128 = tpu.memref_slice %arg5[%arg0, %dma_start3A_126, %dma_start3A_127] : memref<2x10000x64xf32, #tpu.memory_space<hbm>> -> memref<1x16x64xf32, #tpu.memory_space<hbm>>
        %dma_start3A_129 = tpu.memref_squeeze %dma_start3A_128 : memref<1x16x64xf32, #tpu.memory_space<hbm>> -> memref<16x64xf32, #tpu.memory_space<hbm>>
        %dma_start3A_130 = arith.constant 9984 : i32
        %dma_start3A_131 = arith.constant 0 : i32
        %dma_start3A_132 = tpu.memref_slice %arg16[%dma_start3A_130, %dma_start3A_131] : memref<10000x64xf32, #tpu.memory_space<vmem_shared>> -> memref<16x64xf32, #tpu.memory_space<vmem_shared>>
        tpu.enqueue_dma source(%dma_start3A_132 : memref<16x64xf32, #tpu.memory_space<vmem_shared>>) target(%dma_start3A_129 : memref<16x64xf32, #tpu.memory_space<hbm>>) target_semaphore(%run_scoped3A_125 : memref<!tpu.dma_semaphore, #tpu.memory_space<semaphore_mem>>)
        %dma_wait3A_133 = arith.constant 9984 : i32
        %dma_wait3A_134 = arith.constant 0 : i32
        %dma_wait3A_135 = tpu.memref_slice %arg5[%arg0, %dma_wait3A_133, %dma_wait3A_134] : memref<2x10000x64xf32, #tpu.memory_space<hbm>> -> memref<1x16x64xf32, #tpu.memory_space<hbm>>
        %dma_wait3A_136 = tpu.memref_squeeze %dma_wait3A_135 : memref<1x16x64xf32, #tpu.memory_space<hbm>> -> memref<16x64xf32, #tpu.memory_space<hbm>>
        %dma_wait3A_137 = arith.constant 9984 : i32
        %dma_wait3A_138 = arith.constant 0 : i32
        %dma_wait3A_139 = tpu.memref_slice %arg16[%dma_wait3A_137, %dma_wait3A_138] : memref<10000x64xf32, #tpu.memory_space<vmem_shared>> -> memref<16x64xf32, #tpu.memory_space<vmem_shared>>
        tpu.wait_dma2 semaphore(%run_scoped3A_125 : memref<!tpu.dma_semaphore, #tpu.memory_space<semaphore_mem>>) src(%dma_wait3A_139 : memref<16x64xf32, #tpu.memory_space<vmem_shared>>) dst(%dma_wait3A_136 : memref<16x64xf32, #tpu.memory_space<hbm>>)
        tpu.yield
      }) : () -> ()
    } else {
    }
    return
  }
}

#map = affine_map<(d0, d1) -> (0, 0, 0)>
#map1 = affine_map<(d0, d1) -> (0)>
#map2 = affine_map<(d0, d1) -> (0, 0)>
module attributes {stable_mosaic.version = 14 : i64} {
  func.func @k(%arg0: i32, %arg1: i32, %arg2: memref<32x80x125xi32, #tpu.memory_space<hbm>>, %arg3: memref<10000xf32, #tpu.memory_space<hbm>>, %arg4: memref<2x10000xf32, #tpu.memory_space<hbm>>, %arg5: memref<80x125xi32, #tpu.memory_space<vmem>>, %arg6: memref<128xf32, #tpu.memory_space<vmem>>, %arg7: memref<10000xf32, #tpu.memory_space<vmem_shared>>) attributes {dimension_semantics = [#tpu.dimension_semantics<core_parallel>, #tpu.dimension_semantics<subcore_parallel>], iteration_bounds = array<i64: 2, 16>, scalar_prefetch = 0 : i64, scratch_operands = 3 : i64, tpu.core_type = #tpu.core_type<sc_vector_subcore>, window_params = [{transform_indices = #map}, {transform_indices = #map1}, {transform_indices = #map2}]} {
    %mul3A = arith.constant 2 : i32
    %mul3A_0 = arith.muli %arg1, %mul3A : i32
    %add3A = arith.addi %mul3A_0, %arg0 : i32
    %eq3A = arith.constant 0 : i32
    %eq3A_1 = arith.cmpi eq, %arg1, %eq3A : i32
    %convert_element_type3A = arith.extui %eq3A_1 : i1 to i32
    %cond3A = arith.constant 0 : i32
    %cond3A_2 = arith.cmpi ne, %convert_element_type3A, %cond3A : i32
    scf.if %cond3A_2 {
      "tpu.region"() ({
        %run_scoped3A = tpu.sem_alloc : memref<!tpu.dma_semaphore, #tpu.memory_space<semaphore_mem>>
        tpu.enqueue_dma source(%arg3 : memref<10000xf32, #tpu.memory_space<hbm>>) target(%arg7 : memref<10000xf32, #tpu.memory_space<vmem_shared>>) target_semaphore(%run_scoped3A : memref<!tpu.dma_semaphore, #tpu.memory_space<semaphore_mem>>)
        tpu.wait_dma2 semaphore(%run_scoped3A : memref<!tpu.dma_semaphore, #tpu.memory_space<semaphore_mem>>) src(%arg3 : memref<10000xf32, #tpu.memory_space<hbm>>) dst(%arg7 : memref<10000xf32, #tpu.memory_space<vmem_shared>>)
        tpu.yield
      }) : () -> ()
    } else {
    }
    "tpu.region"() ({
      %run_scoped3A = tpu.sem_alloc : memref<!tpu.dma_semaphore, #tpu.memory_space<semaphore_mem>>
      %dma_start3A = arith.constant 0 : i32
      %dma_start3A_60 = arith.constant 0 : i32
      %dma_start3A_61 = tpu.memref_slice %arg2[%add3A, %dma_start3A, %dma_start3A_60] : memref<32x80x125xi32, #tpu.memory_space<hbm>> -> memref<1x80x125xi32, #tpu.memory_space<hbm>>
      %dma_start3A_62 = tpu.memref_squeeze %dma_start3A_61 : memref<1x80x125xi32, #tpu.memory_space<hbm>> -> memref<80x125xi32, #tpu.memory_space<hbm>>
      %dma_start3A_63 = arith.constant 0 : i32
      %dma_start3A_64 = arith.constant 0 : i32
      %dma_start3A_65 = tpu.memref_slice %arg2[%add3A, %dma_start3A_63, %dma_start3A_64] : memref<32x80x125xi32, #tpu.memory_space<hbm>> -> memref<1x80x125xi32, #tpu.memory_space<hbm>>
      %dma_start3A_66 = tpu.memref_squeeze %dma_start3A_65 : memref<1x80x125xi32, #tpu.memory_space<hbm>> -> memref<80x125xi32, #tpu.memory_space<hbm>>
      tpu.enqueue_dma source(%dma_start3A_66 : memref<80x125xi32, #tpu.memory_space<hbm>>) target(%arg5 : memref<80x125xi32, #tpu.memory_space<vmem>>) target_semaphore(%run_scoped3A : memref<!tpu.dma_semaphore, #tpu.memory_space<semaphore_mem>>)
      %dma_wait3A = arith.constant 0 : i32
      %dma_wait3A_67 = arith.constant 0 : i32
      %dma_wait3A_68 = tpu.memref_slice %arg2[%add3A, %dma_wait3A, %dma_wait3A_67] : memref<32x80x125xi32, #tpu.memory_space<hbm>> -> memref<1x80x125xi32, #tpu.memory_space<hbm>>
      %dma_wait3A_69 = tpu.memref_squeeze %dma_wait3A_68 : memref<1x80x125xi32, #tpu.memory_space<hbm>> -> memref<80x125xi32, #tpu.memory_space<hbm>>
      %dma_wait3A_70 = arith.constant 0 : i32
      %dma_wait3A_71 = arith.constant 0 : i32
      %dma_wait3A_72 = tpu.memref_slice %arg2[%add3A, %dma_wait3A_70, %dma_wait3A_71] : memref<32x80x125xi32, #tpu.memory_space<hbm>> -> memref<1x80x125xi32, #tpu.memory_space<hbm>>
      %dma_wait3A_73 = tpu.memref_squeeze %dma_wait3A_72 : memref<1x80x125xi32, #tpu.memory_space<hbm>> -> memref<80x125xi32, #tpu.memory_space<hbm>>
      tpu.wait_dma2 semaphore(%run_scoped3A : memref<!tpu.dma_semaphore, #tpu.memory_space<semaphore_mem>>) src(%dma_wait3A_73 : memref<80x125xi32, #tpu.memory_space<hbm>>) dst(%arg5 : memref<80x125xi32, #tpu.memory_space<vmem>>)
      tpu.yield
    }) : () -> ()
    %broadcast_in_dim3A = arith.constant 1.000000e+00 : f32
    %broadcast_in_dim3A_3 = vector.broadcast %broadcast_in_dim3A : f32 to vector<16xf32>
    %swap3A = arith.constant 0 : index
    %swap3A_4 = tpu.vector_load %arg6[%swap3A] {strides = array<i32>} : memref<128xf32, #tpu.memory_space<vmem>>, vector<16xf32>,
    %swap3A_5 = vector.shape_cast %swap3A_4 : vector<16xf32> to vector<16xf32>
    %swap3A_6 = vector.shape_cast %broadcast_in_dim3A_3 : vector<16xf32> to vector<16xf32>
    tpu.vector_store %arg6[%swap3A], %swap3A_6 {strides = array<i32>} : memref<128xf32, #tpu.memory_space<vmem>>, vector<16xf32>,
    %broadcast_in_dim3A_7 = arith.constant 1.000000e+00 : f32
    %broadcast_in_dim3A_8 = vector.broadcast %broadcast_in_dim3A_7 : f32 to vector<16xf32>
    %swap3A_9 = arith.constant 16 : index
    %swap3A_10 = tpu.vector_load %arg6[%swap3A_9] {strides = array<i32>} : memref<128xf32, #tpu.memory_space<vmem>>, vector<16xf32>,
    %swap3A_11 = vector.shape_cast %swap3A_10 : vector<16xf32> to vector<16xf32>
    %swap3A_12 = vector.shape_cast %broadcast_in_dim3A_8 : vector<16xf32> to vector<16xf32>
    tpu.vector_store %arg6[%swap3A_9], %swap3A_12 {strides = array<i32>} : memref<128xf32, #tpu.memory_space<vmem>>, vector<16xf32>,
    %broadcast_in_dim3A_13 = arith.constant 1.000000e+00 : f32
    %broadcast_in_dim3A_14 = vector.broadcast %broadcast_in_dim3A_13 : f32 to vector<16xf32>
    %swap3A_15 = arith.constant 32 : index
    %swap3A_16 = tpu.vector_load %arg6[%swap3A_15] {strides = array<i32>} : memref<128xf32, #tpu.memory_space<vmem>>, vector<16xf32>,
    %swap3A_17 = vector.shape_cast %swap3A_16 : vector<16xf32> to vector<16xf32>
    %swap3A_18 = vector.shape_cast %broadcast_in_dim3A_14 : vector<16xf32> to vector<16xf32>
    tpu.vector_store %arg6[%swap3A_15], %swap3A_18 {strides = array<i32>} : memref<128xf32, #tpu.memory_space<vmem>>, vector<16xf32>,
    %broadcast_in_dim3A_19 = arith.constant 1.000000e+00 : f32
    %broadcast_in_dim3A_20 = vector.broadcast %broadcast_in_dim3A_19 : f32 to vector<16xf32>
    %swap3A_21 = arith.constant 48 : index
    %swap3A_22 = tpu.vector_load %arg6[%swap3A_21] {strides = array<i32>} : memref<128xf32, #tpu.memory_space<vmem>>, vector<16xf32>,
    %swap3A_23 = vector.shape_cast %swap3A_22 : vector<16xf32> to vector<16xf32>
    %swap3A_24 = vector.shape_cast %broadcast_in_dim3A_20 : vector<16xf32> to vector<16xf32>
    tpu.vector_store %arg6[%swap3A_21], %swap3A_24 {strides = array<i32>} : memref<128xf32, #tpu.memory_space<vmem>>, vector<16xf32>,
    %broadcast_in_dim3A_25 = arith.constant 1.000000e+00 : f32
    %broadcast_in_dim3A_26 = vector.broadcast %broadcast_in_dim3A_25 : f32 to vector<16xf32>
    %swap3A_27 = arith.constant 64 : index
    %swap3A_28 = tpu.vector_load %arg6[%swap3A_27] {strides = array<i32>} : memref<128xf32, #tpu.memory_space<vmem>>, vector<16xf32>,
    %swap3A_29 = vector.shape_cast %swap3A_28 : vector<16xf32> to vector<16xf32>
    %swap3A_30 = vector.shape_cast %broadcast_in_dim3A_26 : vector<16xf32> to vector<16xf32>
    tpu.vector_store %arg6[%swap3A_27], %swap3A_30 {strides = array<i32>} : memref<128xf32, #tpu.memory_space<vmem>>, vector<16xf32>,
    %broadcast_in_dim3A_31 = arith.constant 1.000000e+00 : f32
    %broadcast_in_dim3A_32 = vector.broadcast %broadcast_in_dim3A_31 : f32 to vector<16xf32>
    %swap3A_33 = arith.constant 80 : index
    %swap3A_34 = tpu.vector_load %arg6[%swap3A_33] {strides = array<i32>} : memref<128xf32, #tpu.memory_space<vmem>>, vector<16xf32>,
    %swap3A_35 = vector.shape_cast %swap3A_34 : vector<16xf32> to vector<16xf32>
    %swap3A_36 = vector.shape_cast %broadcast_in_dim3A_32 : vector<16xf32> to vector<16xf32>
    tpu.vector_store %arg6[%swap3A_33], %swap3A_36 {strides = array<i32>} : memref<128xf32, #tpu.memory_space<vmem>>, vector<16xf32>,
    %broadcast_in_dim3A_37 = arith.constant 1.000000e+00 : f32
    %broadcast_in_dim3A_38 = vector.broadcast %broadcast_in_dim3A_37 : f32 to vector<16xf32>
    %swap3A_39 = arith.constant 96 : index
    %swap3A_40 = tpu.vector_load %arg6[%swap3A_39] {strides = array<i32>} : memref<128xf32, #tpu.memory_space<vmem>>, vector<16xf32>,
    %swap3A_41 = vector.shape_cast %swap3A_40 : vector<16xf32> to vector<16xf32>
    %swap3A_42 = vector.shape_cast %broadcast_in_dim3A_38 : vector<16xf32> to vector<16xf32>
    tpu.vector_store %arg6[%swap3A_39], %swap3A_42 {strides = array<i32>} : memref<128xf32, #tpu.memory_space<vmem>>, vector<16xf32>,
    %broadcast_in_dim3A_43 = arith.constant 1.000000e+00 : f32
    %broadcast_in_dim3A_44 = vector.broadcast %broadcast_in_dim3A_43 : f32 to vector<16xf32>
    %swap3A_45 = arith.constant 112 : index
    %swap3A_46 = tpu.vector_load %arg6[%swap3A_45] {strides = array<i32>} : memref<128xf32, #tpu.memory_space<vmem>>, vector<16xf32>,
    %swap3A_47 = vector.shape_cast %swap3A_46 : vector<16xf32> to vector<16xf32>
    %swap3A_48 = vector.shape_cast %broadcast_in_dim3A_44 : vector<16xf32> to vector<16xf32>
    tpu.vector_store %arg6[%swap3A_45], %swap3A_48 {strides = array<i32>} : memref<128xf32, #tpu.memory_space<vmem>>, vector<16xf32>,
    %barrier3A = arith.constant 0 : index
    tpu.barrier barrier_id(%barrier3A)
    %scan3A = arith.constant 0 : i32
    %scan3A_49 = arith.constant 0 : i32
    %scan3A_50 = arith.constant 80 : i32
    %scan3A_51 = arith.addi %scan3A_49, %scan3A_50 : i32
    %scan3A_52 = arith.constant 1 : i32
    scf.for %scan3A_60 = %scan3A_49 to %scan3A_51 step %scan3A_52  : i32 {
      "tpu.region"() ({
        %run_scoped3A = tpu.sem_alloc : memref<!tpu.dma_semaphore, #tpu.memory_space<semaphore_mem>>
        %dma_start3A = arith.constant 0 : i32
        %dma_start3A_61 = tpu.memref_slice %arg6[%dma_start3A] : memref<128xf32, #tpu.memory_space<vmem>> -> memref<125xf32, #tpu.memory_space<vmem>>
        %dma_start3A_62 = arith.constant 0 : i32
        %dma_start3A_63 = tpu.memref_slice %arg5[%scan3A_60, %dma_start3A_62] : memref<80x125xi32, #tpu.memory_space<vmem>> -> memref<1x125xi32, #tpu.memory_space<vmem>>
        %dma_start3A_64 = tpu.memref_squeeze %dma_start3A_63 : memref<1x125xi32, #tpu.memory_space<vmem>> -> memref<125xi32, #tpu.memory_space<vmem>>
        %dma_start3A_65 = arith.constant 0 : i32
        %dma_start3A_66 = tpu.memref_slice %arg7[%dma_start3A_65] : memref<10000xf32, #tpu.memory_space<vmem_shared>> -> memref<10000xf32, #tpu.memory_space<vmem_shared>>
        tpu.enqueue_indirect_dma source(%dma_start3A_61 : memref<125xf32, #tpu.memory_space<vmem>>) target(%dma_start3A_66 : memref<10000xf32, #tpu.memory_space<vmem_shared>>) offsets(%dma_start3A_64 : memref<125xi32, #tpu.memory_space<vmem>>) semaphore(%run_scoped3A : memref<!tpu.dma_semaphore, #tpu.memory_space<semaphore_mem>>) {add = true}
        %dma_wait3A = arith.constant 0 : i32
        %dma_wait3A_67 = tpu.memref_slice %arg6[%dma_wait3A] : memref<128xf32, #tpu.memory_space<vmem>> -> memref<125xf32, #tpu.memory_space<vmem>>
        %dma_wait3A_68 = arith.constant 0 : i32
        %dma_wait3A_69 = tpu.memref_slice %arg5[%scan3A_60, %dma_wait3A_68] : memref<80x125xi32, #tpu.memory_space<vmem>> -> memref<1x125xi32, #tpu.memory_space<vmem>>
        %dma_wait3A_70 = tpu.memref_squeeze %dma_wait3A_69 : memref<1x125xi32, #tpu.memory_space<vmem>> -> memref<125xi32, #tpu.memory_space<vmem>>
        %dma_wait3A_71 = arith.constant 0 : i32
        %dma_wait3A_72 = tpu.memref_slice %arg7[%dma_wait3A_71] : memref<10000xf32, #tpu.memory_space<vmem_shared>> -> memref<10000xf32, #tpu.memory_space<vmem_shared>>
        tpu.wait_indirect_dma semaphore(%run_scoped3A : memref<!tpu.dma_semaphore, #tpu.memory_space<semaphore_mem>>) src(%dma_wait3A_67 : memref<125xf32, #tpu.memory_space<vmem>>) dst(%dma_wait3A_72 : memref<10000xf32, #tpu.memory_space<vmem_shared>>)
        tpu.yield
      }) : () -> ()
    }
    %scan3A_53 = arith.constant 80 : i32
    %barrier3A_54 = arith.constant 0 : index
    tpu.barrier barrier_id(%barrier3A_54)
    %eq3A_55 = arith.constant 0 : i32
    %eq3A_56 = arith.cmpi eq, %arg1, %eq3A_55 : i32
    %convert_element_type3A_57 = arith.extui %eq3A_56 : i1 to i32
    %cond3A_58 = arith.constant 0 : i32
    %cond3A_59 = arith.cmpi ne, %convert_element_type3A_57, %cond3A_58 : i32
    scf.if %cond3A_59 {
      "tpu.region"() ({
        %run_scoped3A = tpu.sem_alloc : memref<!tpu.dma_semaphore, #tpu.memory_space<semaphore_mem>>
        %dma_start3A = arith.constant 0 : i32
        %dma_start3A_60 = tpu.memref_slice %arg4[%arg0, %dma_start3A] : memref<2x10000xf32, #tpu.memory_space<hbm>> -> memref<1x10000xf32, #tpu.memory_space<hbm>>
        %dma_start3A_61 = tpu.memref_squeeze %dma_start3A_60 : memref<1x10000xf32, #tpu.memory_space<hbm>> -> memref<10000xf32, #tpu.memory_space<hbm>>
        tpu.enqueue_dma source(%arg7 : memref<10000xf32, #tpu.memory_space<vmem_shared>>) target(%dma_start3A_61 : memref<10000xf32, #tpu.memory_space<hbm>>) target_semaphore(%run_scoped3A : memref<!tpu.dma_semaphore, #tpu.memory_space<semaphore_mem>>)
        %dma_wait3A = arith.constant 0 : i32
        %dma_wait3A_62 = tpu.memref_slice %arg4[%arg0, %dma_wait3A] : memref<2x10000xf32, #tpu.memory_space<hbm>> -> memref<1x10000xf32, #tpu.memory_space<hbm>>
        %dma_wait3A_63 = tpu.memref_squeeze %dma_wait3A_62 : memref<1x10000xf32, #tpu.memory_space<hbm>> -> memref<10000xf32, #tpu.memory_space<hbm>>
        tpu.wait_dma2 semaphore(%run_scoped3A : memref<!tpu.dma_semaphore, #tpu.memory_space<semaphore_mem>>) src(%arg7 : memref<10000xf32, #tpu.memory_space<vmem_shared>>) dst(%dma_wait3A_63 : memref<10000xf32, #tpu.memory_space<hbm>>)
        tpu.yield
      }) : () -> ()
    } else {
    }
    return
  }
}

module attributes {stable_mosaic.version = 14 : i64} {
  func.func @body(%arg0: i32, %arg1: memref<1000x2xf32, #tpu.memory_space<vmem>>, %arg2: memref<1000x128xf32, #tpu.memory_space<vmem>>, %arg3: memref<128x64xf32, #tpu.memory_space<vmem>>, %arg4: memref<1000x64xf32, #tpu.memory_space<vmem>>, %arg5: memref<1000x1xf32, #tpu.memory_space<vmem>>) attributes {dimension_semantics = [#tpu.dimension_semantics<arbitrary>], iteration_bounds = array<i64: 10>, scalar_prefetch = 0 : i64, scratch_operands = 0 : i64, tpu.core_type = #tpu.core_type<tc>, window_params = [{transform_indices = @transform_0, window_bounds = array<i64: 1000, 2>}, {transform_indices = @transform_1, window_bounds = array<i64: 1000, 128>}, {pipeline_mode = #tpu.pipeline_mode<synchronous>, transform_indices = @transform_2, window_bounds = array<i64: 128, 64>}, {transform_indices = @transform_3, window_bounds = array<i64: 1000, 64>}, {transform_indices = @transform_4, window_bounds = array<i64: 1000, 1>}]} {
    %get3A = arith.constant 0 : index
    %get3A_0 = arith.constant 0 : index
    %get3A_1 = vector.load %arg1[%get3A, %get3A_0] : memref<1000x2xf32, #tpu.memory_space<vmem>>, vector<1000x1xf32>
    %get3A_2 = arith.constant 0 : index
    %get3A_3 = arith.constant 1 : index
    %get3A_4 = vector.load %arg1[%get3A_2, %get3A_3] : memref<1000x2xf32, #tpu.memory_space<vmem>>, vector<1000x1xf32>
    %add3A = arith.addf %get3A_1, %get3A_4 : vector<1000x1xf32>
    %add3A_5 = arith.constant 1.000000e+00 : f32
    %add3A_6 = vector.broadcast %add3A_5 : f32 to vector<1000x1xf32>
    %add3A_7 = arith.addf %add3A, %add3A_6 : vector<1000x1xf32>
    %rsqrt3A = math.rsqrt %add3A_7 : vector<1000x1xf32>
    %get3A_8 = arith.constant 0 : index
    %get3A_9 = arith.constant 0 : index
    %get3A_10 = vector.load %arg2[%get3A_8, %get3A_9] : memref<1000x128xf32, #tpu.memory_space<vmem>>, vector<1000x128xf32>
    %get3A_11 = arith.constant 0 : index
    %get3A_12 = arith.constant 0 : index
    %get3A_13 = vector.load %arg3[%get3A_11, %get3A_12] : memref<128x64xf32, #tpu.memory_space<vmem>>, vector<128x64xf32>
    %dot_general3A = arith.constant dense<0.000000e+00> : vector<1000x64xf32>
    %dot_general3A_14 = tpu.matmul %get3A_10, %get3A_13, %dot_general3A {dimension_numbers = #tpu.dot_dimension_numbers<[1], [0], [0], [1], [0, 0, 1, 1], [], []>, transpose_lhs_hint = false} : vector<1000x128xf32>, vector<128x64xf32>, vector<1000x64xf32> -> vector<1000x64xf32>
    %mul3A = vector.broadcast %rsqrt3A : vector<1000x1xf32> to vector<1000x64xf32>
    %mul3A_15 = arith.mulf %dot_general3A_14, %mul3A : vector<1000x64xf32>
    %swap3A = arith.constant 0 : index
    %swap3A_16 = arith.constant 0 : index
    %swap3A_17 = vector.load %arg4[%swap3A, %swap3A_16] : memref<1000x64xf32, #tpu.memory_space<vmem>>, vector<1000x64xf32>
    tpu.vector_store %arg4[%swap3A, %swap3A_16], %mul3A_15 {strides = array<i32>} : memref<1000x64xf32, #tpu.memory_space<vmem>>, vector<1000x64xf32>,
    %swap3A_18 = arith.constant 0 : index
    %swap3A_19 = arith.constant 0 : index
    %swap3A_20 = vector.load %arg5[%swap3A_18, %swap3A_19] : memref<1000x1xf32, #tpu.memory_space<vmem>>, vector<1000x1xf32>
    tpu.vector_store %arg5[%swap3A_18, %swap3A_19], %rsqrt3A {strides = array<i32>} : memref<1000x1xf32, #tpu.memory_space<vmem>>, vector<1000x1xf32>,
    return
  }
  func.func @transform_0(%arg0: i32) -> (i32, i32) {
    %c0_i32 = arith.constant 0 : i32
    %c0_i32_0 = arith.constant 0 : i32
    return %arg0, %c0_i32 : i32, i32
  }
  func.func @transform_1(%arg0: i32) -> (i32, i32) {
    %c0_i32 = arith.constant 0 : i32
    %c0_i32_0 = arith.constant 0 : i32
    return %arg0, %c0_i32 : i32, i32
  }
  func.func @transform_2(%arg0: i32) -> (i32, i32) {
    %c0_i32 = arith.constant 0 : i32
    %c0_i32_0 = arith.constant 0 : i32
    %c0_i32_1 = arith.constant 0 : i32
    return %c0_i32, %c0_i32_0 : i32, i32
  }
  func.func @transform_3(%arg0: i32) -> (i32, i32) {
    %c0_i32 = arith.constant 0 : i32
    %c0_i32_0 = arith.constant 0 : i32
    return %arg0, %c0_i32 : i32, i32
  }
  func.func @transform_4(%arg0: i32) -> (i32, i32) {
    %c0_i32 = arith.constant 0 : i32
    %c0_i32_0 = arith.constant 0 : i32
    return %arg0, %c0_i32 : i32, i32
  }
}

module attributes {stable_mosaic.version = 14 : i64} {
  func.func @body(%arg0: i32, %arg1: memref<2x1000x64xf32, #tpu.memory_space<vmem>>, %arg2: memref<1000x64xf32, #tpu.memory_space<vmem>>, %arg3: memref<1000x1xf32, #tpu.memory_space<vmem>>, %arg4: memref<1x64xf32, #tpu.memory_space<vmem>>, %arg5: memref<64x64xf32, #tpu.memory_space<vmem>>, %arg6: memref<1000x64xf32, #tpu.memory_space<vmem>>) attributes {dimension_semantics = [#tpu.dimension_semantics<arbitrary>], iteration_bounds = array<i64: 10>, scalar_prefetch = 0 : i64, scratch_operands = 0 : i64, tpu.core_type = #tpu.core_type<tc>, window_params = [{transform_indices = @transform_0, window_bounds = array<i64: 2, 1000, 64>}, {transform_indices = @transform_1, window_bounds = array<i64: 1000, 64>}, {transform_indices = @transform_2, window_bounds = array<i64: 1000, 1>}, {pipeline_mode = #tpu.pipeline_mode<synchronous>, transform_indices = @transform_3, window_bounds = array<i64: 1, 64>}, {pipeline_mode = #tpu.pipeline_mode<synchronous>, transform_indices = @transform_4, window_bounds = array<i64: 64, 64>}, {transform_indices = @transform_5, window_bounds = array<i64: 1000, 64>}]} {
    %get3A = arith.constant 0 : index
    %get3A_0 = arith.constant 0 : index
    %get3A_1 = arith.constant 0 : index
    %get3A_2 = vector.load %arg1[%get3A, %get3A_0, %get3A_1] : memref<2x1000x64xf32, #tpu.memory_space<vmem>>, vector<1x1000x64xf32>
    %get3A_3 = vector.shape_cast %get3A_2 : vector<1x1000x64xf32> to vector<1000x64xf32>
    %get3A_4 = arith.constant 1 : index
    %get3A_5 = arith.constant 0 : index
    %get3A_6 = arith.constant 0 : index
    %get3A_7 = vector.load %arg1[%get3A_4, %get3A_5, %get3A_6] : memref<2x1000x64xf32, #tpu.memory_space<vmem>>, vector<1x1000x64xf32>
    %get3A_8 = vector.shape_cast %get3A_7 : vector<1x1000x64xf32> to vector<1000x64xf32>
    %add3A = arith.addf %get3A_3, %get3A_8 : vector<1000x64xf32>
    %get3A_9 = arith.constant 0 : index
    %get3A_10 = arith.constant 0 : index
    %get3A_11 = vector.load %arg2[%get3A_9, %get3A_10] : memref<1000x64xf32, #tpu.memory_space<vmem>>, vector<1000x64xf32>
    %sub3A = arith.subf %add3A, %get3A_11 : vector<1000x64xf32>
    %get3A_12 = arith.constant 0 : index
    %get3A_13 = arith.constant 0 : index
    %get3A_14 = vector.load %arg3[%get3A_12, %get3A_13] : memref<1000x1xf32, #tpu.memory_space<vmem>>, vector<1000x1xf32>
    %mul3A = vector.broadcast %get3A_14 : vector<1000x1xf32> to vector<1000x64xf32>
    %mul3A_15 = arith.mulf %sub3A, %mul3A : vector<1000x64xf32>
    %get3A_16 = arith.constant 0 : index
    %get3A_17 = arith.constant 0 : index
    %get3A_18 = vector.load %arg4[%get3A_16, %get3A_17] : memref<1x64xf32, #tpu.memory_space<vmem>>, vector<1x64xf32>
    %add3A_19 = vector.broadcast %get3A_18 : vector<1x64xf32> to vector<1000x64xf32>
    %add3A_20 = arith.addf %mul3A_15, %add3A_19 : vector<1000x64xf32>
    %max3A = arith.constant 0.000000e+00 : f32
    %max3A_21 = vector.broadcast %max3A : f32 to vector<1000x64xf32>
    %max3A_22 = arith.maximumf %add3A_20, %max3A_21 : vector<1000x64xf32>
    %get3A_23 = arith.constant 0 : index
    %get3A_24 = arith.constant 0 : index
    %get3A_25 = vector.load %arg5[%get3A_23, %get3A_24] : memref<64x64xf32, #tpu.memory_space<vmem>>, vector<64x64xf32>
    %dot_general3A = arith.constant dense<0.000000e+00> : vector<1000x64xf32>
    %dot_general3A_26 = tpu.matmul %max3A_22, %get3A_25, %dot_general3A {dimension_numbers = #tpu.dot_dimension_numbers<[1], [0], [0], [1], [0, 0, 1, 1], [], []>, transpose_lhs_hint = false} : vector<1000x64xf32>, vector<64x64xf32>, vector<1000x64xf32> -> vector<1000x64xf32>
    %get3A_27 = arith.constant 0 : index
    %get3A_28 = arith.constant 0 : index
    %get3A_29 = vector.load %arg3[%get3A_27, %get3A_28] : memref<1000x1xf32, #tpu.memory_space<vmem>>, vector<1000x1xf32>
    %mul3A_30 = vector.broadcast %get3A_29 : vector<1000x1xf32> to vector<1000x64xf32>
    %mul3A_31 = arith.mulf %dot_general3A_26, %mul3A_30 : vector<1000x64xf32>
    %swap3A = arith.constant 0 : index
    %swap3A_32 = arith.constant 0 : index
    %swap3A_33 = vector.load %arg6[%swap3A, %swap3A_32] : memref<1000x64xf32, #tpu.memory_space<vmem>>, vector<1000x64xf32>
    tpu.vector_store %arg6[%swap3A, %swap3A_32], %mul3A_31 {strides = array<i32>} : memref<1000x64xf32, #tpu.memory_space<vmem>>, vector<1000x64xf32>,
    return
  }
  func.func @transform_0(%arg0: i32) -> (i32, i32, i32) {
    %c0_i32 = arith.constant 0 : i32
    %c0_i32_0 = arith.constant 0 : i32
    %c0_i32_1 = arith.constant 0 : i32
    return %c0_i32, %arg0, %c0_i32_0 : i32, i32, i32
  }
  func.func @transform_1(%arg0: i32) -> (i32, i32) {
    %c0_i32 = arith.constant 0 : i32
    %c0_i32_0 = arith.constant 0 : i32
    return %arg0, %c0_i32 : i32, i32
  }
  func.func @transform_2(%arg0: i32) -> (i32, i32) {
    %c0_i32 = arith.constant 0 : i32
    %c0_i32_0 = arith.constant 0 : i32
    return %arg0, %c0_i32 : i32, i32
  }
  func.func @transform_3(%arg0: i32) -> (i32, i32) {
    %c0_i32 = arith.constant 0 : i32
    %c0_i32_0 = arith.constant 0 : i32
    %c0_i32_1 = arith.constant 0 : i32
    return %c0_i32, %c0_i32_0 : i32, i32
  }
  func.func @transform_4(%arg0: i32) -> (i32, i32) {
    %c0_i32 = arith.constant 0 : i32
    %c0_i32_0 = arith.constant 0 : i32
    %c0_i32_1 = arith.constant 0 : i32
    return %c0_i32, %c0_i32_0 : i32, i32
  }
  func.func @transform_5(%arg0: i32) -> (i32, i32) {
    %c0_i32 = arith.constant 0 : i32
    %c0_i32_0 = arith.constant 0 : i32
    return %arg0, %c0_i32 : i32, i32
  }
}

module attributes {stable_mosaic.version = 14 : i64} {
  func.func @body(%arg0: i32, %arg1: memref<2x1000x64xf32, #tpu.memory_space<vmem>>, %arg2: memref<1000x64xf32, #tpu.memory_space<vmem>>, %arg3: memref<1000x1xf32, #tpu.memory_space<vmem>>, %arg4: memref<1x64xf32, #tpu.memory_space<vmem>>, %arg5: memref<64x1xf32, #tpu.memory_space<vmem>>, %arg6: memref<1x1xf32, #tpu.memory_space<vmem>>, %arg7: memref<1000x1xf32, #tpu.memory_space<vmem>>) attributes {dimension_semantics = [#tpu.dimension_semantics<arbitrary>], iteration_bounds = array<i64: 10>, scalar_prefetch = 0 : i64, scratch_operands = 0 : i64, tpu.core_type = #tpu.core_type<tc>, window_params = [{transform_indices = @transform_0, window_bounds = array<i64: 2, 1000, 64>}, {transform_indices = @transform_1, window_bounds = array<i64: 1000, 64>}, {transform_indices = @transform_2, window_bounds = array<i64: 1000, 1>}, {pipeline_mode = #tpu.pipeline_mode<synchronous>, transform_indices = @transform_3, window_bounds = array<i64: 1, 64>}, {pipeline_mode = #tpu.pipeline_mode<synchronous>, transform_indices = @transform_4, window_bounds = array<i64: 64, 1>}, {pipeline_mode = #tpu.pipeline_mode<synchronous>, transform_indices = @transform_5, window_bounds = array<i64: 1, 1>}, {transform_indices = @transform_6, window_bounds = array<i64: 1000, 1>}]} {
    %get3A = arith.constant 0 : index
    %get3A_0 = arith.constant 0 : index
    %get3A_1 = arith.constant 0 : index
    %get3A_2 = vector.load %arg1[%get3A, %get3A_0, %get3A_1] : memref<2x1000x64xf32, #tpu.memory_space<vmem>>, vector<1x1000x64xf32>
    %get3A_3 = vector.shape_cast %get3A_2 : vector<1x1000x64xf32> to vector<1000x64xf32>
    %get3A_4 = arith.constant 1 : index
    %get3A_5 = arith.constant 0 : index
    %get3A_6 = arith.constant 0 : index
    %get3A_7 = vector.load %arg1[%get3A_4, %get3A_5, %get3A_6] : memref<2x1000x64xf32, #tpu.memory_space<vmem>>, vector<1x1000x64xf32>
    %get3A_8 = vector.shape_cast %get3A_7 : vector<1x1000x64xf32> to vector<1000x64xf32>
    %add3A = arith.addf %get3A_3, %get3A_8 : vector<1000x64xf32>
    %get3A_9 = arith.constant 0 : index
    %get3A_10 = arith.constant 0 : index
    %get3A_11 = vector.load %arg2[%get3A_9, %get3A_10] : memref<1000x64xf32, #tpu.memory_space<vmem>>, vector<1000x64xf32>
    %sub3A = arith.subf %add3A, %get3A_11 : vector<1000x64xf32>
    %get3A_12 = arith.constant 0 : index
    %get3A_13 = arith.constant 0 : index
    %get3A_14 = vector.load %arg3[%get3A_12, %get3A_13] : memref<1000x1xf32, #tpu.memory_space<vmem>>, vector<1000x1xf32>
    %mul3A = vector.broadcast %get3A_14 : vector<1000x1xf32> to vector<1000x64xf32>
    %mul3A_15 = arith.mulf %sub3A, %mul3A : vector<1000x64xf32>
    %get3A_16 = arith.constant 0 : index
    %get3A_17 = arith.constant 0 : index
    %get3A_18 = vector.load %arg4[%get3A_16, %get3A_17] : memref<1x64xf32, #tpu.memory_space<vmem>>, vector<1x64xf32>
    %add3A_19 = vector.broadcast %get3A_18 : vector<1x64xf32> to vector<1000x64xf32>
    %add3A_20 = arith.addf %mul3A_15, %add3A_19 : vector<1000x64xf32>
    %max3A = arith.constant 0.000000e+00 : f32
    %max3A_21 = vector.broadcast %max3A : f32 to vector<1000x64xf32>
    %max3A_22 = arith.maximumf %add3A_20, %max3A_21 : vector<1000x64xf32>
    %get3A_23 = arith.constant 0 : index
    %get3A_24 = arith.constant 0 : index
    %get3A_25 = vector.load %arg5[%get3A_23, %get3A_24] : memref<64x1xf32, #tpu.memory_space<vmem>>, vector<64x1xf32>
    %dot_general3A = arith.constant dense<0.000000e+00> : vector<1000x1xf32>
    %dot_general3A_26 = tpu.matmul %max3A_22, %get3A_25, %dot_general3A {dimension_numbers = #tpu.dot_dimension_numbers<[1], [0], [0], [1], [0, 0, 1, 1], [], []>, transpose_lhs_hint = false} : vector<1000x64xf32>, vector<64x1xf32>, vector<1000x1xf32> -> vector<1000x1xf32>
    %get3A_27 = arith.constant 0 : index
    %get3A_28 = arith.constant 0 : index
    %get3A_29 = vector.load %arg6[%get3A_27, %get3A_28] : memref<1x1xf32, #tpu.memory_space<vmem>>, vector<1x1xf32>
    %add3A_30 = vector.broadcast %get3A_29 : vector<1x1xf32> to vector<1000x1xf32>
    %add3A_31 = arith.addf %dot_general3A_26, %add3A_30 : vector<1000x1xf32>
    %swap3A = arith.constant 0 : index
    %swap3A_32 = arith.constant 0 : index
    %swap3A_33 = vector.load %arg7[%swap3A, %swap3A_32] : memref<1000x1xf32, #tpu.memory_space<vmem>>, vector<1000x1xf32>
    tpu.vector_store %arg7[%swap3A, %swap3A_32], %add3A_31 {strides = array<i32>} : memref<1000x1xf32, #tpu.memory_space<vmem>>, vector<1000x1xf32>,
    return
  }
  func.func @transform_0(%arg0: i32) -> (i32, i32, i32) {
    %c0_i32 = arith.constant 0 : i32
    %c0_i32_0 = arith.constant 0 : i32
    %c0_i32_1 = arith.constant 0 : i32
    return %c0_i32, %arg0, %c0_i32_0 : i32, i32, i32
  }
  func.func @transform_1(%arg0: i32) -> (i32, i32) {
    %c0_i32 = arith.constant 0 : i32
    %c0_i32_0 = arith.constant 0 : i32
    return %arg0, %c0_i32 : i32, i32
  }
  func.func @transform_2(%arg0: i32) -> (i32, i32) {
    %c0_i32 = arith.constant 0 : i32
    %c0_i32_0 = arith.constant 0 : i32
    return %arg0, %c0_i32 : i32, i32
  }
  func.func @transform_3(%arg0: i32) -> (i32, i32) {
    %c0_i32 = arith.constant 0 : i32
    %c0_i32_0 = arith.constant 0 : i32
    %c0_i32_1 = arith.constant 0 : i32
    return %c0_i32, %c0_i32_0 : i32, i32
  }
  func.func @transform_4(%arg0: i32) -> (i32, i32) {
    %c0_i32 = arith.constant 0 : i32
    %c0_i32_0 = arith.constant 0 : i32
    %c0_i32_1 = arith.constant 0 : i32
    return %c0_i32, %c0_i32_0 : i32, i32
  }
  func.func @transform_5(%arg0: i32) -> (i32, i32) {
    %c0_i32 = arith.constant 0 : i32
    %c0_i32_0 = arith.constant 0 : i32
    %c0_i32_1 = arith.constant 0 : i32
    return %c0_i32, %c0_i32_0 : i32, i32
  }
  func.func @transform_6(%arg0: i32) -> (i32, i32) {
    %c0_i32 = arith.constant 0 : i32
    %c0_i32_0 = arith.constant 0 : i32
    return %arg0, %c0_i32 : i32, i32
  }
}

</mosaic_0001>

<sc_bundles>
// kernel: kernel.10.cloned.1.call-start
scs
__scs_entry_jumppad:
0x0: {  	(pc) =	sbr.rel $0x88, $3  }
0x1: {  	(tag) =	ssettag $0x0;
	lr =	simm.s32 $0x1  }
0x2: {  	[smem:$0x3F97] =	sst lr;
	_ =	strace $0xD0000000  }
0x3: {  	_ = 	snop  }
0x4: {  	_ = 	snop  }
0x5: {  	_ = 	snop  }
0x6: {  	_ = 	snop  }
0x7: {  	_ = 	snop  }
__scs_overlays_trampoline_lowered:
0x8: {  	[smem:$0x3FA6] =	sst s0  }
0x9: {  	[smem:$0x3FA7] =	sst s1  }
0xa: {  	[smem:$0x3FA8] =	sst s2  }
0xb: {  	[smem:$0x3FA9] =	sst s3  }
0xc: {  	[smem:$0x3FAA] =	sst s4  }
0xd: {  	[smem:$0x3FAB] =	sst s5  }
0xe: {  	[smem:$0x3FAC] =	sst s6  }
0xf: {  	[smem:$0x3FAD] =	sst s7  }
0x10: {  	[smem:$0x3FAE] =	sst s8  }
0x11: {  	[smem:$0x3FAF] =	sst s9;
	s0 =	simm.s32 @!p0 $0x0  }
0x12: {  	s1 =	sld [smem:$0x3F95];
	s0 =	simm.s32 @p0 $0x1  }
0x13: {  	[smem:$0x3FB0] =	sst s0;
	s0 =	simm.s32 @!p1 $0x0  }
0x14: {  	s2 =	sld [smem:$0x3F94];
	s0 =	simm.s32 @p1 $0x1  }
0x15: {  	[smem:$0x3FB1] =	sst s0;
	s0 =	simm.s32 @!p2 $0x0  }
0x16: {  	s3 =	sld [smem:$0x3FDB];
	s0 =	simm.s32 @p2 $0x1  }
0x17: {  	s4 =	simm.s32 $0x1BF5;
	[smem:$0x3FB3] =	sst s0  }
0x18: {  	s0 =	sld [smem:$0x3F96];
	_ =	swait.ge [sflag:s4], $0x0  }
0x19: {  	s7 =	sld [smem:$0x3F97]  }
0x1a: {  	s8 =	sadd.s32 $0xFFFFE003, lr  }
0x1b: {  	s9 =	sadd.s32 $0xFFFFFEF7, lr;
	s5 =	simm.s32 $0xFFFFFFFF;
	p2 =	slt.u32 s8, $0xFFFFF086  }
0x1c: {  	p1 =	slt.u32 s9, $0xF7A;
	s5 =	simm.s32 @!p2 $0x0  }
0x1d: {  	s5 =	simm.s32 @p1 $0x1;
	p0 =	seq.s32 s7, s2  }
0x1e: {  	s7 =	smul.u32 @!p0 $0xF7A, s2;
	p2 =	seq.s32 @!p0 s5, $0x0  }
0x1f: {  	s9 =	smul.u32 $0xF7A, s1;
	s8 =	simm.s32 @!p0 $0x1BF5;
	p2 =	por !p2, p0  }
0x20: {  	[sflag:s8] =	ssyncset.s32 @!p0 $0xFFFFF086;
	s6 =	sadd.s32 @!p0 s3, s7;
	s7 =	simm.s32 @!p0 $0x108  }
0x21: {  	s3 =	sadd.s32 s3, s9;
	s6 =	sadd.s32 @!p0 $0x88, s6;
	s7 =	simm.s32 @p2 $0x1082  }
0x22: {  	[simem:s7], [sflag:s8] =	dma.local @!p0 [hbm:s6], $0xF7A  }
0x23: {  	s9 =	sor.u32 $0xD0000000, s2;
	s6 =	simm.s32 $0x108;
	_ =	swait.ge @!p0 [sflag:s8], $0x0  }
0x24: {  	s3 =	sadd.s32 $0x88, s3;
	s6 =	simm.s32 @!p1 $0x1082;
	[sflag:s4] =	ssyncset.s32 $0xFFFFF086  }
0x25: {  	[simem:s6], [sflag:s4] =	dma.local [hbm:s3], $0xF7A  }
0x26: {  	[smem:$0x3F97] =	sst s1;
	(tag) =	ssettag s2;
	_ =	strace s9  }
0x27: {  	s1 =	sld [smem:$0x3FA7]  }
0x28: {  	s2 =	sld [smem:$0x3FA8]  }
0x29: {  	s4 =	sld [smem:$0x3FAA]  }
0x2a: {  	p0 =	seq.s32 s5, $0x0;
	s5 =	sld [smem:$0x3FAB]  }
0x2b: {  	s6 =	sld [smem:$0x3FAC]  }
0x2c: {  	s7 =	sld [smem:$0x3FAD]  }
0x2d: {  	s3 =	simm.s32 $0x108;
	s8 =	sld [smem:$0x3FAE]  }
0x2e: {  	s3 =	simm.s32 @!p0 $0x1082;
	s9 =	sld [smem:$0x3FAF]  }
0x2f: {  	lr =	sadd.s32 s0, s3;
	s0 =	sld [smem:$0x3FA6]  }
0x30: {  	s3 =	sld [smem:$0x3FA9]  }
0x31: {  	[smem:$0x3FB2] =	sst s10  }
0x32: {  	s10 =	sld [smem:$0x3FB0];
	_ =	sdelay $0x3  }
0x33: {  	p0 =	seq.s32 s10, $0x1;
	s10 =	sld [smem:$0x3FB2];
	_ =	sdelay $0x3  }
0x34: {  	[smem:$0x3FB2] =	sst s10  }
0x35: {  	s10 =	sld [smem:$0x3FB1];
	_ =	sdelay $0x3  }
0x36: {  	p1 =	seq.s32 s10, $0x1;
	s10 =	sld [smem:$0x3FB2];
	_ =	sdelay $0x3  }
0x37: {  	[smem:$0x3FB2] =	sst s10  }
0x38: {  	s10 =	sld [smem:$0x3FB3]  }
0x39: {  	_ = 	snop;
	(pc) =	sbr.ind lr, $3  }
0x3a: {  	_ = 	snop  }
0x3b: {  	_ = 	snop  }
0x3c: {  	p2 =	seq.s32 s10, $0x1;
	s10 =	sld [smem:$0x3FB2]  }
0x3d: {  	_ =	shalt  }
0x3e: {  	_ =	shalt  }
0x3f: {  	_ =	shalt  }
0x40: {  	_ =	shalt  }
0x41: {  	_ =	shalt  }
0x42: {  	_ =	shalt  }
0x43: {  	_ =	shalt  }
0x44: {  	_ =	shalt  }
0x45: {  	_ =	shalt  }
0x46: {  	_ =	shalt  }
0x47: {  	_ =	shalt  }
0x48: {  	_ =	shalt  }
0x49: {  	_ =	shalt  }
0x4a: {  	_ =	shalt  }
0x4b: {  	_ =	shalt  }
0x4c: {  	_ =	shalt  }
0x4d: {  	_ =	shalt  }
0x4e: {  	_ =	shalt  }
0x4f: {  	_ =	shalt  }
0x50: {  	_ =	shalt  }
0x51: {  	_ =	shalt  }
0x52: {  	_ =	shalt  }
0x53: {  	_ =	shalt  }
0x54: {  	_ =	shalt  }
0x55: {  	_ =	shalt  }
0x56: {  	_ =	shalt  }
0x57: {  	_ =	shalt  }
0x58: {  	_ =	shalt  }
0x59: {  	_ =	shalt  }
0x5a: {  	_ =	shalt  }
0x5b: {  	_ =	shalt  }
0x5c: {  	_ =	shalt  }
0x5d: {  	_ =	shalt  }
0x5e: {  	_ =	shalt  }
0x5f: {  	_ =	shalt  }
0x60: {  	_ =	shalt  }
0x61: {  	_ =	shalt  }
0x62: {  	_ =	shalt  }
0x63: {  	_ =	shalt  }
0x64: {  	_ =	shalt  }
0x65: {  	_ =	shalt  }
0x66: {  	_ =	shalt  }
0x67: {  	_ =	shalt  }
0x68: {  	_ =	shalt  }
0x69: {  	_ =	shalt  }
0x6a: {  	_ =	shalt  }
0x6b: {  	_ =	shalt  }
0x6c: {  	_ =	shalt  }
0x6d: {  	_ =	shalt  }
0x6e: {  	_ =	shalt  }
0x6f: {  	_ =	shalt  }
0x70: {  	_ =	shalt  }
0x71: {  	_ =	shalt  }
0x72: {  	_ =	shalt  }
0x73: {  	_ =	shalt  }
0x74: {  	_ =	shalt  }
0x75: {  	_ =	shalt  }
0x76: {  	_ =	shalt  }
0x77: {  	_ =	shalt  }
0x78: {  	_ =	shalt  }
0x79: {  	_ =	shalt  }
0x7a: {  	_ =	shalt  }
0x7b: {  	_ =	shalt  }
0x7c: {  	_ =	shalt  }
0x7d: {  	_ =	shalt  }
0x7e: {  	_ =	shalt  }
0x7f: {  	_ =	shalt  }
0x80: {  	_ =	shalt  }
0x81: {  	_ =	shalt  }
0x82: {  	_ =	shalt  }
0x83: {  	_ =	shalt  }
0x84: {  	_ =	shalt  }
0x85: {  	_ =	shalt  }
0x86: {  	_ =	shalt  }
0x87: {  	_ =	shalt  }
.Lfunc_end0:
.L_simem_size_0:
called_computation_lowered:
.L_overlay_start_0:
0x88: {  	s2 =	sld [smem:$0x3FD9]  }
0x89: {  	s3 =	sld [smem:$0x3FFE];
	_ =	sdelay $0x1  }
0x8a: {  	s1 =	srdreg.scid  }
0x8b: {  	s0 =	sand.u32 $0x1, s1  }
0x8c: {  	s16 =	sshll.u32 s0, $0xA;
	s2 =	sadd.s32 s3, s2  }
0x8d: {  	s2 =	sadd.s32 s2, s16  }
0x8e: {  	[smem:$0x3FBE] =	sst s2  }
0x8f: {  	_ = 	snop  }
0x90: {  	(tm) =	ssettm $0x1  }
0x91: {  	s17 =	sld [smem:$0x3FFB];
	_ =	sdelay $0x3  }
0x92: {  	_ =	strace s17  }
0x93: {  	s2 =	sld [smem:$0x3FFC];
	_ =	sdelay $0x3  }
0x94: {  	_ =	strace s2  }
0x95: {  	s2 =	sld [smem:$0x3FFD];
	_ =	sdelay $0x3  }
0x96: {  	_ =	strace s2  }
0x97: {  	_ =	strace $0x8FFFFFFF  }
0x98: {  	s18 =	sld [smem:$0x3FDB];
	_ =	sdelay $0x1  }
0x99: {  	s19 =	simm.s32 $_scs_section_size  }
0x9a: {  	s4 =	simm.s32 $_size__tile_overlayer_lowered;
	s5 =	simm.s32 $_tile_overlayer_lowered  }
0x9b: {  	s22 =	simm.s32 $0x1BFF;
	s21 =	sshll.u32 s5, $0x1;
	s2 =	sadd.s32 s19, s18  }
0x9c: {  	s6 =	simm.s32 $0x0;
	s20 =	sshll.u32 s4, $0x1;
	s4 =	sadd.s32 s21, s2  }
0x9d: {  	[timem:s6], [sflag:s22] =	dma.local [hbm:s4], s20  }
0x9e: {  	_ =	swait.ge [sflag:s22], s20  }
0x9f: {  	s3 =	ssub.s32 $0x0, s20;
	[sflag:s22] =	ssyncset.done $0x0  }
0xa0: {  	[sflag:s22] =	ssyncadd.s32 s3;
	_ =	sdelay $0x1  }
0xa1: {  	s23 =	simm.s32 $0x1B8B  }
0xa2: {  	_ =	swait.ge [sflag:s23], $0x1  }
0xa3: {  	[sflag:s23] =	ssyncset.done $0x0  }
0xa4: {  	s25 =	simm.s32 $0x1B8E;
	s24 =	sld [smem:$0x3FFE];
	[sflag:s23] =	ssyncadd.s32 $0xFFFFFFFF  }
0xa5: {  	s26 =	simm.s32 $execute0_lowered;
	[smem:$0x3FD2] =	sst s25  }
0xa6: {  	s4 =	sshll.u32 s26, $0x1;
	_ =	strace $0x80000046;
	[dreg:$0x1] =	wrdreg $0xFFFFFFFF  }
0xa7: {  	s28 =	simm.s32 $_size_execute0_lowered;
	s2 =	sadd.s32 s2, s4;
	[dreg:$0x0] =	wrdreg $0x0  }
0xa8: {  	s4 =	sshll.u32 s28, $0x1;
	[dreg:$0x2] =	wrdreg s2  }
0xa9: {  	[dreg:$0x3] =	wrdreg s4  }
0xaa: {  	[dreg:$0x4] =	wrdreg $0xC0  }
0xab: {  	_ =	task [dreg:s6], $0x5FFFF  }
0xac: {  	[dreg:$0x1] =	wrdreg $0xFFFFFFFF  }
0xad: {  	[dreg:$0x0] =	wrdreg $0x60  }
0xae: {  	[dreg:$0x2] =	wrdreg s24  }
0xaf: {  	[dreg:$0x3] =	wrdreg $0x28800  }
0xb0: {  	[dreg:$0x4] =	wrdreg $0x9  }
0xb1: {  	_ =	task.clear_ibuf [dreg:s6], $0x5FFFF;
	_ =	strace $0x90000046  }
0xb2: {  	s29 =	simm.s32 $0x9;
	_ =	strace $0x80000048  }
0xb3: {  	_ =	swait.ge [sflag:s29], $0x1  }
0xb4: {  	[sflag:s29] =	ssyncadd.s32 $0xFFFFFFFF  }
0xb5: {  	_ =	strace $0x90000048  }
0xb6: {  	_ =	sfence  }
0xb7: {  	s30 =	sld [smem:$0x0];
	_ =	sdelay $0x2  }
0xb8: {  	s31 =	sshll.u32 s1, $0xD;
	s1 =	sshrl.u32 s1, $0x2  }
0xb9: {  	s3 =	sand.u32 $0x4000, s31;
	s1 =	sadd.s32 s1, s30  }
0xba: {  	s0 =	sor.u32 s3, s0;
	s1 =	sshll.u32 s1, $0x11  }
0xbb: {  	s0 =	sor.u32 s1, s0  }
0xbc: {  	s0 =	sadd.s32 $0x8F2B, s0  }
0xbd: {  	[sflag:s0] =	ssyncadd.remote.s32 $0x1  }
0xbe: {  	_ =	sfence.sel $0xFFFF  }
0xbf: {  	[dreg:$0x0] =	wrdreg $0xFFFFFFFF;
	(pc) =	sbr.abs _section_cstart, $3  }
0xc0: {  	[dreg:$0x1] =	wrdreg $0xFFFFFFFF  }
0xc1: {  	_ =	task.clear_ibuf [dreg:s6], $0x2FFFF;
	_ =	strace $0x9FFFFFFF  }
0xc2: {  	(tm) =	ssettm $0x7FFFFFFF  }
0xc3: {  	_ =	shalt  }
tec
execute0_lowered:
.L_overlay_start_1:
0x0: {  	(tag) =	ssettag $0x1  }
0x1: {  	s0 =	srdreg.scid;
	s4 =	rddreg [dreg:$0x0]  }
0x2: {  	s6 =	stileid.u32;
	s1 =	rddreg [dreg:$0x1]  }
0x3: {  	s2 =	simm.s32 $0x0;
	s10 =	simm.s32 $0x2800;
	s11 =	simm.s32 $0x0  }
0x4: {  	s3 =	sand.u32 $0x1, s0;
	s31 =	sshll.u32 s6, $0x1;
	s0 =	rddreg [dreg:$0x2]  }
0x5: {  	[smem:$0x7FF] =	sst s2;
	p0 =	sne.s32 s6, $0x0;
	s5 =	sor.u32 s3, s31  }
0x6: {  	s7 =	smul.u32 $0x4E2, s3;
	s8 =	ssub.s32 $0x2, s3;
	_ =	strace $0x80000047  }
0x7: {  	s3 =	sadd.s32 $0xC000, s4;
	s5 =	smul.u32 $0x500, s5;
	s9 =	sshrl.u32 s8, $0x1  }
0x8: {  	s7 =	sadd.s32 s7, s4;
	s8 =	ssub.s32 s8, s9;
	s9 =	simm.s32 $0x7D  }
0x9: {  	s5 =	sadd.s32 s5, s4;
	s6 =	smax.u32 s8, $0x1;
	s8 =	simm.s32 $0x1  }
0xa: {  	v0 =	vimm.f32 $1.000000000e+00;
	s4 =	sadd.s32 $0x2000, s5;
	s5 =	sadd.s32 $0xC600, s7;
	s7 =	sshrl.u32 @!p0 s1, $0x3  }
.LBB2_1:
0xb: {  	s12 =	simm.s32 @!p0 $0x1C01  }
0xc: {  	[spmem:s7], [sflag:s12] =	dma.local @!p0 [hbm:s3], $0x4E2  }
0xd: {  	s12 =	simm.s32 @!p0 $0x1  }
0xe: {  	_ =	swait.ge @!p0 [sflag:s12], $0x4E2  }
0xf: {  	[sflag:s12] =	ssyncset.done @!p0 $0x0  }
0x10: {  	[sflag:s12] =	ssyncadd.s32 @!p0 $0xFFFFFB1E  }
0x11: {  	[tilespmem:s2], [sflag:$0x1] =	stream.linear.gather [hbm4b:s4+s2], $0x2800, $0x38;
	[tilespmem:$0x2AF8] =	vst v63  }
0x12: {  	_ =	swait.ge [sflag:s8], $0x2800  }
0x13: {  	[sflag:s8] =	ssyncset.done $0x0  }
0x14: {  	[sflag:s8] =	ssyncadd.s32 $0xFFFFD800  }
0x15: {  	[tilespmem:$0x2800] =	vst v0  }
0x16: {  	[tilespmem:$0x2810] =	vst v0  }
0x17: {  	[tilespmem:$0x2820] =	vst v0  }
0x18: {  	[tilespmem:$0x2830] =	vst v0  }
0x19: {  	[tilespmem:$0x2840] =	vst v0  }
0x1a: {  	[tilespmem:$0x2850] =	vst v0  }
0x1b: {  	[tilespmem:$0x2860] =	vst v0  }
0x1c: {  	[tilespmem:$0x2870] =	vst v0  }
0x1d: {  	s31 =	simm.s32 $0x0;
	[bflag:$0x0] =	sbarrier.arrive $0xFFFF  }
0x1e: {  	[spmem:s1] =	stream.indirect.scatter.add.f32 [tilespmem:s10], [sflag:$0x1], $0x1, s31, s9, $0xb8;
	[tilespmem:$0x2AF8] =	vst v63  }
0x1f: {  	_ =	swait.ge [sflag:s8], $0x7D  }
0x20: {  	s12 =	simm.s32 $0x200;
	[sflag:s8] =	ssyncset.done $0x0  }
.LBB2_2:
0x21: {  	s13 =	sshra.s32 s12, $0x2;
	[sflag:s8] =	ssyncadd.s32 $0xFFFFFF83;
	p1 =	sne.s32 s12, $0x9E00  }
0x22: {  	[spmem:s1] =	stream.indirect.scatter.add.f32 [tilespmem:s10], [sflag:$0x1], $0x1, s13, s9, $0xb8;
	[tilespmem:$0x2AF8] =	vst v63  }
.Ltmp0:
0x23: {  	_ = 	snop;
	(pc) =	sbr.rel @p1 .LBB2_2-.Ltmp0, $4  }
0x24: {  	_ = 	snop  }
0x25: {  	s12 =	sadd.s32 $0x200, s12  }
0x26: {  	_ =	swait.ge [sflag:s8], $0x7D  }
0x27: {  	[sflag:s8] =	ssyncset.done $0x0  }
0x28: {  	[sflag:s8] =	ssyncadd.s32 $0xFFFFFF83;
	s11 =	sadd.s32 $0x1, s11  }
0x29: {  	s12 =	simm.s32 @!p0 $0x1C01;
	[bflag:$0x0] =	sbarrier.arrive $0xFFFF;
	p1 =	sne.s32 s11, s6  }
0x2a: {  	[hbm:s5], [sflag:s12] =	dma.local @!p0 [spmem:s7], $0x4E2  }
.Ltmp1:
0x2b: {  	_ = 	snop;
	(pc) =	sbr.rel @p1 .LBB2_1-.Ltmp1, $4  }
0x2c: {  	s12 =	simm.s32 @!p0 $0x1  }
0x2d: {  	_ =	swait.ge @!p0 [sflag:s12], $0x4E2  }
0x2e: {  	[sflag:s12] =	ssyncset.done @!p0 $0x0  }
0x2f: {  	[sflag:s12] =	ssyncadd.s32 @!p0 $0xFFFFFB1E  }
0x30: {  	_ =	sfence.sel $0x180000  }
0x31: {  	[bflag:$0x0] =	sbarrier.arrive $0xFFFF  }
0x32: {  	_ =	strace $0x90000047  }
0x33: {  	s0 =	sadd.s32 @!p0 $0x100000, s0;
	[bflag:$0x2] =	sbarrier.arrive $0xFFFF  }
0x34: {  	[sflag:s0] =	ssyncadd.tile.s32 @!p0 $0x1;
	_ =	shalt  }
.Lfunc_end2:
_tile_overlayer_lowered:
.L_overlay_start_2:
0x35: {  	(tag) =	ssettag $0x2  }
0x36: {  	s0 =	rddreg [dreg:$0x0];
	s2 =	stileid.u32  }
0x37: {  	s1 =	rddreg [dreg:$0x1];
	p0 =	sne.s32 s2, $0x0  }
0x38: {  	s3 =	rddreg [dreg:$0x2];
	[bflag:$0x3] =	sbarrier.arrive $0xFFFF;
	s2 =	simm.s32 @!p0 $0x1C01  }
0x39: {  	[timem:s3], [sflag:s2] =	dma.local @!p0 [hbm:s0], s1  }
0x3a: {  	s0 =	simm.s32 @!p0 $0x1  }
0x3b: {  	_ =	swait.ge @!p0 [sflag:s0], s1  }
0x3c: {  	s1 =	ssub.s32 @!p0 $0x0, s1;
	[sflag:s0] =	ssyncset.done @!p0 $0x0  }
0x3d: {  	[sflag:s0] =	ssyncadd.s32 @!p0 s1  }
0x3e: {  	[bflag:$0x3] =	sbarrier.arrive $0xFFFF  }
0x3f: {  	_ =	shalt  }

// kernel: kernel.13.cloned.1.call-start
scs
__scs_entry_jumppad:
0x0: {  	(pc) =	sbr.rel $0x88, $3  }
0x1: {  	(tag) =	ssettag $0x0;
	lr =	simm.s32 $0x1  }
0x2: {  	[smem:$0x3F97] =	sst lr;
	_ =	strace $0xD0000000  }
0x3: {  	_ = 	snop  }
0x4: {  	_ = 	snop  }
0x5: {  	_ = 	snop  }
0x6: {  	_ = 	snop  }
0x7: {  	_ = 	snop  }
__scs_overlays_trampoline_lowered:
0x8: {  	[smem:$0x3FA6] =	sst s0  }
0x9: {  	[smem:$0x3FA7] =	sst s1  }
0xa: {  	[smem:$0x3FA8] =	sst s2  }
0xb: {  	[smem:$0x3FA9] =	sst s3  }
0xc: {  	[smem:$0x3FAA] =	sst s4  }
0xd: {  	[smem:$0x3FAB] =	sst s5  }
0xe: {  	[smem:$0x3FAC] =	sst s6  }
0xf: {  	[smem:$0x3FAD] =	sst s7  }
0x10: {  	[smem:$0x3FAE] =	sst s8  }
0x11: {  	[smem:$0x3FAF] =	sst s9;
	s0 =	simm.s32 @!p0 $0x0  }
0x12: {  	s1 =	sld [smem:$0x3F95];
	s0 =	simm.s32 @p0 $0x1  }
0x13: {  	[smem:$0x3FB0] =	sst s0;
	s0 =	simm.s32 @!p1 $0x0  }
0x14: {  	s2 =	sld [smem:$0x3F94];
	s0 =	simm.s32 @p1 $0x1  }
0x15: {  	[smem:$0x3FB1] =	sst s0;
	s0 =	simm.s32 @!p2 $0x0  }
0x16: {  	s3 =	sld [smem:$0x3FDB];
	s0 =	simm.s32 @p2 $0x1  }
0x17: {  	s4 =	simm.s32 $0x1BF5;
	[smem:$0x3FB3] =	sst s0  }
0x18: {  	s0 =	sld [smem:$0x3F96];
	_ =	swait.ge [sflag:s4], $0x0  }
0x19: {  	s7 =	sld [smem:$0x3F97]  }
0x1a: {  	s8 =	sadd.s32 $0xFFFFE003, lr  }
0x1b: {  	s9 =	sadd.s32 $0xFFFFFEF7, lr;
	s5 =	simm.s32 $0xFFFFFFFF;
	p2 =	slt.u32 s8, $0xFFFFF086  }
0x1c: {  	p1 =	slt.u32 s9, $0xF7A;
	s5 =	simm.s32 @!p2 $0x0  }
0x1d: {  	s5 =	simm.s32 @p1 $0x1;
	p0 =	seq.s32 s7, s2  }
0x1e: {  	s7 =	smul.u32 @!p0 $0xF7A, s2;
	p2 =	seq.s32 @!p0 s5, $0x0  }
0x1f: {  	s9 =	smul.u32 $0xF7A, s1;
	s8 =	simm.s32 @!p0 $0x1BF5;
	p2 =	por !p2, p0  }
0x20: {  	[sflag:s8] =	ssyncset.s32 @!p0 $0xFFFFF086;
	s6 =	sadd.s32 @!p0 s3, s7;
	s7 =	simm.s32 @!p0 $0x108  }
0x21: {  	s3 =	sadd.s32 s3, s9;
	s6 =	sadd.s32 @!p0 $0x88, s6;
	s7 =	simm.s32 @p2 $0x1082  }
0x22: {  	[simem:s7], [sflag:s8] =	dma.local @!p0 [hbm:s6], $0xF7A  }
0x23: {  	s9 =	sor.u32 $0xD0000000, s2;
	s6 =	simm.s32 $0x108;
	_ =	swait.ge @!p0 [sflag:s8], $0x0  }
0x24: {  	s3 =	sadd.s32 $0x88, s3;
	s6 =	simm.s32 @!p1 $0x1082;
	[sflag:s4] =	ssyncset.s32 $0xFFFFF086  }
0x25: {  	[simem:s6], [sflag:s4] =	dma.local [hbm:s3], $0xF7A  }
0x26: {  	[smem:$0x3F97] =	sst s1;
	(tag) =	ssettag s2;
	_ =	strace s9  }
0x27: {  	s1 =	sld [smem:$0x3FA7]  }
0x28: {  	s2 =	sld [smem:$0x3FA8]  }
0x29: {  	s4 =	sld [smem:$0x3FAA]  }
0x2a: {  	p0 =	seq.s32 s5, $0x0;
	s5 =	sld [smem:$0x3FAB]  }
0x2b: {  	s6 =	sld [smem:$0x3FAC]  }
0x2c: {  	s7 =	sld [smem:$0x3FAD]  }
0x2d: {  	s3 =	simm.s32 $0x108;
	s8 =	sld [smem:$0x3FAE]  }
0x2e: {  	s3 =	simm.s32 @!p0 $0x1082;
	s9 =	sld [smem:$0x3FAF]  }
0x2f: {  	lr =	sadd.s32 s0, s3;
	s0 =	sld [smem:$0x3FA6]  }
0x30: {  	s3 =	sld [smem:$0x3FA9]  }
0x31: {  	[smem:$0x3FB2] =	sst s10  }
0x32: {  	s10 =	sld [smem:$0x3FB0];
	_ =	sdelay $0x3  }
0x33: {  	p0 =	seq.s32 s10, $0x1;
	s10 =	sld [smem:$0x3FB2];
	_ =	sdelay $0x3  }
0x34: {  	[smem:$0x3FB2] =	sst s10  }
0x35: {  	s10 =	sld [smem:$0x3FB1];
	_ =	sdelay $0x3  }
0x36: {  	p1 =	seq.s32 s10, $0x1;
	s10 =	sld [smem:$0x3FB2];
	_ =	sdelay $0x3  }
0x37: {  	[smem:$0x3FB2] =	sst s10  }
0x38: {  	s10 =	sld [smem:$0x3FB3]  }
0x39: {  	_ = 	snop;
	(pc) =	sbr.ind lr, $3  }
0x3a: {  	_ = 	snop  }
0x3b: {  	_ = 	snop  }
0x3c: {  	p2 =	seq.s32 s10, $0x1;
	s10 =	sld [smem:$0x3FB2]  }
0x3d: {  	_ =	shalt  }
0x3e: {  	_ =	shalt  }
0x3f: {  	_ =	shalt  }
0x40: {  	_ =	shalt  }
0x41: {  	_ =	shalt  }
0x42: {  	_ =	shalt  }
0x43: {  	_ =	shalt  }
0x44: {  	_ =	shalt  }
0x45: {  	_ =	shalt  }
0x46: {  	_ =	shalt  }
0x47: {  	_ =	shalt  }
0x48: {  	_ =	shalt  }
0x49: {  	_ =	shalt  }
0x4a: {  	_ =	shalt  }
0x4b: {  	_ =	shalt  }
0x4c: {  	_ =	shalt  }
0x4d: {  	_ =	shalt  }
0x4e: {  	_ =	shalt  }
0x4f: {  	_ =	shalt  }
0x50: {  	_ =	shalt  }
0x51: {  	_ =	shalt  }
0x52: {  	_ =	shalt  }
0x53: {  	_ =	shalt  }
0x54: {  	_ =	shalt  }
0x55: {  	_ =	shalt  }
0x56: {  	_ =	shalt  }
0x57: {  	_ =	shalt  }
0x58: {  	_ =	shalt  }
0x59: {  	_ =	shalt  }
0x5a: {  	_ =	shalt  }
0x5b: {  	_ =	shalt  }
0x5c: {  	_ =	shalt  }
0x5d: {  	_ =	shalt  }
0x5e: {  	_ =	shalt  }
0x5f: {  	_ =	shalt  }
0x60: {  	_ =	shalt  }
0x61: {  	_ =	shalt  }
0x62: {  	_ =	shalt  }
0x63: {  	_ =	shalt  }
0x64: {  	_ =	shalt  }
0x65: {  	_ =	shalt  }
0x66: {  	_ =	shalt  }
0x67: {  	_ =	shalt  }
0x68: {  	_ =	shalt  }
0x69: {  	_ =	shalt  }
0x6a: {  	_ =	shalt  }
0x6b: {  	_ =	shalt  }
0x6c: {  	_ =	shalt  }
0x6d: {  	_ =	shalt  }
0x6e: {  	_ =	shalt  }
0x6f: {  	_ =	shalt  }
0x70: {  	_ =	shalt  }
0x71: {  	_ =	shalt  }
0x72: {  	_ =	shalt  }
0x73: {  	_ =	shalt  }
0x74: {  	_ =	shalt  }
0x75: {  	_ =	shalt  }
0x76: {  	_ =	shalt  }
0x77: {  	_ =	shalt  }
0x78: {  	_ =	shalt  }
0x79: {  	_ =	shalt  }
0x7a: {  	_ =	shalt  }
0x7b: {  	_ =	shalt  }
0x7c: {  	_ =	shalt  }
0x7d: {  	_ =	shalt  }
0x7e: {  	_ =	shalt  }
0x7f: {  	_ =	shalt  }
0x80: {  	_ =	shalt  }
0x81: {  	_ =	shalt  }
0x82: {  	_ =	shalt  }
0x83: {  	_ =	shalt  }
0x84: {  	_ =	shalt  }
0x85: {  	_ =	shalt  }
0x86: {  	_ =	shalt  }
0x87: {  	_ =	shalt  }
.Lfunc_end0:
.L_simem_size_0:
called_computation.1_lowered:
.L_overlay_start_0:
0x88: {  	s2 =	sld [smem:$0x3FD9]  }
0x89: {  	s3 =	sld [smem:$0x3FFE];
	_ =	sdelay $0x1  }
0x8a: {  	s1 =	srdreg.scid  }
0x8b: {  	s0 =	sand.u32 $0x1, s1  }
0x8c: {  	s16 =	sshll.u32 s0, $0xA;
	s2 =	sadd.s32 s3, s2  }
0x8d: {  	s2 =	sadd.s32 s2, s16  }
0x8e: {  	[smem:$0x3FBE] =	sst s2  }
0x8f: {  	_ = 	snop  }
0x90: {  	(tm) =	ssettm $0x1  }
0x91: {  	s17 =	sld [smem:$0x3FFB];
	_ =	sdelay $0x3  }
0x92: {  	_ =	strace s17  }
0x93: {  	s2 =	sld [smem:$0x3FFC];
	_ =	sdelay $0x3  }
0x94: {  	_ =	strace s2  }
0x95: {  	s2 =	sld [smem:$0x3FFD];
	_ =	sdelay $0x3  }
0x96: {  	_ =	strace s2  }
0x97: {  	_ =	strace $0x8FFFFFFF  }
0x98: {  	s18 =	sld [smem:$0x3FDB];
	_ =	sdelay $0x1  }
0x99: {  	s19 =	simm.s32 $_scs_section_size  }
0x9a: {  	s4 =	simm.s32 $_size__tile_overlayer_lowered;
	s5 =	simm.s32 $_tile_overlayer_lowered  }
0x9b: {  	s22 =	simm.s32 $0x1BFF;
	s21 =	sshll.u32 s5, $0x1;
	s2 =	sadd.s32 s19, s18  }
0x9c: {  	s6 =	simm.s32 $0x0;
	s20 =	sshll.u32 s4, $0x1;
	s4 =	sadd.s32 s21, s2  }
0x9d: {  	[timem:s6], [sflag:s22] =	dma.local [hbm:s4], s20  }
0x9e: {  	_ =	swait.ge [sflag:s22], s20  }
0x9f: {  	s3 =	ssub.s32 $0x0, s20;
	[sflag:s22] =	ssyncset.done $0x0  }
0xa0: {  	[sflag:s22] =	ssyncadd.s32 s3;
	_ =	sdelay $0x1  }
0xa1: {  	s23 =	simm.s32 $0x1B8B  }
0xa2: {  	_ =	swait.ge [sflag:s23], $0x1  }
0xa3: {  	[sflag:s23] =	ssyncset.done $0x0  }
0xa4: {  	s25 =	simm.s32 $0x1B8E;
	s24 =	sld [smem:$0x3FFE];
	[sflag:s23] =	ssyncadd.s32 $0xFFFFFFFF  }
0xa5: {  	s26 =	simm.s32 $execute0_lowered;
	[smem:$0x3FD2] =	sst s25  }
0xa6: {  	s4 =	sshll.u32 s26, $0x1;
	_ =	strace $0x80000049;
	[dreg:$0x1] =	wrdreg $0xFFFFFFFF  }
0xa7: {  	s28 =	simm.s32 $_size_execute0_lowered;
	s2 =	sadd.s32 s2, s4;
	[dreg:$0x0] =	wrdreg $0x0  }
0xa8: {  	s4 =	sshll.u32 s28, $0x1;
	[dreg:$0x2] =	wrdreg s2  }
0xa9: {  	[dreg:$0x3] =	wrdreg s4  }
0xaa: {  	[dreg:$0x4] =	wrdreg $0xC0  }
0xab: {  	_ =	task [dreg:s6], $0x5FFFF  }
0xac: {  	[dreg:$0x1] =	wrdreg $0xFFFFFFFF  }
0xad: {  	[dreg:$0x0] =	wrdreg $0x60  }
0xae: {  	[dreg:$0x2] =	wrdreg s24  }
0xaf: {  	[dreg:$0x3] =	wrdreg $0x14A000  }
0xb0: {  	[dreg:$0x4] =	wrdreg $0x9  }
0xb1: {  	_ =	task.clear_ibuf [dreg:s6], $0x5FFFF;
	_ =	strace $0x90000049  }
0xb2: {  	s29 =	simm.s32 $0x9;
	_ =	strace $0x8000004B  }
0xb3: {  	_ =	swait.ge [sflag:s29], $0x1  }
0xb4: {  	[sflag:s29] =	ssyncadd.s32 $0xFFFFFFFF  }
0xb5: {  	_ =	strace $0x9000004B  }
0xb6: {  	_ =	sfence  }
0xb7: {  	s30 =	sld [smem:$0x0];
	_ =	sdelay $0x2  }
0xb8: {  	s31 =	sshll.u32 s1, $0xD;
	s1 =	sshrl.u32 s1, $0x2  }
0xb9: {  	s3 =	sand.u32 $0x4000, s31;
	s1 =	sadd.s32 s1, s30  }
0xba: {  	s0 =	sor.u32 s3, s0;
	s1 =	sshll.u32 s1, $0x11  }
0xbb: {  	s0 =	sor.u32 s1, s0  }
0xbc: {  	s0 =	sadd.s32 $0x8F2B, s0  }
0xbd: {  	[sflag:s0] =	ssyncadd.remote.s32 $0x1  }
0xbe: {  	_ =	sfence.sel $0xFFFF  }
0xbf: {  	[dreg:$0x0] =	wrdreg $0xFFFFFFFF;
	(pc) =	sbr.abs _section_cstart, $3  }
0xc0: {  	[dreg:$0x1] =	wrdreg $0xFFFFFFFF  }
0xc1: {  	_ =	task.clear_ibuf [dreg:s6], $0x2FFFF;
	_ =	strace $0x9FFFFFFF  }
0xc2: {  	(tm) =	ssettm $0x7FFFFFFF  }
0xc3: {  	_ =	shalt  }
tec
execute0_lowered:
.L_overlay_start_1:
0x0: {  	(tag) =	ssettag $0x1  }
0x1: {  	s0 =	rddreg [dreg:$0x0];
	s2 =	srdreg.scid  }
0x2: {  	s4 =	stileid.u32;
	s1 =	rddreg [dreg:$0x1]  }
0x3: {  	s16 =	simm.s32 $0x7D;
	s17 =	simm.s32 $0x5000;
	s19 =	simm.s32 $0x6F40  }
0x4: {  	s28 =	simm.s32 $0xEC40;
	s30 =	simm.s32 $0x10B80;
	s15 =	simm.s32 $0x1  }
0x5: {  	s18 =	simm.s32 $0x2;
	s20 =	simm.s32 $0x3;
	s29 =	simm.s32 $0x7  }
0x6: {  	s31 =	simm.s32 $0x8;
	s5 =	sand.u32 $0x1, s2;
	s3 =	sshll.u32 s4, $0x1  }
0x7: {  	s2 =	simm.s32 $0x0;
	s8 =	smul.u32 $0x9C00, s4;
	s10 =	sadd.s32 $0x2AA00, s0  }
0x8: {  	s11 =	sshll.u32 s4, $0x6;
	s14 =	sadd.s32 $0x9C000, s1;
	p0 =	sne.s32 s4, $0x0  }
0x9: {  	s4 =	simm.s32 $0x0;
	s3 =	sor.u32 s5, s3;
	[smem:$0x7FF] =	sst s2  }
0xa: {  	s7 =	ssub.s32 $0x2, s5;
	s13 =	smul.u32 $0x9C400, s5;
	s5 =	sor.u32 $0x1C09, s11  }
0xb: {  	s14 =	sshrl.u32 @!p0 s14, $0x3;
	s6 =	smul.u32 $0x500, s3;
	_ =	strace $0x8000004A  }
0xc: {  	s3 =	sadd.s32 $0x17000, s0;
	s9 =	sshrl.u32 s7, $0x1;
	s21 =	sshrl.u32 s8, $0x3  }
0xd: {  	s12 =	sadd.s32 s8, s1;
	s7 =	ssub.s32 s7, s9;
	s22 =	sadd.s32 s3, s21  }
0xe: {  	s23 =	sadd.s32 s8, s13;
	s24 =	sshrl.u32 s13, $0x3;
	s12 =	sshrl.u32 s12, $0x3  }
0xf: {  	s13 =	simm.s32 $0x9;
	s21 =	simm.s32 $0x8E80;
	s6 =	sadd.s32 s6, s0  }
0x10: {  	[dreg:$0x3] =	wrdreg s22;
	s0 =	sadd.s32 $0x2A800, s0;
	s26 =	sadd.s32 s10, s24  }
0x11: {  	s11 =	smax.u32 s7, $0x1;
	s22 =	simm.s32 $0x4;
	s24 =	simm.s32 $0x5  }
0x12: {  	[dreg:$0x4] =	wrdreg s0;
	s25 =	sadd.s32 $0xD000, s6;
	s0 =	sshrl.u32 s23, $0x3  }
0x13: {  	s6 =	sadd.s32 $0x2000, s6;
	s23 =	simm.s32 $0xADC0;
	[dreg:$0x5] =	wrdreg s25  }
0x14: {  	[dreg:$0x6] =	wrdreg s6;
	s9 =	sadd.s32 s10, s0;
	s10 =	sadd.s32 $0x13800, s26  }
0x15: {  	s25 =	simm.s32 $0xCD00;
	s0 =	simm.s32 $0x12AC0;
	s26 =	simm.s32 $0x6  }
.LBB2_1:
0x16: {  	s6 =	rddreg [dreg:$0x3]  }
0x17: {  	[spmem:s12], [sflag:s5] =	dma.local [hbm:s6], $0x1380  }
0x18: {  	_ =	swait.ge [sflag:s13], $0x1380  }
0x19: {  	[sflag:s13] =	ssyncset.done $0x0  }
0x1a: {  	s6 =	rddreg [dreg:$0x4];
	[sflag:s13] =	ssyncadd.s32 $0xFFFFEC80  }
0x1b: {  	[spmem:s14], [sflag:s5] =	dma.local @!p0 [hbm:s6], $0x80  }
0x1c: {  	s6 =	simm.s32 @!p0 $0x9  }
0x1d: {  	_ =	swait.ge @!p0 [sflag:s6], $0x80  }
0x1e: {  	[sflag:s6] =	ssyncset.done @!p0 $0x0  }
0x1f: {  	s7 =	rddreg [dreg:$0x5];
	[sflag:s6] =	ssyncadd.s32 @!p0 $0xFFFFFF80  }
0x20: {  	[tilespmem:s2], [sflag:$0x9] =	stream.linear.gather [hbm4b:s7+s2], $0x2800, $0x38;
	[tilespmem:$0x1E640] =	vst v63  }
0x21: {  	_ =	swait.ge [sflag:s13], $0x2800  }
0x22: {  	[sflag:s13] =	ssyncset.done $0x0  }
0x23: {  	s7 =	simm.s32 $0x2800;
	s8 =	rddreg [dreg:$0x6];
	[sflag:s13] =	ssyncadd.s32 $0xFFFFD800  }
0x24: {  	[tilespmem:s7], [sflag:$0x9] =	stream.linear.gather [hbm4b:s8+s2], $0x2800, $0x38;
	[tilespmem:$0x1E640] =	vst v63  }
0x25: {  	_ =	swait.ge [sflag:s13], $0x2800  }
0x26: {  	[sflag:s13] =	ssyncset.done $0x0  }
0x27: {  	[sflag:s13] =	ssyncadd.s32 $0xFFFFD800  }
0x28: {  	[bflag:$0x0] =	sbarrier.arrive $0xFFFF  }
0x29: {  	[tilespmem:s17], [sflag:$0x1] =	stream.indirect.gather [hbm4b:s3+s16], $0x40, s2, s16, $0xb8;
	[tilespmem:$0x1E640] =	vst v63  }
0x2a: {  	s7 =	simm.s32 $0x80  }
0x2b: {  	[tilespmem:s19], [sflag:$0x2] =	stream.indirect.gather [hbm4b:s3+s16], $0x40, s7, s16, $0xb8;
	[tilespmem:$0x1E640] =	vst v63  }
0x2c: {  	s8 =	simm.s32 $0x100  }
0x2d: {  	[tilespmem:s21], [sflag:$0x3] =	stream.indirect.gather [hbm4b:s3+s16], $0x40, s8, s16, $0xb8;
	[tilespmem:$0x1E640] =	vst v63  }
0x2e: {  	s7 =	simm.s32 $0x180  }
0x2f: {  	[tilespmem:s23], [sflag:$0x4] =	stream.indirect.gather [hbm4b:s3+s16], $0x40, s7, s16, $0xb8;
	[tilespmem:$0x1E640] =	vst v63  }
0x30: {  	s8 =	simm.s32 $0x200  }
0x31: {  	[tilespmem:s25], [sflag:$0x5] =	stream.indirect.gather [hbm4b:s3+s16], $0x40, s8, s16, $0xb8;
	[tilespmem:$0x1E640] =	vst v63  }
0x32: {  	s7 =	simm.s32 $0x280  }
0x33: {  	[tilespmem:s28], [sflag:$0x6] =	stream.indirect.gather [hbm4b:s3+s16], $0x40, s7, s16, $0xb8;
	[tilespmem:$0x1E640] =	vst v63  }
0x34: {  	s8 =	simm.s32 $0x300  }
0x35: {  	[tilespmem:s30], [sflag:$0x7] =	stream.indirect.gather [hbm4b:s3+s16], $0x40, s8, s16, $0xb8;
	[tilespmem:$0x1E640] =	vst v63  }
0x36: {  	s7 =	simm.s32 $0x380  }
0x37: {  	[tilespmem:s0], [sflag:$0x8] =	stream.indirect.gather [hbm4b:s3+s16], $0x40, s7, s16, $0xb8;
	[tilespmem:$0x1E640] =	vst v63  }
0x38: {  	_ =	swait.ge [sflag:s15], $0x1F40  }
0x39: {  	[sflag:s15] =	ssyncset.done $0x0  }
0x3a: {  	s8 =	simm.s32 $0x2800;
	[sflag:s15] =	ssyncadd.s32 $0xFFFFE0C0  }
0x3b: {  	[spmem:s1] =	stream.indirect.scatter.add.f32 [tilespmem:s17], [sflag:$0x9], $0x40, s8, s16, $0xb8;
	[tilespmem:$0x1E640] =	vst v63  }
0x3c: {  	_ =	swait.ge [sflag:s13], $0x1F40  }
0x3d: {  	[sflag:s13] =	ssyncset.done $0x0  }
0x3e: {  	s7 =	simm.s32 $0x400;
	[sflag:s13] =	ssyncadd.s32 $0xFFFFE0C0  }
0x3f: {  	[tilespmem:s17], [sflag:$0x1] =	stream.indirect.gather [hbm4b:s3+s16], $0x40, s7, s16, $0xb8;
	[tilespmem:$0x1E640] =	vst v63  }
0x40: {  	_ =	swait.ge [sflag:s18], $0x1F40  }
0x41: {  	[sflag:s18] =	ssyncset.done $0x0  }
0x42: {  	s8 =	simm.s32 $0x2880;
	[sflag:s18] =	ssyncadd.s32 $0xFFFFE0C0  }
0x43: {  	[spmem:s1] =	stream.indirect.scatter.add.f32 [tilespmem:s19], [sflag:$0x9], $0x40, s8, s16, $0xb8;
	[tilespmem:$0x1E640] =	vst v63  }
0x44: {  	_ =	swait.ge [sflag:s13], $0x1F40  }
0x45: {  	[sflag:s13] =	ssyncset.done $0x0  }
0x46: {  	s7 =	simm.s32 $0x480;
	[sflag:s13] =	ssyncadd.s32 $0xFFFFE0C0  }
0x47: {  	[tilespmem:s19], [sflag:$0x2] =	stream.indirect.gather [hbm4b:s3+s16], $0x40, s7, s16, $0xb8;
	[tilespmem:$0x1E640] =	vst v63  }
0x48: {  	_ =	swait.ge [sflag:s20], $0x1F40  }
0x49: {  	[sflag:s20] =	ssyncset.done $0x0  }
0x4a: {  	s8 =	simm.s32 $0x2900;
	[sflag:s20] =	ssyncadd.s32 $0xFFFFE0C0  }
0x4b: {  	[spmem:s1] =	stream.indirect.scatter.add.f32 [tilespmem:s21], [sflag:$0x9], $0x40, s8, s16, $0xb8;
	[tilespmem:$0x1E640] =	vst v63  }
0x4c: {  	_ =	swait.ge [sflag:s13], $0x1F40  }
0x4d: {  	[sflag:s13] =	ssyncset.done $0x0  }
0x4e: {  	s7 =	simm.s32 $0x500;
	[sflag:s13] =	ssyncadd.s32 $0xFFFFE0C0  }
0x4f: {  	[tilespmem:s21], [sflag:$0x3] =	stream.indirect.gather [hbm4b:s3+s16], $0x40, s7, s16, $0xb8;
	[tilespmem:$0x1E640] =	vst v63  }
0x50: {  	_ =	swait.ge [sflag:s22], $0x1F40  }
0x51: {  	[sflag:s22] =	ssyncset.done $0x0  }
0x52: {  	s8 =	simm.s32 $0x2980;
	[sflag:s22] =	ssyncadd.s32 $0xFFFFE0C0  }
0x53: {  	[spmem:s1] =	stream.indirect.scatter.add.f32 [tilespmem:s23], [sflag:$0x9], $0x40, s8, s16, $0xb8;
	[tilespmem:$0x1E640] =	vst v63  }
0x54: {  	_ =	swait.ge [sflag:s13], $0x1F40  }
0x55: {  	[sflag:s13] =	ssyncset.done $0x0  }
0x56: {  	s7 =	simm.s32 $0x580;
	[sflag:s13] =	ssyncadd.s32 $0xFFFFE0C0  }
0x57: {  	[tilespmem:s23], [sflag:$0x4] =	stream.indirect.gather [hbm4b:s3+s16], $0x40, s7, s16, $0xb8;
	[tilespmem:$0x1E640] =	vst v63  }
0x58: {  	_ =	swait.ge [sflag:s24], $0x1F40  }
0x59: {  	[sflag:s24] =	ssyncset.done $0x0  }
0x5a: {  	s8 =	simm.s32 $0x2A00;
	[sflag:s24] =	ssyncadd.s32 $0xFFFFE0C0  }
0x5b: {  	[spmem:s1] =	stream.indirect.scatter.add.f32 [tilespmem:s25], [sflag:$0x9], $0x40, s8, s16, $0xb8;
	[tilespmem:$0x1E640] =	vst v63  }
0x5c: {  	_ =	swait.ge [sflag:s13], $0x1F40  }
0x5d: {  	[sflag:s13] =	ssyncset.done $0x0  }
0x5e: {  	s7 =	simm.s32 $0x600;
	[sflag:s13] =	ssyncadd.s32 $0xFFFFE0C0  }
0x5f: {  	[tilespmem:s25], [sflag:$0x5] =	stream.indirect.gather [hbm4b:s3+s16], $0x40, s7, s16, $0xb8;
	[tilespmem:$0x1E640] =	vst v63  }
0x60: {  	_ =	swait.ge [sflag:s26], $0x1F40  }
0x61: {  	[sflag:s26] =	ssyncset.done $0x0  }
0x62: {  	s8 =	simm.s32 $0x2A80;
	[sflag:s26] =	ssyncadd.s32 $0xFFFFE0C0  }
0x63: {  	[spmem:s1] =	stream.indirect.scatter.add.f32 [tilespmem:s28], [sflag:$0x9], $0x40, s8, s16, $0xb8;
	[tilespmem:$0x1E640] =	vst v63  }
0x64: {  	_ =	swait.ge [sflag:s13], $0x1F40  }
0x65: {  	[sflag:s13] =	ssyncset.done $0x0  }
0x66: {  	s7 =	simm.s32 $0x680;
	[sflag:s13] =	ssyncadd.s32 $0xFFFFE0C0  }
0x67: {  	[tilespmem:s28], [sflag:$0x6] =	stream.indirect.gather [hbm4b:s3+s16], $0x40, s7, s16, $0xb8;
	[tilespmem:$0x1E640] =	vst v63  }
0x68: {  	_ =	swait.ge [sflag:s29], $0x1F40  }
0x69: {  	[sflag:s29] =	ssyncset.done $0x0  }
0x6a: {  	s8 =	simm.s32 $0x2B00;
	[sflag:s29] =	ssyncadd.s32 $0xFFFFE0C0  }
0x6b: {  	[spmem:s1] =	stream.indirect.scatter.add.f32 [tilespmem:s30], [sflag:$0x9], $0x40, s8, s16, $0xb8;
	[tilespmem:$0x1E640] =	vst v63  }
0x6c: {  	_ =	swait.ge [sflag:s13], $0x1F40  }
0x6d: {  	[sflag:s13] =	ssyncset.done $0x0  }
0x6e: {  	s7 =	simm.s32 $0x700;
	[sflag:s13] =	ssyncadd.s32 $0xFFFFE0C0  }
0x6f: {  	[tilespmem:s30], [sflag:$0x7] =	stream.indirect.gather [hbm4b:s3+s16], $0x40, s7, s16, $0xb8;
	[tilespmem:$0x1E640] =	vst v63  }
0x70: {  	_ =	swait.ge [sflag:s31], $0x1F40  }
0x71: {  	[sflag:s31] =	ssyncset.done $0x0  }
0x72: {  	s8 =	simm.s32 $0x2B80;
	[sflag:s31] =	ssyncadd.s32 $0xFFFFE0C0  }
0x73: {  	[spmem:s1] =	stream.indirect.scatter.add.f32 [tilespmem:s0], [sflag:$0x9], $0x40, s8, s16, $0xb8;
	[tilespmem:$0x1E640] =	vst v63  }
0x74: {  	_ =	swait.ge [sflag:s13], $0x1F40  }
0x75: {  	[sflag:s13] =	ssyncset.done $0x0  }
0x76: {  	s6 =	simm.s32 $0x1000;
	s7 =	simm.s32 $0x780;
	[sflag:s13] =	ssyncadd.s32 $0xFFFFE0C0  }
.LBB2_2:
0x77: {  	[tilespmem:s0], [sflag:$0x8] =	stream.indirect.gather [hbm4b:s3+s16], $0x40, s7, s16, $0xb8;
	[tilespmem:$0x1E640] =	vst v63  }
0x78: {  	s7 =	smov.u32 s6  }
0x79: {  	p1 =	sne.s32 s6, $0x8000;
	s6 =	sadd.s32 $0x1000, s6;
	_ =	swait.ge [sflag:s15], $0x1F40  }
0x7a: {  	s7 =	sshra.s32 s7, $0x2;
	[sflag:s15] =	ssyncset.done $0x0  }
0x7b: {  	s8 =	sadd.s32 $0x2800, s7;
	[sflag:s15] =	ssyncadd.s32 $0xFFFFE0C0  }
0x7c: {  	[spmem:s1] =	stream.indirect.scatter.add.f32 [tilespmem:s17], [sflag:$0x9], $0x40, s8, s16, $0xb8;
	[tilespmem:$0x1E640] =	vst v63  }
0x7d: {  	_ =	swait.ge [sflag:s13], $0x1F40  }
0x7e: {  	[sflag:s13] =	ssyncset.done $0x0  }
0x7f: {  	s8 =	sadd.s32 $0x400, s7;
	[sflag:s13] =	ssyncadd.s32 $0xFFFFE0C0  }
0x80: {  	[tilespmem:s17], [sflag:$0x1] =	stream.indirect.gather [hbm4b:s3+s16], $0x40, s8, s16, $0xb8;
	[tilespmem:$0x1E640] =	vst v63  }
0x81: {  	_ =	swait.ge [sflag:s18], $0x1F40  }
0x82: {  	[sflag:s18] =	ssyncset.done $0x0  }
0x83: {  	s8 =	sadd.s32 $0x2880, s7;
	[sflag:s18] =	ssyncadd.s32 $0xFFFFE0C0  }
0x84: {  	[spmem:s1] =	stream.indirect.scatter.add.f32 [tilespmem:s19], [sflag:$0x9], $0x40, s8, s16, $0xb8;
	[tilespmem:$0x1E640] =	vst v63  }
0x85: {  	_ =	swait.ge [sflag:s13], $0x1F40  }
0x86: {  	[sflag:s13] =	ssyncset.done $0x0  }
0x87: {  	s8 =	sadd.s32 $0x480, s7;
	[sflag:s13] =	ssyncadd.s32 $0xFFFFE0C0  }
0x88: {  	[tilespmem:s19], [sflag:$0x2] =	stream.indirect.gather [hbm4b:s3+s16], $0x40, s8, s16, $0xb8;
	[tilespmem:$0x1E640] =	vst v63  }
0x89: {  	_ =	swait.ge [sflag:s20], $0x1F40  }
0x8a: {  	[sflag:s20] =	ssyncset.done $0x0  }
0x8b: {  	s8 =	sadd.s32 $0x2900, s7;
	[sflag:s20] =	ssyncadd.s32 $0xFFFFE0C0  }
0x8c: {  	[spmem:s1] =	stream.indirect.scatter.add.f32 [tilespmem:s21], [sflag:$0x9], $0x40, s8, s16, $0xb8;
	[tilespmem:$0x1E640] =	vst v63  }
0x8d: {  	_ =	swait.ge [sflag:s13], $0x1F40  }
0x8e: {  	[sflag:s13] =	ssyncset.done $0x0  }
0x8f: {  	s8 =	sadd.s32 $0x500, s7;
	[sflag:s13] =	ssyncadd.s32 $0xFFFFE0C0  }
0x90: {  	[tilespmem:s21], [sflag:$0x3] =	stream.indirect.gather [hbm4b:s3+s16], $0x40, s8, s16, $0xb8;
	[tilespmem:$0x1E640] =	vst v63  }
0x91: {  	_ =	swait.ge [sflag:s22], $0x1F40  }
0x92: {  	[sflag:s22] =	ssyncset.done $0x0  }
0x93: {  	s8 =	sadd.s32 $0x2980, s7;
	[sflag:s22] =	ssyncadd.s32 $0xFFFFE0C0  }
0x94: {  	[spmem:s1] =	stream.indirect.scatter.add.f32 [tilespmem:s23], [sflag:$0x9], $0x40, s8, s16, $0xb8;
	[tilespmem:$0x1E640] =	vst v63  }
0x95: {  	_ =	swait.ge [sflag:s13], $0x1F40  }
0x96: {  	[sflag:s13] =	ssyncset.done $0x0  }
0x97: {  	s8 =	sadd.s32 $0x580, s7;
	[sflag:s13] =	ssyncadd.s32 $0xFFFFE0C0  }
0x98: {  	[tilespmem:s23], [sflag:$0x4] =	stream.indirect.gather [hbm4b:s3+s16], $0x40, s8, s16, $0xb8;
	[tilespmem:$0x1E640] =	vst v63  }
0x99: {  	_ =	swait.ge [sflag:s24], $0x1F40  }
0x9a: {  	[sflag:s24] =	ssyncset.done $0x0  }
0x9b: {  	s8 =	sadd.s32 $0x2A00, s7;
	[sflag:s24] =	ssyncadd.s32 $0xFFFFE0C0  }
0x9c: {  	[spmem:s1] =	stream.indirect.scatter.add.f32 [tilespmem:s25], [sflag:$0x9], $0x40, s8, s16, $0xb8;
	[tilespmem:$0x1E640] =	vst v63  }
0x9d: {  	_ =	swait.ge [sflag:s13], $0x1F40  }
0x9e: {  	[sflag:s13] =	ssyncset.done $0x0  }
0x9f: {  	s8 =	sadd.s32 $0x600, s7;
	[sflag:s13] =	ssyncadd.s32 $0xFFFFE0C0  }
0xa0: {  	[tilespmem:s25], [sflag:$0x5] =	stream.indirect.gather [hbm4b:s3+s16], $0x40, s8, s16, $0xb8;
	[tilespmem:$0x1E640] =	vst v63  }
0xa1: {  	_ =	swait.ge [sflag:s26], $0x1F40  }
0xa2: {  	[sflag:s26] =	ssyncset.done $0x0  }
0xa3: {  	s8 =	sadd.s32 $0x2A80, s7;
	[sflag:s26] =	ssyncadd.s32 $0xFFFFE0C0  }
0xa4: {  	[spmem:s1] =	stream.indirect.scatter.add.f32 [tilespmem:s28], [sflag:$0x9], $0x40, s8, s16, $0xb8;
	[tilespmem:$0x1E640] =	vst v63  }
0xa5: {  	_ =	swait.ge [sflag:s13], $0x1F40  }
0xa6: {  	[sflag:s13] =	ssyncset.done $0x0  }
0xa7: {  	s8 =	sadd.s32 $0x680, s7;
	[sflag:s13] =	ssyncadd.s32 $0xFFFFE0C0  }
0xa8: {  	[tilespmem:s28], [sflag:$0x6] =	stream.indirect.gather [hbm4b:s3+s16], $0x40, s8, s16, $0xb8;
	[tilespmem:$0x1E640] =	vst v63  }
0xa9: {  	_ =	swait.ge [sflag:s29], $0x1F40  }
0xaa: {  	[sflag:s29] =	ssyncset.done $0x0  }
0xab: {  	s8 =	sadd.s32 $0x2B00, s7;
	[sflag:s29] =	ssyncadd.s32 $0xFFFFE0C0  }
0xac: {  	[spmem:s1] =	stream.indirect.scatter.add.f32 [tilespmem:s30], [sflag:$0x9], $0x40, s8, s16, $0xb8;
	[tilespmem:$0x1E640] =	vst v63  }
0xad: {  	_ =	swait.ge [sflag:s13], $0x1F40  }
0xae: {  	[sflag:s13] =	ssyncset.done $0x0  }
0xaf: {  	s8 =	sadd.s32 $0x700, s7;
	[sflag:s13] =	ssyncadd.s32 $0xFFFFE0C0  }
0xb0: {  	[tilespmem:s30], [sflag:$0x7] =	stream.indirect.gather [hbm4b:s3+s16], $0x40, s8, s16, $0xb8;
	[tilespmem:$0x1E640] =	vst v63  }
0xb1: {  	_ =	swait.ge [sflag:s31], $0x1F40  }
0xb2: {  	[sflag:s31] =	ssyncset.done $0x0  }
.Ltmp0:
0xb3: {  	s8 =	sadd.s32 $0x2B80, s7;
	[sflag:s31] =	ssyncadd.s32 $0xFFFFE0C0;
	(pc) =	sbr.rel @p1 .LBB2_2-.Ltmp0, $4  }
0xb4: {  	[spmem:s1] =	stream.indirect.scatter.add.f32 [tilespmem:s0], [sflag:$0x9], $0x40, s8, s16, $0xb8;
	[tilespmem:$0x1E640] =	vst v63  }
0xb5: {  	_ =	swait.ge [sflag:s13], $0x1F40  }
0xb6: {  	[sflag:s13] =	ssyncset.done $0x0  }
0xb7: {  	s7 =	sadd.s32 $0x780, s7;
	[sflag:s13] =	ssyncadd.s32 $0xFFFFE0C0  }
0xb8: {  	[tilespmem:s0], [sflag:$0x8] =	stream.indirect.gather [hbm4b:s3+s16], $0x40, s7, s16, $0xb8;
	[tilespmem:$0x1E640] =	vst v63  }
0xb9: {  	_ =	swait.ge [sflag:s15], $0x1F40  }
0xba: {  	[sflag:s15] =	ssyncset.done $0x0  }
0xbb: {  	s6 =	simm.s32 $0x4C00;
	[sflag:s15] =	ssyncadd.s32 $0xFFFFE0C0  }
0xbc: {  	[spmem:s1] =	stream.indirect.scatter.add.f32 [tilespmem:s17], [sflag:$0x9], $0x40, s6, s16, $0xb8;
	[tilespmem:$0x1E640] =	vst v63  }
0xbd: {  	_ =	swait.ge [sflag:s13], $0x1F40  }
0xbe: {  	[sflag:s13] =	ssyncset.done $0x0  }
0xbf: {  	[sflag:s13] =	ssyncadd.s32 $0xFFFFE0C0  }
0xc0: {  	_ =	swait.ge [sflag:s18], $0x1F40  }
0xc1: {  	[sflag:s18] =	ssyncset.done $0x0  }
0xc2: {  	s8 =	simm.s32 $0x4C80;
	[sflag:s18] =	ssyncadd.s32 $0xFFFFE0C0  }
0xc3: {  	[spmem:s1] =	stream.indirect.scatter.add.f32 [tilespmem:s19], [sflag:$0x9], $0x40, s8, s16, $0xb8;
	[tilespmem:$0x1E640] =	vst v63  }
0xc4: {  	_ =	swait.ge [sflag:s13], $0x1F40  }
0xc5: {  	[sflag:s13] =	ssyncset.done $0x0  }
0xc6: {  	[sflag:s13] =	ssyncadd.s32 $0xFFFFE0C0  }
0xc7: {  	_ =	swait.ge [sflag:s20], $0x1F40  }
0xc8: {  	[sflag:s20] =	ssyncset.done $0x0  }
0xc9: {  	s7 =	simm.s32 $0x4D00;
	[sflag:s20] =	ssyncadd.s32 $0xFFFFE0C0  }
0xca: {  	[spmem:s1] =	stream.indirect.scatter.add.f32 [tilespmem:s21], [sflag:$0x9], $0x40, s7, s16, $0xb8;
	[tilespmem:$0x1E640] =	vst v63  }
0xcb: {  	_ =	swait.ge [sflag:s13], $0x1F40  }
0xcc: {  	[sflag:s13] =	ssyncset.done $0x0  }
0xcd: {  	[sflag:s13] =	ssyncadd.s32 $0xFFFFE0C0  }
0xce: {  	_ =	swait.ge [sflag:s22], $0x1F40  }
0xcf: {  	[sflag:s22] =	ssyncset.done $0x0  }
0xd0: {  	s8 =	simm.s32 $0x4D80;
	[sflag:s22] =	ssyncadd.s32 $0xFFFFE0C0  }
0xd1: {  	[spmem:s1] =	stream.indirect.scatter.add.f32 [tilespmem:s23], [sflag:$0x9], $0x40, s8, s16, $0xb8;
	[tilespmem:$0x1E640] =	vst v63  }
0xd2: {  	_ =	swait.ge [sflag:s13], $0x1F40  }
0xd3: {  	[sflag:s13] =	ssyncset.done $0x0  }
0xd4: {  	[sflag:s13] =	ssyncadd.s32 $0xFFFFE0C0  }
0xd5: {  	_ =	swait.ge [sflag:s24], $0x1F40  }
0xd6: {  	[sflag:s24] =	ssyncset.done $0x0  }
0xd7: {  	s7 =	simm.s32 $0x4E00;
	[sflag:s24] =	ssyncadd.s32 $0xFFFFE0C0  }
0xd8: {  	[spmem:s1] =	stream.indirect.scatter.add.f32 [tilespmem:s25], [sflag:$0x9], $0x40, s7, s16, $0xb8;
	[tilespmem:$0x1E640] =	vst v63  }
0xd9: {  	_ =	swait.ge [sflag:s13], $0x1F40  }
0xda: {  	[sflag:s13] =	ssyncset.done $0x0  }
0xdb: {  	[sflag:s13] =	ssyncadd.s32 $0xFFFFE0C0  }
0xdc: {  	_ =	swait.ge [sflag:s26], $0x1F40  }
0xdd: {  	[sflag:s26] =	ssyncset.done $0x0  }
0xde: {  	s8 =	simm.s32 $0x4E80;
	[sflag:s26] =	ssyncadd.s32 $0xFFFFE0C0  }
0xdf: {  	[spmem:s1] =	stream.indirect.scatter.add.f32 [tilespmem:s28], [sflag:$0x9], $0x40, s8, s16, $0xb8;
	[tilespmem:$0x1E640] =	vst v63  }
0xe0: {  	_ =	swait.ge [sflag:s13], $0x1F40  }
0xe1: {  	[sflag:s13] =	ssyncset.done $0x0  }
0xe2: {  	[sflag:s13] =	ssyncadd.s32 $0xFFFFE0C0  }
0xe3: {  	_ =	swait.ge [sflag:s29], $0x1F40  }
0xe4: {  	[sflag:s29] =	ssyncset.done $0x0  }
0xe5: {  	s7 =	simm.s32 $0x4F00;
	[sflag:s29] =	ssyncadd.s32 $0xFFFFE0C0  }
0xe6: {  	[spmem:s1] =	stream.indirect.scatter.add.f32 [tilespmem:s30], [sflag:$0x9], $0x40, s7, s16, $0xb8;
	[tilespmem:$0x1E640] =	vst v63  }
0xe7: {  	_ =	swait.ge [sflag:s13], $0x1F40  }
0xe8: {  	[sflag:s13] =	ssyncset.done $0x0  }
0xe9: {  	[sflag:s13] =	ssyncadd.s32 $0xFFFFE0C0  }
0xea: {  	_ =	swait.ge [sflag:s31], $0x1F40  }
0xeb: {  	[sflag:s31] =	ssyncset.done $0x0  }
0xec: {  	s8 =	simm.s32 $0x4F80;
	[sflag:s31] =	ssyncadd.s32 $0xFFFFE0C0  }
0xed: {  	[spmem:s1] =	stream.indirect.scatter.add.f32 [tilespmem:s0], [sflag:$0x9], $0x40, s8, s16, $0xb8;
	[tilespmem:$0x1E640] =	vst v63  }
0xee: {  	_ =	swait.ge [sflag:s13], $0x1F40  }
0xef: {  	[sflag:s13] =	ssyncset.done $0x0  }
0xf0: {  	[sflag:s13] =	ssyncadd.s32 $0xFFFFE0C0  }
0xf1: {  	[bflag:$0x0] =	sbarrier.arrive $0xFFFF  }
0xf2: {  	[hbm:s9], [sflag:s5] =	dma.local [spmem:s12], $0x1380  }
0xf3: {  	s4 =	sadd.s32 $0x1, s4;
	_ =	swait.ge [sflag:s13], $0x1380  }
0xf4: {  	p1 =	sne.s32 s4, s11;
	[sflag:s13] =	ssyncset.done $0x0  }
.Ltmp1:
0xf5: {  	s6 =	simm.s32 @!p0 $0x9;
	[sflag:s13] =	ssyncadd.s32 $0xFFFFEC80;
	(pc) =	sbr.rel @p1 .LBB2_1-.Ltmp1, $4  }
0xf6: {  	[hbm:s10], [sflag:s5] =	dma.local @!p0 [spmem:s14], $0x80  }
0xf7: {  	_ =	swait.ge @!p0 [sflag:s6], $0x80  }
0xf8: {  	[sflag:s6] =	ssyncset.done @!p0 $0x0  }
0xf9: {  	[sflag:s6] =	ssyncadd.s32 @!p0 $0xFFFFFF80  }
0xfa: {  	_ =	sfence.sel $0x180000  }
0xfb: {  	[bflag:$0x0] =	sbarrier.arrive $0xFFFF  }
0xfc: {  	_ =	strace $0x9000004A  }
0xfd: {  	[bflag:$0x2] =	sbarrier.arrive $0xFFFF  }
0xfe: {  	s0 =	rddreg [dreg:$0x2]  }
0xff: {  	s0 =	sadd.s32 @!p0 $0x100000, s0  }
0x100: {  	[sflag:s0] =	ssyncadd.tile.s32 @!p0 $0x1;
	_ =	shalt  }
.Lfunc_end2:
_tile_overlayer_lowered:
.L_overlay_start_2:
0x101: {  	(tag) =	ssettag $0x2  }
0x102: {  	s0 =	rddreg [dreg:$0x0];
	s2 =	stileid.u32  }
0x103: {  	s1 =	rddreg [dreg:$0x1];
	p0 =	sne.s32 s2, $0x0  }
0x104: {  	s3 =	rddreg [dreg:$0x2];
	[bflag:$0x3] =	sbarrier.arrive $0xFFFF;
	s2 =	simm.s32 @!p0 $0x1C09  }
0x105: {  	[timem:s3], [sflag:s2] =	dma.local @!p0 [hbm:s0], s1  }
0x106: {  	s0 =	simm.s32 @!p0 $0x9  }
0x107: {  	_ =	swait.ge @!p0 [sflag:s0], s1  }
0x108: {  	s1 =	ssub.s32 @!p0 $0x0, s1;
	[sflag:s0] =	ssyncset.done @!p0 $0x0  }
0x109: {  	[sflag:s0] =	ssyncadd.s32 @!p0 s1  }
0x10a: {  	[bflag:$0x3] =	sbarrier.arrive $0xFFFF  }
0x10b: {  	_ =	shalt  }

// kernel: kernel.16.cloned.1.call-start
scs
__scs_entry_jumppad:
0x0: {  	(pc) =	sbr.rel $0x88, $3  }
0x1: {  	(tag) =	ssettag $0x0;
	lr =	simm.s32 $0x1  }
0x2: {  	[smem:$0x3F97] =	sst lr;
	_ =	strace $0xD0000000  }
0x3: {  	_ = 	snop  }
0x4: {  	_ = 	snop  }
0x5: {  	_ = 	snop  }
0x6: {  	_ = 	snop  }
0x7: {  	_ = 	snop  }
__scs_overlays_trampoline_lowered:
0x8: {  	[smem:$0x3FA6] =	sst s0  }
0x9: {  	[smem:$0x3FA7] =	sst s1  }
0xa: {  	[smem:$0x3FA8] =	sst s2  }
0xb: {  	[smem:$0x3FA9] =	sst s3  }
0xc: {  	[smem:$0x3FAA] =	sst s4  }
0xd: {  	[smem:$0x3FAB] =	sst s5  }
0xe: {  	[smem:$0x3FAC] =	sst s6  }
0xf: {  	[smem:$0x3FAD] =	sst s7  }
0x10: {  	[smem:$0x3FAE] =	sst s8  }
0x11: {  	[smem:$0x3FAF] =	sst s9;
	s0 =	simm.s32 @!p0 $0x0  }
0x12: {  	s1 =	sld [smem:$0x3F95];
	s0 =	simm.s32 @p0 $0x1  }
0x13: {  	[smem:$0x3FB0] =	sst s0;
	s0 =	simm.s32 @!p1 $0x0  }
0x14: {  	s2 =	sld [smem:$0x3F94];
	s0 =	simm.s32 @p1 $0x1  }
0x15: {  	[smem:$0x3FB1] =	sst s0;
	s0 =	simm.s32 @!p2 $0x0  }
0x16: {  	s3 =	sld [smem:$0x3FDB];
	s0 =	simm.s32 @p2 $0x1  }
0x17: {  	s4 =	simm.s32 $0x1BF5;
	[smem:$0x3FB3] =	sst s0  }
0x18: {  	s0 =	sld [smem:$0x3F96];
	_ =	swait.ge [sflag:s4], $0x0  }
0x19: {  	s7 =	sld [smem:$0x3F97]  }
0x1a: {  	s8 =	sadd.s32 $0xFFFFE003, lr  }
0x1b: {  	s9 =	sadd.s32 $0xFFFFFEF7, lr;
	s5 =	simm.s32 $0xFFFFFFFF;
	p2 =	slt.u32 s8, $0xFFFFF086  }
0x1c: {  	p1 =	slt.u32 s9, $0xF7A;
	s5 =	simm.s32 @!p2 $0x0  }
0x1d: {  	s5 =	simm.s32 @p1 $0x1;
	p0 =	seq.s32 s7, s2  }
0x1e: {  	s7 =	smul.u32 @!p0 $0xF7A, s2;
	p2 =	seq.s32 @!p0 s5, $0x0  }
0x1f: {  	s9 =	smul.u32 $0xF7A, s1;
	s8 =	simm.s32 @!p0 $0x1BF5;
	p2 =	por !p2, p0  }
0x20: {  	[sflag:s8] =	ssyncset.s32 @!p0 $0xFFFFF086;
	s6 =	sadd.s32 @!p0 s3, s7;
	s7 =	simm.s32 @!p0 $0x108  }
0x21: {  	s3 =	sadd.s32 s3, s9;
	s6 =	sadd.s32 @!p0 $0x88, s6;
	s7 =	simm.s32 @p2 $0x1082  }
0x22: {  	[simem:s7], [sflag:s8] =	dma.local @!p0 [hbm:s6], $0xF7A  }
0x23: {  	s9 =	sor.u32 $0xD0000000, s2;
	s6 =	simm.s32 $0x108;
	_ =	swait.ge @!p0 [sflag:s8], $0x0  }
0x24: {  	s3 =	sadd.s32 $0x88, s3;
	s6 =	simm.s32 @!p1 $0x1082;
	[sflag:s4] =	ssyncset.s32 $0xFFFFF086  }
0x25: {  	[simem:s6], [sflag:s4] =	dma.local [hbm:s3], $0xF7A  }
0x26: {  	[smem:$0x3F97] =	sst s1;
	(tag) =	ssettag s2;
	_ =	strace s9  }
0x27: {  	s1 =	sld [smem:$0x3FA7]  }
0x28: {  	s2 =	sld [smem:$0x3FA8]  }
0x29: {  	s4 =	sld [smem:$0x3FAA]  }
0x2a: {  	p0 =	seq.s32 s5, $0x0;
	s5 =	sld [smem:$0x3FAB]  }
0x2b: {  	s6 =	sld [smem:$0x3FAC]  }
0x2c: {  	s7 =	sld [smem:$0x3FAD]  }
0x2d: {  	s3 =	simm.s32 $0x108;
	s8 =	sld [smem:$0x3FAE]  }
0x2e: {  	s3 =	simm.s32 @!p0 $0x1082;
	s9 =	sld [smem:$0x3FAF]  }
0x2f: {  	lr =	sadd.s32 s0, s3;
	s0 =	sld [smem:$0x3FA6]  }
0x30: {  	s3 =	sld [smem:$0x3FA9]  }
0x31: {  	[smem:$0x3FB2] =	sst s10  }
0x32: {  	s10 =	sld [smem:$0x3FB0];
	_ =	sdelay $0x3  }
0x33: {  	p0 =	seq.s32 s10, $0x1;
	s10 =	sld [smem:$0x3FB2];
	_ =	sdelay $0x3  }
0x34: {  	[smem:$0x3FB2] =	sst s10  }
0x35: {  	s10 =	sld [smem:$0x3FB1];
	_ =	sdelay $0x3  }
0x36: {  	p1 =	seq.s32 s10, $0x1;
	s10 =	sld [smem:$0x3FB2];
	_ =	sdelay $0x3  }
0x37: {  	[smem:$0x3FB2] =	sst s10  }
0x38: {  	s10 =	sld [smem:$0x3FB3]  }
0x39: {  	_ = 	snop;
	(pc) =	sbr.ind lr, $3  }
0x3a: {  	_ = 	snop  }
0x3b: {  	_ = 	snop  }
0x3c: {  	p2 =	seq.s32 s10, $0x1;
	s10 =	sld [smem:$0x3FB2]  }
0x3d: {  	_ =	shalt  }
0x3e: {  	_ =	shalt  }
0x3f: {  	_ =	shalt  }
0x40: {  	_ =	shalt  }
0x41: {  	_ =	shalt  }
0x42: {  	_ =	shalt  }
0x43: {  	_ =	shalt  }
0x44: {  	_ =	shalt  }
0x45: {  	_ =	shalt  }
0x46: {  	_ =	shalt  }
0x47: {  	_ =	shalt  }
0x48: {  	_ =	shalt  }
0x49: {  	_ =	shalt  }
0x4a: {  	_ =	shalt  }
0x4b: {  	_ =	shalt  }
0x4c: {  	_ =	shalt  }
0x4d: {  	_ =	shalt  }
0x4e: {  	_ =	shalt  }
0x4f: {  	_ =	shalt  }
0x50: {  	_ =	shalt  }
0x51: {  	_ =	shalt  }
0x52: {  	_ =	shalt  }
0x53: {  	_ =	shalt  }
0x54: {  	_ =	shalt  }
0x55: {  	_ =	shalt  }
0x56: {  	_ =	shalt  }
0x57: {  	_ =	shalt  }
0x58: {  	_ =	shalt  }
0x59: {  	_ =	shalt  }
0x5a: {  	_ =	shalt  }
0x5b: {  	_ =	shalt  }
0x5c: {  	_ =	shalt  }
0x5d: {  	_ =	shalt  }
0x5e: {  	_ =	shalt  }
0x5f: {  	_ =	shalt  }
0x60: {  	_ =	shalt  }
0x61: {  	_ =	shalt  }
0x62: {  	_ =	shalt  }
0x63: {  	_ =	shalt  }
0x64: {  	_ =	shalt  }
0x65: {  	_ =	shalt  }
0x66: {  	_ =	shalt  }
0x67: {  	_ =	shalt  }
0x68: {  	_ =	shalt  }
0x69: {  	_ =	shalt  }
0x6a: {  	_ =	shalt  }
0x6b: {  	_ =	shalt  }
0x6c: {  	_ =	shalt  }
0x6d: {  	_ =	shalt  }
0x6e: {  	_ =	shalt  }
0x6f: {  	_ =	shalt  }
0x70: {  	_ =	shalt  }
0x71: {  	_ =	shalt  }
0x72: {  	_ =	shalt  }
0x73: {  	_ =	shalt  }
0x74: {  	_ =	shalt  }
0x75: {  	_ =	shalt  }
0x76: {  	_ =	shalt  }
0x77: {  	_ =	shalt  }
0x78: {  	_ =	shalt  }
0x79: {  	_ =	shalt  }
0x7a: {  	_ =	shalt  }
0x7b: {  	_ =	shalt  }
0x7c: {  	_ =	shalt  }
0x7d: {  	_ =	shalt  }
0x7e: {  	_ =	shalt  }
0x7f: {  	_ =	shalt  }
0x80: {  	_ =	shalt  }
0x81: {  	_ =	shalt  }
0x82: {  	_ =	shalt  }
0x83: {  	_ =	shalt  }
0x84: {  	_ =	shalt  }
0x85: {  	_ =	shalt  }
0x86: {  	_ =	shalt  }
0x87: {  	_ =	shalt  }
.Lfunc_end0:
.L_simem_size_0:
called_computation.2_lowered:
.L_overlay_start_0:
0x88: {  	s2 =	sld [smem:$0x3FD9]  }
0x89: {  	s3 =	sld [smem:$0x3FFE];
	_ =	sdelay $0x1  }
0x8a: {  	s1 =	srdreg.scid  }
0x8b: {  	s0 =	sand.u32 $0x1, s1  }
0x8c: {  	s16 =	sshll.u32 s0, $0xA;
	s2 =	sadd.s32 s3, s2  }
0x8d: {  	s2 =	sadd.s32 s2, s16  }
0x8e: {  	[smem:$0x3FBE] =	sst s2  }
0x8f: {  	_ = 	snop  }
0x90: {  	(tm) =	ssettm $0x1  }
0x91: {  	s17 =	sld [smem:$0x3FFB];
	_ =	sdelay $0x3  }
0x92: {  	_ =	strace s17  }
0x93: {  	s2 =	sld [smem:$0x3FFC];
	_ =	sdelay $0x3  }
0x94: {  	_ =	strace s2  }
0x95: {  	s2 =	sld [smem:$0x3FFD];
	_ =	sdelay $0x3  }
0x96: {  	_ =	strace s2  }
0x97: {  	_ =	strace $0x8FFFFFFF  }
0x98: {  	s18 =	sld [smem:$0x3FDB];
	_ =	sdelay $0x1  }
0x99: {  	s19 =	simm.s32 $_scs_section_size  }
0x9a: {  	s4 =	simm.s32 $_size__tile_overlayer_lowered;
	s5 =	simm.s32 $_tile_overlayer_lowered  }
0x9b: {  	s22 =	simm.s32 $0x1BFF;
	s21 =	sshll.u32 s5, $0x1;
	s2 =	sadd.s32 s19, s18  }
0x9c: {  	s6 =	simm.s32 $0x0;
	s20 =	sshll.u32 s4, $0x1;
	s4 =	sadd.s32 s21, s2  }
0x9d: {  	[timem:s6], [sflag:s22] =	dma.local [hbm:s4], s20  }
0x9e: {  	_ =	swait.ge [sflag:s22], s20  }
0x9f: {  	s3 =	ssub.s32 $0x0, s20;
	[sflag:s22] =	ssyncset.done $0x0  }
0xa0: {  	[sflag:s22] =	ssyncadd.s32 s3;
	_ =	sdelay $0x1  }
0xa1: {  	s23 =	simm.s32 $0x1B8B  }
0xa2: {  	_ =	swait.ge [sflag:s23], $0x1  }
0xa3: {  	[sflag:s23] =	ssyncset.done $0x0  }
0xa4: {  	s25 =	simm.s32 $0x1B8E;
	s24 =	sld [smem:$0x3FFE];
	[sflag:s23] =	ssyncadd.s32 $0xFFFFFFFF  }
0xa5: {  	s26 =	simm.s32 $execute0_lowered;
	[smem:$0x3FD2] =	sst s25  }
0xa6: {  	s4 =	sshll.u32 s26, $0x1;
	_ =	strace $0x8000004C;
	[dreg:$0x1] =	wrdreg $0xFFFFFFFF  }
0xa7: {  	s28 =	simm.s32 $_size_execute0_lowered;
	s2 =	sadd.s32 s2, s4;
	[dreg:$0x0] =	wrdreg $0x0  }
0xa8: {  	s4 =	sshll.u32 s28, $0x1;
	[dreg:$0x2] =	wrdreg s2  }
0xa9: {  	[dreg:$0x3] =	wrdreg s4  }
0xaa: {  	[dreg:$0x4] =	wrdreg $0xC0  }
0xab: {  	_ =	task [dreg:s6], $0x5FFFF  }
0xac: {  	[dreg:$0x1] =	wrdreg $0xFFFFFFFF  }
0xad: {  	[dreg:$0x0] =	wrdreg $0x60  }
0xae: {  	[dreg:$0x2] =	wrdreg s24  }
0xaf: {  	[dreg:$0x3] =	wrdreg $0x14A000  }
0xb0: {  	[dreg:$0x4] =	wrdreg $0x9  }
0xb1: {  	_ =	task.clear_ibuf [dreg:s6], $0x5FFFF;
	_ =	strace $0x9000004C  }
0xb2: {  	s29 =	simm.s32 $0x9;
	_ =	strace $0x8000004E  }
0xb3: {  	_ =	swait.ge [sflag:s29], $0x1  }
0xb4: {  	[sflag:s29] =	ssyncadd.s32 $0xFFFFFFFF  }
0xb5: {  	_ =	strace $0x9000004E  }
0xb6: {  	_ =	sfence  }
0xb7: {  	s30 =	sld [smem:$0x0];
	_ =	sdelay $0x2  }
0xb8: {  	s31 =	sshll.u32 s1, $0xD;
	s1 =	sshrl.u32 s1, $0x2  }
0xb9: {  	s3 =	sand.u32 $0x4000, s31;
	s1 =	sadd.s32 s1, s30  }
0xba: {  	s0 =	sor.u32 s3, s0;
	s1 =	sshll.u32 s1, $0x11  }
0xbb: {  	s0 =	sor.u32 s1, s0  }
0xbc: {  	s0 =	sadd.s32 $0x8F2B, s0  }
0xbd: {  	[sflag:s0] =	ssyncadd.remote.s32 $0x1  }
0xbe: {  	_ =	sfence.sel $0xFFFF  }
0xbf: {  	[dreg:$0x0] =	wrdreg $0xFFFFFFFF;
	(pc) =	sbr.abs _section_cstart, $3  }
0xc0: {  	[dreg:$0x1] =	wrdreg $0xFFFFFFFF  }
0xc1: {  	_ =	task.clear_ibuf [dreg:s6], $0x2FFFF;
	_ =	strace $0x9FFFFFFF  }
0xc2: {  	(tm) =	ssettm $0x7FFFFFFF  }
0xc3: {  	_ =	shalt  }
tec
execute0_lowered:
.L_overlay_start_1:
0x0: {  	(tag) =	ssettag $0x1  }
0x1: {  	s0 =	rddreg [dreg:$0x0];
	s2 =	srdreg.scid  }
0x2: {  	s4 =	stileid.u32;
	s1 =	rddreg [dreg:$0x1]  }
0x3: {  	s16 =	simm.s32 $0x7D;
	s17 =	simm.s32 $0x5000;
	s19 =	simm.s32 $0x6F40  }
0x4: {  	s28 =	simm.s32 $0xEC40;
	s30 =	simm.s32 $0x10B80;
	s15 =	simm.s32 $0x1  }
0x5: {  	s18 =	simm.s32 $0x2;
	s20 =	simm.s32 $0x3;
	s29 =	simm.s32 $0x7  }
0x6: {  	s31 =	simm.s32 $0x8;
	s5 =	sand.u32 $0x1, s2;
	s3 =	sshll.u32 s4, $0x1  }
0x7: {  	s2 =	simm.s32 $0x0;
	s8 =	smul.u32 $0x9C00, s4;
	s10 =	sadd.s32 $0x2AA00, s0  }
0x8: {  	s11 =	sshll.u32 s4, $0x6;
	s14 =	sadd.s32 $0x9C000, s1;
	p0 =	sne.s32 s4, $0x0  }
0x9: {  	s4 =	simm.s32 $0x0;
	s3 =	sor.u32 s5, s3;
	[smem:$0x7FF] =	sst s2  }
0xa: {  	s7 =	ssub.s32 $0x2, s5;
	s13 =	smul.u32 $0x9C400, s5;
	s5 =	sor.u32 $0x1C09, s11  }
0xb: {  	s14 =	sshrl.u32 @!p0 s14, $0x3;
	s6 =	smul.u32 $0x500, s3;
	_ =	strace $0x8000004D  }
0xc: {  	s3 =	sadd.s32 $0x17000, s0;
	s9 =	sshrl.u32 s7, $0x1;
	s21 =	sshrl.u32 s8, $0x3  }
0xd: {  	s12 =	sadd.s32 s8, s1;
	s7 =	ssub.s32 s7, s9;
	s22 =	sadd.s32 s3, s21  }
0xe: {  	s23 =	sadd.s32 s8, s13;
	s24 =	sshrl.u32 s13, $0x3;
	s12 =	sshrl.u32 s12, $0x3  }
0xf: {  	s13 =	simm.s32 $0x9;
	s21 =	simm.s32 $0x8E80;
	s6 =	sadd.s32 s6, s0  }
0x10: {  	[dreg:$0x3] =	wrdreg s22;
	s0 =	sadd.s32 $0x2A800, s0;
	s26 =	sadd.s32 s10, s24  }
0x11: {  	s11 =	smax.u32 s7, $0x1;
	s22 =	simm.s32 $0x4;
	s24 =	simm.s32 $0x5  }
0x12: {  	[dreg:$0x4] =	wrdreg s0;
	s25 =	sadd.s32 $0xD000, s6;
	s0 =	sshrl.u32 s23, $0x3  }
0x13: {  	s6 =	sadd.s32 $0x2000, s6;
	s23 =	simm.s32 $0xADC0;
	[dreg:$0x5] =	wrdreg s25  }
0x14: {  	[dreg:$0x6] =	wrdreg s6;
	s9 =	sadd.s32 s10, s0;
	s10 =	sadd.s32 $0x13800, s26  }
0x15: {  	s25 =	simm.s32 $0xCD00;
	s0 =	simm.s32 $0x12AC0;
	s26 =	simm.s32 $0x6  }
.LBB2_1:
0x16: {  	s6 =	rddreg [dreg:$0x3]  }
0x17: {  	[spmem:s12], [sflag:s5] =	dma.local [hbm:s6], $0x1380  }
0x18: {  	_ =	swait.ge [sflag:s13], $0x1380  }
0x19: {  	[sflag:s13] =	ssyncset.done $0x0  }
0x1a: {  	s6 =	rddreg [dreg:$0x4];
	[sflag:s13] =	ssyncadd.s32 $0xFFFFEC80  }
0x1b: {  	[spmem:s14], [sflag:s5] =	dma.local @!p0 [hbm:s6], $0x80  }
0x1c: {  	s6 =	simm.s32 @!p0 $0x9  }
0x1d: {  	_ =	swait.ge @!p0 [sflag:s6], $0x80  }
0x1e: {  	[sflag:s6] =	ssyncset.done @!p0 $0x0  }
0x1f: {  	s7 =	rddreg [dreg:$0x5];
	[sflag:s6] =	ssyncadd.s32 @!p0 $0xFFFFFF80  }
0x20: {  	[tilespmem:s2], [sflag:$0x9] =	stream.linear.gather [hbm4b:s7+s2], $0x2800, $0x38;
	[tilespmem:$0x1E640] =	vst v63  }
0x21: {  	_ =	swait.ge [sflag:s13], $0x2800  }
0x22: {  	[sflag:s13] =	ssyncset.done $0x0  }
0x23: {  	s7 =	simm.s32 $0x2800;
	s8 =	rddreg [dreg:$0x6];
	[sflag:s13] =	ssyncadd.s32 $0xFFFFD800  }
0x24: {  	[tilespmem:s7], [sflag:$0x9] =	stream.linear.gather [hbm4b:s8+s2], $0x2800, $0x38;
	[tilespmem:$0x1E640] =	vst v63  }
0x25: {  	_ =	swait.ge [sflag:s13], $0x2800  }
0x26: {  	[sflag:s13] =	ssyncset.done $0x0  }
0x27: {  	[sflag:s13] =	ssyncadd.s32 $0xFFFFD800  }
0x28: {  	[bflag:$0x0] =	sbarrier.arrive $0xFFFF  }
0x29: {  	[tilespmem:s17], [sflag:$0x1] =	stream.indirect.gather [hbm4b:s3+s16], $0x40, s2, s16, $0xb8;
	[tilespmem:$0x1E640] =	vst v63  }
0x2a: {  	s7 =	simm.s32 $0x80  }
0x2b: {  	[tilespmem:s19], [sflag:$0x2] =	stream.indirect.gather [hbm4b:s3+s16], $0x40, s7, s16, $0xb8;
	[tilespmem:$0x1E640] =	vst v63  }
0x2c: {  	s8 =	simm.s32 $0x100  }
0x2d: {  	[tilespmem:s21], [sflag:$0x3] =	stream.indirect.gather [hbm4b:s3+s16], $0x40, s8, s16, $0xb8;
	[tilespmem:$0x1E640] =	vst v63  }
0x2e: {  	s7 =	simm.s32 $0x180  }
0x2f: {  	[tilespmem:s23], [sflag:$0x4] =	stream.indirect.gather [hbm4b:s3+s16], $0x40, s7, s16, $0xb8;
	[tilespmem:$0x1E640] =	vst v63  }
0x30: {  	s8 =	simm.s32 $0x200  }
0x31: {  	[tilespmem:s25], [sflag:$0x5] =	stream.indirect.gather [hbm4b:s3+s16], $0x40, s8, s16, $0xb8;
	[tilespmem:$0x1E640] =	vst v63  }
0x32: {  	s7 =	simm.s32 $0x280  }
0x33: {  	[tilespmem:s28], [sflag:$0x6] =	stream.indirect.gather [hbm4b:s3+s16], $0x40, s7, s16, $0xb8;
	[tilespmem:$0x1E640] =	vst v63  }
0x34: {  	s8 =	simm.s32 $0x300  }
0x35: {  	[tilespmem:s30], [sflag:$0x7] =	stream.indirect.gather [hbm4b:s3+s16], $0x40, s8, s16, $0xb8;
	[tilespmem:$0x1E640] =	vst v63  }
0x36: {  	s7 =	simm.s32 $0x380  }
0x37: {  	[tilespmem:s0], [sflag:$0x8] =	stream.indirect.gather [hbm4b:s3+s16], $0x40, s7, s16, $0xb8;
	[tilespmem:$0x1E640] =	vst v63  }
0x38: {  	_ =	swait.ge [sflag:s15], $0x1F40  }
0x39: {  	[sflag:s15] =	ssyncset.done $0x0  }
0x3a: {  	s8 =	simm.s32 $0x2800;
	[sflag:s15] =	ssyncadd.s32 $0xFFFFE0C0  }
0x3b: {  	[spmem:s1] =	stream.indirect.scatter.add.f32 [tilespmem:s17], [sflag:$0x9], $0x40, s8, s16, $0xb8;
	[tilespmem:$0x1E640] =	vst v63  }
0x3c: {  	_ =	swait.ge [sflag:s13], $0x1F40  }
0x3d: {  	[sflag:s13] =	ssyncset.done $0x0  }
0x3e: {  	s7 =	simm.s32 $0x400;
	[sflag:s13] =	ssyncadd.s32 $0xFFFFE0C0  }
0x3f: {  	[tilespmem:s17], [sflag:$0x1] =	stream.indirect.gather [hbm4b:s3+s16], $0x40, s7, s16, $0xb8;
	[tilespmem:$0x1E640] =	vst v63  }
0x40: {  	_ =	swait.ge [sflag:s18], $0x1F40  }
0x41: {  	[sflag:s18] =	ssyncset.done $0x0  }
0x42: {  	s8 =	simm.s32 $0x2880;
	[sflag:s18] =	ssyncadd.s32 $0xFFFFE0C0  }
0x43: {  	[spmem:s1] =	stream.indirect.scatter.add.f32 [tilespmem:s19], [sflag:$0x9], $0x40, s8, s16, $0xb8;
	[tilespmem:$0x1E640] =	vst v63  }
0x44: {  	_ =	swait.ge [sflag:s13], $0x1F40  }
0x45: {  	[sflag:s13] =	ssyncset.done $0x0  }
0x46: {  	s7 =	simm.s32 $0x480;
	[sflag:s13] =	ssyncadd.s32 $0xFFFFE0C0  }
0x47: {  	[tilespmem:s19], [sflag:$0x2] =	stream.indirect.gather [hbm4b:s3+s16], $0x40, s7, s16, $0xb8;
	[tilespmem:$0x1E640] =	vst v63  }
0x48: {  	_ =	swait.ge [sflag:s20], $0x1F40  }
0x49: {  	[sflag:s20] =	ssyncset.done $0x0  }
0x4a: {  	s8 =	simm.s32 $0x2900;
	[sflag:s20] =	ssyncadd.s32 $0xFFFFE0C0  }
0x4b: {  	[spmem:s1] =	stream.indirect.scatter.add.f32 [tilespmem:s21], [sflag:$0x9], $0x40, s8, s16, $0xb8;
	[tilespmem:$0x1E640] =	vst v63  }
0x4c: {  	_ =	swait.ge [sflag:s13], $0x1F40  }
0x4d: {  	[sflag:s13] =	ssyncset.done $0x0  }
0x4e: {  	s7 =	simm.s32 $0x500;
	[sflag:s13] =	ssyncadd.s32 $0xFFFFE0C0  }
0x4f: {  	[tilespmem:s21], [sflag:$0x3] =	stream.indirect.gather [hbm4b:s3+s16], $0x40, s7, s16, $0xb8;
	[tilespmem:$0x1E640] =	vst v63  }
0x50: {  	_ =	swait.ge [sflag:s22], $0x1F40  }
0x51: {  	[sflag:s22] =	ssyncset.done $0x0  }
0x52: {  	s8 =	simm.s32 $0x2980;
	[sflag:s22] =	ssyncadd.s32 $0xFFFFE0C0  }
0x53: {  	[spmem:s1] =	stream.indirect.scatter.add.f32 [tilespmem:s23], [sflag:$0x9], $0x40, s8, s16, $0xb8;
	[tilespmem:$0x1E640] =	vst v63  }
0x54: {  	_ =	swait.ge [sflag:s13], $0x1F40  }
0x55: {  	[sflag:s13] =	ssyncset.done $0x0  }
0x56: {  	s7 =	simm.s32 $0x580;
	[sflag:s13] =	ssyncadd.s32 $0xFFFFE0C0  }
0x57: {  	[tilespmem:s23], [sflag:$0x4] =	stream.indirect.gather [hbm4b:s3+s16], $0x40, s7, s16, $0xb8;
	[tilespmem:$0x1E640] =	vst v63  }
0x58: {  	_ =	swait.ge [sflag:s24], $0x1F40  }
0x59: {  	[sflag:s24] =	ssyncset.done $0x0  }
0x5a: {  	s8 =	simm.s32 $0x2A00;
	[sflag:s24] =	ssyncadd.s32 $0xFFFFE0C0  }
0x5b: {  	[spmem:s1] =	stream.indirect.scatter.add.f32 [tilespmem:s25], [sflag:$0x9], $0x40, s8, s16, $0xb8;
	[tilespmem:$0x1E640] =	vst v63  }
0x5c: {  	_ =	swait.ge [sflag:s13], $0x1F40  }
0x5d: {  	[sflag:s13] =	ssyncset.done $0x0  }
0x5e: {  	s7 =	simm.s32 $0x600;
	[sflag:s13] =	ssyncadd.s32 $0xFFFFE0C0  }
0x5f: {  	[tilespmem:s25], [sflag:$0x5] =	stream.indirect.gather [hbm4b:s3+s16], $0x40, s7, s16, $0xb8;
	[tilespmem:$0x1E640] =	vst v63  }
0x60: {  	_ =	swait.ge [sflag:s26], $0x1F40  }
0x61: {  	[sflag:s26] =	ssyncset.done $0x0  }
0x62: {  	s8 =	simm.s32 $0x2A80;
	[sflag:s26] =	ssyncadd.s32 $0xFFFFE0C0  }
0x63: {  	[spmem:s1] =	stream.indirect.scatter.add.f32 [tilespmem:s28], [sflag:$0x9], $0x40, s8, s16, $0xb8;
	[tilespmem:$0x1E640] =	vst v63  }
0x64: {  	_ =	swait.ge [sflag:s13], $0x1F40  }
0x65: {  	[sflag:s13] =	ssyncset.done $0x0  }
0x66: {  	s7 =	simm.s32 $0x680;
	[sflag:s13] =	ssyncadd.s32 $0xFFFFE0C0  }
0x67: {  	[tilespmem:s28], [sflag:$0x6] =	stream.indirect.gather [hbm4b:s3+s16], $0x40, s7, s16, $0xb8;
	[tilespmem:$0x1E640] =	vst v63  }
0x68: {  	_ =	swait.ge [sflag:s29], $0x1F40  }
0x69: {  	[sflag:s29] =	ssyncset.done $0x0  }
0x6a: {  	s8 =	simm.s32 $0x2B00;
	[sflag:s29] =	ssyncadd.s32 $0xFFFFE0C0  }
0x6b: {  	[spmem:s1] =	stream.indirect.scatter.add.f32 [tilespmem:s30], [sflag:$0x9], $0x40, s8, s16, $0xb8;
	[tilespmem:$0x1E640] =	vst v63  }
0x6c: {  	_ =	swait.ge [sflag:s13], $0x1F40  }
0x6d: {  	[sflag:s13] =	ssyncset.done $0x0  }
0x6e: {  	s7 =	simm.s32 $0x700;
	[sflag:s13] =	ssyncadd.s32 $0xFFFFE0C0  }
0x6f: {  	[tilespmem:s30], [sflag:$0x7] =	stream.indirect.gather [hbm4b:s3+s16], $0x40, s7, s16, $0xb8;
	[tilespmem:$0x1E640] =	vst v63  }
0x70: {  	_ =	swait.ge [sflag:s31], $0x1F40  }
0x71: {  	[sflag:s31] =	ssyncset.done $0x0  }
0x72: {  	s8 =	simm.s32 $0x2B80;
	[sflag:s31] =	ssyncadd.s32 $0xFFFFE0C0  }
0x73: {  	[spmem:s1] =	stream.indirect.scatter.add.f32 [tilespmem:s0], [sflag:$0x9], $0x40, s8, s16, $0xb8;
	[tilespmem:$0x1E640] =	vst v63  }
0x74: {  	_ =	swait.ge [sflag:s13], $0x1F40  }
0x75: {  	[sflag:s13] =	ssyncset.done $0x0  }
0x76: {  	s6 =	simm.s32 $0x1000;
	s7 =	simm.s32 $0x780;
	[sflag:s13] =	ssyncadd.s32 $0xFFFFE0C0  }
.LBB2_2:
0x77: {  	[tilespmem:s0], [sflag:$0x8] =	stream.indirect.gather [hbm4b:s3+s16], $0x40, s7, s16, $0xb8;
	[tilespmem:$0x1E640] =	vst v63  }
0x78: {  	s7 =	smov.u32 s6  }
0x79: {  	p1 =	sne.s32 s6, $0x8000;
	s6 =	sadd.s32 $0x1000, s6;
	_ =	swait.ge [sflag:s15], $0x1F40  }
0x7a: {  	s7 =	sshra.s32 s7, $0x2;
	[sflag:s15] =	ssyncset.done $0x0  }
0x7b: {  	s8 =	sadd.s32 $0x2800, s7;
	[sflag:s15] =	ssyncadd.s32 $0xFFFFE0C0  }
0x7c: {  	[spmem:s1] =	stream.indirect.scatter.add.f32 [tilespmem:s17], [sflag:$0x9], $0x40, s8, s16, $0xb8;
	[tilespmem:$0x1E640] =	vst v63  }
0x7d: {  	_ =	swait.ge [sflag:s13], $0x1F40  }
0x7e: {  	[sflag:s13] =	ssyncset.done $0x0  }
0x7f: {  	s8 =	sadd.s32 $0x400, s7;
	[sflag:s13] =	ssyncadd.s32 $0xFFFFE0C0  }
0x80: {  	[tilespmem:s17], [sflag:$0x1] =	stream.indirect.gather [hbm4b:s3+s16], $0x40, s8, s16, $0xb8;
	[tilespmem:$0x1E640] =	vst v63  }
0x81: {  	_ =	swait.ge [sflag:s18], $0x1F40  }
0x82: {  	[sflag:s18] =	ssyncset.done $0x0  }
0x83: {  	s8 =	sadd.s32 $0x2880, s7;
	[sflag:s18] =	ssyncadd.s32 $0xFFFFE0C0  }
0x84: {  	[spmem:s1] =	stream.indirect.scatter.add.f32 [tilespmem:s19], [sflag:$0x9], $0x40, s8, s16, $0xb8;
	[tilespmem:$0x1E640] =	vst v63  }
0x85: {  	_ =	swait.ge [sflag:s13], $0x1F40  }
0x86: {  	[sflag:s13] =	ssyncset.done $0x0  }
0x87: {  	s8 =	sadd.s32 $0x480, s7;
	[sflag:s13] =	ssyncadd.s32 $0xFFFFE0C0  }
0x88: {  	[tilespmem:s19], [sflag:$0x2] =	stream.indirect.gather [hbm4b:s3+s16], $0x40, s8, s16, $0xb8;
	[tilespmem:$0x1E640] =	vst v63  }
0x89: {  	_ =	swait.ge [sflag:s20], $0x1F40  }
0x8a: {  	[sflag:s20] =	ssyncset.done $0x0  }
0x8b: {  	s8 =	sadd.s32 $0x2900, s7;
	[sflag:s20] =	ssyncadd.s32 $0xFFFFE0C0  }
0x8c: {  	[spmem:s1] =	stream.indirect.scatter.add.f32 [tilespmem:s21], [sflag:$0x9], $0x40, s8, s16, $0xb8;
	[tilespmem:$0x1E640] =	vst v63  }
0x8d: {  	_ =	swait.ge [sflag:s13], $0x1F40  }
0x8e: {  	[sflag:s13] =	ssyncset.done $0x0  }
0x8f: {  	s8 =	sadd.s32 $0x500, s7;
	[sflag:s13] =	ssyncadd.s32 $0xFFFFE0C0  }
0x90: {  	[tilespmem:s21], [sflag:$0x3] =	stream.indirect.gather [hbm4b:s3+s16], $0x40, s8, s16, $0xb8;
	[tilespmem:$0x1E640] =	vst v63  }
0x91: {  	_ =	swait.ge [sflag:s22], $0x1F40  }
0x92: {  	[sflag:s22] =	ssyncset.done $0x0  }
0x93: {  	s8 =	sadd.s32 $0x2980, s7;
	[sflag:s22] =	ssyncadd.s32 $0xFFFFE0C0  }
0x94: {  	[spmem:s1] =	stream.indirect.scatter.add.f32 [tilespmem:s23], [sflag:$0x9], $0x40, s8, s16, $0xb8;
	[tilespmem:$0x1E640] =	vst v63  }
0x95: {  	_ =	swait.ge [sflag:s13], $0x1F40  }
0x96: {  	[sflag:s13] =	ssyncset.done $0x0  }
0x97: {  	s8 =	sadd.s32 $0x580, s7;
	[sflag:s13] =	ssyncadd.s32 $0xFFFFE0C0  }
0x98: {  	[tilespmem:s23], [sflag:$0x4] =	stream.indirect.gather [hbm4b:s3+s16], $0x40, s8, s16, $0xb8;
	[tilespmem:$0x1E640] =	vst v63  }
0x99: {  	_ =	swait.ge [sflag:s24], $0x1F40  }
0x9a: {  	[sflag:s24] =	ssyncset.done $0x0  }
0x9b: {  	s8 =	sadd.s32 $0x2A00, s7;
	[sflag:s24] =	ssyncadd.s32 $0xFFFFE0C0  }
0x9c: {  	[spmem:s1] =	stream.indirect.scatter.add.f32 [tilespmem:s25], [sflag:$0x9], $0x40, s8, s16, $0xb8;
	[tilespmem:$0x1E640] =	vst v63  }
0x9d: {  	_ =	swait.ge [sflag:s13], $0x1F40  }
0x9e: {  	[sflag:s13] =	ssyncset.done $0x0  }
0x9f: {  	s8 =	sadd.s32 $0x600, s7;
	[sflag:s13] =	ssyncadd.s32 $0xFFFFE0C0  }
0xa0: {  	[tilespmem:s25], [sflag:$0x5] =	stream.indirect.gather [hbm4b:s3+s16], $0x40, s8, s16, $0xb8;
	[tilespmem:$0x1E640] =	vst v63  }
0xa1: {  	_ =	swait.ge [sflag:s26], $0x1F40  }
0xa2: {  	[sflag:s26] =	ssyncset.done $0x0  }
0xa3: {  	s8 =	sadd.s32 $0x2A80, s7;
	[sflag:s26] =	ssyncadd.s32 $0xFFFFE0C0  }
0xa4: {  	[spmem:s1] =	stream.indirect.scatter.add.f32 [tilespmem:s28], [sflag:$0x9], $0x40, s8, s16, $0xb8;
	[tilespmem:$0x1E640] =	vst v63  }
0xa5: {  	_ =	swait.ge [sflag:s13], $0x1F40  }
0xa6: {  	[sflag:s13] =	ssyncset.done $0x0  }
0xa7: {  	s8 =	sadd.s32 $0x680, s7;
	[sflag:s13] =	ssyncadd.s32 $0xFFFFE0C0  }
0xa8: {  	[tilespmem:s28], [sflag:$0x6] =	stream.indirect.gather [hbm4b:s3+s16], $0x40, s8, s16, $0xb8;
	[tilespmem:$0x1E640] =	vst v63  }
0xa9: {  	_ =	swait.ge [sflag:s29], $0x1F40  }
0xaa: {  	[sflag:s29] =	ssyncset.done $0x0  }
0xab: {  	s8 =	sadd.s32 $0x2B00, s7;
	[sflag:s29] =	ssyncadd.s32 $0xFFFFE0C0  }
0xac: {  	[spmem:s1] =	stream.indirect.scatter.add.f32 [tilespmem:s30], [sflag:$0x9], $0x40, s8, s16, $0xb8;
	[tilespmem:$0x1E640] =	vst v63  }
0xad: {  	_ =	swait.ge [sflag:s13], $0x1F40  }
0xae: {  	[sflag:s13] =	ssyncset.done $0x0  }
0xaf: {  	s8 =	sadd.s32 $0x700, s7;
	[sflag:s13] =	ssyncadd.s32 $0xFFFFE0C0  }
0xb0: {  	[tilespmem:s30], [sflag:$0x7] =	stream.indirect.gather [hbm4b:s3+s16], $0x40, s8, s16, $0xb8;
	[tilespmem:$0x1E640] =	vst v63  }
0xb1: {  	_ =	swait.ge [sflag:s31], $0x1F40  }
0xb2: {  	[sflag:s31] =	ssyncset.done $0x0  }
.Ltmp0:
0xb3: {  	s8 =	sadd.s32 $0x2B80, s7;
	[sflag:s31] =	ssyncadd.s32 $0xFFFFE0C0;
	(pc) =	sbr.rel @p1 .LBB2_2-.Ltmp0, $4  }
0xb4: {  	[spmem:s1] =	stream.indirect.scatter.add.f32 [tilespmem:s0], [sflag:$0x9], $0x40, s8, s16, $0xb8;
	[tilespmem:$0x1E640] =	vst v63  }
0xb5: {  	_ =	swait.ge [sflag:s13], $0x1F40  }
0xb6: {  	[sflag:s13] =	ssyncset.done $0x0  }
0xb7: {  	s7 =	sadd.s32 $0x780, s7;
	[sflag:s13] =	ssyncadd.s32 $0xFFFFE0C0  }
0xb8: {  	[tilespmem:s0], [sflag:$0x8] =	stream.indirect.gather [hbm4b:s3+s16], $0x40, s7, s16, $0xb8;
	[tilespmem:$0x1E640] =	vst v63  }
0xb9: {  	_ =	swait.ge [sflag:s15], $0x1F40  }
0xba: {  	[sflag:s15] =	ssyncset.done $0x0  }
0xbb: {  	s6 =	simm.s32 $0x4C00;
	[sflag:s15] =	ssyncadd.s32 $0xFFFFE0C0  }
0xbc: {  	[spmem:s1] =	stream.indirect.scatter.add.f32 [tilespmem:s17], [sflag:$0x9], $0x40, s6, s16, $0xb8;
	[tilespmem:$0x1E640] =	vst v63  }
0xbd: {  	_ =	swait.ge [sflag:s13], $0x1F40  }
0xbe: {  	[sflag:s13] =	ssyncset.done $0x0  }
0xbf: {  	[sflag:s13] =	ssyncadd.s32 $0xFFFFE0C0  }
0xc0: {  	_ =	swait.ge [sflag:s18], $0x1F40  }
0xc1: {  	[sflag:s18] =	ssyncset.done $0x0  }
0xc2: {  	s8 =	simm.s32 $0x4C80;
	[sflag:s18] =	ssyncadd.s32 $0xFFFFE0C0  }
0xc3: {  	[spmem:s1] =	stream.indirect.scatter.add.f32 [tilespmem:s19], [sflag:$0x9], $0x40, s8, s16, $0xb8;
	[tilespmem:$0x1E640] =	vst v63  }
0xc4: {  	_ =	swait.ge [sflag:s13], $0x1F40  }
0xc5: {  	[sflag:s13] =	ssyncset.done $0x0  }
0xc6: {  	[sflag:s13] =	ssyncadd.s32 $0xFFFFE0C0  }
0xc7: {  	_ =	swait.ge [sflag:s20], $0x1F40  }
0xc8: {  	[sflag:s20] =	ssyncset.done $0x0  }
0xc9: {  	s7 =	simm.s32 $0x4D00;
	[sflag:s20] =	ssyncadd.s32 $0xFFFFE0C0  }
0xca: {  	[spmem:s1] =	stream.indirect.scatter.add.f32 [tilespmem:s21], [sflag:$0x9], $0x40, s7, s16, $0xb8;
	[tilespmem:$0x1E640] =	vst v63  }
0xcb: {  	_ =	swait.ge [sflag:s13], $0x1F40  }
0xcc: {  	[sflag:s13] =	ssyncset.done $0x0  }
0xcd: {  	[sflag:s13] =	ssyncadd.s32 $0xFFFFE0C0  }
0xce: {  	_ =	swait.ge [sflag:s22], $0x1F40  }
0xcf: {  	[sflag:s22] =	ssyncset.done $0x0  }
0xd0: {  	s8 =	simm.s32 $0x4D80;
	[sflag:s22] =	ssyncadd.s32 $0xFFFFE0C0  }
0xd1: {  	[spmem:s1] =	stream.indirect.scatter.add.f32 [tilespmem:s23], [sflag:$0x9], $0x40, s8, s16, $0xb8;
	[tilespmem:$0x1E640] =	vst v63  }
0xd2: {  	_ =	swait.ge [sflag:s13], $0x1F40  }
0xd3: {  	[sflag:s13] =	ssyncset.done $0x0  }
0xd4: {  	[sflag:s13] =	ssyncadd.s32 $0xFFFFE0C0  }
0xd5: {  	_ =	swait.ge [sflag:s24], $0x1F40  }
0xd6: {  	[sflag:s24] =	ssyncset.done $0x0  }
0xd7: {  	s7 =	simm.s32 $0x4E00;
	[sflag:s24] =	ssyncadd.s32 $0xFFFFE0C0  }
0xd8: {  	[spmem:s1] =	stream.indirect.scatter.add.f32 [tilespmem:s25], [sflag:$0x9], $0x40, s7, s16, $0xb8;
	[tilespmem:$0x1E640] =	vst v63  }
0xd9: {  	_ =	swait.ge [sflag:s13], $0x1F40  }
0xda: {  	[sflag:s13] =	ssyncset.done $0x0  }
0xdb: {  	[sflag:s13] =	ssyncadd.s32 $0xFFFFE0C0  }
0xdc: {  	_ =	swait.ge [sflag:s26], $0x1F40  }
0xdd: {  	[sflag:s26] =	ssyncset.done $0x0  }
0xde: {  	s8 =	simm.s32 $0x4E80;
	[sflag:s26] =	ssyncadd.s32 $0xFFFFE0C0  }
0xdf: {  	[spmem:s1] =	stream.indirect.scatter.add.f32 [tilespmem:s28], [sflag:$0x9], $0x40, s8, s16, $0xb8;
	[tilespmem:$0x1E640] =	vst v63  }
0xe0: {  	_ =	swait.ge [sflag:s13], $0x1F40  }
0xe1: {  	[sflag:s13] =	ssyncset.done $0x0  }
0xe2: {  	[sflag:s13] =	ssyncadd.s32 $0xFFFFE0C0  }
0xe3: {  	_ =	swait.ge [sflag:s29], $0x1F40  }
0xe4: {  	[sflag:s29] =	ssyncset.done $0x0  }
0xe5: {  	s7 =	simm.s32 $0x4F00;
	[sflag:s29] =	ssyncadd.s32 $0xFFFFE0C0  }
0xe6: {  	[spmem:s1] =	stream.indirect.scatter.add.f32 [tilespmem:s30], [sflag:$0x9], $0x40, s7, s16, $0xb8;
	[tilespmem:$0x1E640] =	vst v63  }
0xe7: {  	_ =	swait.ge [sflag:s13], $0x1F40  }
0xe8: {  	[sflag:s13] =	ssyncset.done $0x0  }
0xe9: {  	[sflag:s13] =	ssyncadd.s32 $0xFFFFE0C0  }
0xea: {  	_ =	swait.ge [sflag:s31], $0x1F40  }
0xeb: {  	[sflag:s31] =	ssyncset.done $0x0  }
0xec: {  	s8 =	simm.s32 $0x4F80;
	[sflag:s31] =	ssyncadd.s32 $0xFFFFE0C0  }
0xed: {  	[spmem:s1] =	stream.indirect.scatter.add.f32 [tilespmem:s0], [sflag:$0x9], $0x40, s8, s16, $0xb8;
	[tilespmem:$0x1E640] =	vst v63  }
0xee: {  	_ =	swait.ge [sflag:s13], $0x1F40  }
0xef: {  	[sflag:s13] =	ssyncset.done $0x0  }
0xf0: {  	[sflag:s13] =	ssyncadd.s32 $0xFFFFE0C0  }
0xf1: {  	[bflag:$0x0] =	sbarrier.arrive $0xFFFF  }
0xf2: {  	[hbm:s9], [sflag:s5] =	dma.local [spmem:s12], $0x1380  }
0xf3: {  	s4 =	sadd.s32 $0x1, s4;
	_ =	swait.ge [sflag:s13], $0x1380  }
0xf4: {  	p1 =	sne.s32 s4, s11;
	[sflag:s13] =	ssyncset.done $0x0  }
.Ltmp1:
0xf5: {  	s6 =	simm.s32 @!p0 $0x9;
	[sflag:s13] =	ssyncadd.s32 $0xFFFFEC80;
	(pc) =	sbr.rel @p1 .LBB2_1-.Ltmp1, $4  }
0xf6: {  	[hbm:s10], [sflag:s5] =	dma.local @!p0 [spmem:s14], $0x80  }
0xf7: {  	_ =	swait.ge @!p0 [sflag:s6], $0x80  }
0xf8: {  	[sflag:s6] =	ssyncset.done @!p0 $0x0  }
0xf9: {  	[sflag:s6] =	ssyncadd.s32 @!p0 $0xFFFFFF80  }
0xfa: {  	_ =	sfence.sel $0x180000  }
0xfb: {  	[bflag:$0x0] =	sbarrier.arrive $0xFFFF  }
0xfc: {  	_ =	strace $0x9000004D  }
0xfd: {  	[bflag:$0x2] =	sbarrier.arrive $0xFFFF  }
0xfe: {  	s0 =	rddreg [dreg:$0x2]  }
0xff: {  	s0 =	sadd.s32 @!p0 $0x100000, s0  }
0x100: {  	[sflag:s0] =	ssyncadd.tile.s32 @!p0 $0x1;
	_ =	shalt  }
.Lfunc_end2:
_tile_overlayer_lowered:
.L_overlay_start_2:
0x101: {  	(tag) =	ssettag $0x2  }
0x102: {  	s0 =	rddreg [dreg:$0x0];
	s2 =	stileid.u32  }
0x103: {  	s1 =	rddreg [dreg:$0x1];
	p0 =	sne.s32 s2, $0x0  }
0x104: {  	s3 =	rddreg [dreg:$0x2];
	[bflag:$0x3] =	sbarrier.arrive $0xFFFF;
	s2 =	simm.s32 @!p0 $0x1C09  }
0x105: {  	[timem:s3], [sflag:s2] =	dma.local @!p0 [hbm:s0], s1  }
0x106: {  	s0 =	simm.s32 @!p0 $0x9  }
0x107: {  	_ =	swait.ge @!p0 [sflag:s0], s1  }
0x108: {  	s1 =	ssub.s32 @!p0 $0x0, s1;
	[sflag:s0] =	ssyncset.done @!p0 $0x0  }
0x109: {  	[sflag:s0] =	ssyncadd.s32 @!p0 s1  }
0x10a: {  	[bflag:$0x3] =	sbarrier.arrive $0xFFFF  }
0x10b: {  	_ =	shalt  }

// kernel: kernel.19.cloned.1.call-start
scs
__scs_entry_jumppad:
0x0: {  	(pc) =	sbr.rel $0x88, $3  }
0x1: {  	(tag) =	ssettag $0x0;
	lr =	simm.s32 $0x1  }
0x2: {  	[smem:$0x3F97] =	sst lr;
	_ =	strace $0xD0000000  }
0x3: {  	_ = 	snop  }
0x4: {  	_ = 	snop  }
0x5: {  	_ = 	snop  }
0x6: {  	_ = 	snop  }
0x7: {  	_ = 	snop  }
__scs_overlays_trampoline_lowered:
0x8: {  	[smem:$0x3FA6] =	sst s0  }
0x9: {  	[smem:$0x3FA7] =	sst s1  }
0xa: {  	[smem:$0x3FA8] =	sst s2  }
0xb: {  	[smem:$0x3FA9] =	sst s3  }
0xc: {  	[smem:$0x3FAA] =	sst s4  }
0xd: {  	[smem:$0x3FAB] =	sst s5  }
0xe: {  	[smem:$0x3FAC] =	sst s6  }
0xf: {  	[smem:$0x3FAD] =	sst s7  }
0x10: {  	[smem:$0x3FAE] =	sst s8  }
0x11: {  	[smem:$0x3FAF] =	sst s9;
	s0 =	simm.s32 @!p0 $0x0  }
0x12: {  	s1 =	sld [smem:$0x3F95];
	s0 =	simm.s32 @p0 $0x1  }
0x13: {  	[smem:$0x3FB0] =	sst s0;
	s0 =	simm.s32 @!p1 $0x0  }
0x14: {  	s2 =	sld [smem:$0x3F94];
	s0 =	simm.s32 @p1 $0x1  }
0x15: {  	[smem:$0x3FB1] =	sst s0;
	s0 =	simm.s32 @!p2 $0x0  }
0x16: {  	s3 =	sld [smem:$0x3FDB];
	s0 =	simm.s32 @p2 $0x1  }
0x17: {  	s4 =	simm.s32 $0x1BF5;
	[smem:$0x3FB3] =	sst s0  }
0x18: {  	s0 =	sld [smem:$0x3F96];
	_ =	swait.ge [sflag:s4], $0x0  }
0x19: {  	s7 =	sld [smem:$0x3F97]  }
0x1a: {  	s8 =	sadd.s32 $0xFFFFE003, lr  }
0x1b: {  	s9 =	sadd.s32 $0xFFFFFEF7, lr;
	s5 =	simm.s32 $0xFFFFFFFF;
	p2 =	slt.u32 s8, $0xFFFFF086  }
0x1c: {  	p1 =	slt.u32 s9, $0xF7A;
	s5 =	simm.s32 @!p2 $0x0  }
0x1d: {  	s5 =	simm.s32 @p1 $0x1;
	p0 =	seq.s32 s7, s2  }
0x1e: {  	s7 =	smul.u32 @!p0 $0xF7A, s2;
	p2 =	seq.s32 @!p0 s5, $0x0  }
0x1f: {  	s9 =	smul.u32 $0xF7A, s1;
	s8 =	simm.s32 @!p0 $0x1BF5;
	p2 =	por !p2, p0  }
0x20: {  	[sflag:s8] =	ssyncset.s32 @!p0 $0xFFFFF086;
	s6 =	sadd.s32 @!p0 s3, s7;
	s7 =	simm.s32 @!p0 $0x108  }
0x21: {  	s3 =	sadd.s32 s3, s9;
	s6 =	sadd.s32 @!p0 $0x88, s6;
	s7 =	simm.s32 @p2 $0x1082  }
0x22: {  	[simem:s7], [sflag:s8] =	dma.local @!p0 [hbm:s6], $0xF7A  }
0x23: {  	s9 =	sor.u32 $0xD0000000, s2;
	s6 =	simm.s32 $0x108;
	_ =	swait.ge @!p0 [sflag:s8], $0x0  }
0x24: {  	s3 =	sadd.s32 $0x88, s3;
	s6 =	simm.s32 @!p1 $0x1082;
	[sflag:s4] =	ssyncset.s32 $0xFFFFF086  }
0x25: {  	[simem:s6], [sflag:s4] =	dma.local [hbm:s3], $0xF7A  }
0x26: {  	[smem:$0x3F97] =	sst s1;
	(tag) =	ssettag s2;
	_ =	strace s9  }
0x27: {  	s1 =	sld [smem:$0x3FA7]  }
0x28: {  	s2 =	sld [smem:$0x3FA8]  }
0x29: {  	s4 =	sld [smem:$0x3FAA]  }
0x2a: {  	p0 =	seq.s32 s5, $0x0;
	s5 =	sld [smem:$0x3FAB]  }
0x2b: {  	s6 =	sld [smem:$0x3FAC]  }
0x2c: {  	s7 =	sld [smem:$0x3FAD]  }
0x2d: {  	s3 =	simm.s32 $0x108;
	s8 =	sld [smem:$0x3FAE]  }
0x2e: {  	s3 =	simm.s32 @!p0 $0x1082;
	s9 =	sld [smem:$0x3FAF]  }
0x2f: {  	lr =	sadd.s32 s0, s3;
	s0 =	sld [smem:$0x3FA6]  }
0x30: {  	s3 =	sld [smem:$0x3FA9]  }
0x31: {  	[smem:$0x3FB2] =	sst s10  }
0x32: {  	s10 =	sld [smem:$0x3FB0];
	_ =	sdelay $0x3  }
0x33: {  	p0 =	seq.s32 s10, $0x1;
	s10 =	sld [smem:$0x3FB2];
	_ =	sdelay $0x3  }
0x34: {  	[smem:$0x3FB2] =	sst s10  }
0x35: {  	s10 =	sld [smem:$0x3FB1];
	_ =	sdelay $0x3  }
0x36: {  	p1 =	seq.s32 s10, $0x1;
	s10 =	sld [smem:$0x3FB2];
	_ =	sdelay $0x3  }
0x37: {  	[smem:$0x3FB2] =	sst s10  }
0x38: {  	s10 =	sld [smem:$0x3FB3]  }
0x39: {  	_ = 	snop;
	(pc) =	sbr.ind lr, $3  }
0x3a: {  	_ = 	snop  }
0x3b: {  	_ = 	snop  }
0x3c: {  	p2 =	seq.s32 s10, $0x1;
	s10 =	sld [smem:$0x3FB2]  }
0x3d: {  	_ =	shalt  }
0x3e: {  	_ =	shalt  }
0x3f: {  	_ =	shalt  }
0x40: {  	_ =	shalt  }
0x41: {  	_ =	shalt  }
0x42: {  	_ =	shalt  }
0x43: {  	_ =	shalt  }
0x44: {  	_ =	shalt  }
0x45: {  	_ =	shalt  }
0x46: {  	_ =	shalt  }
0x47: {  	_ =	shalt  }
0x48: {  	_ =	shalt  }
0x49: {  	_ =	shalt  }
0x4a: {  	_ =	shalt  }
0x4b: {  	_ =	shalt  }
0x4c: {  	_ =	shalt  }
0x4d: {  	_ =	shalt  }
0x4e: {  	_ =	shalt  }
0x4f: {  	_ =	shalt  }
0x50: {  	_ =	shalt  }
0x51: {  	_ =	shalt  }
0x52: {  	_ =	shalt  }
0x53: {  	_ =	shalt  }
0x54: {  	_ =	shalt  }
0x55: {  	_ =	shalt  }
0x56: {  	_ =	shalt  }
0x57: {  	_ =	shalt  }
0x58: {  	_ =	shalt  }
0x59: {  	_ =	shalt  }
0x5a: {  	_ =	shalt  }
0x5b: {  	_ =	shalt  }
0x5c: {  	_ =	shalt  }
0x5d: {  	_ =	shalt  }
0x5e: {  	_ =	shalt  }
0x5f: {  	_ =	shalt  }
0x60: {  	_ =	shalt  }
0x61: {  	_ =	shalt  }
0x62: {  	_ =	shalt  }
0x63: {  	_ =	shalt  }
0x64: {  	_ =	shalt  }
0x65: {  	_ =	shalt  }
0x66: {  	_ =	shalt  }
0x67: {  	_ =	shalt  }
0x68: {  	_ =	shalt  }
0x69: {  	_ =	shalt  }
0x6a: {  	_ =	shalt  }
0x6b: {  	_ =	shalt  }
0x6c: {  	_ =	shalt  }
0x6d: {  	_ =	shalt  }
0x6e: {  	_ =	shalt  }
0x6f: {  	_ =	shalt  }
0x70: {  	_ =	shalt  }
0x71: {  	_ =	shalt  }
0x72: {  	_ =	shalt  }
0x73: {  	_ =	shalt  }
0x74: {  	_ =	shalt  }
0x75: {  	_ =	shalt  }
0x76: {  	_ =	shalt  }
0x77: {  	_ =	shalt  }
0x78: {  	_ =	shalt  }
0x79: {  	_ =	shalt  }
0x7a: {  	_ =	shalt  }
0x7b: {  	_ =	shalt  }
0x7c: {  	_ =	shalt  }
0x7d: {  	_ =	shalt  }
0x7e: {  	_ =	shalt  }
0x7f: {  	_ =	shalt  }
0x80: {  	_ =	shalt  }
0x81: {  	_ =	shalt  }
0x82: {  	_ =	shalt  }
0x83: {  	_ =	shalt  }
0x84: {  	_ =	shalt  }
0x85: {  	_ =	shalt  }
0x86: {  	_ =	shalt  }
0x87: {  	_ =	shalt  }
.Lfunc_end0:
.L_simem_size_0:
called_computation.3_lowered:
.L_overlay_start_0:
0x88: {  	s2 =	sld [smem:$0x3FD9]  }
0x89: {  	s3 =	sld [smem:$0x3FFE];
	_ =	sdelay $0x1  }
0x8a: {  	s1 =	srdreg.scid  }
0x8b: {  	s0 =	sand.u32 $0x1, s1  }
0x8c: {  	s16 =	sshll.u32 s0, $0xA;
	s2 =	sadd.s32 s3, s2  }
0x8d: {  	s2 =	sadd.s32 s2, s16  }
0x8e: {  	[smem:$0x3FBE] =	sst s2  }
0x8f: {  	_ = 	snop  }
0x90: {  	(tm) =	ssettm $0x1  }
0x91: {  	s17 =	sld [smem:$0x3FFB];
	_ =	sdelay $0x3  }
0x92: {  	_ =	strace s17  }
0x93: {  	s2 =	sld [smem:$0x3FFC];
	_ =	sdelay $0x3  }
0x94: {  	_ =	strace s2  }
0x95: {  	s2 =	sld [smem:$0x3FFD];
	_ =	sdelay $0x3  }
0x96: {  	_ =	strace s2  }
0x97: {  	_ =	strace $0x8FFFFFFF  }
0x98: {  	s18 =	sld [smem:$0x3FDB];
	_ =	sdelay $0x1  }
0x99: {  	s19 =	simm.s32 $_scs_section_size  }
0x9a: {  	s4 =	simm.s32 $_size__tile_overlayer_lowered;
	s5 =	simm.s32 $_tile_overlayer_lowered  }
0x9b: {  	s22 =	simm.s32 $0x1BFF;
	s21 =	sshll.u32 s5, $0x1;
	s2 =	sadd.s32 s19, s18  }
0x9c: {  	s6 =	simm.s32 $0x0;
	s20 =	sshll.u32 s4, $0x1;
	s4 =	sadd.s32 s21, s2  }
0x9d: {  	[timem:s6], [sflag:s22] =	dma.local [hbm:s4], s20  }
0x9e: {  	_ =	swait.ge [sflag:s22], s20  }
0x9f: {  	s3 =	ssub.s32 $0x0, s20;
	[sflag:s22] =	ssyncset.done $0x0  }
0xa0: {  	[sflag:s22] =	ssyncadd.s32 s3;
	_ =	sdelay $0x1  }
0xa1: {  	s23 =	simm.s32 $0x1B8B  }
0xa2: {  	_ =	swait.ge [sflag:s23], $0x1  }
0xa3: {  	[sflag:s23] =	ssyncset.done $0x0  }
0xa4: {  	s25 =	simm.s32 $0x1B8E;
	s24 =	sld [smem:$0x3FFE];
	[sflag:s23] =	ssyncadd.s32 $0xFFFFFFFF  }
0xa5: {  	s26 =	simm.s32 $execute0_lowered;
	[smem:$0x3FD2] =	sst s25  }
0xa6: {  	s4 =	sshll.u32 s26, $0x1;
	_ =	strace $0x8000004F;
	[dreg:$0x1] =	wrdreg $0xFFFFFFFF  }
0xa7: {  	s28 =	simm.s32 $_size_execute0_lowered;
	s2 =	sadd.s32 s2, s4;
	[dreg:$0x0] =	wrdreg $0x0  }
0xa8: {  	s4 =	sshll.u32 s28, $0x1;
	[dreg:$0x2] =	wrdreg s2  }
0xa9: {  	[dreg:$0x3] =	wrdreg s4  }
0xaa: {  	[dreg:$0x4] =	wrdreg $0xC0  }
0xab: {  	_ =	task [dreg:s6], $0x5FFFF  }
0xac: {  	[dreg:$0x1] =	wrdreg $0xFFFFFFFF  }
0xad: {  	[dreg:$0x0] =	wrdreg $0x60  }
0xae: {  	[dreg:$0x2] =	wrdreg s24  }
0xaf: {  	[dreg:$0x3] =	wrdreg $0x14A000  }
0xb0: {  	[dreg:$0x4] =	wrdreg $0x9  }
0xb1: {  	_ =	task.clear_ibuf [dreg:s6], $0x5FFFF;
	_ =	strace $0x9000004F  }
0xb2: {  	s29 =	simm.s32 $0x9;
	_ =	strace $0x80000051  }
0xb3: {  	_ =	swait.ge [sflag:s29], $0x1  }
0xb4: {  	[sflag:s29] =	ssyncadd.s32 $0xFFFFFFFF  }
0xb5: {  	_ =	strace $0x90000051  }
0xb6: {  	_ =	sfence  }
0xb7: {  	s30 =	sld [smem:$0x0];
	_ =	sdelay $0x2  }
0xb8: {  	s31 =	sshll.u32 s1, $0xD;
	s1 =	sshrl.u32 s1, $0x2  }
0xb9: {  	s3 =	sand.u32 $0x4000, s31;
	s1 =	sadd.s32 s1, s30  }
0xba: {  	s0 =	sor.u32 s3, s0;
	s1 =	sshll.u32 s1, $0x11  }
0xbb: {  	s0 =	sor.u32 s1, s0  }
0xbc: {  	s0 =	sadd.s32 $0x8F2B, s0  }
0xbd: {  	[sflag:s0] =	ssyncadd.remote.s32 $0x1  }
0xbe: {  	_ =	sfence.sel $0xFFFF  }
0xbf: {  	[dreg:$0x0] =	wrdreg $0xFFFFFFFF;
	(pc) =	sbr.abs _section_cstart, $3  }
0xc0: {  	[dreg:$0x1] =	wrdreg $0xFFFFFFFF  }
0xc1: {  	_ =	task.clear_ibuf [dreg:s6], $0x2FFFF;
	_ =	strace $0x9FFFFFFF  }
0xc2: {  	(tm) =	ssettm $0x7FFFFFFF  }
0xc3: {  	_ =	shalt  }
tec
execute0_lowered:
.L_overlay_start_1:
0x0: {  	(tag) =	ssettag $0x1  }
0x1: {  	s0 =	rddreg [dreg:$0x0];
	s2 =	srdreg.scid  }
0x2: {  	s4 =	stileid.u32;
	s1 =	rddreg [dreg:$0x1]  }
0x3: {  	s16 =	simm.s32 $0x7D;
	s17 =	simm.s32 $0x5000;
	s19 =	simm.s32 $0x6F40  }
0x4: {  	s28 =	simm.s32 $0xEC40;
	s30 =	simm.s32 $0x10B80;
	s15 =	simm.s32 $0x1  }
0x5: {  	s18 =	simm.s32 $0x2;
	s20 =	simm.s32 $0x3;
	s29 =	simm.s32 $0x7  }
0x6: {  	s31 =	simm.s32 $0x8;
	s5 =	sand.u32 $0x1, s2;
	s3 =	sshll.u32 s4, $0x1  }
0x7: {  	s2 =	simm.s32 $0x0;
	s8 =	smul.u32 $0x9C00, s4;
	s10 =	sadd.s32 $0x2AA00, s0  }
0x8: {  	s11 =	sshll.u32 s4, $0x6;
	s14 =	sadd.s32 $0x9C000, s1;
	p0 =	sne.s32 s4, $0x0  }
0x9: {  	s4 =	simm.s32 $0x0;
	s3 =	sor.u32 s5, s3;
	[smem:$0x7FF] =	sst s2  }
0xa: {  	s7 =	ssub.s32 $0x2, s5;
	s13 =	smul.u32 $0x9C400, s5;
	s5 =	sor.u32 $0x1C09, s11  }
0xb: {  	s14 =	sshrl.u32 @!p0 s14, $0x3;
	s6 =	smul.u32 $0x500, s3;
	_ =	strace $0x80000050  }
0xc: {  	s3 =	sadd.s32 $0x17000, s0;
	s9 =	sshrl.u32 s7, $0x1;
	s21 =	sshrl.u32 s8, $0x3  }
0xd: {  	s12 =	sadd.s32 s8, s1;
	s7 =	ssub.s32 s7, s9;
	s22 =	sadd.s32 s3, s21  }
0xe: {  	s23 =	sadd.s32 s8, s13;
	s24 =	sshrl.u32 s13, $0x3;
	s12 =	sshrl.u32 s12, $0x3  }
0xf: {  	s13 =	simm.s32 $0x9;
	s21 =	simm.s32 $0x8E80;
	s6 =	sadd.s32 s6, s0  }
0x10: {  	[dreg:$0x3] =	wrdreg s22;
	s0 =	sadd.s32 $0x2A800, s0;
	s26 =	sadd.s32 s10, s24  }
0x11: {  	s11 =	smax.u32 s7, $0x1;
	s22 =	simm.s32 $0x4;
	s24 =	simm.s32 $0x5  }
0x12: {  	[dreg:$0x4] =	wrdreg s0;
	s25 =	sadd.s32 $0xD000, s6;
	s0 =	sshrl.u32 s23, $0x3  }
0x13: {  	s6 =	sadd.s32 $0x2000, s6;
	s23 =	simm.s32 $0xADC0;
	[dreg:$0x5] =	wrdreg s25  }
0x14: {  	[dreg:$0x6] =	wrdreg s6;
	s9 =	sadd.s32 s10, s0;
	s10 =	sadd.s32 $0x13800, s26  }
0x15: {  	s25 =	simm.s32 $0xCD00;
	s0 =	simm.s32 $0x12AC0;
	s26 =	simm.s32 $0x6  }
.LBB2_1:
0x16: {  	s6 =	rddreg [dreg:$0x3]  }
0x17: {  	[spmem:s12], [sflag:s5] =	dma.local [hbm:s6], $0x1380  }
0x18: {  	_ =	swait.ge [sflag:s13], $0x1380  }
0x19: {  	[sflag:s13] =	ssyncset.done $0x0  }
0x1a: {  	s6 =	rddreg [dreg:$0x4];
	[sflag:s13] =	ssyncadd.s32 $0xFFFFEC80  }
0x1b: {  	[spmem:s14], [sflag:s5] =	dma.local @!p0 [hbm:s6], $0x80  }
0x1c: {  	s6 =	simm.s32 @!p0 $0x9  }
0x1d: {  	_ =	swait.ge @!p0 [sflag:s6], $0x80  }
0x1e: {  	[sflag:s6] =	ssyncset.done @!p0 $0x0  }
0x1f: {  	s7 =	rddreg [dreg:$0x5];
	[sflag:s6] =	ssyncadd.s32 @!p0 $0xFFFFFF80  }
0x20: {  	[tilespmem:s2], [sflag:$0x9] =	stream.linear.gather [hbm4b:s7+s2], $0x2800, $0x38;
	[tilespmem:$0x1E640] =	vst v63  }
0x21: {  	_ =	swait.ge [sflag:s13], $0x2800  }
0x22: {  	[sflag:s13] =	ssyncset.done $0x0  }
0x23: {  	s7 =	simm.s32 $0x2800;
	s8 =	rddreg [dreg:$0x6];
	[sflag:s13] =	ssyncadd.s32 $0xFFFFD800  }
0x24: {  	[tilespmem:s7], [sflag:$0x9] =	stream.linear.gather [hbm4b:s8+s2], $0x2800, $0x38;
	[tilespmem:$0x1E640] =	vst v63  }
0x25: {  	_ =	swait.ge [sflag:s13], $0x2800  }
0x26: {  	[sflag:s13] =	ssyncset.done $0x0  }
0x27: {  	[sflag:s13] =	ssyncadd.s32 $0xFFFFD800  }
0x28: {  	[bflag:$0x0] =	sbarrier.arrive $0xFFFF  }
0x29: {  	[tilespmem:s17], [sflag:$0x1] =	stream.indirect.gather [hbm4b:s3+s16], $0x40, s2, s16, $0xb8;
	[tilespmem:$0x1E640] =	vst v63  }
0x2a: {  	s7 =	simm.s32 $0x80  }
0x2b: {  	[tilespmem:s19], [sflag:$0x2] =	stream.indirect.gather [hbm4b:s3+s16], $0x40, s7, s16, $0xb8;
	[tilespmem:$0x1E640] =	vst v63  }
0x2c: {  	s8 =	simm.s32 $0x100  }
0x2d: {  	[tilespmem:s21], [sflag:$0x3] =	stream.indirect.gather [hbm4b:s3+s16], $0x40, s8, s16, $0xb8;
	[tilespmem:$0x1E640] =	vst v63  }
0x2e: {  	s7 =	simm.s32 $0x180  }
0x2f: {  	[tilespmem:s23], [sflag:$0x4] =	stream.indirect.gather [hbm4b:s3+s16], $0x40, s7, s16, $0xb8;
	[tilespmem:$0x1E640] =	vst v63  }
0x30: {  	s8 =	simm.s32 $0x200  }
0x31: {  	[tilespmem:s25], [sflag:$0x5] =	stream.indirect.gather [hbm4b:s3+s16], $0x40, s8, s16, $0xb8;
	[tilespmem:$0x1E640] =	vst v63  }
0x32: {  	s7 =	simm.s32 $0x280  }
0x33: {  	[tilespmem:s28], [sflag:$0x6] =	stream.indirect.gather [hbm4b:s3+s16], $0x40, s7, s16, $0xb8;
	[tilespmem:$0x1E640] =	vst v63  }
0x34: {  	s8 =	simm.s32 $0x300  }
0x35: {  	[tilespmem:s30], [sflag:$0x7] =	stream.indirect.gather [hbm4b:s3+s16], $0x40, s8, s16, $0xb8;
	[tilespmem:$0x1E640] =	vst v63  }
0x36: {  	s7 =	simm.s32 $0x380  }
0x37: {  	[tilespmem:s0], [sflag:$0x8] =	stream.indirect.gather [hbm4b:s3+s16], $0x40, s7, s16, $0xb8;
	[tilespmem:$0x1E640] =	vst v63  }
0x38: {  	_ =	swait.ge [sflag:s15], $0x1F40  }
0x39: {  	[sflag:s15] =	ssyncset.done $0x0  }
0x3a: {  	s8 =	simm.s32 $0x2800;
	[sflag:s15] =	ssyncadd.s32 $0xFFFFE0C0  }
0x3b: {  	[spmem:s1] =	stream.indirect.scatter.add.f32 [tilespmem:s17], [sflag:$0x9], $0x40, s8, s16, $0xb8;
	[tilespmem:$0x1E640] =	vst v63  }
0x3c: {  	_ =	swait.ge [sflag:s13], $0x1F40  }
0x3d: {  	[sflag:s13] =	ssyncset.done $0x0  }
0x3e: {  	s7 =	simm.s32 $0x400;
	[sflag:s13] =	ssyncadd.s32 $0xFFFFE0C0  }
0x3f: {  	[tilespmem:s17], [sflag:$0x1] =	stream.indirect.gather [hbm4b:s3+s16], $0x40, s7, s16, $0xb8;
	[tilespmem:$0x1E640] =	vst v63  }
0x40: {  	_ =	swait.ge [sflag:s18], $0x1F40  }
0x41: {  	[sflag:s18] =	ssyncset.done $0x0  }
0x42: {  	s8 =	simm.s32 $0x2880;
	[sflag:s18] =	ssyncadd.s32 $0xFFFFE0C0  }
0x43: {  	[spmem:s1] =	stream.indirect.scatter.add.f32 [tilespmem:s19], [sflag:$0x9], $0x40, s8, s16, $0xb8;
	[tilespmem:$0x1E640] =	vst v63  }
0x44: {  	_ =	swait.ge [sflag:s13], $0x1F40  }
0x45: {  	[sflag:s13] =	ssyncset.done $0x0  }
0x46: {  	s7 =	simm.s32 $0x480;
	[sflag:s13] =	ssyncadd.s32 $0xFFFFE0C0  }
0x47: {  	[tilespmem:s19], [sflag:$0x2] =	stream.indirect.gather [hbm4b:s3+s16], $0x40, s7, s16, $0xb8;
	[tilespmem:$0x1E640] =	vst v63  }
0x48: {  	_ =	swait.ge [sflag:s20], $0x1F40  }
0x49: {  	[sflag:s20] =	ssyncset.done $0x0  }
0x4a: {  	s8 =	simm.s32 $0x2900;
	[sflag:s20] =	ssyncadd.s32 $0xFFFFE0C0  }
0x4b: {  	[spmem:s1] =	stream.indirect.scatter.add.f32 [tilespmem:s21], [sflag:$0x9], $0x40, s8, s16, $0xb8;
	[tilespmem:$0x1E640] =	vst v63  }
0x4c: {  	_ =	swait.ge [sflag:s13], $0x1F40  }
0x4d: {  	[sflag:s13] =	ssyncset.done $0x0  }
0x4e: {  	s7 =	simm.s32 $0x500;
	[sflag:s13] =	ssyncadd.s32 $0xFFFFE0C0  }
0x4f: {  	[tilespmem:s21], [sflag:$0x3] =	stream.indirect.gather [hbm4b:s3+s16], $0x40, s7, s16, $0xb8;
	[tilespmem:$0x1E640] =	vst v63  }
0x50: {  	_ =	swait.ge [sflag:s22], $0x1F40  }
0x51: {  	[sflag:s22] =	ssyncset.done $0x0  }
0x52: {  	s8 =	simm.s32 $0x2980;
	[sflag:s22] =	ssyncadd.s32 $0xFFFFE0C0  }
0x53: {  	[spmem:s1] =	stream.indirect.scatter.add.f32 [tilespmem:s23], [sflag:$0x9], $0x40, s8, s16, $0xb8;
	[tilespmem:$0x1E640] =	vst v63  }
0x54: {  	_ =	swait.ge [sflag:s13], $0x1F40  }
0x55: {  	[sflag:s13] =	ssyncset.done $0x0  }
0x56: {  	s7 =	simm.s32 $0x580;
	[sflag:s13] =	ssyncadd.s32 $0xFFFFE0C0  }
0x57: {  	[tilespmem:s23], [sflag:$0x4] =	stream.indirect.gather [hbm4b:s3+s16], $0x40, s7, s16, $0xb8;
	[tilespmem:$0x1E640] =	vst v63  }
0x58: {  	_ =	swait.ge [sflag:s24], $0x1F40  }
0x59: {  	[sflag:s24] =	ssyncset.done $0x0  }
0x5a: {  	s8 =	simm.s32 $0x2A00;
	[sflag:s24] =	ssyncadd.s32 $0xFFFFE0C0  }
0x5b: {  	[spmem:s1] =	stream.indirect.scatter.add.f32 [tilespmem:s25], [sflag:$0x9], $0x40, s8, s16, $0xb8;
	[tilespmem:$0x1E640] =	vst v63  }
0x5c: {  	_ =	swait.ge [sflag:s13], $0x1F40  }
0x5d: {  	[sflag:s13] =	ssyncset.done $0x0  }
0x5e: {  	s7 =	simm.s32 $0x600;
	[sflag:s13] =	ssyncadd.s32 $0xFFFFE0C0  }
0x5f: {  	[tilespmem:s25], [sflag:$0x5] =	stream.indirect.gather [hbm4b:s3+s16], $0x40, s7, s16, $0xb8;
	[tilespmem:$0x1E640] =	vst v63  }
0x60: {  	_ =	swait.ge [sflag:s26], $0x1F40  }
0x61: {  	[sflag:s26] =	ssyncset.done $0x0  }
0x62: {  	s8 =	simm.s32 $0x2A80;
	[sflag:s26] =	ssyncadd.s32 $0xFFFFE0C0  }
0x63: {  	[spmem:s1] =	stream.indirect.scatter.add.f32 [tilespmem:s28], [sflag:$0x9], $0x40, s8, s16, $0xb8;
	[tilespmem:$0x1E640] =	vst v63  }
0x64: {  	_ =	swait.ge [sflag:s13], $0x1F40  }
0x65: {  	[sflag:s13] =	ssyncset.done $0x0  }
0x66: {  	s7 =	simm.s32 $0x680;
	[sflag:s13] =	ssyncadd.s32 $0xFFFFE0C0  }
0x67: {  	[tilespmem:s28], [sflag:$0x6] =	stream.indirect.gather [hbm4b:s3+s16], $0x40, s7, s16, $0xb8;
	[tilespmem:$0x1E640] =	vst v63  }
0x68: {  	_ =	swait.ge [sflag:s29], $0x1F40  }
0x69: {  	[sflag:s29] =	ssyncset.done $0x0  }
0x6a: {  	s8 =	simm.s32 $0x2B00;
	[sflag:s29] =	ssyncadd.s32 $0xFFFFE0C0  }
0x6b: {  	[spmem:s1] =	stream.indirect.scatter.add.f32 [tilespmem:s30], [sflag:$0x9], $0x40, s8, s16, $0xb8;
	[tilespmem:$0x1E640] =	vst v63  }
0x6c: {  	_ =	swait.ge [sflag:s13], $0x1F40  }
0x6d: {  	[sflag:s13] =	ssyncset.done $0x0  }
0x6e: {  	s7 =	simm.s32 $0x700;
	[sflag:s13] =	ssyncadd.s32 $0xFFFFE0C0  }
0x6f: {  	[tilespmem:s30], [sflag:$0x7] =	stream.indirect.gather [hbm4b:s3+s16], $0x40, s7, s16, $0xb8;
	[tilespmem:$0x1E640] =	vst v63  }
0x70: {  	_ =	swait.ge [sflag:s31], $0x1F40  }
0x71: {  	[sflag:s31] =	ssyncset.done $0x0  }
0x72: {  	s8 =	simm.s32 $0x2B80;
	[sflag:s31] =	ssyncadd.s32 $0xFFFFE0C0  }
0x73: {  	[spmem:s1] =	stream.indirect.scatter.add.f32 [tilespmem:s0], [sflag:$0x9], $0x40, s8, s16, $0xb8;
	[tilespmem:$0x1E640] =	vst v63  }
0x74: {  	_ =	swait.ge [sflag:s13], $0x1F40  }
0x75: {  	[sflag:s13] =	ssyncset.done $0x0  }
0x76: {  	s6 =	simm.s32 $0x1000;
	s7 =	simm.s32 $0x780;
	[sflag:s13] =	ssyncadd.s32 $0xFFFFE0C0  }
.LBB2_2:
0x77: {  	[tilespmem:s0], [sflag:$0x8] =	stream.indirect.gather [hbm4b:s3+s16], $0x40, s7, s16, $0xb8;
	[tilespmem:$0x1E640] =	vst v63  }
0x78: {  	s7 =	smov.u32 s6  }
0x79: {  	p1 =	sne.s32 s6, $0x8000;
	s6 =	sadd.s32 $0x1000, s6;
	_ =	swait.ge [sflag:s15], $0x1F40  }
0x7a: {  	s7 =	sshra.s32 s7, $0x2;
	[sflag:s15] =	ssyncset.done $0x0  }
0x7b: {  	s8 =	sadd.s32 $0x2800, s7;
	[sflag:s15] =	ssyncadd.s32 $0xFFFFE0C0  }
0x7c: {  	[spmem:s1] =	stream.indirect.scatter.add.f32 [tilespmem:s17], [sflag:$0x9], $0x40, s8, s16, $0xb8;
	[tilespmem:$0x1E640] =	vst v63  }
0x7d: {  	_ =	swait.ge [sflag:s13], $0x1F40  }
0x7e: {  	[sflag:s13] =	ssyncset.done $0x0  }
0x7f: {  	s8 =	sadd.s32 $0x400, s7;
	[sflag:s13] =	ssyncadd.s32 $0xFFFFE0C0  }
0x80: {  	[tilespmem:s17], [sflag:$0x1] =	stream.indirect.gather [hbm4b:s3+s16], $0x40, s8, s16, $0xb8;
	[tilespmem:$0x1E640] =	vst v63  }
0x81: {  	_ =	swait.ge [sflag:s18], $0x1F40  }
0x82: {  	[sflag:s18] =	ssyncset.done $0x0  }
0x83: {  	s8 =	sadd.s32 $0x2880, s7;
	[sflag:s18] =	ssyncadd.s32 $0xFFFFE0C0  }
0x84: {  	[spmem:s1] =	stream.indirect.scatter.add.f32 [tilespmem:s19], [sflag:$0x9], $0x40, s8, s16, $0xb8;
	[tilespmem:$0x1E640] =	vst v63  }
0x85: {  	_ =	swait.ge [sflag:s13], $0x1F40  }
0x86: {  	[sflag:s13] =	ssyncset.done $0x0  }
0x87: {  	s8 =	sadd.s32 $0x480, s7;
	[sflag:s13] =	ssyncadd.s32 $0xFFFFE0C0  }
0x88: {  	[tilespmem:s19], [sflag:$0x2] =	stream.indirect.gather [hbm4b:s3+s16], $0x40, s8, s16, $0xb8;
	[tilespmem:$0x1E640] =	vst v63  }
0x89: {  	_ =	swait.ge [sflag:s20], $0x1F40  }
0x8a: {  	[sflag:s20] =	ssyncset.done $0x0  }
0x8b: {  	s8 =	sadd.s32 $0x2900, s7;
	[sflag:s20] =	ssyncadd.s32 $0xFFFFE0C0  }
0x8c: {  	[spmem:s1] =	stream.indirect.scatter.add.f32 [tilespmem:s21], [sflag:$0x9], $0x40, s8, s16, $0xb8;
	[tilespmem:$0x1E640] =	vst v63  }
0x8d: {  	_ =	swait.ge [sflag:s13], $0x1F40  }
0x8e: {  	[sflag:s13] =	ssyncset.done $0x0  }
0x8f: {  	s8 =	sadd.s32 $0x500, s7;
	[sflag:s13] =	ssyncadd.s32 $0xFFFFE0C0  }
0x90: {  	[tilespmem:s21], [sflag:$0x3] =	stream.indirect.gather [hbm4b:s3+s16], $0x40, s8, s16, $0xb8;
	[tilespmem:$0x1E640] =	vst v63  }
0x91: {  	_ =	swait.ge [sflag:s22], $0x1F40  }
0x92: {  	[sflag:s22] =	ssyncset.done $0x0  }
0x93: {  	s8 =	sadd.s32 $0x2980, s7;
	[sflag:s22] =	ssyncadd.s32 $0xFFFFE0C0  }
0x94: {  	[spmem:s1] =	stream.indirect.scatter.add.f32 [tilespmem:s23], [sflag:$0x9], $0x40, s8, s16, $0xb8;
	[tilespmem:$0x1E640] =	vst v63  }
0x95: {  	_ =	swait.ge [sflag:s13], $0x1F40  }
0x96: {  	[sflag:s13] =	ssyncset.done $0x0  }
0x97: {  	s8 =	sadd.s32 $0x580, s7;
	[sflag:s13] =	ssyncadd.s32 $0xFFFFE0C0  }
0x98: {  	[tilespmem:s23], [sflag:$0x4] =	stream.indirect.gather [hbm4b:s3+s16], $0x40, s8, s16, $0xb8;
	[tilespmem:$0x1E640] =	vst v63  }
0x99: {  	_ =	swait.ge [sflag:s24], $0x1F40  }
0x9a: {  	[sflag:s24] =	ssyncset.done $0x0  }
0x9b: {  	s8 =	sadd.s32 $0x2A00, s7;
	[sflag:s24] =	ssyncadd.s32 $0xFFFFE0C0  }
0x9c: {  	[spmem:s1] =	stream.indirect.scatter.add.f32 [tilespmem:s25], [sflag:$0x9], $0x40, s8, s16, $0xb8;
	[tilespmem:$0x1E640] =	vst v63  }
0x9d: {  	_ =	swait.ge [sflag:s13], $0x1F40  }
0x9e: {  	[sflag:s13] =	ssyncset.done $0x0  }
0x9f: {  	s8 =	sadd.s32 $0x600, s7;
	[sflag:s13] =	ssyncadd.s32 $0xFFFFE0C0  }
0xa0: {  	[tilespmem:s25], [sflag:$0x5] =	stream.indirect.gather [hbm4b:s3+s16], $0x40, s8, s16, $0xb8;
	[tilespmem:$0x1E640] =	vst v63  }
0xa1: {  	_ =	swait.ge [sflag:s26], $0x1F40  }
0xa2: {  	[sflag:s26] =	ssyncset.done $0x0  }
0xa3: {  	s8 =	sadd.s32 $0x2A80, s7;
	[sflag:s26] =	ssyncadd.s32 $0xFFFFE0C0  }
0xa4: {  	[spmem:s1] =	stream.indirect.scatter.add.f32 [tilespmem:s28], [sflag:$0x9], $0x40, s8, s16, $0xb8;
	[tilespmem:$0x1E640] =	vst v63  }
0xa5: {  	_ =	swait.ge [sflag:s13], $0x1F40  }
0xa6: {  	[sflag:s13] =	ssyncset.done $0x0  }
0xa7: {  	s8 =	sadd.s32 $0x680, s7;
	[sflag:s13] =	ssyncadd.s32 $0xFFFFE0C0  }
0xa8: {  	[tilespmem:s28], [sflag:$0x6] =	stream.indirect.gather [hbm4b:s3+s16], $0x40, s8, s16, $0xb8;
	[tilespmem:$0x1E640] =	vst v63  }
0xa9: {  	_ =	swait.ge [sflag:s29], $0x1F40  }
0xaa: {  	[sflag:s29] =	ssyncset.done $0x0  }
0xab: {  	s8 =	sadd.s32 $0x2B00, s7;
	[sflag:s29] =	ssyncadd.s32 $0xFFFFE0C0  }
0xac: {  	[spmem:s1] =	stream.indirect.scatter.add.f32 [tilespmem:s30], [sflag:$0x9], $0x40, s8, s16, $0xb8;
	[tilespmem:$0x1E640] =	vst v63  }
0xad: {  	_ =	swait.ge [sflag:s13], $0x1F40  }
0xae: {  	[sflag:s13] =	ssyncset.done $0x0  }
0xaf: {  	s8 =	sadd.s32 $0x700, s7;
	[sflag:s13] =	ssyncadd.s32 $0xFFFFE0C0  }
0xb0: {  	[tilespmem:s30], [sflag:$0x7] =	stream.indirect.gather [hbm4b:s3+s16], $0x40, s8, s16, $0xb8;
	[tilespmem:$0x1E640] =	vst v63  }
0xb1: {  	_ =	swait.ge [sflag:s31], $0x1F40  }
0xb2: {  	[sflag:s31] =	ssyncset.done $0x0  }
.Ltmp0:
0xb3: {  	s8 =	sadd.s32 $0x2B80, s7;
	[sflag:s31] =	ssyncadd.s32 $0xFFFFE0C0;
	(pc) =	sbr.rel @p1 .LBB2_2-.Ltmp0, $4  }
0xb4: {  	[spmem:s1] =	stream.indirect.scatter.add.f32 [tilespmem:s0], [sflag:$0x9], $0x40, s8, s16, $0xb8;
	[tilespmem:$0x1E640] =	vst v63  }
0xb5: {  	_ =	swait.ge [sflag:s13], $0x1F40  }
0xb6: {  	[sflag:s13] =	ssyncset.done $0x0  }
0xb7: {  	s7 =	sadd.s32 $0x780, s7;
	[sflag:s13] =	ssyncadd.s32 $0xFFFFE0C0  }
0xb8: {  	[tilespmem:s0], [sflag:$0x8] =	stream.indirect.gather [hbm4b:s3+s16], $0x40, s7, s16, $0xb8;
	[tilespmem:$0x1E640] =	vst v63  }
0xb9: {  	_ =	swait.ge [sflag:s15], $0x1F40  }
0xba: {  	[sflag:s15] =	ssyncset.done $0x0  }
0xbb: {  	s6 =	simm.s32 $0x4C00;
	[sflag:s15] =	ssyncadd.s32 $0xFFFFE0C0  }
0xbc: {  	[spmem:s1] =	stream.indirect.scatter.add.f32 [tilespmem:s17], [sflag:$0x9], $0x40, s6, s16, $0xb8;
	[tilespmem:$0x1E640] =	vst v63  }
0xbd: {  	_ =	swait.ge [sflag:s13], $0x1F40  }
0xbe: {  	[sflag:s13] =	ssyncset.done $0x0  }
0xbf: {  	[sflag:s13] =	ssyncadd.s32 $0xFFFFE0C0  }
0xc0: {  	_ =	swait.ge [sflag:s18], $0x1F40  }
0xc1: {  	[sflag:s18] =	ssyncset.done $0x0  }
0xc2: {  	s8 =	simm.s32 $0x4C80;
	[sflag:s18] =	ssyncadd.s32 $0xFFFFE0C0  }
0xc3: {  	[spmem:s1] =	stream.indirect.scatter.add.f32 [tilespmem:s19], [sflag:$0x9], $0x40, s8, s16, $0xb8;
	[tilespmem:$0x1E640] =	vst v63  }
0xc4: {  	_ =	swait.ge [sflag:s13], $0x1F40  }
0xc5: {  	[sflag:s13] =	ssyncset.done $0x0  }
0xc6: {  	[sflag:s13] =	ssyncadd.s32 $0xFFFFE0C0  }
0xc7: {  	_ =	swait.ge [sflag:s20], $0x1F40  }
0xc8: {  	[sflag:s20] =	ssyncset.done $0x0  }
0xc9: {  	s7 =	simm.s32 $0x4D00;
	[sflag:s20] =	ssyncadd.s32 $0xFFFFE0C0  }
0xca: {  	[spmem:s1] =	stream.indirect.scatter.add.f32 [tilespmem:s21], [sflag:$0x9], $0x40, s7, s16, $0xb8;
	[tilespmem:$0x1E640] =	vst v63  }
0xcb: {  	_ =	swait.ge [sflag:s13], $0x1F40  }
0xcc: {  	[sflag:s13] =	ssyncset.done $0x0  }
0xcd: {  	[sflag:s13] =	ssyncadd.s32 $0xFFFFE0C0  }
0xce: {  	_ =	swait.ge [sflag:s22], $0x1F40  }
0xcf: {  	[sflag:s22] =	ssyncset.done $0x0  }
0xd0: {  	s8 =	simm.s32 $0x4D80;
	[sflag:s22] =	ssyncadd.s32 $0xFFFFE0C0  }
0xd1: {  	[spmem:s1] =	stream.indirect.scatter.add.f32 [tilespmem:s23], [sflag:$0x9], $0x40, s8, s16, $0xb8;
	[tilespmem:$0x1E640] =	vst v63  }
0xd2: {  	_ =	swait.ge [sflag:s13], $0x1F40  }
0xd3: {  	[sflag:s13] =	ssyncset.done $0x0  }
0xd4: {  	[sflag:s13] =	ssyncadd.s32 $0xFFFFE0C0  }
0xd5: {  	_ =	swait.ge [sflag:s24], $0x1F40  }
0xd6: {  	[sflag:s24] =	ssyncset.done $0x0  }
0xd7: {  	s7 =	simm.s32 $0x4E00;
	[sflag:s24] =	ssyncadd.s32 $0xFFFFE0C0  }
0xd8: {  	[spmem:s1] =	stream.indirect.scatter.add.f32 [tilespmem:s25], [sflag:$0x9], $0x40, s7, s16, $0xb8;
	[tilespmem:$0x1E640] =	vst v63  }
0xd9: {  	_ =	swait.ge [sflag:s13], $0x1F40  }
0xda: {  	[sflag:s13] =	ssyncset.done $0x0  }
0xdb: {  	[sflag:s13] =	ssyncadd.s32 $0xFFFFE0C0  }
0xdc: {  	_ =	swait.ge [sflag:s26], $0x1F40  }
0xdd: {  	[sflag:s26] =	ssyncset.done $0x0  }
0xde: {  	s8 =	simm.s32 $0x4E80;
	[sflag:s26] =	ssyncadd.s32 $0xFFFFE0C0  }
0xdf: {  	[spmem:s1] =	stream.indirect.scatter.add.f32 [tilespmem:s28], [sflag:$0x9], $0x40, s8, s16, $0xb8;
	[tilespmem:$0x1E640] =	vst v63  }
0xe0: {  	_ =	swait.ge [sflag:s13], $0x1F40  }
0xe1: {  	[sflag:s13] =	ssyncset.done $0x0  }
0xe2: {  	[sflag:s13] =	ssyncadd.s32 $0xFFFFE0C0  }
0xe3: {  	_ =	swait.ge [sflag:s29], $0x1F40  }
0xe4: {  	[sflag:s29] =	ssyncset.done $0x0  }
0xe5: {  	s7 =	simm.s32 $0x4F00;
	[sflag:s29] =	ssyncadd.s32 $0xFFFFE0C0  }
0xe6: {  	[spmem:s1] =	stream.indirect.scatter.add.f32 [tilespmem:s30], [sflag:$0x9], $0x40, s7, s16, $0xb8;
	[tilespmem:$0x1E640] =	vst v63  }
0xe7: {  	_ =	swait.ge [sflag:s13], $0x1F40  }
0xe8: {  	[sflag:s13] =	ssyncset.done $0x0  }
0xe9: {  	[sflag:s13] =	ssyncadd.s32 $0xFFFFE0C0  }
0xea: {  	_ =	swait.ge [sflag:s31], $0x1F40  }
0xeb: {  	[sflag:s31] =	ssyncset.done $0x0  }
0xec: {  	s8 =	simm.s32 $0x4F80;
	[sflag:s31] =	ssyncadd.s32 $0xFFFFE0C0  }
0xed: {  	[spmem:s1] =	stream.indirect.scatter.add.f32 [tilespmem:s0], [sflag:$0x9], $0x40, s8, s16, $0xb8;
	[tilespmem:$0x1E640] =	vst v63  }
0xee: {  	_ =	swait.ge [sflag:s13], $0x1F40  }
0xef: {  	[sflag:s13] =	ssyncset.done $0x0  }
0xf0: {  	[sflag:s13] =	ssyncadd.s32 $0xFFFFE0C0  }
0xf1: {  	[bflag:$0x0] =	sbarrier.arrive $0xFFFF  }
0xf2: {  	[hbm:s9], [sflag:s5] =	dma.local [spmem:s12], $0x1380  }
0xf3: {  	s4 =	sadd.s32 $0x1, s4;
	_ =	swait.ge [sflag:s13], $0x1380  }
0xf4: {  	p1 =	sne.s32 s4, s11;
	[sflag:s13] =	ssyncset.done $0x0  }
.Ltmp1:
0xf5: {  	s6 =	simm.s32 @!p0 $0x9;
	[sflag:s13] =	ssyncadd.s32 $0xFFFFEC80;
	(pc) =	sbr.rel @p1 .LBB2_1-.Ltmp1, $4  }
0xf6: {  	[hbm:s10], [sflag:s5] =	dma.local @!p0 [spmem:s14], $0x80  }
0xf7: {  	_ =	swait.ge @!p0 [sflag:s6], $0x80  }
0xf8: {  	[sflag:s6] =	ssyncset.done @!p0 $0x0  }
0xf9: {  	[sflag:s6] =	ssyncadd.s32 @!p0 $0xFFFFFF80  }
0xfa: {  	_ =	sfence.sel $0x180000  }
0xfb: {  	[bflag:$0x0] =	sbarrier.arrive $0xFFFF  }
0xfc: {  	_ =	strace $0x90000050  }
0xfd: {  	[bflag:$0x2] =	sbarrier.arrive $0xFFFF  }
0xfe: {  	s0 =	rddreg [dreg:$0x2]  }
0xff: {  	s0 =	sadd.s32 @!p0 $0x100000, s0  }
0x100: {  	[sflag:s0] =	ssyncadd.tile.s32 @!p0 $0x1;
	_ =	shalt  }
.Lfunc_end2:
_tile_overlayer_lowered:
.L_overlay_start_2:
0x101: {  	(tag) =	ssettag $0x2  }
0x102: {  	s0 =	rddreg [dreg:$0x0];
	s2 =	stileid.u32  }
0x103: {  	s1 =	rddreg [dreg:$0x1];
	p0 =	sne.s32 s2, $0x0  }
0x104: {  	s3 =	rddreg [dreg:$0x2];
	[bflag:$0x3] =	sbarrier.arrive $0xFFFF;
	s2 =	simm.s32 @!p0 $0x1C09  }
0x105: {  	[timem:s3], [sflag:s2] =	dma.local @!p0 [hbm:s0], s1  }
0x106: {  	s0 =	simm.s32 @!p0 $0x9  }
0x107: {  	_ =	swait.ge @!p0 [sflag:s0], s1  }
0x108: {  	s1 =	ssub.s32 @!p0 $0x0, s1;
	[sflag:s0] =	ssyncset.done @!p0 $0x0  }
0x109: {  	[sflag:s0] =	ssyncadd.s32 @!p0 s1  }
0x10a: {  	[bflag:$0x3] =	sbarrier.arrive $0xFFFF  }
0x10b: {  	_ =	shalt  }

</sc_bundles>
